<compile_context>
chip_gen: v7x
topology: tpu7x:2x2x1
jax: 0.10.2.dev20260603
libtpu: 0.0.44.dev20260713+nightly
codegen_flags: <defaults>
</compile_context>

<pallas_src>
import functools

import jax
import jax.numpy as jnp
from jax import lax
from jax.experimental import pallas as pl
from jax.experimental.pallas import tpu as pltpu
from jax.experimental.pallas import tpu_sc as plsc

_B, _N, _K = 4, 1024, 16
_E, _IN, _HID = 4, 512, 512
_NODES = _B * _N
_NH = _NODES // 2
_NPJ = 16
_NJOBS = 4
_RPD = 32
_SPJ = _NPJ * _K // _RPD
_NST = _NJOBS * _SPJ
_ACCR = _E * _NPJ
_RPT = _NH * _K // 32


def _sc_agg_body(x_hbm, idx_hbm, basev_hbm, agg_hbm, idx_v, basev_v,
                 buf, acc, gsem, osem):
    c = lax.axis_index("c")
    s = lax.axis_index("s")
    t = s * 2 + c

    pltpu.sync_copy(idx_hbm.at[pl.ds(pl.multiple_of(t * _RPT, _RPT), _RPT)],
                    idx_v)
    pltpu.sync_copy(
        basev_hbm.at[pl.ds(pl.multiple_of(t * _RPT * 16, _RPT * 16),
                           _RPT * 16)], basev_v)
    pltpu.async_copy(x_hbm.at[idx_v.at[pl.ds(0, _RPD)]], buf.at[0], gsem)

    def _outs(j, wait):
        n0g = (t * _NJOBS + j) * _NPJ
        b = n0g // _N
        nb = n0g % _N
        for e in range(_E):
            dest = pl.multiple_of((b * (_E * _N) + e * _N + nb) * _IN,
                                  _NPJ * _IN)
            cp = pltpu.make_async_copy(
                acc.at[pl.ds(e * _NPJ * _IN, _NPJ * _IN)],
                agg_hbm.at[pl.ds(dest, _NPJ * _IN)], osem)
            if wait:
                cp.wait()
            else:
                cp.start()

    def _step(st, carry):
        sl = st % 2

        @pl.when(st + 1 < _NST)
        def _():
            pltpu.async_copy(
                x_hbm.at[idx_v.at[pl.ds((st + 1) * _RPD, _RPD)]],
                buf.at[1 - sl], gsem)

        @pl.when((st % _SPJ == 0) & (st > 0))
        def _():
            _outs(st // _SPJ - 1, True)

        @pl.when(st % _SPJ == 0)
        def _():
            @plsc.parallel_loop(0, _ACCR, 1, unroll=4)
            def _zero(r):
                for cch in range(_IN // 16):
                    acc[pl.ds(r * _IN + cch * 16, 16)] = jnp.zeros(
                        (16,), jnp.float32)

        pltpu.make_async_copy(x_hbm.at[idx_v.at[pl.ds(st * _RPD, _RPD)]],
                              buf.at[sl], gsem).wait()

        @plsc.parallel_loop(0, _RPD, 1, unroll=4)
        def _row(r):
            ivec = basev_v[pl.ds((st * _RPD + r) * 16, 16)]
            for cch in range(_IN // 16):
                plsc.addupdate_scatter(
                    acc, [ivec + (cch * 16)],
                    buf[sl, r, pl.ds(cch * 16, 16)])

        @pl.when(st % _SPJ == _SPJ - 1)
        def _():
            _outs(st // _SPJ, False)
        return carry

    lax.fori_loop(0, _NST, _step, 0)
    _outs(_NJOBS - 1, True)


_sc_agg = functools.partial(
    pl.kernel,
    out_type=jax.ShapeDtypeStruct((_NH * _E * _IN,), jnp.float32),
    mesh=plsc.VectorSubcoreMesh(core_axis_name="c", subcore_axis_name="s"),
    compiler_params=pltpu.CompilerParams(needs_layout_passes=False),
    scratch_types=[
        pltpu.VMEM((_RPT,), jnp.int32),
        pltpu.VMEM((_RPT * 16,), jnp.int32),
        pltpu.VMEM((2, _RPD, _IN), jnp.float32),
        pltpu.VMEM((_ACCR * _IN,), jnp.float32),
        pltpu.SemaphoreType.DMA,
        pltpu.SemaphoreType.DMA,
    ],
)(_sc_agg_body)


def _m_body(w_ref, we_ref, m_ref):
    m_ref[0] = lax.dot_general(w_ref[...], we_ref[0], (((1,), (1,)), ((), ())),
                               preferred_element_type=jnp.float32)


def _fuse_weights(W, W_edge):
    return pl.pallas_call(
        _m_body,
        grid=(_E,),
        in_specs=[pl.BlockSpec((_IN, _HID), lambda e: (0, 0)),
                  pl.BlockSpec((1, _HID, _HID), lambda e: (e, 0, 0))],
        out_specs=pl.BlockSpec((1, _IN, _HID), lambda e: (e, 0, 0)),
        out_shape=jax.ShapeDtypeStruct((_E, _IN, _HID), jnp.float32),
    )(W, W_edge)


def _out_body(agg_ref, m_ref, bias_ref, o_ref):
    e = pl.program_id(1)
    part = jnp.dot(agg_ref[0, 0], m_ref[0], preferred_element_type=jnp.float32)

    @pl.when(e == 0)
    def _():
        o_ref[0] = part

    @pl.when(e != 0)
    def _():
        o_ref[0] += part

    @pl.when(e == _E - 1)
    def _():
        o_ref[0] = jnp.maximum(o_ref[0] * (1.0 / _K) + bias_ref[...], 0.0)


def _finalize(agg, M, bias2d):
    nb = agg.shape[0]
    return pl.pallas_call(
        _out_body,
        grid=(nb, _E),
        in_specs=[pl.BlockSpec((1, 1, _N, _IN), lambda b, e: (b, e, 0, 0)),
                  pl.BlockSpec((1, _IN, _HID), lambda b, e: (e, 0, 0)),
                  pl.BlockSpec((1, _HID), lambda b, e: (0, 0))],
        out_specs=pl.BlockSpec((1, _N, _HID), lambda b, e: (b, 0, 0)),
        out_shape=jax.ShapeDtypeStruct((nb, _N, _HID), jnp.float32),
        compiler_params=pltpu.CompilerParams(
            dimension_semantics=("arbitrary", "arbitrary")),
    )(agg, M, bias2d)


def kernel(nodes_embed, node_nei, node_edge, W, W_edge, bias):
    x_flat = nodes_embed.reshape(_NODES, _IN)
    b_idx = jnp.arange(_B, dtype=jnp.int32)[:, None, None]
    gidx = (node_nei + b_idx * _N).reshape(_NODES * _K)
    n_local = (jnp.arange(_N, dtype=jnp.int32) % _NPJ)[None, :, None]
    drow = (node_edge * _NPJ + n_local).reshape(_NODES * _K)
    basev = (drow[:, None] * _IN
             + jnp.arange(16, dtype=jnp.int32)[None, :]).reshape(-1)
    M = _fuse_weights(W, W_edge)
    bias2 = bias.reshape(1, _HID)
    hk = _NH * _K
    aggs = [_sc_agg(x_flat, gidx[h * hk:(h + 1) * hk],
                    basev[h * hk * 16:(h + 1) * hk * 16])
            for h in range(2)]
    outs = [_finalize(a.reshape(2, _E, _N, _IN), M, bias2) for a in aggs]
    return jnp.concatenate(outs, axis=0)

# --- scband reference (transcript-rebuilt; emitter-appended) ---
"""Pipeline reference for scband-graph-convolution-layer-11141145166348 (READ-ONLY COPY).

The authoritative reference and input builder live on the scoring server;
editing this copy changes nothing except your own understanding.
"""

import jax, jax.numpy as jnp
import numpy as np

B, N, K = 4, 1024, 16
MAX_EDGE, IN_SIZE, HID = 4, 512, 512


def setup_inputs(seed: int = 0) -> dict:
    key = jax.random.key(seed)
    k1, k2, k3, k4, k5 = jax.random.split(key, 5)
    nodes_embed = jax.random.normal(k1, (B, N, IN_SIZE), dtype=jnp.float32)
    node_nei = jax.random.randint(k2, (B, N, K), 0, N, dtype=jnp.int32)
    node_edge = jax.random.randint(k3, (B, N, K), 0, MAX_EDGE, dtype=jnp.int32)
    W = jax.random.normal(k4, (IN_SIZE, HID), dtype=jnp.float32) * 0.05
    # W_edge[e] is the weight of nn.Linear(HID, HID, bias=False): y = x @ W_edge[e].T
    W_edge = jax.random.normal(k5, (MAX_EDGE, HID, HID), dtype=jnp.float32) * 0.05
    bias = jnp.zeros((HID,), dtype=jnp.float32)
    return {"nodes_embed": nodes_embed, "node_nei": node_nei, "node_edge": node_edge,
            "W": W, "W_edge": W_edge, "bias": bias}


def reference(nodes_embed, node_nei, node_edge, W, W_edge, bias):
    # h = nodes_embed @ W  -> [B, N, HID]
    h = jnp.einsum('bni,ih->bnh', nodes_embed, W)
    # edge_embed[b, e, n, o] = (h @ W_edge[e].T)[b, n, o]  -> [B, MAX_EDGE, N, HID]
    edge_embed = jnp.einsum('bnh,eoh->beno', h, W_edge)
    sum_nei = jnp.zeros_like(h)
    b_idx = jnp.arange(h.shape[0])[:, None]
    for cnt in range(node_nei.shape[-1]):
        ni = node_nei[..., cnt]          # [B, N] neighbor node indices
        et = node_edge[..., cnt]         # [B, N] edge types
        mask = ni >= 0
        ni_safe = jnp.where(mask, ni, 0)
        et_safe = jnp.where(mask, et, 0)
        gathered = edge_embed[b_idx, et_safe, ni_safe]  # [B, N, HID]
        sum_nei = sum_nei + jnp.where(mask[..., None], gathered, 0.0)
    degs = jnp.maximum(jnp.sum(node_edge >= 0, axis=-1).astype(jnp.float32), 1.0)[..., None]
    norm = 1.0 / degs
    dst = sum_nei * norm + bias
    out = jax.nn.relu(dst)  # dropout p=0.0 -> identity
    return out

if __name__ == "__main__":
    import jax
    _d = setup_inputs()
    print(jax.jit(kernel)(*tuple(_d.values())))

</pallas_src>

<mosaic_0001>
#map = affine_map<(d0, d1) -> (0, 0)>
#map1 = affine_map<(d0, d1) -> (0)>
module attributes {stable_mosaic.version = 14 : i64} {
  func.func @_sc_agg_body(%arg0: i32, %arg1: i32, %arg2: memref<4096x512xf32, #tpu.memory_space<hbm>>, %arg3: memref<32768xi32, #tpu.memory_space<hbm>>, %arg4: memref<524288xi32, #tpu.memory_space<hbm>>, %arg5: memref<4194304xf32, #tpu.memory_space<hbm>>, %arg6: memref<1024xi32, #tpu.memory_space<vmem>>, %arg7: memref<16384xi32, #tpu.memory_space<vmem>>, %arg8: memref<2x32x512xf32, #tpu.memory_space<vmem>>, %arg9: memref<32768xf32, #tpu.memory_space<vmem>>, %arg10: memref<!tpu.dma_semaphore, #tpu.memory_space<semaphore_mem>>, %arg11: memref<!tpu.dma_semaphore, #tpu.memory_space<semaphore_mem>>) attributes {dimension_semantics = [#tpu.dimension_semantics<core_parallel>, #tpu.dimension_semantics<subcore_parallel>], iteration_bounds = array<i64: 2, 16>, scalar_prefetch = 0 : i64, scratch_operands = 6 : i64, tpu.core_type = #tpu.core_type<sc_vector_subcore>, window_params = [{transform_indices = #map}, {transform_indices = #map1}, {transform_indices = #map1}, {transform_indices = #map1}]} {
    %mul3A = arith.constant 2 : i32
    %mul3A_0 = arith.muli %arg1, %mul3A : i32
    %add3A = arith.addi %mul3A_0, %arg0 : i32
    %mul3A_1 = arith.constant 1024 : i32
    %mul3A_2 = arith.muli %add3A, %mul3A_1 : i32
    %multiple_of3A = tpu.assume_multiple %mul3A_2, 1024 : i32
    "tpu.region"() ({
      %run_scoped3A = tpu.sem_alloc : memref<!tpu.dma_semaphore, #tpu.memory_space<semaphore_mem>>
      %dma_start3A_113 = tpu.memref_slice %arg3[%multiple_of3A] : memref<32768xi32, #tpu.memory_space<hbm>> -> memref<1024xi32, #tpu.memory_space<hbm>>
      %dma_start3A_114 = tpu.memref_slice %arg3[%multiple_of3A] : memref<32768xi32, #tpu.memory_space<hbm>> -> memref<1024xi32, #tpu.memory_space<hbm>>
      tpu.enqueue_dma source(%dma_start3A_114 : memref<1024xi32, #tpu.memory_space<hbm>>) target(%arg6 : memref<1024xi32, #tpu.memory_space<vmem>>) target_semaphore(%run_scoped3A : memref<!tpu.dma_semaphore, #tpu.memory_space<semaphore_mem>>)
      %dma_wait3A_115 = tpu.memref_slice %arg3[%multiple_of3A] : memref<32768xi32, #tpu.memory_space<hbm>> -> memref<1024xi32, #tpu.memory_space<hbm>>
      %dma_wait3A_116 = tpu.memref_slice %arg3[%multiple_of3A] : memref<32768xi32, #tpu.memory_space<hbm>> -> memref<1024xi32, #tpu.memory_space<hbm>>
      tpu.wait_dma2 semaphore(%run_scoped3A : memref<!tpu.dma_semaphore, #tpu.memory_space<semaphore_mem>>) src(%dma_wait3A_116 : memref<1024xi32, #tpu.memory_space<hbm>>) dst(%arg6 : memref<1024xi32, #tpu.memory_space<vmem>>)
      tpu.yield
    }) : () -> ()
    %mul3A_3 = arith.constant 1024 : i32
    %mul3A_4 = arith.muli %add3A, %mul3A_3 : i32
    %mul3A_5 = arith.constant 16 : i32
    %mul3A_6 = arith.muli %mul3A_4, %mul3A_5 : i32
    %multiple_of3A_7 = tpu.assume_multiple %mul3A_6, 16384 : i32
    "tpu.region"() ({
      %run_scoped3A = tpu.sem_alloc : memref<!tpu.dma_semaphore, #tpu.memory_space<semaphore_mem>>
      %dma_start3A_113 = tpu.memref_slice %arg4[%multiple_of3A_7] : memref<524288xi32, #tpu.memory_space<hbm>> -> memref<16384xi32, #tpu.memory_space<hbm>>
      %dma_start3A_114 = tpu.memref_slice %arg4[%multiple_of3A_7] : memref<524288xi32, #tpu.memory_space<hbm>> -> memref<16384xi32, #tpu.memory_space<hbm>>
      tpu.enqueue_dma source(%dma_start3A_114 : memref<16384xi32, #tpu.memory_space<hbm>>) target(%arg7 : memref<16384xi32, #tpu.memory_space<vmem>>) target_semaphore(%run_scoped3A : memref<!tpu.dma_semaphore, #tpu.memory_space<semaphore_mem>>)
      %dma_wait3A_115 = tpu.memref_slice %arg4[%multiple_of3A_7] : memref<524288xi32, #tpu.memory_space<hbm>> -> memref<16384xi32, #tpu.memory_space<hbm>>
      %dma_wait3A_116 = tpu.memref_slice %arg4[%multiple_of3A_7] : memref<524288xi32, #tpu.memory_space<hbm>> -> memref<16384xi32, #tpu.memory_space<hbm>>
      tpu.wait_dma2 semaphore(%run_scoped3A : memref<!tpu.dma_semaphore, #tpu.memory_space<semaphore_mem>>) src(%dma_wait3A_116 : memref<16384xi32, #tpu.memory_space<hbm>>) dst(%arg7 : memref<16384xi32, #tpu.memory_space<vmem>>)
      tpu.yield
    }) : () -> ()
    %dma_start3A = arith.constant 0 : i32
    %dma_start3A_8 = arith.constant 0 : i32
    %dma_start3A_9 = arith.constant 0 : i32
    %dma_start3A_10 = tpu.memref_slice %arg8[%dma_start3A, %dma_start3A_8, %dma_start3A_9] : memref<2x32x512xf32, #tpu.memory_space<vmem>> -> memref<1x32x512xf32, #tpu.memory_space<vmem>>
    %dma_start3A_11 = tpu.memref_squeeze %dma_start3A_10 : memref<1x32x512xf32, #tpu.memory_space<vmem>> -> memref<32x512xf32, #tpu.memory_space<vmem>>
    %dma_start3A_12 = arith.constant 0 : i32
    %dma_start3A_13 = tpu.memref_slice %arg6[%dma_start3A_12] : memref<1024xi32, #tpu.memory_space<vmem>> -> memref<32xi32, #tpu.memory_space<vmem>>
    %dma_start3A_14 = arith.constant 0 : i32
    %dma_start3A_15 = arith.constant 0 : i32
    %dma_start3A_16 = tpu.memref_slice %arg2[%dma_start3A_14, %dma_start3A_15] : memref<4096x512xf32, #tpu.memory_space<hbm>> -> memref<4096x512xf32, #tpu.memory_space<hbm>>
    tpu.enqueue_indirect_dma source(%dma_start3A_16 : memref<4096x512xf32, #tpu.memory_space<hbm>>) target(%dma_start3A_11 : memref<32x512xf32, #tpu.memory_space<vmem>>) offsets(%dma_start3A_13 : memref<32xi32, #tpu.memory_space<vmem>>) semaphore(%arg10 : memref<!tpu.dma_semaphore, #tpu.memory_space<semaphore_mem>>)
    %scan3A = arith.constant 0 : i32
    %scan3A_17 = arith.constant 0 : i32
    %scan3A_18 = arith.constant 32 : i32
    %scan3A_19 = arith.addi %scan3A_17, %scan3A_18 : i32
    %scan3A_20 = arith.constant 1 : i32
    scf.for %scan3A_113 = %scan3A_17 to %scan3A_19 step %scan3A_20  : i32 {
      %jit3A_114 = arith.constant 2 : i32
      %eq3A_115 = arith.constant 0 : i32
      %eq3A_116 = arith.cmpi eq, %jit3A_114, %eq3A_115 : i32
      %jit3A_117 = arith.constant 1 : i32
      %select_n3A_118 = arith.select %eq3A_116, %jit3A_117, %jit3A_114 : i32
      %rem3A_119 = arith.remsi %scan3A_113, %select_n3A_118 : i32
      %ne3A_120 = arith.constant 0 : i32
      %ne3A_121 = arith.cmpi ne, %rem3A_119, %ne3A_120 : i32
      %lt3A_122 = arith.constant 0 : i32
      %lt3A_123 = arith.cmpi slt, %rem3A_119, %lt3A_122 : i32
      %lt3A_124 = arith.constant 0 : i32
      %lt3A_125 = arith.cmpi slt, %select_n3A_118, %lt3A_124 : i32
      %ne3A_126 = arith.xori %lt3A_123, %lt3A_125 : i1
      %and3A_127 = arith.andi %ne3A_126, %ne3A_121 : i1
      %add3A_128 = arith.addi %rem3A_119, %select_n3A_118 : i32
      %select_n3A_129 = arith.select %and3A_127, %add3A_128, %rem3A_119 : i32
      %add3A_130 = arith.constant 1 : i32
      %add3A_131 = arith.addi %scan3A_113, %add3A_130 : i32
      %lt3A_132 = arith.constant 32 : i32
      %lt3A_133 = arith.cmpi slt, %add3A_131, %lt3A_132 : i32
      %convert_element_type3A = arith.extui %lt3A_133 : i1 to i32
      %cond3A = arith.constant 0 : i32
      %cond3A_134 = arith.cmpi ne, %convert_element_type3A, %cond3A : i32
      scf.if %cond3A_134 {
        %add3A_212 = arith.constant 1 : i32
        %add3A_213 = arith.addi %scan3A_113, %add3A_212 : i32
        %mul3A_214 = arith.constant 32 : i32
        %mul3A_215 = arith.muli %add3A_213, %mul3A_214 : i32
        %sub3A_216 = arith.constant 1 : i32
        %sub3A_217 = arith.subi %sub3A_216, %select_n3A_129 : i32
        %dma_start3A_218 = arith.constant 0 : i32
        %dma_start3A_219 = arith.constant 0 : i32
        %dma_start3A_220 = tpu.memref_slice %arg8[%sub3A_217, %dma_start3A_218, %dma_start3A_219] : memref<2x32x512xf32, #tpu.memory_space<vmem>> -> memref<1x32x512xf32, #tpu.memory_space<vmem>>
        %dma_start3A_221 = tpu.memref_squeeze %dma_start3A_220 : memref<1x32x512xf32, #tpu.memory_space<vmem>> -> memref<32x512xf32, #tpu.memory_space<vmem>>
        %dma_start3A_222 = tpu.memref_slice %arg6[%mul3A_215] : memref<1024xi32, #tpu.memory_space<vmem>> -> memref<32xi32, #tpu.memory_space<vmem>>
        %dma_start3A_223 = arith.constant 0 : i32
        %dma_start3A_224 = arith.constant 0 : i32
        %dma_start3A_225 = tpu.memref_slice %arg2[%dma_start3A_223, %dma_start3A_224] : memref<4096x512xf32, #tpu.memory_space<hbm>> -> memref<4096x512xf32, #tpu.memory_space<hbm>>
        tpu.enqueue_indirect_dma source(%dma_start3A_225 : memref<4096x512xf32, #tpu.memory_space<hbm>>) target(%dma_start3A_221 : memref<32x512xf32, #tpu.memory_space<vmem>>) offsets(%dma_start3A_222 : memref<32xi32, #tpu.memory_space<vmem>>) semaphore(%arg10 : memref<!tpu.dma_semaphore, #tpu.memory_space<semaphore_mem>>)
      } else {
      }
      %jit3A_135 = arith.constant 8 : i32
      %eq3A_136 = arith.constant 0 : i32
      %eq3A_137 = arith.cmpi eq, %jit3A_135, %eq3A_136 : i32
      %jit3A_138 = arith.constant 1 : i32
      %select_n3A_139 = arith.select %eq3A_137, %jit3A_138, %jit3A_135 : i32
      %rem3A_140 = arith.remsi %scan3A_113, %select_n3A_139 : i32
      %ne3A_141 = arith.constant 0 : i32
      %ne3A_142 = arith.cmpi ne, %rem3A_140, %ne3A_141 : i32
      %lt3A_143 = arith.constant 0 : i32
      %lt3A_144 = arith.cmpi slt, %rem3A_140, %lt3A_143 : i32
      %lt3A_145 = arith.constant 0 : i32
      %lt3A_146 = arith.cmpi slt, %select_n3A_139, %lt3A_145 : i32
      %ne3A_147 = arith.xori %lt3A_144, %lt3A_146 : i1
      %and3A_148 = arith.andi %ne3A_147, %ne3A_142 : i1
      %add3A_149 = arith.addi %rem3A_140, %select_n3A_139 : i32
      %select_n3A_150 = arith.select %and3A_148, %add3A_149, %rem3A_140 : i32
      %eq3A_151 = arith.constant 0 : i32
      %eq3A_152 = arith.cmpi eq, %select_n3A_150, %eq3A_151 : i32
      %gt3A = arith.constant 0 : i32
      %gt3A_153 = arith.cmpi sgt, %scan3A_113, %gt3A : i32
      %and3A_154 = arith.andi %eq3A_152, %gt3A_153 : i1
      %convert_element_type3A_155 = arith.extui %and3A_154 : i1 to i32
      %cond3A_156 = arith.constant 0 : i32
      %cond3A_157 = arith.cmpi ne, %convert_element_type3A_155, %cond3A_156 : i32
      scf.if %cond3A_157 {
        %jit3A_212 = arith.constant 8 : i32
        %div3A_213 = arith.divsi %scan3A_113, %jit3A_212 : i32
        %sign3A_214 = arith.constant 0 : i32
        %sign3A_215 = arith.cmpi sgt, %scan3A_113, %sign3A_214 : i32
        %sign3A_216 = arith.extui %sign3A_215 : i1 to i32
        %sign3A_217 = arith.constant 0 : i32
        %sign3A_218 = arith.cmpi slt, %scan3A_113, %sign3A_217 : i32
        %sign3A_219 = arith.extui %sign3A_218 : i1 to i32
        %sign3A_220 = arith.subi %sign3A_216, %sign3A_219 : i32
        %sign3A_221 = arith.constant 0 : i32
        %sign3A_222 = arith.cmpi sgt, %jit3A_212, %sign3A_221 : i32
        %sign3A_223 = arith.extui %sign3A_222 : i1 to i32
        %sign3A_224 = arith.constant 0 : i32
        %sign3A_225 = arith.cmpi slt, %jit3A_212, %sign3A_224 : i32
        %sign3A_226 = arith.extui %sign3A_225 : i1 to i32
        %sign3A_227 = arith.subi %sign3A_223, %sign3A_226 : i32
        %ne3A_228 = arith.cmpi ne, %sign3A_220, %sign3A_227 : i32
        %rem3A_229 = arith.remsi %scan3A_113, %jit3A_212 : i32
        %ne3A_230 = arith.constant 0 : i32
        %ne3A_231 = arith.cmpi ne, %rem3A_229, %ne3A_230 : i32
        %and3A_232 = arith.andi %ne3A_228, %ne3A_231 : i1
        %sub3A_233 = arith.constant 1 : i32
        %sub3A_234 = arith.subi %div3A_213, %sub3A_233 : i32
        %select_n3A_235 = arith.select %and3A_232, %sub3A_234, %div3A_213 : i32
        %sub3A_236 = arith.constant 1 : i32
        %sub3A_237 = arith.subi %select_n3A_235, %sub3A_236 : i32
        %mul3A_238 = arith.constant 4 : i32
        %mul3A_239 = arith.muli %add3A, %mul3A_238 : i32
        %add3A_240 = arith.addi %mul3A_239, %sub3A_237 : i32
        %mul3A_241 = arith.constant 16 : i32
        %mul3A_242 = arith.muli %add3A_240, %mul3A_241 : i32
        %jit3A_243 = arith.constant 1024 : i32
        %div3A_244 = arith.divsi %mul3A_242, %jit3A_243 : i32
        %sign3A_245 = arith.constant 0 : i32
        %sign3A_246 = arith.cmpi sgt, %mul3A_242, %sign3A_245 : i32
        %sign3A_247 = arith.extui %sign3A_246 : i1 to i32
        %sign3A_248 = arith.constant 0 : i32
        %sign3A_249 = arith.cmpi slt, %mul3A_242, %sign3A_248 : i32
        %sign3A_250 = arith.extui %sign3A_249 : i1 to i32
        %sign3A_251 = arith.subi %sign3A_247, %sign3A_250 : i32
        %sign3A_252 = arith.constant 0 : i32
        %sign3A_253 = arith.cmpi sgt, %jit3A_243, %sign3A_252 : i32
        %sign3A_254 = arith.extui %sign3A_253 : i1 to i32
        %sign3A_255 = arith.constant 0 : i32
        %sign3A_256 = arith.cmpi slt, %jit3A_243, %sign3A_255 : i32
        %sign3A_257 = arith.extui %sign3A_256 : i1 to i32
        %sign3A_258 = arith.subi %sign3A_254, %sign3A_257 : i32
        %ne3A_259 = arith.cmpi ne, %sign3A_251, %sign3A_258 : i32
        %rem3A_260 = arith.remsi %mul3A_242, %jit3A_243 : i32
        %ne3A_261 = arith.constant 0 : i32
        %ne3A_262 = arith.cmpi ne, %rem3A_260, %ne3A_261 : i32
        %and3A_263 = arith.andi %ne3A_259, %ne3A_262 : i1
        %sub3A_264 = arith.constant 1 : i32
        %sub3A_265 = arith.subi %div3A_244, %sub3A_264 : i32
        %select_n3A_266 = arith.select %and3A_263, %sub3A_265, %div3A_244 : i32
        %jit3A_267 = arith.constant 1024 : i32
        %eq3A_268 = arith.constant 0 : i32
        %eq3A_269 = arith.cmpi eq, %jit3A_267, %eq3A_268 : i32
        %jit3A_270 = arith.constant 1 : i32
        %select_n3A_271 = arith.select %eq3A_269, %jit3A_270, %jit3A_267 : i32
        %rem3A_272 = arith.remsi %mul3A_242, %select_n3A_271 : i32
        %ne3A_273 = arith.constant 0 : i32
        %ne3A_274 = arith.cmpi ne, %rem3A_272, %ne3A_273 : i32
        %lt3A_275 = arith.constant 0 : i32
        %lt3A_276 = arith.cmpi slt, %rem3A_272, %lt3A_275 : i32
        %lt3A_277 = arith.constant 0 : i32
        %lt3A_278 = arith.cmpi slt, %select_n3A_271, %lt3A_277 : i32
        %ne3A_279 = arith.xori %lt3A_276, %lt3A_278 : i1
        %and3A_280 = arith.andi %ne3A_279, %ne3A_274 : i1
        %add3A_281 = arith.addi %rem3A_272, %select_n3A_271 : i32
        %select_n3A_282 = arith.select %and3A_280, %add3A_281, %rem3A_272 : i32
        %mul3A_283 = arith.constant 4096 : i32
        %mul3A_284 = arith.muli %select_n3A_266, %mul3A_283 : i32
        %add3A_285 = arith.constant 0 : i32
        %add3A_286 = arith.addi %mul3A_284, %add3A_285 : i32
        %add3A_287 = arith.addi %add3A_286, %select_n3A_282 : i32
        %mul3A_288 = arith.constant 512 : i32
        %mul3A_289 = arith.muli %add3A_287, %mul3A_288 : i32
        %multiple_of3A_290 = tpu.assume_multiple %mul3A_289, 8192 : i32
        %dma_wait3A_291 = arith.constant 0 : i32
        %dma_wait3A_292 = tpu.memref_slice %arg9[%dma_wait3A_291] : memref<32768xf32, #tpu.memory_space<vmem>> -> memref<8192xf32, #tpu.memory_space<vmem>>
        %dma_wait3A_293 = tpu.memref_slice %arg5[%multiple_of3A_290] : memref<4194304xf32, #tpu.memory_space<hbm>> -> memref<8192xf32, #tpu.memory_space<hbm>>
        %dma_wait3A_294 = tpu.memref_slice %arg5[%multiple_of3A_290] : memref<4194304xf32, #tpu.memory_space<hbm>> -> memref<8192xf32, #tpu.memory_space<hbm>>
        %dma_wait3A_295 = arith.constant 0 : i32
        %dma_wait3A_296 = tpu.memref_slice %arg9[%dma_wait3A_295] : memref<32768xf32, #tpu.memory_space<vmem>> -> memref<8192xf32, #tpu.memory_space<vmem>>
        tpu.wait_dma2 semaphore(%arg11 : memref<!tpu.dma_semaphore, #tpu.memory_space<semaphore_mem>>) src(%dma_wait3A_296 : memref<8192xf32, #tpu.memory_space<vmem>>) dst(%dma_wait3A_294 : memref<8192xf32, #tpu.memory_space<hbm>>)
        %mul3A_297 = arith.constant 4096 : i32
        %mul3A_298 = arith.muli %select_n3A_266, %mul3A_297 : i32
        %add3A_299 = arith.constant 1024 : i32
        %add3A_300 = arith.addi %mul3A_298, %add3A_299 : i32
        %add3A_301 = arith.addi %add3A_300, %select_n3A_282 : i32
        %mul3A_302 = arith.constant 512 : i32
        %mul3A_303 = arith.muli %add3A_301, %mul3A_302 : i32
        %multiple_of3A_304 = tpu.assume_multiple %mul3A_303, 8192 : i32
        %dma_wait3A_305 = arith.constant 8192 : i32
        %dma_wait3A_306 = tpu.memref_slice %arg9[%dma_wait3A_305] : memref<32768xf32, #tpu.memory_space<vmem>> -> memref<8192xf32, #tpu.memory_space<vmem>>
        %dma_wait3A_307 = tpu.memref_slice %arg5[%multiple_of3A_304] : memref<4194304xf32, #tpu.memory_space<hbm>> -> memref<8192xf32, #tpu.memory_space<hbm>>
        %dma_wait3A_308 = tpu.memref_slice %arg5[%multiple_of3A_304] : memref<4194304xf32, #tpu.memory_space<hbm>> -> memref<8192xf32, #tpu.memory_space<hbm>>
        %dma_wait3A_309 = arith.constant 8192 : i32
        %dma_wait3A_310 = tpu.memref_slice %arg9[%dma_wait3A_309] : memref<32768xf32, #tpu.memory_space<vmem>> -> memref<8192xf32, #tpu.memory_space<vmem>>
        tpu.wait_dma2 semaphore(%arg11 : memref<!tpu.dma_semaphore, #tpu.memory_space<semaphore_mem>>) src(%dma_wait3A_310 : memref<8192xf32, #tpu.memory_space<vmem>>) dst(%dma_wait3A_308 : memref<8192xf32, #tpu.memory_space<hbm>>)
        %mul3A_311 = arith.constant 4096 : i32
        %mul3A_312 = arith.muli %select_n3A_266, %mul3A_311 : i32
        %add3A_313 = arith.constant 2048 : i32
        %add3A_314 = arith.addi %mul3A_312, %add3A_313 : i32
        %add3A_315 = arith.addi %add3A_314, %select_n3A_282 : i32
        %mul3A_316 = arith.constant 512 : i32
        %mul3A_317 = arith.muli %add3A_315, %mul3A_316 : i32
        %multiple_of3A_318 = tpu.assume_multiple %mul3A_317, 8192 : i32
        %dma_wait3A_319 = arith.constant 16384 : i32
        %dma_wait3A_320 = tpu.memref_slice %arg9[%dma_wait3A_319] : memref<32768xf32, #tpu.memory_space<vmem>> -> memref<8192xf32, #tpu.memory_space<vmem>>
        %dma_wait3A_321 = tpu.memref_slice %arg5[%multiple_of3A_318] : memref<4194304xf32, #tpu.memory_space<hbm>> -> memref<8192xf32, #tpu.memory_space<hbm>>
        %dma_wait3A_322 = tpu.memref_slice %arg5[%multiple_of3A_318] : memref<4194304xf32, #tpu.memory_space<hbm>> -> memref<8192xf32, #tpu.memory_space<hbm>>
        %dma_wait3A_323 = arith.constant 16384 : i32
        %dma_wait3A_324 = tpu.memref_slice %arg9[%dma_wait3A_323] : memref<32768xf32, #tpu.memory_space<vmem>> -> memref<8192xf32, #tpu.memory_space<vmem>>
        tpu.wait_dma2 semaphore(%arg11 : memref<!tpu.dma_semaphore, #tpu.memory_space<semaphore_mem>>) src(%dma_wait3A_324 : memref<8192xf32, #tpu.memory_space<vmem>>) dst(%dma_wait3A_322 : memref<8192xf32, #tpu.memory_space<hbm>>)
        %mul3A_325 = arith.constant 4096 : i32
        %mul3A_326 = arith.muli %select_n3A_266, %mul3A_325 : i32
        %add3A_327 = arith.constant 3072 : i32
        %add3A_328 = arith.addi %mul3A_326, %add3A_327 : i32
        %add3A_329 = arith.addi %add3A_328, %select_n3A_282 : i32
        %mul3A_330 = arith.constant 512 : i32
        %mul3A_331 = arith.muli %add3A_329, %mul3A_330 : i32
        %multiple_of3A_332 = tpu.assume_multiple %mul3A_331, 8192 : i32
        %dma_wait3A_333 = arith.constant 24576 : i32
        %dma_wait3A_334 = tpu.memref_slice %arg9[%dma_wait3A_333] : memref<32768xf32, #tpu.memory_space<vmem>> -> memref<8192xf32, #tpu.memory_space<vmem>>
        %dma_wait3A_335 = tpu.memref_slice %arg5[%multiple_of3A_332] : memref<4194304xf32, #tpu.memory_space<hbm>> -> memref<8192xf32, #tpu.memory_space<hbm>>
        %dma_wait3A_336 = tpu.memref_slice %arg5[%multiple_of3A_332] : memref<4194304xf32, #tpu.memory_space<hbm>> -> memref<8192xf32, #tpu.memory_space<hbm>>
        %dma_wait3A_337 = arith.constant 24576 : i32
        %dma_wait3A_338 = tpu.memref_slice %arg9[%dma_wait3A_337] : memref<32768xf32, #tpu.memory_space<vmem>> -> memref<8192xf32, #tpu.memory_space<vmem>>
        tpu.wait_dma2 semaphore(%arg11 : memref<!tpu.dma_semaphore, #tpu.memory_space<semaphore_mem>>) src(%dma_wait3A_338 : memref<8192xf32, #tpu.memory_space<vmem>>) dst(%dma_wait3A_336 : memref<8192xf32, #tpu.memory_space<hbm>>)
      } else {
      }
      %jit3A_158 = arith.constant 8 : i32
      %eq3A_159 = arith.constant 0 : i32
      %eq3A_160 = arith.cmpi eq, %jit3A_158, %eq3A_159 : i32
      %jit3A_161 = arith.constant 1 : i32
      %select_n3A_162 = arith.select %eq3A_160, %jit3A_161, %jit3A_158 : i32
      %rem3A_163 = arith.remsi %scan3A_113, %select_n3A_162 : i32
      %ne3A_164 = arith.constant 0 : i32
      %ne3A_165 = arith.cmpi ne, %rem3A_163, %ne3A_164 : i32
      %lt3A_166 = arith.constant 0 : i32
      %lt3A_167 = arith.cmpi slt, %rem3A_163, %lt3A_166 : i32
      %lt3A_168 = arith.constant 0 : i32
      %lt3A_169 = arith.cmpi slt, %select_n3A_162, %lt3A_168 : i32
      %ne3A_170 = arith.xori %lt3A_167, %lt3A_169 : i1
      %and3A_171 = arith.andi %ne3A_170, %ne3A_165 : i1
      %add3A_172 = arith.addi %rem3A_163, %select_n3A_162 : i32
      %select_n3A_173 = arith.select %and3A_171, %add3A_172, %rem3A_163 : i32
      %eq3A_174 = arith.constant 0 : i32
      %eq3A_175 = arith.cmpi eq, %select_n3A_173, %eq3A_174 : i32
      %convert_element_type3A_176 = arith.extui %eq3A_175 : i1 to i32
      %cond3A_177 = arith.constant 0 : i32
      %cond3A_178 = arith.cmpi ne, %convert_element_type3A_176, %cond3A_177 : i32
      scf.if %cond3A_178 {
        %parallel_loop3A_212 = arith.constant 0 : i32
        %parallel_loop3A_213 = arith.constant 64 : i32
        %parallel_loop3A_214 = arith.constant 1 : i32
        scf.for %parallel_loop3A_215 = %parallel_loop3A_212 to %parallel_loop3A_213 step %parallel_loop3A_214  : i32 {
          %parallel_loop3A_216 = arith.constant 0.000000e+00 : f32
          %parallel_loop3A_217 = vector.broadcast %parallel_loop3A_216 : f32 to vector<16xf32>
          %parallel_loop3A_218 = arith.constant 512 : i32
          %parallel_loop3A_219 = arith.muli %parallel_loop3A_215, %parallel_loop3A_218 : i32
          %parallel_loop3A_220 = arith.constant 0 : i32
          %parallel_loop3A_221 = arith.addi %parallel_loop3A_219, %parallel_loop3A_220 : i32
          %parallel_loop3A_222 = arith.index_cast %parallel_loop3A_221 : i32 to index
          %parallel_loop3A_223 = tpu.vector_load %arg9[%parallel_loop3A_222] {strides = array<i32>} : memref<32768xf32, #tpu.memory_space<vmem>>, vector<16xf32>,
          tpu.vector_store %arg9[%parallel_loop3A_222], %parallel_loop3A_217 {strides = array<i32>} : memref<32768xf32, #tpu.memory_space<vmem>>, vector<16xf32>,
          %parallel_loop3A_224 = arith.constant 0.000000e+00 : f32
          %parallel_loop3A_225 = vector.broadcast %parallel_loop3A_224 : f32 to vector<16xf32>
          %parallel_loop3A_226 = arith.constant 512 : i32
          %parallel_loop3A_227 = arith.muli %parallel_loop3A_215, %parallel_loop3A_226 : i32
          %parallel_loop3A_228 = arith.constant 16 : i32
          %parallel_loop3A_229 = arith.addi %parallel_loop3A_227, %parallel_loop3A_228 : i32
          %parallel_loop3A_230 = arith.index_cast %parallel_loop3A_229 : i32 to index
          %parallel_loop3A_231 = tpu.vector_load %arg9[%parallel_loop3A_230] {strides = array<i32>} : memref<32768xf32, #tpu.memory_space<vmem>>, vector<16xf32>,
          tpu.vector_store %arg9[%parallel_loop3A_230], %parallel_loop3A_225 {strides = array<i32>} : memref<32768xf32, #tpu.memory_space<vmem>>, vector<16xf32>,
          %parallel_loop3A_232 = arith.constant 0.000000e+00 : f32
          %parallel_loop3A_233 = vector.broadcast %parallel_loop3A_232 : f32 to vector<16xf32>
          %parallel_loop3A_234 = arith.constant 512 : i32
          %parallel_loop3A_235 = arith.muli %parallel_loop3A_215, %parallel_loop3A_234 : i32
          %parallel_loop3A_236 = arith.constant 32 : i32
          %parallel_loop3A_237 = arith.addi %parallel_loop3A_235, %parallel_loop3A_236 : i32
          %parallel_loop3A_238 = arith.index_cast %parallel_loop3A_237 : i32 to index
          %parallel_loop3A_239 = tpu.vector_load %arg9[%parallel_loop3A_238] {strides = array<i32>} : memref<32768xf32, #tpu.memory_space<vmem>>, vector<16xf32>,
          tpu.vector_store %arg9[%parallel_loop3A_238], %parallel_loop3A_233 {strides = array<i32>} : memref<32768xf32, #tpu.memory_space<vmem>>, vector<16xf32>,
          %parallel_loop3A_240 = arith.constant 0.000000e+00 : f32
          %parallel_loop3A_241 = vector.broadcast %parallel_loop3A_240 : f32 to vector<16xf32>
          %parallel_loop3A_242 = arith.constant 512 : i32
          %parallel_loop3A_243 = arith.muli %parallel_loop3A_215, %parallel_loop3A_242 : i32
          %parallel_loop3A_244 = arith.constant 48 : i32
          %parallel_loop3A_245 = arith.addi %parallel_loop3A_243, %parallel_loop3A_244 : i32
          %parallel_loop3A_246 = arith.index_cast %parallel_loop3A_245 : i32 to index
          %parallel_loop3A_247 = tpu.vector_load %arg9[%parallel_loop3A_246] {strides = array<i32>} : memref<32768xf32, #tpu.memory_space<vmem>>, vector<16xf32>,
          tpu.vector_store %arg9[%parallel_loop3A_246], %parallel_loop3A_241 {strides = array<i32>} : memref<32768xf32, #tpu.memory_space<vmem>>, vector<16xf32>,
          %parallel_loop3A_248 = arith.constant 0.000000e+00 : f32
          %parallel_loop3A_249 = vector.broadcast %parallel_loop3A_248 : f32 to vector<16xf32>
          %parallel_loop3A_250 = arith.constant 512 : i32
          %parallel_loop3A_251 = arith.muli %parallel_loop3A_215, %parallel_loop3A_250 : i32
          %parallel_loop3A_252 = arith.constant 64 : i32
          %parallel_loop3A_253 = arith.addi %parallel_loop3A_251, %parallel_loop3A_252 : i32
          %parallel_loop3A_254 = arith.index_cast %parallel_loop3A_253 : i32 to index
          %parallel_loop3A_255 = tpu.vector_load %arg9[%parallel_loop3A_254] {strides = array<i32>} : memref<32768xf32, #tpu.memory_space<vmem>>, vector<16xf32>,
          tpu.vector_store %arg9[%parallel_loop3A_254], %parallel_loop3A_249 {strides = array<i32>} : memref<32768xf32, #tpu.memory_space<vmem>>, vector<16xf32>,
          %parallel_loop3A_256 = arith.constant 0.000000e+00 : f32
          %parallel_loop3A_257 = vector.broadcast %parallel_loop3A_256 : f32 to vector<16xf32>
          %parallel_loop3A_258 = arith.constant 512 : i32
          %parallel_loop3A_259 = arith.muli %parallel_loop3A_215, %parallel_loop3A_258 : i32
          %parallel_loop3A_260 = arith.constant 80 : i32
          %parallel_loop3A_261 = arith.addi %parallel_loop3A_259, %parallel_loop3A_260 : i32
          %parallel_loop3A_262 = arith.index_cast %parallel_loop3A_261 : i32 to index
          %parallel_loop3A_263 = tpu.vector_load %arg9[%parallel_loop3A_262] {strides = array<i32>} : memref<32768xf32, #tpu.memory_space<vmem>>, vector<16xf32>,
          tpu.vector_store %arg9[%parallel_loop3A_262], %parallel_loop3A_257 {strides = array<i32>} : memref<32768xf32, #tpu.memory_space<vmem>>, vector<16xf32>,
          %parallel_loop3A_264 = arith.constant 0.000000e+00 : f32
          %parallel_loop3A_265 = vector.broadcast %parallel_loop3A_264 : f32 to vector<16xf32>
          %parallel_loop3A_266 = arith.constant 512 : i32
          %parallel_loop3A_267 = arith.muli %parallel_loop3A_215, %parallel_loop3A_266 : i32
          %parallel_loop3A_268 = arith.constant 96 : i32
          %parallel_loop3A_269 = arith.addi %parallel_loop3A_267, %parallel_loop3A_268 : i32
          %parallel_loop3A_270 = arith.index_cast %parallel_loop3A_269 : i32 to index
          %parallel_loop3A_271 = tpu.vector_load %arg9[%parallel_loop3A_270] {strides = array<i32>} : memref<32768xf32, #tpu.memory_space<vmem>>, vector<16xf32>,
          tpu.vector_store %arg9[%parallel_loop3A_270], %parallel_loop3A_265 {strides = array<i32>} : memref<32768xf32, #tpu.memory_space<vmem>>, vector<16xf32>,
          %parallel_loop3A_272 = arith.constant 0.000000e+00 : f32
          %parallel_loop3A_273 = vector.broadcast %parallel_loop3A_272 : f32 to vector<16xf32>
          %parallel_loop3A_274 = arith.constant 512 : i32
          %parallel_loop3A_275 = arith.muli %parallel_loop3A_215, %parallel_loop3A_274 : i32
          %parallel_loop3A_276 = arith.constant 112 : i32
          %parallel_loop3A_277 = arith.addi %parallel_loop3A_275, %parallel_loop3A_276 : i32
          %parallel_loop3A_278 = arith.index_cast %parallel_loop3A_277 : i32 to index
          %parallel_loop3A_279 = tpu.vector_load %arg9[%parallel_loop3A_278] {strides = array<i32>} : memref<32768xf32, #tpu.memory_space<vmem>>, vector<16xf32>,
          tpu.vector_store %arg9[%parallel_loop3A_278], %parallel_loop3A_273 {strides = array<i32>} : memref<32768xf32, #tpu.memory_space<vmem>>, vector<16xf32>,
          %parallel_loop3A_280 = arith.constant 0.000000e+00 : f32
          %parallel_loop3A_281 = vector.broadcast %parallel_loop3A_280 : f32 to vector<16xf32>
          %parallel_loop3A_282 = arith.constant 512 : i32
          %parallel_loop3A_283 = arith.muli %parallel_loop3A_215, %parallel_loop3A_282 : i32
          %parallel_loop3A_284 = arith.constant 128 : i32
          %parallel_loop3A_285 = arith.addi %parallel_loop3A_283, %parallel_loop3A_284 : i32
          %parallel_loop3A_286 = arith.index_cast %parallel_loop3A_285 : i32 to index
          %parallel_loop3A_287 = tpu.vector_load %arg9[%parallel_loop3A_286] {strides = array<i32>} : memref<32768xf32, #tpu.memory_space<vmem>>, vector<16xf32>,
          tpu.vector_store %arg9[%parallel_loop3A_286], %parallel_loop3A_281 {strides = array<i32>} : memref<32768xf32, #tpu.memory_space<vmem>>, vector<16xf32>,
          %parallel_loop3A_288 = arith.constant 0.000000e+00 : f32
          %parallel_loop3A_289 = vector.broadcast %parallel_loop3A_288 : f32 to vector<16xf32>
          %parallel_loop3A_290 = arith.constant 512 : i32
          %parallel_loop3A_291 = arith.muli %parallel_loop3A_215, %parallel_loop3A_290 : i32
          %parallel_loop3A_292 = arith.constant 144 : i32
          %parallel_loop3A_293 = arith.addi %parallel_loop3A_291, %parallel_loop3A_292 : i32
          %parallel_loop3A_294 = arith.index_cast %parallel_loop3A_293 : i32 to index
          %parallel_loop3A_295 = tpu.vector_load %arg9[%parallel_loop3A_294] {strides = array<i32>} : memref<32768xf32, #tpu.memory_space<vmem>>, vector<16xf32>,
          tpu.vector_store %arg9[%parallel_loop3A_294], %parallel_loop3A_289 {strides = array<i32>} : memref<32768xf32, #tpu.memory_space<vmem>>, vector<16xf32>,
          %parallel_loop3A_296 = arith.constant 0.000000e+00 : f32
          %parallel_loop3A_297 = vector.broadcast %parallel_loop3A_296 : f32 to vector<16xf32>
          %parallel_loop3A_298 = arith.constant 512 : i32
          %parallel_loop3A_299 = arith.muli %parallel_loop3A_215, %parallel_loop3A_298 : i32
          %parallel_loop3A_300 = arith.constant 160 : i32
          %parallel_loop3A_301 = arith.addi %parallel_loop3A_299, %parallel_loop3A_300 : i32
          %parallel_loop3A_302 = arith.index_cast %parallel_loop3A_301 : i32 to index
          %parallel_loop3A_303 = tpu.vector_load %arg9[%parallel_loop3A_302] {strides = array<i32>} : memref<32768xf32, #tpu.memory_space<vmem>>, vector<16xf32>,
          tpu.vector_store %arg9[%parallel_loop3A_302], %parallel_loop3A_297 {strides = array<i32>} : memref<32768xf32, #tpu.memory_space<vmem>>, vector<16xf32>,
          %parallel_loop3A_304 = arith.constant 0.000000e+00 : f32
          %parallel_loop3A_305 = vector.broadcast %parallel_loop3A_304 : f32 to vector<16xf32>
          %parallel_loop3A_306 = arith.constant 512 : i32
          %parallel_loop3A_307 = arith.muli %parallel_loop3A_215, %parallel_loop3A_306 : i32
          %parallel_loop3A_308 = arith.constant 176 : i32
          %parallel_loop3A_309 = arith.addi %parallel_loop3A_307, %parallel_loop3A_308 : i32
          %parallel_loop3A_310 = arith.index_cast %parallel_loop3A_309 : i32 to index
          %parallel_loop3A_311 = tpu.vector_load %arg9[%parallel_loop3A_310] {strides = array<i32>} : memref<32768xf32, #tpu.memory_space<vmem>>, vector<16xf32>,
          tpu.vector_store %arg9[%parallel_loop3A_310], %parallel_loop3A_305 {strides = array<i32>} : memref<32768xf32, #tpu.memory_space<vmem>>, vector<16xf32>,
          %parallel_loop3A_312 = arith.constant 0.000000e+00 : f32
          %parallel_loop3A_313 = vector.broadcast %parallel_loop3A_312 : f32 to vector<16xf32>
          %parallel_loop3A_314 = arith.constant 512 : i32
          %parallel_loop3A_315 = arith.muli %parallel_loop3A_215, %parallel_loop3A_314 : i32
          %parallel_loop3A_316 = arith.constant 192 : i32
          %parallel_loop3A_317 = arith.addi %parallel_loop3A_315, %parallel_loop3A_316 : i32
          %parallel_loop3A_318 = arith.index_cast %parallel_loop3A_317 : i32 to index
          %parallel_loop3A_319 = tpu.vector_load %arg9[%parallel_loop3A_318] {strides = array<i32>} : memref<32768xf32, #tpu.memory_space<vmem>>, vector<16xf32>,
          tpu.vector_store %arg9[%parallel_loop3A_318], %parallel_loop3A_313 {strides = array<i32>} : memref<32768xf32, #tpu.memory_space<vmem>>, vector<16xf32>,
          %parallel_loop3A_320 = arith.constant 0.000000e+00 : f32
          %parallel_loop3A_321 = vector.broadcast %parallel_loop3A_320 : f32 to vector<16xf32>
          %parallel_loop3A_322 = arith.constant 512 : i32
          %parallel_loop3A_323 = arith.muli %parallel_loop3A_215, %parallel_loop3A_322 : i32
          %parallel_loop3A_324 = arith.constant 208 : i32
          %parallel_loop3A_325 = arith.addi %parallel_loop3A_323, %parallel_loop3A_324 : i32
          %parallel_loop3A_326 = arith.index_cast %parallel_loop3A_325 : i32 to index
          %parallel_loop3A_327 = tpu.vector_load %arg9[%parallel_loop3A_326] {strides = array<i32>} : memref<32768xf32, #tpu.memory_space<vmem>>, vector<16xf32>,
          tpu.vector_store %arg9[%parallel_loop3A_326], %parallel_loop3A_321 {strides = array<i32>} : memref<32768xf32, #tpu.memory_space<vmem>>, vector<16xf32>,
          %parallel_loop3A_328 = arith.constant 0.000000e+00 : f32
          %parallel_loop3A_329 = vector.broadcast %parallel_loop3A_328 : f32 to vector<16xf32>
          %parallel_loop3A_330 = arith.constant 512 : i32
          %parallel_loop3A_331 = arith.muli %parallel_loop3A_215, %parallel_loop3A_330 : i32
          %parallel_loop3A_332 = arith.constant 224 : i32
          %parallel_loop3A_333 = arith.addi %parallel_loop3A_331, %parallel_loop3A_332 : i32
          %parallel_loop3A_334 = arith.index_cast %parallel_loop3A_333 : i32 to index
          %parallel_loop3A_335 = tpu.vector_load %arg9[%parallel_loop3A_334] {strides = array<i32>} : memref<32768xf32, #tpu.memory_space<vmem>>, vector<16xf32>,
          tpu.vector_store %arg9[%parallel_loop3A_334], %parallel_loop3A_329 {strides = array<i32>} : memref<32768xf32, #tpu.memory_space<vmem>>, vector<16xf32>,
          %parallel_loop3A_336 = arith.constant 0.000000e+00 : f32
          %parallel_loop3A_337 = vector.broadcast %parallel_loop3A_336 : f32 to vector<16xf32>
          %parallel_loop3A_338 = arith.constant 512 : i32
          %parallel_loop3A_339 = arith.muli %parallel_loop3A_215, %parallel_loop3A_338 : i32
          %parallel_loop3A_340 = arith.constant 240 : i32
          %parallel_loop3A_341 = arith.addi %parallel_loop3A_339, %parallel_loop3A_340 : i32
          %parallel_loop3A_342 = arith.index_cast %parallel_loop3A_341 : i32 to index
          %parallel_loop3A_343 = tpu.vector_load %arg9[%parallel_loop3A_342] {strides = array<i32>} : memref<32768xf32, #tpu.memory_space<vmem>>, vector<16xf32>,
          tpu.vector_store %arg9[%parallel_loop3A_342], %parallel_loop3A_337 {strides = array<i32>} : memref<32768xf32, #tpu.memory_space<vmem>>, vector<16xf32>,
          %parallel_loop3A_344 = arith.constant 0.000000e+00 : f32
          %parallel_loop3A_345 = vector.broadcast %parallel_loop3A_344 : f32 to vector<16xf32>
          %parallel_loop3A_346 = arith.constant 512 : i32
          %parallel_loop3A_347 = arith.muli %parallel_loop3A_215, %parallel_loop3A_346 : i32
          %parallel_loop3A_348 = arith.constant 256 : i32
          %parallel_loop3A_349 = arith.addi %parallel_loop3A_347, %parallel_loop3A_348 : i32
          %parallel_loop3A_350 = arith.index_cast %parallel_loop3A_349 : i32 to index
          %parallel_loop3A_351 = tpu.vector_load %arg9[%parallel_loop3A_350] {strides = array<i32>} : memref<32768xf32, #tpu.memory_space<vmem>>, vector<16xf32>,
          tpu.vector_store %arg9[%parallel_loop3A_350], %parallel_loop3A_345 {strides = array<i32>} : memref<32768xf32, #tpu.memory_space<vmem>>, vector<16xf32>,
          %parallel_loop3A_352 = arith.constant 0.000000e+00 : f32
          %parallel_loop3A_353 = vector.broadcast %parallel_loop3A_352 : f32 to vector<16xf32>
          %parallel_loop3A_354 = arith.constant 512 : i32
          %parallel_loop3A_355 = arith.muli %parallel_loop3A_215, %parallel_loop3A_354 : i32
          %parallel_loop3A_356 = arith.constant 272 : i32
          %parallel_loop3A_357 = arith.addi %parallel_loop3A_355, %parallel_loop3A_356 : i32
          %parallel_loop3A_358 = arith.index_cast %parallel_loop3A_357 : i32 to index
          %parallel_loop3A_359 = tpu.vector_load %arg9[%parallel_loop3A_358] {strides = array<i32>} : memref<32768xf32, #tpu.memory_space<vmem>>, vector<16xf32>,
          tpu.vector_store %arg9[%parallel_loop3A_358], %parallel_loop3A_353 {strides = array<i32>} : memref<32768xf32, #tpu.memory_space<vmem>>, vector<16xf32>,
          %parallel_loop3A_360 = arith.constant 0.000000e+00 : f32
          %parallel_loop3A_361 = vector.broadcast %parallel_loop3A_360 : f32 to vector<16xf32>
          %parallel_loop3A_362 = arith.constant 512 : i32
          %parallel_loop3A_363 = arith.muli %parallel_loop3A_215, %parallel_loop3A_362 : i32
          %parallel_loop3A_364 = arith.constant 288 : i32
          %parallel_loop3A_365 = arith.addi %parallel_loop3A_363, %parallel_loop3A_364 : i32
          %parallel_loop3A_366 = arith.index_cast %parallel_loop3A_365 : i32 to index
          %parallel_loop3A_367 = tpu.vector_load %arg9[%parallel_loop3A_366] {strides = array<i32>} : memref<32768xf32, #tpu.memory_space<vmem>>, vector<16xf32>,
          tpu.vector_store %arg9[%parallel_loop3A_366], %parallel_loop3A_361 {strides = array<i32>} : memref<32768xf32, #tpu.memory_space<vmem>>, vector<16xf32>,
          %parallel_loop3A_368 = arith.constant 0.000000e+00 : f32
          %parallel_loop3A_369 = vector.broadcast %parallel_loop3A_368 : f32 to vector<16xf32>
          %parallel_loop3A_370 = arith.constant 512 : i32
          %parallel_loop3A_371 = arith.muli %parallel_loop3A_215, %parallel_loop3A_370 : i32
          %parallel_loop3A_372 = arith.constant 304 : i32
          %parallel_loop3A_373 = arith.addi %parallel_loop3A_371, %parallel_loop3A_372 : i32
          %parallel_loop3A_374 = arith.index_cast %parallel_loop3A_373 : i32 to index
          %parallel_loop3A_375 = tpu.vector_load %arg9[%parallel_loop3A_374] {strides = array<i32>} : memref<32768xf32, #tpu.memory_space<vmem>>, vector<16xf32>,
          tpu.vector_store %arg9[%parallel_loop3A_374], %parallel_loop3A_369 {strides = array<i32>} : memref<32768xf32, #tpu.memory_space<vmem>>, vector<16xf32>,
          %parallel_loop3A_376 = arith.constant 0.000000e+00 : f32
          %parallel_loop3A_377 = vector.broadcast %parallel_loop3A_376 : f32 to vector<16xf32>
          %parallel_loop3A_378 = arith.constant 512 : i32
          %parallel_loop3A_379 = arith.muli %parallel_loop3A_215, %parallel_loop3A_378 : i32
          %parallel_loop3A_380 = arith.constant 320 : i32
          %parallel_loop3A_381 = arith.addi %parallel_loop3A_379, %parallel_loop3A_380 : i32
          %parallel_loop3A_382 = arith.index_cast %parallel_loop3A_381 : i32 to index
          %parallel_loop3A_383 = tpu.vector_load %arg9[%parallel_loop3A_382] {strides = array<i32>} : memref<32768xf32, #tpu.memory_space<vmem>>, vector<16xf32>,
          tpu.vector_store %arg9[%parallel_loop3A_382], %parallel_loop3A_377 {strides = array<i32>} : memref<32768xf32, #tpu.memory_space<vmem>>, vector<16xf32>,
          %parallel_loop3A_384 = arith.constant 0.000000e+00 : f32
          %parallel_loop3A_385 = vector.broadcast %parallel_loop3A_384 : f32 to vector<16xf32>
          %parallel_loop3A_386 = arith.constant 512 : i32
          %parallel_loop3A_387 = arith.muli %parallel_loop3A_215, %parallel_loop3A_386 : i32
          %parallel_loop3A_388 = arith.constant 336 : i32
          %parallel_loop3A_389 = arith.addi %parallel_loop3A_387, %parallel_loop3A_388 : i32
          %parallel_loop3A_390 = arith.index_cast %parallel_loop3A_389 : i32 to index
          %parallel_loop3A_391 = tpu.vector_load %arg9[%parallel_loop3A_390] {strides = array<i32>} : memref<32768xf32, #tpu.memory_space<vmem>>, vector<16xf32>,
          tpu.vector_store %arg9[%parallel_loop3A_390], %parallel_loop3A_385 {strides = array<i32>} : memref<32768xf32, #tpu.memory_space<vmem>>, vector<16xf32>,
          %parallel_loop3A_392 = arith.constant 0.000000e+00 : f32
          %parallel_loop3A_393 = vector.broadcast %parallel_loop3A_392 : f32 to vector<16xf32>
          %parallel_loop3A_394 = arith.constant 512 : i32
          %parallel_loop3A_395 = arith.muli %parallel_loop3A_215, %parallel_loop3A_394 : i32
          %parallel_loop3A_396 = arith.constant 352 : i32
          %parallel_loop3A_397 = arith.addi %parallel_loop3A_395, %parallel_loop3A_396 : i32
          %parallel_loop3A_398 = arith.index_cast %parallel_loop3A_397 : i32 to index
          %parallel_loop3A_399 = tpu.vector_load %arg9[%parallel_loop3A_398] {strides = array<i32>} : memref<32768xf32, #tpu.memory_space<vmem>>, vector<16xf32>,
          tpu.vector_store %arg9[%parallel_loop3A_398], %parallel_loop3A_393 {strides = array<i32>} : memref<32768xf32, #tpu.memory_space<vmem>>, vector<16xf32>,
          %parallel_loop3A_400 = arith.constant 0.000000e+00 : f32
          %parallel_loop3A_401 = vector.broadcast %parallel_loop3A_400 : f32 to vector<16xf32>
          %parallel_loop3A_402 = arith.constant 512 : i32
          %parallel_loop3A_403 = arith.muli %parallel_loop3A_215, %parallel_loop3A_402 : i32
          %parallel_loop3A_404 = arith.constant 368 : i32
          %parallel_loop3A_405 = arith.addi %parallel_loop3A_403, %parallel_loop3A_404 : i32
          %parallel_loop3A_406 = arith.index_cast %parallel_loop3A_405 : i32 to index
          %parallel_loop3A_407 = tpu.vector_load %arg9[%parallel_loop3A_406] {strides = array<i32>} : memref<32768xf32, #tpu.memory_space<vmem>>, vector<16xf32>,
          tpu.vector_store %arg9[%parallel_loop3A_406], %parallel_loop3A_401 {strides = array<i32>} : memref<32768xf32, #tpu.memory_space<vmem>>, vector<16xf32>,
          %parallel_loop3A_408 = arith.constant 0.000000e+00 : f32
          %parallel_loop3A_409 = vector.broadcast %parallel_loop3A_408 : f32 to vector<16xf32>
          %parallel_loop3A_410 = arith.constant 512 : i32
          %parallel_loop3A_411 = arith.muli %parallel_loop3A_215, %parallel_loop3A_410 : i32
          %parallel_loop3A_412 = arith.constant 384 : i32
          %parallel_loop3A_413 = arith.addi %parallel_loop3A_411, %parallel_loop3A_412 : i32
          %parallel_loop3A_414 = arith.index_cast %parallel_loop3A_413 : i32 to index
          %parallel_loop3A_415 = tpu.vector_load %arg9[%parallel_loop3A_414] {strides = array<i32>} : memref<32768xf32, #tpu.memory_space<vmem>>, vector<16xf32>,
          tpu.vector_store %arg9[%parallel_loop3A_414], %parallel_loop3A_409 {strides = array<i32>} : memref<32768xf32, #tpu.memory_space<vmem>>, vector<16xf32>,
          %parallel_loop3A_416 = arith.constant 0.000000e+00 : f32
          %parallel_loop3A_417 = vector.broadcast %parallel_loop3A_416 : f32 to vector<16xf32>
          %parallel_loop3A_418 = arith.constant 512 : i32
          %parallel_loop3A_419 = arith.muli %parallel_loop3A_215, %parallel_loop3A_418 : i32
          %parallel_loop3A_420 = arith.constant 400 : i32
          %parallel_loop3A_421 = arith.addi %parallel_loop3A_419, %parallel_loop3A_420 : i32
          %parallel_loop3A_422 = arith.index_cast %parallel_loop3A_421 : i32 to index
          %parallel_loop3A_423 = tpu.vector_load %arg9[%parallel_loop3A_422] {strides = array<i32>} : memref<32768xf32, #tpu.memory_space<vmem>>, vector<16xf32>,
          tpu.vector_store %arg9[%parallel_loop3A_422], %parallel_loop3A_417 {strides = array<i32>} : memref<32768xf32, #tpu.memory_space<vmem>>, vector<16xf32>,
          %parallel_loop3A_424 = arith.constant 0.000000e+00 : f32
          %parallel_loop3A_425 = vector.broadcast %parallel_loop3A_424 : f32 to vector<16xf32>
          %parallel_loop3A_426 = arith.constant 512 : i32
          %parallel_loop3A_427 = arith.muli %parallel_loop3A_215, %parallel_loop3A_426 : i32
          %parallel_loop3A_428 = arith.constant 416 : i32
          %parallel_loop3A_429 = arith.addi %parallel_loop3A_427, %parallel_loop3A_428 : i32
          %parallel_loop3A_430 = arith.index_cast %parallel_loop3A_429 : i32 to index
          %parallel_loop3A_431 = tpu.vector_load %arg9[%parallel_loop3A_430] {strides = array<i32>} : memref<32768xf32, #tpu.memory_space<vmem>>, vector<16xf32>,
          tpu.vector_store %arg9[%parallel_loop3A_430], %parallel_loop3A_425 {strides = array<i32>} : memref<32768xf32, #tpu.memory_space<vmem>>, vector<16xf32>,
          %parallel_loop3A_432 = arith.constant 0.000000e+00 : f32
          %parallel_loop3A_433 = vector.broadcast %parallel_loop3A_432 : f32 to vector<16xf32>
          %parallel_loop3A_434 = arith.constant 512 : i32
          %parallel_loop3A_435 = arith.muli %parallel_loop3A_215, %parallel_loop3A_434 : i32
          %parallel_loop3A_436 = arith.constant 432 : i32
          %parallel_loop3A_437 = arith.addi %parallel_loop3A_435, %parallel_loop3A_436 : i32
          %parallel_loop3A_438 = arith.index_cast %parallel_loop3A_437 : i32 to index
          %parallel_loop3A_439 = tpu.vector_load %arg9[%parallel_loop3A_438] {strides = array<i32>} : memref<32768xf32, #tpu.memory_space<vmem>>, vector<16xf32>,
          tpu.vector_store %arg9[%parallel_loop3A_438], %parallel_loop3A_433 {strides = array<i32>} : memref<32768xf32, #tpu.memory_space<vmem>>, vector<16xf32>,
          %parallel_loop3A_440 = arith.constant 0.000000e+00 : f32
          %parallel_loop3A_441 = vector.broadcast %parallel_loop3A_440 : f32 to vector<16xf32>
          %parallel_loop3A_442 = arith.constant 512 : i32
          %parallel_loop3A_443 = arith.muli %parallel_loop3A_215, %parallel_loop3A_442 : i32
          %parallel_loop3A_444 = arith.constant 448 : i32
          %parallel_loop3A_445 = arith.addi %parallel_loop3A_443, %parallel_loop3A_444 : i32
          %parallel_loop3A_446 = arith.index_cast %parallel_loop3A_445 : i32 to index
          %parallel_loop3A_447 = tpu.vector_load %arg9[%parallel_loop3A_446] {strides = array<i32>} : memref<32768xf32, #tpu.memory_space<vmem>>, vector<16xf32>,
          tpu.vector_store %arg9[%parallel_loop3A_446], %parallel_loop3A_441 {strides = array<i32>} : memref<32768xf32, #tpu.memory_space<vmem>>, vector<16xf32>,
          %parallel_loop3A_448 = arith.constant 0.000000e+00 : f32
          %parallel_loop3A_449 = vector.broadcast %parallel_loop3A_448 : f32 to vector<16xf32>
          %parallel_loop3A_450 = arith.constant 512 : i32
          %parallel_loop3A_451 = arith.muli %parallel_loop3A_215, %parallel_loop3A_450 : i32
          %parallel_loop3A_452 = arith.constant 464 : i32
          %parallel_loop3A_453 = arith.addi %parallel_loop3A_451, %parallel_loop3A_452 : i32
          %parallel_loop3A_454 = arith.index_cast %parallel_loop3A_453 : i32 to index
          %parallel_loop3A_455 = tpu.vector_load %arg9[%parallel_loop3A_454] {strides = array<i32>} : memref<32768xf32, #tpu.memory_space<vmem>>, vector<16xf32>,
          tpu.vector_store %arg9[%parallel_loop3A_454], %parallel_loop3A_449 {strides = array<i32>} : memref<32768xf32, #tpu.memory_space<vmem>>, vector<16xf32>,
          %parallel_loop3A_456 = arith.constant 0.000000e+00 : f32
          %parallel_loop3A_457 = vector.broadcast %parallel_loop3A_456 : f32 to vector<16xf32>
          %parallel_loop3A_458 = arith.constant 512 : i32
          %parallel_loop3A_459 = arith.muli %parallel_loop3A_215, %parallel_loop3A_458 : i32
          %parallel_loop3A_460 = arith.constant 480 : i32
          %parallel_loop3A_461 = arith.addi %parallel_loop3A_459, %parallel_loop3A_460 : i32
          %parallel_loop3A_462 = arith.index_cast %parallel_loop3A_461 : i32 to index
          %parallel_loop3A_463 = tpu.vector_load %arg9[%parallel_loop3A_462] {strides = array<i32>} : memref<32768xf32, #tpu.memory_space<vmem>>, vector<16xf32>,
          tpu.vector_store %arg9[%parallel_loop3A_462], %parallel_loop3A_457 {strides = array<i32>} : memref<32768xf32, #tpu.memory_space<vmem>>, vector<16xf32>,
          %parallel_loop3A_464 = arith.constant 0.000000e+00 : f32
          %parallel_loop3A_465 = vector.broadcast %parallel_loop3A_464 : f32 to vector<16xf32>
          %parallel_loop3A_466 = arith.constant 512 : i32
          %parallel_loop3A_467 = arith.muli %parallel_loop3A_215, %parallel_loop3A_466 : i32
          %parallel_loop3A_468 = arith.constant 496 : i32
          %parallel_loop3A_469 = arith.addi %parallel_loop3A_467, %parallel_loop3A_468 : i32
          %parallel_loop3A_470 = arith.index_cast %parallel_loop3A_469 : i32 to index
          %parallel_loop3A_471 = tpu.vector_load %arg9[%parallel_loop3A_470] {strides = array<i32>} : memref<32768xf32, #tpu.memory_space<vmem>>, vector<16xf32>,
          tpu.vector_store %arg9[%parallel_loop3A_470], %parallel_loop3A_465 {strides = array<i32>} : memref<32768xf32, #tpu.memory_space<vmem>>, vector<16xf32>,
        } {sc.loop_unroll_factor = 4 : i64, sc.parallel_access}
      } else {
      }
      %mul3A_179 = arith.constant 32 : i32
      %mul3A_180 = arith.muli %scan3A_113, %mul3A_179 : i32
      %dma_wait3A_181 = arith.constant 0 : i32
      %dma_wait3A_182 = arith.constant 0 : i32
      %dma_wait3A_183 = tpu.memref_slice %arg8[%select_n3A_129, %dma_wait3A_181, %dma_wait3A_182] : memref<2x32x512xf32, #tpu.memory_space<vmem>> -> memref<1x32x512xf32, #tpu.memory_space<vmem>>
      %dma_wait3A_184 = tpu.memref_squeeze %dma_wait3A_183 : memref<1x32x512xf32, #tpu.memory_space<vmem>> -> memref<32x512xf32, #tpu.memory_space<vmem>>
      %dma_wait3A_185 = tpu.memref_slice %arg6[%mul3A_180] : memref<1024xi32, #tpu.memory_space<vmem>> -> memref<32xi32, #tpu.memory_space<vmem>>
      %dma_wait3A_186 = arith.constant 0 : i32
      %dma_wait3A_187 = arith.constant 0 : i32
      %dma_wait3A_188 = tpu.memref_slice %arg2[%dma_wait3A_186, %dma_wait3A_187] : memref<4096x512xf32, #tpu.memory_space<hbm>> -> memref<4096x512xf32, #tpu.memory_space<hbm>>
      tpu.wait_indirect_dma semaphore(%arg10 : memref<!tpu.dma_semaphore, #tpu.memory_space<semaphore_mem>>) src(%dma_wait3A_188 : memref<4096x512xf32, #tpu.memory_space<hbm>>) dst(%dma_wait3A_184 : memref<32x512xf32, #tpu.memory_space<vmem>>)
      %parallel_loop3A = arith.constant 0 : i32
      %parallel_loop3A_189 = arith.constant 32 : i32
      %parallel_loop3A_190 = arith.constant 1 : i32
      scf.for %parallel_loop3A_212 = %parallel_loop3A to %parallel_loop3A_189 step %parallel_loop3A_190  : i32 {
        %parallel_loop3A_213 = arith.constant 32 : i32
        %parallel_loop3A_214 = arith.muli %scan3A_113, %parallel_loop3A_213 : i32
        %parallel_loop3A_215 = arith.addi %parallel_loop3A_214, %parallel_loop3A_212 : i32
        %parallel_loop3A_216 = arith.constant 16 : i32
        %parallel_loop3A_217 = arith.muli %parallel_loop3A_215, %parallel_loop3A_216 : i32
        %parallel_loop3A_218 = arith.index_cast %parallel_loop3A_217 : i32 to index
        %parallel_loop3A_219 = tpu.vector_load %arg7[%parallel_loop3A_218] {strides = array<i32>} : memref<16384xi32, #tpu.memory_space<vmem>>, vector<16xi32>,
        %parallel_loop3A_220 = arith.constant 0 : i32
        %parallel_loop3A_221 = vector.broadcast %parallel_loop3A_220 : i32 to vector<16xi32>
        %parallel_loop3A_222 = arith.addi %parallel_loop3A_219, %parallel_loop3A_221 : vector<16xi32>
        %parallel_loop3A_223 = arith.index_cast %select_n3A_129 : i32 to index
        %parallel_loop3A_224 = arith.index_cast %parallel_loop3A_212 : i32 to index
        %parallel_loop3A_225 = arith.constant 0 : index
        %parallel_loop3A_226 = tpu.vector_load %arg8[%parallel_loop3A_223, %parallel_loop3A_224, %parallel_loop3A_225] {strides = array<i32>} : memref<2x32x512xf32, #tpu.memory_space<vmem>>, vector<16xf32>,
        tpu.vector_store_idx %arg9[%parallel_loop3A_222], %parallel_loop3A_226 {add = true} : memref<32768xf32, #tpu.memory_space<vmem>>[vector<16xi32>], vector<16xf32>,
        %parallel_loop3A_227 = arith.constant 16 : i32
        %parallel_loop3A_228 = vector.broadcast %parallel_loop3A_227 : i32 to vector<16xi32>
        %parallel_loop3A_229 = arith.addi %parallel_loop3A_219, %parallel_loop3A_228 : vector<16xi32>
        %parallel_loop3A_230 = arith.index_cast %select_n3A_129 : i32 to index
        %parallel_loop3A_231 = arith.index_cast %parallel_loop3A_212 : i32 to index
        %parallel_loop3A_232 = arith.constant 16 : index
        %parallel_loop3A_233 = tpu.vector_load %arg8[%parallel_loop3A_230, %parallel_loop3A_231, %parallel_loop3A_232] {strides = array<i32>} : memref<2x32x512xf32, #tpu.memory_space<vmem>>, vector<16xf32>,
        tpu.vector_store_idx %arg9[%parallel_loop3A_229], %parallel_loop3A_233 {add = true} : memref<32768xf32, #tpu.memory_space<vmem>>[vector<16xi32>], vector<16xf32>,
        %parallel_loop3A_234 = arith.constant 32 : i32
        %parallel_loop3A_235 = vector.broadcast %parallel_loop3A_234 : i32 to vector<16xi32>
        %parallel_loop3A_236 = arith.addi %parallel_loop3A_219, %parallel_loop3A_235 : vector<16xi32>
        %parallel_loop3A_237 = arith.index_cast %select_n3A_129 : i32 to index
        %parallel_loop3A_238 = arith.index_cast %parallel_loop3A_212 : i32 to index
        %parallel_loop3A_239 = arith.constant 32 : index
        %parallel_loop3A_240 = tpu.vector_load %arg8[%parallel_loop3A_237, %parallel_loop3A_238, %parallel_loop3A_239] {strides = array<i32>} : memref<2x32x512xf32, #tpu.memory_space<vmem>>, vector<16xf32>,
        tpu.vector_store_idx %arg9[%parallel_loop3A_236], %parallel_loop3A_240 {add = true} : memref<32768xf32, #tpu.memory_space<vmem>>[vector<16xi32>], vector<16xf32>,
        %parallel_loop3A_241 = arith.constant 48 : i32
        %parallel_loop3A_242 = vector.broadcast %parallel_loop3A_241 : i32 to vector<16xi32>
        %parallel_loop3A_243 = arith.addi %parallel_loop3A_219, %parallel_loop3A_242 : vector<16xi32>
        %parallel_loop3A_244 = arith.index_cast %select_n3A_129 : i32 to index
        %parallel_loop3A_245 = arith.index_cast %parallel_loop3A_212 : i32 to index
        %parallel_loop3A_246 = arith.constant 48 : index
        %parallel_loop3A_247 = tpu.vector_load %arg8[%parallel_loop3A_244, %parallel_loop3A_245, %parallel_loop3A_246] {strides = array<i32>} : memref<2x32x512xf32, #tpu.memory_space<vmem>>, vector<16xf32>,
        tpu.vector_store_idx %arg9[%parallel_loop3A_243], %parallel_loop3A_247 {add = true} : memref<32768xf32, #tpu.memory_space<vmem>>[vector<16xi32>], vector<16xf32>,
        %parallel_loop3A_248 = arith.constant 64 : i32
        %parallel_loop3A_249 = vector.broadcast %parallel_loop3A_248 : i32 to vector<16xi32>
        %parallel_loop3A_250 = arith.addi %parallel_loop3A_219, %parallel_loop3A_249 : vector<16xi32>
        %parallel_loop3A_251 = arith.index_cast %select_n3A_129 : i32 to index
        %parallel_loop3A_252 = arith.index_cast %parallel_loop3A_212 : i32 to index
        %parallel_loop3A_253 = arith.constant 64 : index
        %parallel_loop3A_254 = tpu.vector_load %arg8[%parallel_loop3A_251, %parallel_loop3A_252, %parallel_loop3A_253] {strides = array<i32>} : memref<2x32x512xf32, #tpu.memory_space<vmem>>, vector<16xf32>,
        tpu.vector_store_idx %arg9[%parallel_loop3A_250], %parallel_loop3A_254 {add = true} : memref<32768xf32, #tpu.memory_space<vmem>>[vector<16xi32>], vector<16xf32>,
        %parallel_loop3A_255 = arith.constant 80 : i32
        %parallel_loop3A_256 = vector.broadcast %parallel_loop3A_255 : i32 to vector<16xi32>
        %parallel_loop3A_257 = arith.addi %parallel_loop3A_219, %parallel_loop3A_256 : vector<16xi32>
        %parallel_loop3A_258 = arith.index_cast %select_n3A_129 : i32 to index
        %parallel_loop3A_259 = arith.index_cast %parallel_loop3A_212 : i32 to index
        %parallel_loop3A_260 = arith.constant 80 : index
        %parallel_loop3A_261 = tpu.vector_load %arg8[%parallel_loop3A_258, %parallel_loop3A_259, %parallel_loop3A_260] {strides = array<i32>} : memref<2x32x512xf32, #tpu.memory_space<vmem>>, vector<16xf32>,
        tpu.vector_store_idx %arg9[%parallel_loop3A_257], %parallel_loop3A_261 {add = true} : memref<32768xf32, #tpu.memory_space<vmem>>[vector<16xi32>], vector<16xf32>,
        %parallel_loop3A_262 = arith.constant 96 : i32
        %parallel_loop3A_263 = vector.broadcast %parallel_loop3A_262 : i32 to vector<16xi32>
        %parallel_loop3A_264 = arith.addi %parallel_loop3A_219, %parallel_loop3A_263 : vector<16xi32>
        %parallel_loop3A_265 = arith.index_cast %select_n3A_129 : i32 to index
        %parallel_loop3A_266 = arith.index_cast %parallel_loop3A_212 : i32 to index
        %parallel_loop3A_267 = arith.constant 96 : index
        %parallel_loop3A_268 = tpu.vector_load %arg8[%parallel_loop3A_265, %parallel_loop3A_266, %parallel_loop3A_267] {strides = array<i32>} : memref<2x32x512xf32, #tpu.memory_space<vmem>>, vector<16xf32>,
        tpu.vector_store_idx %arg9[%parallel_loop3A_264], %parallel_loop3A_268 {add = true} : memref<32768xf32, #tpu.memory_space<vmem>>[vector<16xi32>], vector<16xf32>,
        %parallel_loop3A_269 = arith.constant 112 : i32
        %parallel_loop3A_270 = vector.broadcast %parallel_loop3A_269 : i32 to vector<16xi32>
        %parallel_loop3A_271 = arith.addi %parallel_loop3A_219, %parallel_loop3A_270 : vector<16xi32>
        %parallel_loop3A_272 = arith.index_cast %select_n3A_129 : i32 to index
        %parallel_loop3A_273 = arith.index_cast %parallel_loop3A_212 : i32 to index
        %parallel_loop3A_274 = arith.constant 112 : index
        %parallel_loop3A_275 = tpu.vector_load %arg8[%parallel_loop3A_272, %parallel_loop3A_273, %parallel_loop3A_274] {strides = array<i32>} : memref<2x32x512xf32, #tpu.memory_space<vmem>>, vector<16xf32>,
        tpu.vector_store_idx %arg9[%parallel_loop3A_271], %parallel_loop3A_275 {add = true} : memref<32768xf32, #tpu.memory_space<vmem>>[vector<16xi32>], vector<16xf32>,
        %parallel_loop3A_276 = arith.constant 128 : i32
        %parallel_loop3A_277 = vector.broadcast %parallel_loop3A_276 : i32 to vector<16xi32>
        %parallel_loop3A_278 = arith.addi %parallel_loop3A_219, %parallel_loop3A_277 : vector<16xi32>
        %parallel_loop3A_279 = arith.index_cast %select_n3A_129 : i32 to index
        %parallel_loop3A_280 = arith.index_cast %parallel_loop3A_212 : i32 to index
        %parallel_loop3A_281 = arith.constant 128 : index
        %parallel_loop3A_282 = tpu.vector_load %arg8[%parallel_loop3A_279, %parallel_loop3A_280, %parallel_loop3A_281] {strides = array<i32>} : memref<2x32x512xf32, #tpu.memory_space<vmem>>, vector<16xf32>,
        tpu.vector_store_idx %arg9[%parallel_loop3A_278], %parallel_loop3A_282 {add = true} : memref<32768xf32, #tpu.memory_space<vmem>>[vector<16xi32>], vector<16xf32>,
        %parallel_loop3A_283 = arith.constant 144 : i32
        %parallel_loop3A_284 = vector.broadcast %parallel_loop3A_283 : i32 to vector<16xi32>
        %parallel_loop3A_285 = arith.addi %parallel_loop3A_219, %parallel_loop3A_284 : vector<16xi32>
        %parallel_loop3A_286 = arith.index_cast %select_n3A_129 : i32 to index
        %parallel_loop3A_287 = arith.index_cast %parallel_loop3A_212 : i32 to index
        %parallel_loop3A_288 = arith.constant 144 : index
        %parallel_loop3A_289 = tpu.vector_load %arg8[%parallel_loop3A_286, %parallel_loop3A_287, %parallel_loop3A_288] {strides = array<i32>} : memref<2x32x512xf32, #tpu.memory_space<vmem>>, vector<16xf32>,
        tpu.vector_store_idx %arg9[%parallel_loop3A_285], %parallel_loop3A_289 {add = true} : memref<32768xf32, #tpu.memory_space<vmem>>[vector<16xi32>], vector<16xf32>,
        %parallel_loop3A_290 = arith.constant 160 : i32
        %parallel_loop3A_291 = vector.broadcast %parallel_loop3A_290 : i32 to vector<16xi32>
        %parallel_loop3A_292 = arith.addi %parallel_loop3A_219, %parallel_loop3A_291 : vector<16xi32>
        %parallel_loop3A_293 = arith.index_cast %select_n3A_129 : i32 to index
        %parallel_loop3A_294 = arith.index_cast %parallel_loop3A_212 : i32 to index
        %parallel_loop3A_295 = arith.constant 160 : index
        %parallel_loop3A_296 = tpu.vector_load %arg8[%parallel_loop3A_293, %parallel_loop3A_294, %parallel_loop3A_295] {strides = array<i32>} : memref<2x32x512xf32, #tpu.memory_space<vmem>>, vector<16xf32>,
        tpu.vector_store_idx %arg9[%parallel_loop3A_292], %parallel_loop3A_296 {add = true} : memref<32768xf32, #tpu.memory_space<vmem>>[vector<16xi32>], vector<16xf32>,
        %parallel_loop3A_297 = arith.constant 176 : i32
        %parallel_loop3A_298 = vector.broadcast %parallel_loop3A_297 : i32 to vector<16xi32>
        %parallel_loop3A_299 = arith.addi %parallel_loop3A_219, %parallel_loop3A_298 : vector<16xi32>
        %parallel_loop3A_300 = arith.index_cast %select_n3A_129 : i32 to index
        %parallel_loop3A_301 = arith.index_cast %parallel_loop3A_212 : i32 to index
        %parallel_loop3A_302 = arith.constant 176 : index
        %parallel_loop3A_303 = tpu.vector_load %arg8[%parallel_loop3A_300, %parallel_loop3A_301, %parallel_loop3A_302] {strides = array<i32>} : memref<2x32x512xf32, #tpu.memory_space<vmem>>, vector<16xf32>,
        tpu.vector_store_idx %arg9[%parallel_loop3A_299], %parallel_loop3A_303 {add = true} : memref<32768xf32, #tpu.memory_space<vmem>>[vector<16xi32>], vector<16xf32>,
        %parallel_loop3A_304 = arith.constant 192 : i32
        %parallel_loop3A_305 = vector.broadcast %parallel_loop3A_304 : i32 to vector<16xi32>
        %parallel_loop3A_306 = arith.addi %parallel_loop3A_219, %parallel_loop3A_305 : vector<16xi32>
        %parallel_loop3A_307 = arith.index_cast %select_n3A_129 : i32 to index
        %parallel_loop3A_308 = arith.index_cast %parallel_loop3A_212 : i32 to index
        %parallel_loop3A_309 = arith.constant 192 : index
        %parallel_loop3A_310 = tpu.vector_load %arg8[%parallel_loop3A_307, %parallel_loop3A_308, %parallel_loop3A_309] {strides = array<i32>} : memref<2x32x512xf32, #tpu.memory_space<vmem>>, vector<16xf32>,
        tpu.vector_store_idx %arg9[%parallel_loop3A_306], %parallel_loop3A_310 {add = true} : memref<32768xf32, #tpu.memory_space<vmem>>[vector<16xi32>], vector<16xf32>,
        %parallel_loop3A_311 = arith.constant 208 : i32
        %parallel_loop3A_312 = vector.broadcast %parallel_loop3A_311 : i32 to vector<16xi32>
        %parallel_loop3A_313 = arith.addi %parallel_loop3A_219, %parallel_loop3A_312 : vector<16xi32>
        %parallel_loop3A_314 = arith.index_cast %select_n3A_129 : i32 to index
        %parallel_loop3A_315 = arith.index_cast %parallel_loop3A_212 : i32 to index
        %parallel_loop3A_316 = arith.constant 208 : index
        %parallel_loop3A_317 = tpu.vector_load %arg8[%parallel_loop3A_314, %parallel_loop3A_315, %parallel_loop3A_316] {strides = array<i32>} : memref<2x32x512xf32, #tpu.memory_space<vmem>>, vector<16xf32>,
        tpu.vector_store_idx %arg9[%parallel_loop3A_313], %parallel_loop3A_317 {add = true} : memref<32768xf32, #tpu.memory_space<vmem>>[vector<16xi32>], vector<16xf32>,
        %parallel_loop3A_318 = arith.constant 224 : i32
        %parallel_loop3A_319 = vector.broadcast %parallel_loop3A_318 : i32 to vector<16xi32>
        %parallel_loop3A_320 = arith.addi %parallel_loop3A_219, %parallel_loop3A_319 : vector<16xi32>
        %parallel_loop3A_321 = arith.index_cast %select_n3A_129 : i32 to index
        %parallel_loop3A_322 = arith.index_cast %parallel_loop3A_212 : i32 to index
        %parallel_loop3A_323 = arith.constant 224 : index
        %parallel_loop3A_324 = tpu.vector_load %arg8[%parallel_loop3A_321, %parallel_loop3A_322, %parallel_loop3A_323] {strides = array<i32>} : memref<2x32x512xf32, #tpu.memory_space<vmem>>, vector<16xf32>,
        tpu.vector_store_idx %arg9[%parallel_loop3A_320], %parallel_loop3A_324 {add = true} : memref<32768xf32, #tpu.memory_space<vmem>>[vector<16xi32>], vector<16xf32>,
        %parallel_loop3A_325 = arith.constant 240 : i32
        %parallel_loop3A_326 = vector.broadcast %parallel_loop3A_325 : i32 to vector<16xi32>
        %parallel_loop3A_327 = arith.addi %parallel_loop3A_219, %parallel_loop3A_326 : vector<16xi32>
        %parallel_loop3A_328 = arith.index_cast %select_n3A_129 : i32 to index
        %parallel_loop3A_329 = arith.index_cast %parallel_loop3A_212 : i32 to index
        %parallel_loop3A_330 = arith.constant 240 : index
        %parallel_loop3A_331 = tpu.vector_load %arg8[%parallel_loop3A_328, %parallel_loop3A_329, %parallel_loop3A_330] {strides = array<i32>} : memref<2x32x512xf32, #tpu.memory_space<vmem>>, vector<16xf32>,
        tpu.vector_store_idx %arg9[%parallel_loop3A_327], %parallel_loop3A_331 {add = true} : memref<32768xf32, #tpu.memory_space<vmem>>[vector<16xi32>], vector<16xf32>,
        %parallel_loop3A_332 = arith.constant 256 : i32
        %parallel_loop3A_333 = vector.broadcast %parallel_loop3A_332 : i32 to vector<16xi32>
        %parallel_loop3A_334 = arith.addi %parallel_loop3A_219, %parallel_loop3A_333 : vector<16xi32>
        %parallel_loop3A_335 = arith.index_cast %select_n3A_129 : i32 to index
        %parallel_loop3A_336 = arith.index_cast %parallel_loop3A_212 : i32 to index
        %parallel_loop3A_337 = arith.constant 256 : index
        %parallel_loop3A_338 = tpu.vector_load %arg8[%parallel_loop3A_335, %parallel_loop3A_336, %parallel_loop3A_337] {strides = array<i32>} : memref<2x32x512xf32, #tpu.memory_space<vmem>>, vector<16xf32>,
        tpu.vector_store_idx %arg9[%parallel_loop3A_334], %parallel_loop3A_338 {add = true} : memref<32768xf32, #tpu.memory_space<vmem>>[vector<16xi32>], vector<16xf32>,
        %parallel_loop3A_339 = arith.constant 272 : i32
        %parallel_loop3A_340 = vector.broadcast %parallel_loop3A_339 : i32 to vector<16xi32>
        %parallel_loop3A_341 = arith.addi %parallel_loop3A_219, %parallel_loop3A_340 : vector<16xi32>
        %parallel_loop3A_342 = arith.index_cast %select_n3A_129 : i32 to index
        %parallel_loop3A_343 = arith.index_cast %parallel_loop3A_212 : i32 to index
        %parallel_loop3A_344 = arith.constant 272 : index
        %parallel_loop3A_345 = tpu.vector_load %arg8[%parallel_loop3A_342, %parallel_loop3A_343, %parallel_loop3A_344] {strides = array<i32>} : memref<2x32x512xf32, #tpu.memory_space<vmem>>, vector<16xf32>,
        tpu.vector_store_idx %arg9[%parallel_loop3A_341], %parallel_loop3A_345 {add = true} : memref<32768xf32, #tpu.memory_space<vmem>>[vector<16xi32>], vector<16xf32>,
        %parallel_loop3A_346 = arith.constant 288 : i32
        %parallel_loop3A_347 = vector.broadcast %parallel_loop3A_346 : i32 to vector<16xi32>
        %parallel_loop3A_348 = arith.addi %parallel_loop3A_219, %parallel_loop3A_347 : vector<16xi32>
        %parallel_loop3A_349 = arith.index_cast %select_n3A_129 : i32 to index
        %parallel_loop3A_350 = arith.index_cast %parallel_loop3A_212 : i32 to index
        %parallel_loop3A_351 = arith.constant 288 : index
        %parallel_loop3A_352 = tpu.vector_load %arg8[%parallel_loop3A_349, %parallel_loop3A_350, %parallel_loop3A_351] {strides = array<i32>} : memref<2x32x512xf32, #tpu.memory_space<vmem>>, vector<16xf32>,
        tpu.vector_store_idx %arg9[%parallel_loop3A_348], %parallel_loop3A_352 {add = true} : memref<32768xf32, #tpu.memory_space<vmem>>[vector<16xi32>], vector<16xf32>,
        %parallel_loop3A_353 = arith.constant 304 : i32
        %parallel_loop3A_354 = vector.broadcast %parallel_loop3A_353 : i32 to vector<16xi32>
        %parallel_loop3A_355 = arith.addi %parallel_loop3A_219, %parallel_loop3A_354 : vector<16xi32>
        %parallel_loop3A_356 = arith.index_cast %select_n3A_129 : i32 to index
        %parallel_loop3A_357 = arith.index_cast %parallel_loop3A_212 : i32 to index
        %parallel_loop3A_358 = arith.constant 304 : index
        %parallel_loop3A_359 = tpu.vector_load %arg8[%parallel_loop3A_356, %parallel_loop3A_357, %parallel_loop3A_358] {strides = array<i32>} : memref<2x32x512xf32, #tpu.memory_space<vmem>>, vector<16xf32>,
        tpu.vector_store_idx %arg9[%parallel_loop3A_355], %parallel_loop3A_359 {add = true} : memref<32768xf32, #tpu.memory_space<vmem>>[vector<16xi32>], vector<16xf32>,
        %parallel_loop3A_360 = arith.constant 320 : i32
        %parallel_loop3A_361 = vector.broadcast %parallel_loop3A_360 : i32 to vector<16xi32>
        %parallel_loop3A_362 = arith.addi %parallel_loop3A_219, %parallel_loop3A_361 : vector<16xi32>
        %parallel_loop3A_363 = arith.index_cast %select_n3A_129 : i32 to index
        %parallel_loop3A_364 = arith.index_cast %parallel_loop3A_212 : i32 to index
        %parallel_loop3A_365 = arith.constant 320 : index
        %parallel_loop3A_366 = tpu.vector_load %arg8[%parallel_loop3A_363, %parallel_loop3A_364, %parallel_loop3A_365] {strides = array<i32>} : memref<2x32x512xf32, #tpu.memory_space<vmem>>, vector<16xf32>,
        tpu.vector_store_idx %arg9[%parallel_loop3A_362], %parallel_loop3A_366 {add = true} : memref<32768xf32, #tpu.memory_space<vmem>>[vector<16xi32>], vector<16xf32>,
        %parallel_loop3A_367 = arith.constant 336 : i32
        %parallel_loop3A_368 = vector.broadcast %parallel_loop3A_367 : i32 to vector<16xi32>
        %parallel_loop3A_369 = arith.addi %parallel_loop3A_219, %parallel_loop3A_368 : vector<16xi32>
        %parallel_loop3A_370 = arith.index_cast %select_n3A_129 : i32 to index
        %parallel_loop3A_371 = arith.index_cast %parallel_loop3A_212 : i32 to index
        %parallel_loop3A_372 = arith.constant 336 : index
        %parallel_loop3A_373 = tpu.vector_load %arg8[%parallel_loop3A_370, %parallel_loop3A_371, %parallel_loop3A_372] {strides = array<i32>} : memref<2x32x512xf32, #tpu.memory_space<vmem>>, vector<16xf32>,
        tpu.vector_store_idx %arg9[%parallel_loop3A_369], %parallel_loop3A_373 {add = true} : memref<32768xf32, #tpu.memory_space<vmem>>[vector<16xi32>], vector<16xf32>,
        %parallel_loop3A_374 = arith.constant 352 : i32
        %parallel_loop3A_375 = vector.broadcast %parallel_loop3A_374 : i32 to vector<16xi32>
        %parallel_loop3A_376 = arith.addi %parallel_loop3A_219, %parallel_loop3A_375 : vector<16xi32>
        %parallel_loop3A_377 = arith.index_cast %select_n3A_129 : i32 to index
        %parallel_loop3A_378 = arith.index_cast %parallel_loop3A_212 : i32 to index
        %parallel_loop3A_379 = arith.constant 352 : index
        %parallel_loop3A_380 = tpu.vector_load %arg8[%parallel_loop3A_377, %parallel_loop3A_378, %parallel_loop3A_379] {strides = array<i32>} : memref<2x32x512xf32, #tpu.memory_space<vmem>>, vector<16xf32>,
        tpu.vector_store_idx %arg9[%parallel_loop3A_376], %parallel_loop3A_380 {add = true} : memref<32768xf32, #tpu.memory_space<vmem>>[vector<16xi32>], vector<16xf32>,
        %parallel_loop3A_381 = arith.constant 368 : i32
        %parallel_loop3A_382 = vector.broadcast %parallel_loop3A_381 : i32 to vector<16xi32>
        %parallel_loop3A_383 = arith.addi %parallel_loop3A_219, %parallel_loop3A_382 : vector<16xi32>
        %parallel_loop3A_384 = arith.index_cast %select_n3A_129 : i32 to index
        %parallel_loop3A_385 = arith.index_cast %parallel_loop3A_212 : i32 to index
        %parallel_loop3A_386 = arith.constant 368 : index
        %parallel_loop3A_387 = tpu.vector_load %arg8[%parallel_loop3A_384, %parallel_loop3A_385, %parallel_loop3A_386] {strides = array<i32>} : memref<2x32x512xf32, #tpu.memory_space<vmem>>, vector<16xf32>,
        tpu.vector_store_idx %arg9[%parallel_loop3A_383], %parallel_loop3A_387 {add = true} : memref<32768xf32, #tpu.memory_space<vmem>>[vector<16xi32>], vector<16xf32>,
        %parallel_loop3A_388 = arith.constant 384 : i32
        %parallel_loop3A_389 = vector.broadcast %parallel_loop3A_388 : i32 to vector<16xi32>
        %parallel_loop3A_390 = arith.addi %parallel_loop3A_219, %parallel_loop3A_389 : vector<16xi32>
        %parallel_loop3A_391 = arith.index_cast %select_n3A_129 : i32 to index
        %parallel_loop3A_392 = arith.index_cast %parallel_loop3A_212 : i32 to index
        %parallel_loop3A_393 = arith.constant 384 : index
        %parallel_loop3A_394 = tpu.vector_load %arg8[%parallel_loop3A_391, %parallel_loop3A_392, %parallel_loop3A_393] {strides = array<i32>} : memref<2x32x512xf32, #tpu.memory_space<vmem>>, vector<16xf32>,
        tpu.vector_store_idx %arg9[%parallel_loop3A_390], %parallel_loop3A_394 {add = true} : memref<32768xf32, #tpu.memory_space<vmem>>[vector<16xi32>], vector<16xf32>,
        %parallel_loop3A_395 = arith.constant 400 : i32
        %parallel_loop3A_396 = vector.broadcast %parallel_loop3A_395 : i32 to vector<16xi32>
        %parallel_loop3A_397 = arith.addi %parallel_loop3A_219, %parallel_loop3A_396 : vector<16xi32>
        %parallel_loop3A_398 = arith.index_cast %select_n3A_129 : i32 to index
        %parallel_loop3A_399 = arith.index_cast %parallel_loop3A_212 : i32 to index
        %parallel_loop3A_400 = arith.constant 400 : index
        %parallel_loop3A_401 = tpu.vector_load %arg8[%parallel_loop3A_398, %parallel_loop3A_399, %parallel_loop3A_400] {strides = array<i32>} : memref<2x32x512xf32, #tpu.memory_space<vmem>>, vector<16xf32>,
        tpu.vector_store_idx %arg9[%parallel_loop3A_397], %parallel_loop3A_401 {add = true} : memref<32768xf32, #tpu.memory_space<vmem>>[vector<16xi32>], vector<16xf32>,
        %parallel_loop3A_402 = arith.constant 416 : i32
        %parallel_loop3A_403 = vector.broadcast %parallel_loop3A_402 : i32 to vector<16xi32>
        %parallel_loop3A_404 = arith.addi %parallel_loop3A_219, %parallel_loop3A_403 : vector<16xi32>
        %parallel_loop3A_405 = arith.index_cast %select_n3A_129 : i32 to index
        %parallel_loop3A_406 = arith.index_cast %parallel_loop3A_212 : i32 to index
        %parallel_loop3A_407 = arith.constant 416 : index
        %parallel_loop3A_408 = tpu.vector_load %arg8[%parallel_loop3A_405, %parallel_loop3A_406, %parallel_loop3A_407] {strides = array<i32>} : memref<2x32x512xf32, #tpu.memory_space<vmem>>, vector<16xf32>,
        tpu.vector_store_idx %arg9[%parallel_loop3A_404], %parallel_loop3A_408 {add = true} : memref<32768xf32, #tpu.memory_space<vmem>>[vector<16xi32>], vector<16xf32>,
        %parallel_loop3A_409 = arith.constant 432 : i32
        %parallel_loop3A_410 = vector.broadcast %parallel_loop3A_409 : i32 to vector<16xi32>
        %parallel_loop3A_411 = arith.addi %parallel_loop3A_219, %parallel_loop3A_410 : vector<16xi32>
        %parallel_loop3A_412 = arith.index_cast %select_n3A_129 : i32 to index
        %parallel_loop3A_413 = arith.index_cast %parallel_loop3A_212 : i32 to index
        %parallel_loop3A_414 = arith.constant 432 : index
        %parallel_loop3A_415 = tpu.vector_load %arg8[%parallel_loop3A_412, %parallel_loop3A_413, %parallel_loop3A_414] {strides = array<i32>} : memref<2x32x512xf32, #tpu.memory_space<vmem>>, vector<16xf32>,
        tpu.vector_store_idx %arg9[%parallel_loop3A_411], %parallel_loop3A_415 {add = true} : memref<32768xf32, #tpu.memory_space<vmem>>[vector<16xi32>], vector<16xf32>,
        %parallel_loop3A_416 = arith.constant 448 : i32
        %parallel_loop3A_417 = vector.broadcast %parallel_loop3A_416 : i32 to vector<16xi32>
        %parallel_loop3A_418 = arith.addi %parallel_loop3A_219, %parallel_loop3A_417 : vector<16xi32>
        %parallel_loop3A_419 = arith.index_cast %select_n3A_129 : i32 to index
        %parallel_loop3A_420 = arith.index_cast %parallel_loop3A_212 : i32 to index
        %parallel_loop3A_421 = arith.constant 448 : index
        %parallel_loop3A_422 = tpu.vector_load %arg8[%parallel_loop3A_419, %parallel_loop3A_420, %parallel_loop3A_421] {strides = array<i32>} : memref<2x32x512xf32, #tpu.memory_space<vmem>>, vector<16xf32>,
        tpu.vector_store_idx %arg9[%parallel_loop3A_418], %parallel_loop3A_422 {add = true} : memref<32768xf32, #tpu.memory_space<vmem>>[vector<16xi32>], vector<16xf32>,
        %parallel_loop3A_423 = arith.constant 464 : i32
        %parallel_loop3A_424 = vector.broadcast %parallel_loop3A_423 : i32 to vector<16xi32>
        %parallel_loop3A_425 = arith.addi %parallel_loop3A_219, %parallel_loop3A_424 : vector<16xi32>
        %parallel_loop3A_426 = arith.index_cast %select_n3A_129 : i32 to index
        %parallel_loop3A_427 = arith.index_cast %parallel_loop3A_212 : i32 to index
        %parallel_loop3A_428 = arith.constant 464 : index
        %parallel_loop3A_429 = tpu.vector_load %arg8[%parallel_loop3A_426, %parallel_loop3A_427, %parallel_loop3A_428] {strides = array<i32>} : memref<2x32x512xf32, #tpu.memory_space<vmem>>, vector<16xf32>,
        tpu.vector_store_idx %arg9[%parallel_loop3A_425], %parallel_loop3A_429 {add = true} : memref<32768xf32, #tpu.memory_space<vmem>>[vector<16xi32>], vector<16xf32>,
        %parallel_loop3A_430 = arith.constant 480 : i32
        %parallel_loop3A_431 = vector.broadcast %parallel_loop3A_430 : i32 to vector<16xi32>
        %parallel_loop3A_432 = arith.addi %parallel_loop3A_219, %parallel_loop3A_431 : vector<16xi32>
        %parallel_loop3A_433 = arith.index_cast %select_n3A_129 : i32 to index
        %parallel_loop3A_434 = arith.index_cast %parallel_loop3A_212 : i32 to index
        %parallel_loop3A_435 = arith.constant 480 : index
        %parallel_loop3A_436 = tpu.vector_load %arg8[%parallel_loop3A_433, %parallel_loop3A_434, %parallel_loop3A_435] {strides = array<i32>} : memref<2x32x512xf32, #tpu.memory_space<vmem>>, vector<16xf32>,
        tpu.vector_store_idx %arg9[%parallel_loop3A_432], %parallel_loop3A_436 {add = true} : memref<32768xf32, #tpu.memory_space<vmem>>[vector<16xi32>], vector<16xf32>,
        %parallel_loop3A_437 = arith.constant 496 : i32
        %parallel_loop3A_438 = vector.broadcast %parallel_loop3A_437 : i32 to vector<16xi32>
        %parallel_loop3A_439 = arith.addi %parallel_loop3A_219, %parallel_loop3A_438 : vector<16xi32>
        %parallel_loop3A_440 = arith.index_cast %select_n3A_129 : i32 to index
        %parallel_loop3A_441 = arith.index_cast %parallel_loop3A_212 : i32 to index
        %parallel_loop3A_442 = arith.constant 496 : index
        %parallel_loop3A_443 = tpu.vector_load %arg8[%parallel_loop3A_440, %parallel_loop3A_441, %parallel_loop3A_442] {strides = array<i32>} : memref<2x32x512xf32, #tpu.memory_space<vmem>>, vector<16xf32>,
        tpu.vector_store_idx %arg9[%parallel_loop3A_439], %parallel_loop3A_443 {add = true} : memref<32768xf32, #tpu.memory_space<vmem>>[vector<16xi32>], vector<16xf32>,
      } {sc.loop_unroll_factor = 4 : i64, sc.parallel_access}
      %jit3A_191 = arith.constant 8 : i32
      %eq3A_192 = arith.constant 0 : i32
      %eq3A_193 = arith.cmpi eq, %jit3A_191, %eq3A_192 : i32
      %jit3A_194 = arith.constant 1 : i32
      %select_n3A_195 = arith.select %eq3A_193, %jit3A_194, %jit3A_191 : i32
      %rem3A_196 = arith.remsi %scan3A_113, %select_n3A_195 : i32
      %ne3A_197 = arith.constant 0 : i32
      %ne3A_198 = arith.cmpi ne, %rem3A_196, %ne3A_197 : i32
      %lt3A_199 = arith.constant 0 : i32
      %lt3A_200 = arith.cmpi slt, %rem3A_196, %lt3A_199 : i32
      %lt3A_201 = arith.constant 0 : i32
      %lt3A_202 = arith.cmpi slt, %select_n3A_195, %lt3A_201 : i32
      %ne3A_203 = arith.xori %lt3A_200, %lt3A_202 : i1
      %and3A_204 = arith.andi %ne3A_203, %ne3A_198 : i1
      %add3A_205 = arith.addi %rem3A_196, %select_n3A_195 : i32
      %select_n3A_206 = arith.select %and3A_204, %add3A_205, %rem3A_196 : i32
      %eq3A_207 = arith.constant 7 : i32
      %eq3A_208 = arith.cmpi eq, %select_n3A_206, %eq3A_207 : i32
      %convert_element_type3A_209 = arith.extui %eq3A_208 : i1 to i32
      %cond3A_210 = arith.constant 0 : i32
      %cond3A_211 = arith.cmpi ne, %convert_element_type3A_209, %cond3A_210 : i32
      scf.if %cond3A_211 {
        %jit3A_212 = arith.constant 8 : i32
        %div3A_213 = arith.divsi %scan3A_113, %jit3A_212 : i32
        %sign3A_214 = arith.constant 0 : i32
        %sign3A_215 = arith.cmpi sgt, %scan3A_113, %sign3A_214 : i32
        %sign3A_216 = arith.extui %sign3A_215 : i1 to i32
        %sign3A_217 = arith.constant 0 : i32
        %sign3A_218 = arith.cmpi slt, %scan3A_113, %sign3A_217 : i32
        %sign3A_219 = arith.extui %sign3A_218 : i1 to i32
        %sign3A_220 = arith.subi %sign3A_216, %sign3A_219 : i32
        %sign3A_221 = arith.constant 0 : i32
        %sign3A_222 = arith.cmpi sgt, %jit3A_212, %sign3A_221 : i32
        %sign3A_223 = arith.extui %sign3A_222 : i1 to i32
        %sign3A_224 = arith.constant 0 : i32
        %sign3A_225 = arith.cmpi slt, %jit3A_212, %sign3A_224 : i32
        %sign3A_226 = arith.extui %sign3A_225 : i1 to i32
        %sign3A_227 = arith.subi %sign3A_223, %sign3A_226 : i32
        %ne3A_228 = arith.cmpi ne, %sign3A_220, %sign3A_227 : i32
        %rem3A_229 = arith.remsi %scan3A_113, %jit3A_212 : i32
        %ne3A_230 = arith.constant 0 : i32
        %ne3A_231 = arith.cmpi ne, %rem3A_229, %ne3A_230 : i32
        %and3A_232 = arith.andi %ne3A_228, %ne3A_231 : i1
        %sub3A_233 = arith.constant 1 : i32
        %sub3A_234 = arith.subi %div3A_213, %sub3A_233 : i32
        %select_n3A_235 = arith.select %and3A_232, %sub3A_234, %div3A_213 : i32
        %mul3A_236 = arith.constant 4 : i32
        %mul3A_237 = arith.muli %add3A, %mul3A_236 : i32
        %add3A_238 = arith.addi %mul3A_237, %select_n3A_235 : i32
        %mul3A_239 = arith.constant 16 : i32
        %mul3A_240 = arith.muli %add3A_238, %mul3A_239 : i32
        %jit3A_241 = arith.constant 1024 : i32
        %div3A_242 = arith.divsi %mul3A_240, %jit3A_241 : i32
        %sign3A_243 = arith.constant 0 : i32
        %sign3A_244 = arith.cmpi sgt, %mul3A_240, %sign3A_243 : i32
        %sign3A_245 = arith.extui %sign3A_244 : i1 to i32
        %sign3A_246 = arith.constant 0 : i32
        %sign3A_247 = arith.cmpi slt, %mul3A_240, %sign3A_246 : i32
        %sign3A_248 = arith.extui %sign3A_247 : i1 to i32
        %sign3A_249 = arith.subi %sign3A_245, %sign3A_248 : i32
        %sign3A_250 = arith.constant 0 : i32
        %sign3A_251 = arith.cmpi sgt, %jit3A_241, %sign3A_250 : i32
        %sign3A_252 = arith.extui %sign3A_251 : i1 to i32
        %sign3A_253 = arith.constant 0 : i32
        %sign3A_254 = arith.cmpi slt, %jit3A_241, %sign3A_253 : i32
        %sign3A_255 = arith.extui %sign3A_254 : i1 to i32
        %sign3A_256 = arith.subi %sign3A_252, %sign3A_255 : i32
        %ne3A_257 = arith.cmpi ne, %sign3A_249, %sign3A_256 : i32
        %rem3A_258 = arith.remsi %mul3A_240, %jit3A_241 : i32
        %ne3A_259 = arith.constant 0 : i32
        %ne3A_260 = arith.cmpi ne, %rem3A_258, %ne3A_259 : i32
        %and3A_261 = arith.andi %ne3A_257, %ne3A_260 : i1
        %sub3A_262 = arith.constant 1 : i32
        %sub3A_263 = arith.subi %div3A_242, %sub3A_262 : i32
        %select_n3A_264 = arith.select %and3A_261, %sub3A_263, %div3A_242 : i32
        %jit3A_265 = arith.constant 1024 : i32
        %eq3A_266 = arith.constant 0 : i32
        %eq3A_267 = arith.cmpi eq, %jit3A_265, %eq3A_266 : i32
        %jit3A_268 = arith.constant 1 : i32
        %select_n3A_269 = arith.select %eq3A_267, %jit3A_268, %jit3A_265 : i32
        %rem3A_270 = arith.remsi %mul3A_240, %select_n3A_269 : i32
        %ne3A_271 = arith.constant 0 : i32
        %ne3A_272 = arith.cmpi ne, %rem3A_270, %ne3A_271 : i32
        %lt3A_273 = arith.constant 0 : i32
        %lt3A_274 = arith.cmpi slt, %rem3A_270, %lt3A_273 : i32
        %lt3A_275 = arith.constant 0 : i32
        %lt3A_276 = arith.cmpi slt, %select_n3A_269, %lt3A_275 : i32
        %ne3A_277 = arith.xori %lt3A_274, %lt3A_276 : i1
        %and3A_278 = arith.andi %ne3A_277, %ne3A_272 : i1
        %add3A_279 = arith.addi %rem3A_270, %select_n3A_269 : i32
        %select_n3A_280 = arith.select %and3A_278, %add3A_279, %rem3A_270 : i32
        %mul3A_281 = arith.constant 4096 : i32
        %mul3A_282 = arith.muli %select_n3A_264, %mul3A_281 : i32
        %add3A_283 = arith.constant 0 : i32
        %add3A_284 = arith.addi %mul3A_282, %add3A_283 : i32
        %add3A_285 = arith.addi %add3A_284, %select_n3A_280 : i32
        %mul3A_286 = arith.constant 512 : i32
        %mul3A_287 = arith.muli %add3A_285, %mul3A_286 : i32
        %multiple_of3A_288 = tpu.assume_multiple %mul3A_287, 8192 : i32
        %dma_start3A_289 = arith.constant 0 : i32
        %dma_start3A_290 = tpu.memref_slice %arg9[%dma_start3A_289] : memref<32768xf32, #tpu.memory_space<vmem>> -> memref<8192xf32, #tpu.memory_space<vmem>>
        %dma_start3A_291 = tpu.memref_slice %arg5[%multiple_of3A_288] : memref<4194304xf32, #tpu.memory_space<hbm>> -> memref<8192xf32, #tpu.memory_space<hbm>>
        %dma_start3A_292 = tpu.memref_slice %arg5[%multiple_of3A_288] : memref<4194304xf32, #tpu.memory_space<hbm>> -> memref<8192xf32, #tpu.memory_space<hbm>>
        %dma_start3A_293 = arith.constant 0 : i32
        %dma_start3A_294 = tpu.memref_slice %arg9[%dma_start3A_293] : memref<32768xf32, #tpu.memory_space<vmem>> -> memref<8192xf32, #tpu.memory_space<vmem>>
        tpu.enqueue_dma source(%dma_start3A_294 : memref<8192xf32, #tpu.memory_space<vmem>>) target(%dma_start3A_292 : memref<8192xf32, #tpu.memory_space<hbm>>) target_semaphore(%arg11 : memref<!tpu.dma_semaphore, #tpu.memory_space<semaphore_mem>>)
        %mul3A_295 = arith.constant 4096 : i32
        %mul3A_296 = arith.muli %select_n3A_264, %mul3A_295 : i32
        %add3A_297 = arith.constant 1024 : i32
        %add3A_298 = arith.addi %mul3A_296, %add3A_297 : i32
        %add3A_299 = arith.addi %add3A_298, %select_n3A_280 : i32
        %mul3A_300 = arith.constant 512 : i32
        %mul3A_301 = arith.muli %add3A_299, %mul3A_300 : i32
        %multiple_of3A_302 = tpu.assume_multiple %mul3A_301, 8192 : i32
        %dma_start3A_303 = arith.constant 8192 : i32
        %dma_start3A_304 = tpu.memref_slice %arg9[%dma_start3A_303] : memref<32768xf32, #tpu.memory_space<vmem>> -> memref<8192xf32, #tpu.memory_space<vmem>>
        %dma_start3A_305 = tpu.memref_slice %arg5[%multiple_of3A_302] : memref<4194304xf32, #tpu.memory_space<hbm>> -> memref<8192xf32, #tpu.memory_space<hbm>>
        %dma_start3A_306 = tpu.memref_slice %arg5[%multiple_of3A_302] : memref<4194304xf32, #tpu.memory_space<hbm>> -> memref<8192xf32, #tpu.memory_space<hbm>>
        %dma_start3A_307 = arith.constant 8192 : i32
        %dma_start3A_308 = tpu.memref_slice %arg9[%dma_start3A_307] : memref<32768xf32, #tpu.memory_space<vmem>> -> memref<8192xf32, #tpu.memory_space<vmem>>
        tpu.enqueue_dma source(%dma_start3A_308 : memref<8192xf32, #tpu.memory_space<vmem>>) target(%dma_start3A_306 : memref<8192xf32, #tpu.memory_space<hbm>>) target_semaphore(%arg11 : memref<!tpu.dma_semaphore, #tpu.memory_space<semaphore_mem>>)
        %mul3A_309 = arith.constant 4096 : i32
        %mul3A_310 = arith.muli %select_n3A_264, %mul3A_309 : i32
        %add3A_311 = arith.constant 2048 : i32
        %add3A_312 = arith.addi %mul3A_310, %add3A_311 : i32
        %add3A_313 = arith.addi %add3A_312, %select_n3A_280 : i32
        %mul3A_314 = arith.constant 512 : i32
        %mul3A_315 = arith.muli %add3A_313, %mul3A_314 : i32
        %multiple_of3A_316 = tpu.assume_multiple %mul3A_315, 8192 : i32
        %dma_start3A_317 = arith.constant 16384 : i32
        %dma_start3A_318 = tpu.memref_slice %arg9[%dma_start3A_317] : memref<32768xf32, #tpu.memory_space<vmem>> -> memref<8192xf32, #tpu.memory_space<vmem>>
        %dma_start3A_319 = tpu.memref_slice %arg5[%multiple_of3A_316] : memref<4194304xf32, #tpu.memory_space<hbm>> -> memref<8192xf32, #tpu.memory_space<hbm>>
        %dma_start3A_320 = tpu.memref_slice %arg5[%multiple_of3A_316] : memref<4194304xf32, #tpu.memory_space<hbm>> -> memref<8192xf32, #tpu.memory_space<hbm>>
        %dma_start3A_321 = arith.constant 16384 : i32
        %dma_start3A_322 = tpu.memref_slice %arg9[%dma_start3A_321] : memref<32768xf32, #tpu.memory_space<vmem>> -> memref<8192xf32, #tpu.memory_space<vmem>>
        tpu.enqueue_dma source(%dma_start3A_322 : memref<8192xf32, #tpu.memory_space<vmem>>) target(%dma_start3A_320 : memref<8192xf32, #tpu.memory_space<hbm>>) target_semaphore(%arg11 : memref<!tpu.dma_semaphore, #tpu.memory_space<semaphore_mem>>)
        %mul3A_323 = arith.constant 4096 : i32
        %mul3A_324 = arith.muli %select_n3A_264, %mul3A_323 : i32
        %add3A_325 = arith.constant 3072 : i32
        %add3A_326 = arith.addi %mul3A_324, %add3A_325 : i32
        %add3A_327 = arith.addi %add3A_326, %select_n3A_280 : i32
        %mul3A_328 = arith.constant 512 : i32
        %mul3A_329 = arith.muli %add3A_327, %mul3A_328 : i32
        %multiple_of3A_330 = tpu.assume_multiple %mul3A_329, 8192 : i32
        %dma_start3A_331 = arith.constant 24576 : i32
        %dma_start3A_332 = tpu.memref_slice %arg9[%dma_start3A_331] : memref<32768xf32, #tpu.memory_space<vmem>> -> memref<8192xf32, #tpu.memory_space<vmem>>
        %dma_start3A_333 = tpu.memref_slice %arg5[%multiple_of3A_330] : memref<4194304xf32, #tpu.memory_space<hbm>> -> memref<8192xf32, #tpu.memory_space<hbm>>
        %dma_start3A_334 = tpu.memref_slice %arg5[%multiple_of3A_330] : memref<4194304xf32, #tpu.memory_space<hbm>> -> memref<8192xf32, #tpu.memory_space<hbm>>
        %dma_start3A_335 = arith.constant 24576 : i32
        %dma_start3A_336 = tpu.memref_slice %arg9[%dma_start3A_335] : memref<32768xf32, #tpu.memory_space<vmem>> -> memref<8192xf32, #tpu.memory_space<vmem>>
        tpu.enqueue_dma source(%dma_start3A_336 : memref<8192xf32, #tpu.memory_space<vmem>>) target(%dma_start3A_334 : memref<8192xf32, #tpu.memory_space<hbm>>) target_semaphore(%arg11 : memref<!tpu.dma_semaphore, #tpu.memory_space<semaphore_mem>>)
      } else {
      }
    }
    %scan3A_21 = arith.constant 32 : i32
    %mul3A_22 = arith.constant 4 : i32
    %mul3A_23 = arith.muli %add3A, %mul3A_22 : i32
    %add3A_24 = arith.constant 3 : i32
    %add3A_25 = arith.addi %mul3A_23, %add3A_24 : i32
    %mul3A_26 = arith.constant 16 : i32
    %mul3A_27 = arith.muli %add3A_25, %mul3A_26 : i32
    %jit3A = arith.constant 1024 : i32
    %div3A = arith.divsi %mul3A_27, %jit3A : i32
    %sign3A = arith.constant 0 : i32
    %sign3A_28 = arith.cmpi sgt, %mul3A_27, %sign3A : i32
    %sign3A_29 = arith.extui %sign3A_28 : i1 to i32
    %sign3A_30 = arith.constant 0 : i32
    %sign3A_31 = arith.cmpi slt, %mul3A_27, %sign3A_30 : i32
    %sign3A_32 = arith.extui %sign3A_31 : i1 to i32
    %sign3A_33 = arith.subi %sign3A_29, %sign3A_32 : i32
    %sign3A_34 = arith.constant 0 : i32
    %sign3A_35 = arith.cmpi sgt, %jit3A, %sign3A_34 : i32
    %sign3A_36 = arith.extui %sign3A_35 : i1 to i32
    %sign3A_37 = arith.constant 0 : i32
    %sign3A_38 = arith.cmpi slt, %jit3A, %sign3A_37 : i32
    %sign3A_39 = arith.extui %sign3A_38 : i1 to i32
    %sign3A_40 = arith.subi %sign3A_36, %sign3A_39 : i32
    %ne3A = arith.cmpi ne, %sign3A_33, %sign3A_40 : i32
    %rem3A = arith.remsi %mul3A_27, %jit3A : i32
    %ne3A_41 = arith.constant 0 : i32
    %ne3A_42 = arith.cmpi ne, %rem3A, %ne3A_41 : i32
    %and3A = arith.andi %ne3A, %ne3A_42 : i1
    %sub3A = arith.constant 1 : i32
    %sub3A_43 = arith.subi %div3A, %sub3A : i32
    %select_n3A = arith.select %and3A, %sub3A_43, %div3A : i32
    %jit3A_44 = arith.constant 1024 : i32
    %eq3A = arith.constant 0 : i32
    %eq3A_45 = arith.cmpi eq, %jit3A_44, %eq3A : i32
    %jit3A_46 = arith.constant 1 : i32
    %select_n3A_47 = arith.select %eq3A_45, %jit3A_46, %jit3A_44 : i32
    %rem3A_48 = arith.remsi %mul3A_27, %select_n3A_47 : i32
    %ne3A_49 = arith.constant 0 : i32
    %ne3A_50 = arith.cmpi ne, %rem3A_48, %ne3A_49 : i32
    %lt3A = arith.constant 0 : i32
    %lt3A_51 = arith.cmpi slt, %rem3A_48, %lt3A : i32
    %lt3A_52 = arith.constant 0 : i32
    %lt3A_53 = arith.cmpi slt, %select_n3A_47, %lt3A_52 : i32
    %ne3A_54 = arith.xori %lt3A_51, %lt3A_53 : i1
    %and3A_55 = arith.andi %ne3A_54, %ne3A_50 : i1
    %add3A_56 = arith.addi %rem3A_48, %select_n3A_47 : i32
    %select_n3A_57 = arith.select %and3A_55, %add3A_56, %rem3A_48 : i32
    %mul3A_58 = arith.constant 4096 : i32
    %mul3A_59 = arith.muli %select_n3A, %mul3A_58 : i32
    %add3A_60 = arith.constant 0 : i32
    %add3A_61 = arith.addi %mul3A_59, %add3A_60 : i32
    %add3A_62 = arith.addi %add3A_61, %select_n3A_57 : i32
    %mul3A_63 = arith.constant 512 : i32
    %mul3A_64 = arith.muli %add3A_62, %mul3A_63 : i32
    %multiple_of3A_65 = tpu.assume_multiple %mul3A_64, 8192 : i32
    %dma_wait3A = arith.constant 0 : i32
    %dma_wait3A_66 = tpu.memref_slice %arg9[%dma_wait3A] : memref<32768xf32, #tpu.memory_space<vmem>> -> memref<8192xf32, #tpu.memory_space<vmem>>
    %dma_wait3A_67 = tpu.memref_slice %arg5[%multiple_of3A_65] : memref<4194304xf32, #tpu.memory_space<hbm>> -> memref<8192xf32, #tpu.memory_space<hbm>>
    %dma_wait3A_68 = tpu.memref_slice %arg5[%multiple_of3A_65] : memref<4194304xf32, #tpu.memory_space<hbm>> -> memref<8192xf32, #tpu.memory_space<hbm>>
    %dma_wait3A_69 = arith.constant 0 : i32
    %dma_wait3A_70 = tpu.memref_slice %arg9[%dma_wait3A_69] : memref<32768xf32, #tpu.memory_space<vmem>> -> memref<8192xf32, #tpu.memory_space<vmem>>
    tpu.wait_dma2 semaphore(%arg11 : memref<!tpu.dma_semaphore, #tpu.memory_space<semaphore_mem>>) src(%dma_wait3A_70 : memref<8192xf32, #tpu.memory_space<vmem>>) dst(%dma_wait3A_68 : memref<8192xf32, #tpu.memory_space<hbm>>)
    %mul3A_71 = arith.constant 4096 : i32
    %mul3A_72 = arith.muli %select_n3A, %mul3A_71 : i32
    %add3A_73 = arith.constant 1024 : i32
    %add3A_74 = arith.addi %mul3A_72, %add3A_73 : i32
    %add3A_75 = arith.addi %add3A_74, %select_n3A_57 : i32
    %mul3A_76 = arith.constant 512 : i32
    %mul3A_77 = arith.muli %add3A_75, %mul3A_76 : i32
    %multiple_of3A_78 = tpu.assume_multiple %mul3A_77, 8192 : i32
    %dma_wait3A_79 = arith.constant 8192 : i32
    %dma_wait3A_80 = tpu.memref_slice %arg9[%dma_wait3A_79] : memref<32768xf32, #tpu.memory_space<vmem>> -> memref<8192xf32, #tpu.memory_space<vmem>>
    %dma_wait3A_81 = tpu.memref_slice %arg5[%multiple_of3A_78] : memref<4194304xf32, #tpu.memory_space<hbm>> -> memref<8192xf32, #tpu.memory_space<hbm>>
    %dma_wait3A_82 = tpu.memref_slice %arg5[%multiple_of3A_78] : memref<4194304xf32, #tpu.memory_space<hbm>> -> memref<8192xf32, #tpu.memory_space<hbm>>
    %dma_wait3A_83 = arith.constant 8192 : i32
    %dma_wait3A_84 = tpu.memref_slice %arg9[%dma_wait3A_83] : memref<32768xf32, #tpu.memory_space<vmem>> -> memref<8192xf32, #tpu.memory_space<vmem>>
    tpu.wait_dma2 semaphore(%arg11 : memref<!tpu.dma_semaphore, #tpu.memory_space<semaphore_mem>>) src(%dma_wait3A_84 : memref<8192xf32, #tpu.memory_space<vmem>>) dst(%dma_wait3A_82 : memref<8192xf32, #tpu.memory_space<hbm>>)
    %mul3A_85 = arith.constant 4096 : i32
    %mul3A_86 = arith.muli %select_n3A, %mul3A_85 : i32
    %add3A_87 = arith.constant 2048 : i32
    %add3A_88 = arith.addi %mul3A_86, %add3A_87 : i32
    %add3A_89 = arith.addi %add3A_88, %select_n3A_57 : i32
    %mul3A_90 = arith.constant 512 : i32
    %mul3A_91 = arith.muli %add3A_89, %mul3A_90 : i32
    %multiple_of3A_92 = tpu.assume_multiple %mul3A_91, 8192 : i32
    %dma_wait3A_93 = arith.constant 16384 : i32
    %dma_wait3A_94 = tpu.memref_slice %arg9[%dma_wait3A_93] : memref<32768xf32, #tpu.memory_space<vmem>> -> memref<8192xf32, #tpu.memory_space<vmem>>
    %dma_wait3A_95 = tpu.memref_slice %arg5[%multiple_of3A_92] : memref<4194304xf32, #tpu.memory_space<hbm>> -> memref<8192xf32, #tpu.memory_space<hbm>>
    %dma_wait3A_96 = tpu.memref_slice %arg5[%multiple_of3A_92] : memref<4194304xf32, #tpu.memory_space<hbm>> -> memref<8192xf32, #tpu.memory_space<hbm>>
    %dma_wait3A_97 = arith.constant 16384 : i32
    %dma_wait3A_98 = tpu.memref_slice %arg9[%dma_wait3A_97] : memref<32768xf32, #tpu.memory_space<vmem>> -> memref<8192xf32, #tpu.memory_space<vmem>>
    tpu.wait_dma2 semaphore(%arg11 : memref<!tpu.dma_semaphore, #tpu.memory_space<semaphore_mem>>) src(%dma_wait3A_98 : memref<8192xf32, #tpu.memory_space<vmem>>) dst(%dma_wait3A_96 : memref<8192xf32, #tpu.memory_space<hbm>>)
    %mul3A_99 = arith.constant 4096 : i32
    %mul3A_100 = arith.muli %select_n3A, %mul3A_99 : i32
    %add3A_101 = arith.constant 3072 : i32
    %add3A_102 = arith.addi %mul3A_100, %add3A_101 : i32
    %add3A_103 = arith.addi %add3A_102, %select_n3A_57 : i32
    %mul3A_104 = arith.constant 512 : i32
    %mul3A_105 = arith.muli %add3A_103, %mul3A_104 : i32
    %multiple_of3A_106 = tpu.assume_multiple %mul3A_105, 8192 : i32
    %dma_wait3A_107 = arith.constant 24576 : i32
    %dma_wait3A_108 = tpu.memref_slice %arg9[%dma_wait3A_107] : memref<32768xf32, #tpu.memory_space<vmem>> -> memref<8192xf32, #tpu.memory_space<vmem>>
    %dma_wait3A_109 = tpu.memref_slice %arg5[%multiple_of3A_106] : memref<4194304xf32, #tpu.memory_space<hbm>> -> memref<8192xf32, #tpu.memory_space<hbm>>
    %dma_wait3A_110 = tpu.memref_slice %arg5[%multiple_of3A_106] : memref<4194304xf32, #tpu.memory_space<hbm>> -> memref<8192xf32, #tpu.memory_space<hbm>>
    %dma_wait3A_111 = arith.constant 24576 : i32
    %dma_wait3A_112 = tpu.memref_slice %arg9[%dma_wait3A_111] : memref<32768xf32, #tpu.memory_space<vmem>> -> memref<8192xf32, #tpu.memory_space<vmem>>
    tpu.wait_dma2 semaphore(%arg11 : memref<!tpu.dma_semaphore, #tpu.memory_space<semaphore_mem>>) src(%dma_wait3A_112 : memref<8192xf32, #tpu.memory_space<vmem>>) dst(%dma_wait3A_110 : memref<8192xf32, #tpu.memory_space<hbm>>)
    return
  }
}

#map = affine_map<(d0, d1) -> (0, 0)>
#map1 = affine_map<(d0, d1) -> (0)>
module attributes {stable_mosaic.version = 14 : i64} {
  func.func @_sc_agg_body(%arg0: i32, %arg1: i32, %arg2: memref<4096x512xf32, #tpu.memory_space<hbm>>, %arg3: memref<32768xi32, #tpu.memory_space<hbm>>, %arg4: memref<524288xi32, #tpu.memory_space<hbm>>, %arg5: memref<4194304xf32, #tpu.memory_space<hbm>>, %arg6: memref<1024xi32, #tpu.memory_space<vmem>>, %arg7: memref<16384xi32, #tpu.memory_space<vmem>>, %arg8: memref<2x32x512xf32, #tpu.memory_space<vmem>>, %arg9: memref<32768xf32, #tpu.memory_space<vmem>>, %arg10: memref<!tpu.dma_semaphore, #tpu.memory_space<semaphore_mem>>, %arg11: memref<!tpu.dma_semaphore, #tpu.memory_space<semaphore_mem>>) attributes {dimension_semantics = [#tpu.dimension_semantics<core_parallel>, #tpu.dimension_semantics<subcore_parallel>], iteration_bounds = array<i64: 2, 16>, scalar_prefetch = 0 : i64, scratch_operands = 6 : i64, tpu.core_type = #tpu.core_type<sc_vector_subcore>, window_params = [{transform_indices = #map}, {transform_indices = #map1}, {transform_indices = #map1}, {transform_indices = #map1}]} {
    %mul3A = arith.constant 2 : i32
    %mul3A_0 = arith.muli %arg1, %mul3A : i32
    %add3A = arith.addi %mul3A_0, %arg0 : i32
    %mul3A_1 = arith.constant 1024 : i32
    %mul3A_2 = arith.muli %add3A, %mul3A_1 : i32
    %multiple_of3A = tpu.assume_multiple %mul3A_2, 1024 : i32
    "tpu.region"() ({
      %run_scoped3A = tpu.sem_alloc : memref<!tpu.dma_semaphore, #tpu.memory_space<semaphore_mem>>
      %dma_start3A_113 = tpu.memref_slice %arg3[%multiple_of3A] : memref<32768xi32, #tpu.memory_space<hbm>> -> memref<1024xi32, #tpu.memory_space<hbm>>
      %dma_start3A_114 = tpu.memref_slice %arg3[%multiple_of3A] : memref<32768xi32, #tpu.memory_space<hbm>> -> memref<1024xi32, #tpu.memory_space<hbm>>
      tpu.enqueue_dma source(%dma_start3A_114 : memref<1024xi32, #tpu.memory_space<hbm>>) target(%arg6 : memref<1024xi32, #tpu.memory_space<vmem>>) target_semaphore(%run_scoped3A : memref<!tpu.dma_semaphore, #tpu.memory_space<semaphore_mem>>)
      %dma_wait3A_115 = tpu.memref_slice %arg3[%multiple_of3A] : memref<32768xi32, #tpu.memory_space<hbm>> -> memref<1024xi32, #tpu.memory_space<hbm>>
      %dma_wait3A_116 = tpu.memref_slice %arg3[%multiple_of3A] : memref<32768xi32, #tpu.memory_space<hbm>> -> memref<1024xi32, #tpu.memory_space<hbm>>
      tpu.wait_dma2 semaphore(%run_scoped3A : memref<!tpu.dma_semaphore, #tpu.memory_space<semaphore_mem>>) src(%dma_wait3A_116 : memref<1024xi32, #tpu.memory_space<hbm>>) dst(%arg6 : memref<1024xi32, #tpu.memory_space<vmem>>)
      tpu.yield
    }) : () -> ()
    %mul3A_3 = arith.constant 1024 : i32
    %mul3A_4 = arith.muli %add3A, %mul3A_3 : i32
    %mul3A_5 = arith.constant 16 : i32
    %mul3A_6 = arith.muli %mul3A_4, %mul3A_5 : i32
    %multiple_of3A_7 = tpu.assume_multiple %mul3A_6, 16384 : i32
    "tpu.region"() ({
      %run_scoped3A = tpu.sem_alloc : memref<!tpu.dma_semaphore, #tpu.memory_space<semaphore_mem>>
      %dma_start3A_113 = tpu.memref_slice %arg4[%multiple_of3A_7] : memref<524288xi32, #tpu.memory_space<hbm>> -> memref<16384xi32, #tpu.memory_space<hbm>>
      %dma_start3A_114 = tpu.memref_slice %arg4[%multiple_of3A_7] : memref<524288xi32, #tpu.memory_space<hbm>> -> memref<16384xi32, #tpu.memory_space<hbm>>
      tpu.enqueue_dma source(%dma_start3A_114 : memref<16384xi32, #tpu.memory_space<hbm>>) target(%arg7 : memref<16384xi32, #tpu.memory_space<vmem>>) target_semaphore(%run_scoped3A : memref<!tpu.dma_semaphore, #tpu.memory_space<semaphore_mem>>)
      %dma_wait3A_115 = tpu.memref_slice %arg4[%multiple_of3A_7] : memref<524288xi32, #tpu.memory_space<hbm>> -> memref<16384xi32, #tpu.memory_space<hbm>>
      %dma_wait3A_116 = tpu.memref_slice %arg4[%multiple_of3A_7] : memref<524288xi32, #tpu.memory_space<hbm>> -> memref<16384xi32, #tpu.memory_space<hbm>>
      tpu.wait_dma2 semaphore(%run_scoped3A : memref<!tpu.dma_semaphore, #tpu.memory_space<semaphore_mem>>) src(%dma_wait3A_116 : memref<16384xi32, #tpu.memory_space<hbm>>) dst(%arg7 : memref<16384xi32, #tpu.memory_space<vmem>>)
      tpu.yield
    }) : () -> ()
    %dma_start3A = arith.constant 0 : i32
    %dma_start3A_8 = arith.constant 0 : i32
    %dma_start3A_9 = arith.constant 0 : i32
    %dma_start3A_10 = tpu.memref_slice %arg8[%dma_start3A, %dma_start3A_8, %dma_start3A_9] : memref<2x32x512xf32, #tpu.memory_space<vmem>> -> memref<1x32x512xf32, #tpu.memory_space<vmem>>
    %dma_start3A_11 = tpu.memref_squeeze %dma_start3A_10 : memref<1x32x512xf32, #tpu.memory_space<vmem>> -> memref<32x512xf32, #tpu.memory_space<vmem>>
    %dma_start3A_12 = arith.constant 0 : i32
    %dma_start3A_13 = tpu.memref_slice %arg6[%dma_start3A_12] : memref<1024xi32, #tpu.memory_space<vmem>> -> memref<32xi32, #tpu.memory_space<vmem>>
    %dma_start3A_14 = arith.constant 0 : i32
    %dma_start3A_15 = arith.constant 0 : i32
    %dma_start3A_16 = tpu.memref_slice %arg2[%dma_start3A_14, %dma_start3A_15] : memref<4096x512xf32, #tpu.memory_space<hbm>> -> memref<4096x512xf32, #tpu.memory_space<hbm>>
    tpu.enqueue_indirect_dma source(%dma_start3A_16 : memref<4096x512xf32, #tpu.memory_space<hbm>>) target(%dma_start3A_11 : memref<32x512xf32, #tpu.memory_space<vmem>>) offsets(%dma_start3A_13 : memref<32xi32, #tpu.memory_space<vmem>>) semaphore(%arg10 : memref<!tpu.dma_semaphore, #tpu.memory_space<semaphore_mem>>)
    %scan3A = arith.constant 0 : i32
    %scan3A_17 = arith.constant 0 : i32
    %scan3A_18 = arith.constant 32 : i32
    %scan3A_19 = arith.addi %scan3A_17, %scan3A_18 : i32
    %scan3A_20 = arith.constant 1 : i32
    scf.for %scan3A_113 = %scan3A_17 to %scan3A_19 step %scan3A_20  : i32 {
      %jit3A_114 = arith.constant 2 : i32
      %eq3A_115 = arith.constant 0 : i32
      %eq3A_116 = arith.cmpi eq, %jit3A_114, %eq3A_115 : i32
      %jit3A_117 = arith.constant 1 : i32
      %select_n3A_118 = arith.select %eq3A_116, %jit3A_117, %jit3A_114 : i32
      %rem3A_119 = arith.remsi %scan3A_113, %select_n3A_118 : i32
      %ne3A_120 = arith.constant 0 : i32
      %ne3A_121 = arith.cmpi ne, %rem3A_119, %ne3A_120 : i32
      %lt3A_122 = arith.constant 0 : i32
      %lt3A_123 = arith.cmpi slt, %rem3A_119, %lt3A_122 : i32
      %lt3A_124 = arith.constant 0 : i32
      %lt3A_125 = arith.cmpi slt, %select_n3A_118, %lt3A_124 : i32
      %ne3A_126 = arith.xori %lt3A_123, %lt3A_125 : i1
      %and3A_127 = arith.andi %ne3A_126, %ne3A_121 : i1
      %add3A_128 = arith.addi %rem3A_119, %select_n3A_118 : i32
      %select_n3A_129 = arith.select %and3A_127, %add3A_128, %rem3A_119 : i32
      %add3A_130 = arith.constant 1 : i32
      %add3A_131 = arith.addi %scan3A_113, %add3A_130 : i32
      %lt3A_132 = arith.constant 32 : i32
      %lt3A_133 = arith.cmpi slt, %add3A_131, %lt3A_132 : i32
      %convert_element_type3A = arith.extui %lt3A_133 : i1 to i32
      %cond3A = arith.constant 0 : i32
      %cond3A_134 = arith.cmpi ne, %convert_element_type3A, %cond3A : i32
      scf.if %cond3A_134 {
        %add3A_212 = arith.constant 1 : i32
        %add3A_213 = arith.addi %scan3A_113, %add3A_212 : i32
        %mul3A_214 = arith.constant 32 : i32
        %mul3A_215 = arith.muli %add3A_213, %mul3A_214 : i32
        %sub3A_216 = arith.constant 1 : i32
        %sub3A_217 = arith.subi %sub3A_216, %select_n3A_129 : i32
        %dma_start3A_218 = arith.constant 0 : i32
        %dma_start3A_219 = arith.constant 0 : i32
        %dma_start3A_220 = tpu.memref_slice %arg8[%sub3A_217, %dma_start3A_218, %dma_start3A_219] : memref<2x32x512xf32, #tpu.memory_space<vmem>> -> memref<1x32x512xf32, #tpu.memory_space<vmem>>
        %dma_start3A_221 = tpu.memref_squeeze %dma_start3A_220 : memref<1x32x512xf32, #tpu.memory_space<vmem>> -> memref<32x512xf32, #tpu.memory_space<vmem>>
        %dma_start3A_222 = tpu.memref_slice %arg6[%mul3A_215] : memref<1024xi32, #tpu.memory_space<vmem>> -> memref<32xi32, #tpu.memory_space<vmem>>
        %dma_start3A_223 = arith.constant 0 : i32
        %dma_start3A_224 = arith.constant 0 : i32
        %dma_start3A_225 = tpu.memref_slice %arg2[%dma_start3A_223, %dma_start3A_224] : memref<4096x512xf32, #tpu.memory_space<hbm>> -> memref<4096x512xf32, #tpu.memory_space<hbm>>
        tpu.enqueue_indirect_dma source(%dma_start3A_225 : memref<4096x512xf32, #tpu.memory_space<hbm>>) target(%dma_start3A_221 : memref<32x512xf32, #tpu.memory_space<vmem>>) offsets(%dma_start3A_222 : memref<32xi32, #tpu.memory_space<vmem>>) semaphore(%arg10 : memref<!tpu.dma_semaphore, #tpu.memory_space<semaphore_mem>>)
      } else {
      }
      %jit3A_135 = arith.constant 8 : i32
      %eq3A_136 = arith.constant 0 : i32
      %eq3A_137 = arith.cmpi eq, %jit3A_135, %eq3A_136 : i32
      %jit3A_138 = arith.constant 1 : i32
      %select_n3A_139 = arith.select %eq3A_137, %jit3A_138, %jit3A_135 : i32
      %rem3A_140 = arith.remsi %scan3A_113, %select_n3A_139 : i32
      %ne3A_141 = arith.constant 0 : i32
      %ne3A_142 = arith.cmpi ne, %rem3A_140, %ne3A_141 : i32
      %lt3A_143 = arith.constant 0 : i32
      %lt3A_144 = arith.cmpi slt, %rem3A_140, %lt3A_143 : i32
      %lt3A_145 = arith.constant 0 : i32
      %lt3A_146 = arith.cmpi slt, %select_n3A_139, %lt3A_145 : i32
      %ne3A_147 = arith.xori %lt3A_144, %lt3A_146 : i1
      %and3A_148 = arith.andi %ne3A_147, %ne3A_142 : i1
      %add3A_149 = arith.addi %rem3A_140, %select_n3A_139 : i32
      %select_n3A_150 = arith.select %and3A_148, %add3A_149, %rem3A_140 : i32
      %eq3A_151 = arith.constant 0 : i32
      %eq3A_152 = arith.cmpi eq, %select_n3A_150, %eq3A_151 : i32
      %gt3A = arith.constant 0 : i32
      %gt3A_153 = arith.cmpi sgt, %scan3A_113, %gt3A : i32
      %and3A_154 = arith.andi %eq3A_152, %gt3A_153 : i1
      %convert_element_type3A_155 = arith.extui %and3A_154 : i1 to i32
      %cond3A_156 = arith.constant 0 : i32
      %cond3A_157 = arith.cmpi ne, %convert_element_type3A_155, %cond3A_156 : i32
      scf.if %cond3A_157 {
        %jit3A_212 = arith.constant 8 : i32
        %div3A_213 = arith.divsi %scan3A_113, %jit3A_212 : i32
        %sign3A_214 = arith.constant 0 : i32
        %sign3A_215 = arith.cmpi sgt, %scan3A_113, %sign3A_214 : i32
        %sign3A_216 = arith.extui %sign3A_215 : i1 to i32
        %sign3A_217 = arith.constant 0 : i32
        %sign3A_218 = arith.cmpi slt, %scan3A_113, %sign3A_217 : i32
        %sign3A_219 = arith.extui %sign3A_218 : i1 to i32
        %sign3A_220 = arith.subi %sign3A_216, %sign3A_219 : i32
        %sign3A_221 = arith.constant 0 : i32
        %sign3A_222 = arith.cmpi sgt, %jit3A_212, %sign3A_221 : i32
        %sign3A_223 = arith.extui %sign3A_222 : i1 to i32
        %sign3A_224 = arith.constant 0 : i32
        %sign3A_225 = arith.cmpi slt, %jit3A_212, %sign3A_224 : i32
        %sign3A_226 = arith.extui %sign3A_225 : i1 to i32
        %sign3A_227 = arith.subi %sign3A_223, %sign3A_226 : i32
        %ne3A_228 = arith.cmpi ne, %sign3A_220, %sign3A_227 : i32
        %rem3A_229 = arith.remsi %scan3A_113, %jit3A_212 : i32
        %ne3A_230 = arith.constant 0 : i32
        %ne3A_231 = arith.cmpi ne, %rem3A_229, %ne3A_230 : i32
        %and3A_232 = arith.andi %ne3A_228, %ne3A_231 : i1
        %sub3A_233 = arith.constant 1 : i32
        %sub3A_234 = arith.subi %div3A_213, %sub3A_233 : i32
        %select_n3A_235 = arith.select %and3A_232, %sub3A_234, %div3A_213 : i32
        %sub3A_236 = arith.constant 1 : i32
        %sub3A_237 = arith.subi %select_n3A_235, %sub3A_236 : i32
        %mul3A_238 = arith.constant 4 : i32
        %mul3A_239 = arith.muli %add3A, %mul3A_238 : i32
        %add3A_240 = arith.addi %mul3A_239, %sub3A_237 : i32
        %mul3A_241 = arith.constant 16 : i32
        %mul3A_242 = arith.muli %add3A_240, %mul3A_241 : i32
        %jit3A_243 = arith.constant 1024 : i32
        %div3A_244 = arith.divsi %mul3A_242, %jit3A_243 : i32
        %sign3A_245 = arith.constant 0 : i32
        %sign3A_246 = arith.cmpi sgt, %mul3A_242, %sign3A_245 : i32
        %sign3A_247 = arith.extui %sign3A_246 : i1 to i32
        %sign3A_248 = arith.constant 0 : i32
        %sign3A_249 = arith.cmpi slt, %mul3A_242, %sign3A_248 : i32
        %sign3A_250 = arith.extui %sign3A_249 : i1 to i32
        %sign3A_251 = arith.subi %sign3A_247, %sign3A_250 : i32
        %sign3A_252 = arith.constant 0 : i32
        %sign3A_253 = arith.cmpi sgt, %jit3A_243, %sign3A_252 : i32
        %sign3A_254 = arith.extui %sign3A_253 : i1 to i32
        %sign3A_255 = arith.constant 0 : i32
        %sign3A_256 = arith.cmpi slt, %jit3A_243, %sign3A_255 : i32
        %sign3A_257 = arith.extui %sign3A_256 : i1 to i32
        %sign3A_258 = arith.subi %sign3A_254, %sign3A_257 : i32
        %ne3A_259 = arith.cmpi ne, %sign3A_251, %sign3A_258 : i32
        %rem3A_260 = arith.remsi %mul3A_242, %jit3A_243 : i32
        %ne3A_261 = arith.constant 0 : i32
        %ne3A_262 = arith.cmpi ne, %rem3A_260, %ne3A_261 : i32
        %and3A_263 = arith.andi %ne3A_259, %ne3A_262 : i1
        %sub3A_264 = arith.constant 1 : i32
        %sub3A_265 = arith.subi %div3A_244, %sub3A_264 : i32
        %select_n3A_266 = arith.select %and3A_263, %sub3A_265, %div3A_244 : i32
        %jit3A_267 = arith.constant 1024 : i32
        %eq3A_268 = arith.constant 0 : i32
        %eq3A_269 = arith.cmpi eq, %jit3A_267, %eq3A_268 : i32
        %jit3A_270 = arith.constant 1 : i32
        %select_n3A_271 = arith.select %eq3A_269, %jit3A_270, %jit3A_267 : i32
        %rem3A_272 = arith.remsi %mul3A_242, %select_n3A_271 : i32
        %ne3A_273 = arith.constant 0 : i32
        %ne3A_274 = arith.cmpi ne, %rem3A_272, %ne3A_273 : i32
        %lt3A_275 = arith.constant 0 : i32
        %lt3A_276 = arith.cmpi slt, %rem3A_272, %lt3A_275 : i32
        %lt3A_277 = arith.constant 0 : i32
        %lt3A_278 = arith.cmpi slt, %select_n3A_271, %lt3A_277 : i32
        %ne3A_279 = arith.xori %lt3A_276, %lt3A_278 : i1
        %and3A_280 = arith.andi %ne3A_279, %ne3A_274 : i1
        %add3A_281 = arith.addi %rem3A_272, %select_n3A_271 : i32
        %select_n3A_282 = arith.select %and3A_280, %add3A_281, %rem3A_272 : i32
        %mul3A_283 = arith.constant 4096 : i32
        %mul3A_284 = arith.muli %select_n3A_266, %mul3A_283 : i32
        %add3A_285 = arith.constant 0 : i32
        %add3A_286 = arith.addi %mul3A_284, %add3A_285 : i32
        %add3A_287 = arith.addi %add3A_286, %select_n3A_282 : i32
        %mul3A_288 = arith.constant 512 : i32
        %mul3A_289 = arith.muli %add3A_287, %mul3A_288 : i32
        %multiple_of3A_290 = tpu.assume_multiple %mul3A_289, 8192 : i32
        %dma_wait3A_291 = arith.constant 0 : i32
        %dma_wait3A_292 = tpu.memref_slice %arg9[%dma_wait3A_291] : memref<32768xf32, #tpu.memory_space<vmem>> -> memref<8192xf32, #tpu.memory_space<vmem>>
        %dma_wait3A_293 = tpu.memref_slice %arg5[%multiple_of3A_290] : memref<4194304xf32, #tpu.memory_space<hbm>> -> memref<8192xf32, #tpu.memory_space<hbm>>
        %dma_wait3A_294 = tpu.memref_slice %arg5[%multiple_of3A_290] : memref<4194304xf32, #tpu.memory_space<hbm>> -> memref<8192xf32, #tpu.memory_space<hbm>>
        %dma_wait3A_295 = arith.constant 0 : i32
        %dma_wait3A_296 = tpu.memref_slice %arg9[%dma_wait3A_295] : memref<32768xf32, #tpu.memory_space<vmem>> -> memref<8192xf32, #tpu.memory_space<vmem>>
        tpu.wait_dma2 semaphore(%arg11 : memref<!tpu.dma_semaphore, #tpu.memory_space<semaphore_mem>>) src(%dma_wait3A_296 : memref<8192xf32, #tpu.memory_space<vmem>>) dst(%dma_wait3A_294 : memref<8192xf32, #tpu.memory_space<hbm>>)
        %mul3A_297 = arith.constant 4096 : i32
        %mul3A_298 = arith.muli %select_n3A_266, %mul3A_297 : i32
        %add3A_299 = arith.constant 1024 : i32
        %add3A_300 = arith.addi %mul3A_298, %add3A_299 : i32
        %add3A_301 = arith.addi %add3A_300, %select_n3A_282 : i32
        %mul3A_302 = arith.constant 512 : i32
        %mul3A_303 = arith.muli %add3A_301, %mul3A_302 : i32
        %multiple_of3A_304 = tpu.assume_multiple %mul3A_303, 8192 : i32
        %dma_wait3A_305 = arith.constant 8192 : i32
        %dma_wait3A_306 = tpu.memref_slice %arg9[%dma_wait3A_305] : memref<32768xf32, #tpu.memory_space<vmem>> -> memref<8192xf32, #tpu.memory_space<vmem>>
        %dma_wait3A_307 = tpu.memref_slice %arg5[%multiple_of3A_304] : memref<4194304xf32, #tpu.memory_space<hbm>> -> memref<8192xf32, #tpu.memory_space<hbm>>
        %dma_wait3A_308 = tpu.memref_slice %arg5[%multiple_of3A_304] : memref<4194304xf32, #tpu.memory_space<hbm>> -> memref<8192xf32, #tpu.memory_space<hbm>>
        %dma_wait3A_309 = arith.constant 8192 : i32
        %dma_wait3A_310 = tpu.memref_slice %arg9[%dma_wait3A_309] : memref<32768xf32, #tpu.memory_space<vmem>> -> memref<8192xf32, #tpu.memory_space<vmem>>
        tpu.wait_dma2 semaphore(%arg11 : memref<!tpu.dma_semaphore, #tpu.memory_space<semaphore_mem>>) src(%dma_wait3A_310 : memref<8192xf32, #tpu.memory_space<vmem>>) dst(%dma_wait3A_308 : memref<8192xf32, #tpu.memory_space<hbm>>)
        %mul3A_311 = arith.constant 4096 : i32
        %mul3A_312 = arith.muli %select_n3A_266, %mul3A_311 : i32
        %add3A_313 = arith.constant 2048 : i32
        %add3A_314 = arith.addi %mul3A_312, %add3A_313 : i32
        %add3A_315 = arith.addi %add3A_314, %select_n3A_282 : i32
        %mul3A_316 = arith.constant 512 : i32
        %mul3A_317 = arith.muli %add3A_315, %mul3A_316 : i32
        %multiple_of3A_318 = tpu.assume_multiple %mul3A_317, 8192 : i32
        %dma_wait3A_319 = arith.constant 16384 : i32
        %dma_wait3A_320 = tpu.memref_slice %arg9[%dma_wait3A_319] : memref<32768xf32, #tpu.memory_space<vmem>> -> memref<8192xf32, #tpu.memory_space<vmem>>
        %dma_wait3A_321 = tpu.memref_slice %arg5[%multiple_of3A_318] : memref<4194304xf32, #tpu.memory_space<hbm>> -> memref<8192xf32, #tpu.memory_space<hbm>>
        %dma_wait3A_322 = tpu.memref_slice %arg5[%multiple_of3A_318] : memref<4194304xf32, #tpu.memory_space<hbm>> -> memref<8192xf32, #tpu.memory_space<hbm>>
        %dma_wait3A_323 = arith.constant 16384 : i32
        %dma_wait3A_324 = tpu.memref_slice %arg9[%dma_wait3A_323] : memref<32768xf32, #tpu.memory_space<vmem>> -> memref<8192xf32, #tpu.memory_space<vmem>>
        tpu.wait_dma2 semaphore(%arg11 : memref<!tpu.dma_semaphore, #tpu.memory_space<semaphore_mem>>) src(%dma_wait3A_324 : memref<8192xf32, #tpu.memory_space<vmem>>) dst(%dma_wait3A_322 : memref<8192xf32, #tpu.memory_space<hbm>>)
        %mul3A_325 = arith.constant 4096 : i32
        %mul3A_326 = arith.muli %select_n3A_266, %mul3A_325 : i32
        %add3A_327 = arith.constant 3072 : i32
        %add3A_328 = arith.addi %mul3A_326, %add3A_327 : i32
        %add3A_329 = arith.addi %add3A_328, %select_n3A_282 : i32
        %mul3A_330 = arith.constant 512 : i32
        %mul3A_331 = arith.muli %add3A_329, %mul3A_330 : i32
        %multiple_of3A_332 = tpu.assume_multiple %mul3A_331, 8192 : i32
        %dma_wait3A_333 = arith.constant 24576 : i32
        %dma_wait3A_334 = tpu.memref_slice %arg9[%dma_wait3A_333] : memref<32768xf32, #tpu.memory_space<vmem>> -> memref<8192xf32, #tpu.memory_space<vmem>>
        %dma_wait3A_335 = tpu.memref_slice %arg5[%multiple_of3A_332] : memref<4194304xf32, #tpu.memory_space<hbm>> -> memref<8192xf32, #tpu.memory_space<hbm>>
        %dma_wait3A_336 = tpu.memref_slice %arg5[%multiple_of3A_332] : memref<4194304xf32, #tpu.memory_space<hbm>> -> memref<8192xf32, #tpu.memory_space<hbm>>
        %dma_wait3A_337 = arith.constant 24576 : i32
        %dma_wait3A_338 = tpu.memref_slice %arg9[%dma_wait3A_337] : memref<32768xf32, #tpu.memory_space<vmem>> -> memref<8192xf32, #tpu.memory_space<vmem>>
        tpu.wait_dma2 semaphore(%arg11 : memref<!tpu.dma_semaphore, #tpu.memory_space<semaphore_mem>>) src(%dma_wait3A_338 : memref<8192xf32, #tpu.memory_space<vmem>>) dst(%dma_wait3A_336 : memref<8192xf32, #tpu.memory_space<hbm>>)
      } else {
      }
      %jit3A_158 = arith.constant 8 : i32
      %eq3A_159 = arith.constant 0 : i32
      %eq3A_160 = arith.cmpi eq, %jit3A_158, %eq3A_159 : i32
      %jit3A_161 = arith.constant 1 : i32
      %select_n3A_162 = arith.select %eq3A_160, %jit3A_161, %jit3A_158 : i32
      %rem3A_163 = arith.remsi %scan3A_113, %select_n3A_162 : i32
      %ne3A_164 = arith.constant 0 : i32
      %ne3A_165 = arith.cmpi ne, %rem3A_163, %ne3A_164 : i32
      %lt3A_166 = arith.constant 0 : i32
      %lt3A_167 = arith.cmpi slt, %rem3A_163, %lt3A_166 : i32
      %lt3A_168 = arith.constant 0 : i32
      %lt3A_169 = arith.cmpi slt, %select_n3A_162, %lt3A_168 : i32
      %ne3A_170 = arith.xori %lt3A_167, %lt3A_169 : i1
      %and3A_171 = arith.andi %ne3A_170, %ne3A_165 : i1
      %add3A_172 = arith.addi %rem3A_163, %select_n3A_162 : i32
      %select_n3A_173 = arith.select %and3A_171, %add3A_172, %rem3A_163 : i32
      %eq3A_174 = arith.constant 0 : i32
      %eq3A_175 = arith.cmpi eq, %select_n3A_173, %eq3A_174 : i32
      %convert_element_type3A_176 = arith.extui %eq3A_175 : i1 to i32
      %cond3A_177 = arith.constant 0 : i32
      %cond3A_178 = arith.cmpi ne, %convert_element_type3A_176, %cond3A_177 : i32
      scf.if %cond3A_178 {
        %parallel_loop3A_212 = arith.constant 0 : i32
        %parallel_loop3A_213 = arith.constant 64 : i32
        %parallel_loop3A_214 = arith.constant 1 : i32
        scf.for %parallel_loop3A_215 = %parallel_loop3A_212 to %parallel_loop3A_213 step %parallel_loop3A_214  : i32 {
          %parallel_loop3A_216 = arith.constant 0.000000e+00 : f32
          %parallel_loop3A_217 = vector.broadcast %parallel_loop3A_216 : f32 to vector<16xf32>
          %parallel_loop3A_218 = arith.constant 512 : i32
          %parallel_loop3A_219 = arith.muli %parallel_loop3A_215, %parallel_loop3A_218 : i32
          %parallel_loop3A_220 = arith.constant 0 : i32
          %parallel_loop3A_221 = arith.addi %parallel_loop3A_219, %parallel_loop3A_220 : i32
          %parallel_loop3A_222 = arith.index_cast %parallel_loop3A_221 : i32 to index
          %parallel_loop3A_223 = tpu.vector_load %arg9[%parallel_loop3A_222] {strides = array<i32>} : memref<32768xf32, #tpu.memory_space<vmem>>, vector<16xf32>,
          tpu.vector_store %arg9[%parallel_loop3A_222], %parallel_loop3A_217 {strides = array<i32>} : memref<32768xf32, #tpu.memory_space<vmem>>, vector<16xf32>,
          %parallel_loop3A_224 = arith.constant 0.000000e+00 : f32
          %parallel_loop3A_225 = vector.broadcast %parallel_loop3A_224 : f32 to vector<16xf32>
          %parallel_loop3A_226 = arith.constant 512 : i32
          %parallel_loop3A_227 = arith.muli %parallel_loop3A_215, %parallel_loop3A_226 : i32
          %parallel_loop3A_228 = arith.constant 16 : i32
          %parallel_loop3A_229 = arith.addi %parallel_loop3A_227, %parallel_loop3A_228 : i32
          %parallel_loop3A_230 = arith.index_cast %parallel_loop3A_229 : i32 to index
          %parallel_loop3A_231 = tpu.vector_load %arg9[%parallel_loop3A_230] {strides = array<i32>} : memref<32768xf32, #tpu.memory_space<vmem>>, vector<16xf32>,
          tpu.vector_store %arg9[%parallel_loop3A_230], %parallel_loop3A_225 {strides = array<i32>} : memref<32768xf32, #tpu.memory_space<vmem>>, vector<16xf32>,
          %parallel_loop3A_232 = arith.constant 0.000000e+00 : f32
          %parallel_loop3A_233 = vector.broadcast %parallel_loop3A_232 : f32 to vector<16xf32>
          %parallel_loop3A_234 = arith.constant 512 : i32
          %parallel_loop3A_235 = arith.muli %parallel_loop3A_215, %parallel_loop3A_234 : i32
          %parallel_loop3A_236 = arith.constant 32 : i32
          %parallel_loop3A_237 = arith.addi %parallel_loop3A_235, %parallel_loop3A_236 : i32
          %parallel_loop3A_238 = arith.index_cast %parallel_loop3A_237 : i32 to index
          %parallel_loop3A_239 = tpu.vector_load %arg9[%parallel_loop3A_238] {strides = array<i32>} : memref<32768xf32, #tpu.memory_space<vmem>>, vector<16xf32>,
          tpu.vector_store %arg9[%parallel_loop3A_238], %parallel_loop3A_233 {strides = array<i32>} : memref<32768xf32, #tpu.memory_space<vmem>>, vector<16xf32>,
          %parallel_loop3A_240 = arith.constant 0.000000e+00 : f32
          %parallel_loop3A_241 = vector.broadcast %parallel_loop3A_240 : f32 to vector<16xf32>
          %parallel_loop3A_242 = arith.constant 512 : i32
          %parallel_loop3A_243 = arith.muli %parallel_loop3A_215, %parallel_loop3A_242 : i32
          %parallel_loop3A_244 = arith.constant 48 : i32
          %parallel_loop3A_245 = arith.addi %parallel_loop3A_243, %parallel_loop3A_244 : i32
          %parallel_loop3A_246 = arith.index_cast %parallel_loop3A_245 : i32 to index
          %parallel_loop3A_247 = tpu.vector_load %arg9[%parallel_loop3A_246] {strides = array<i32>} : memref<32768xf32, #tpu.memory_space<vmem>>, vector<16xf32>,
          tpu.vector_store %arg9[%parallel_loop3A_246], %parallel_loop3A_241 {strides = array<i32>} : memref<32768xf32, #tpu.memory_space<vmem>>, vector<16xf32>,
          %parallel_loop3A_248 = arith.constant 0.000000e+00 : f32
          %parallel_loop3A_249 = vector.broadcast %parallel_loop3A_248 : f32 to vector<16xf32>
          %parallel_loop3A_250 = arith.constant 512 : i32
          %parallel_loop3A_251 = arith.muli %parallel_loop3A_215, %parallel_loop3A_250 : i32
          %parallel_loop3A_252 = arith.constant 64 : i32
          %parallel_loop3A_253 = arith.addi %parallel_loop3A_251, %parallel_loop3A_252 : i32
          %parallel_loop3A_254 = arith.index_cast %parallel_loop3A_253 : i32 to index
          %parallel_loop3A_255 = tpu.vector_load %arg9[%parallel_loop3A_254] {strides = array<i32>} : memref<32768xf32, #tpu.memory_space<vmem>>, vector<16xf32>,
          tpu.vector_store %arg9[%parallel_loop3A_254], %parallel_loop3A_249 {strides = array<i32>} : memref<32768xf32, #tpu.memory_space<vmem>>, vector<16xf32>,
          %parallel_loop3A_256 = arith.constant 0.000000e+00 : f32
          %parallel_loop3A_257 = vector.broadcast %parallel_loop3A_256 : f32 to vector<16xf32>
          %parallel_loop3A_258 = arith.constant 512 : i32
          %parallel_loop3A_259 = arith.muli %parallel_loop3A_215, %parallel_loop3A_258 : i32
          %parallel_loop3A_260 = arith.constant 80 : i32
          %parallel_loop3A_261 = arith.addi %parallel_loop3A_259, %parallel_loop3A_260 : i32
          %parallel_loop3A_262 = arith.index_cast %parallel_loop3A_261 : i32 to index
          %parallel_loop3A_263 = tpu.vector_load %arg9[%parallel_loop3A_262] {strides = array<i32>} : memref<32768xf32, #tpu.memory_space<vmem>>, vector<16xf32>,
          tpu.vector_store %arg9[%parallel_loop3A_262], %parallel_loop3A_257 {strides = array<i32>} : memref<32768xf32, #tpu.memory_space<vmem>>, vector<16xf32>,
          %parallel_loop3A_264 = arith.constant 0.000000e+00 : f32
          %parallel_loop3A_265 = vector.broadcast %parallel_loop3A_264 : f32 to vector<16xf32>
          %parallel_loop3A_266 = arith.constant 512 : i32
          %parallel_loop3A_267 = arith.muli %parallel_loop3A_215, %parallel_loop3A_266 : i32
          %parallel_loop3A_268 = arith.constant 96 : i32
          %parallel_loop3A_269 = arith.addi %parallel_loop3A_267, %parallel_loop3A_268 : i32
          %parallel_loop3A_270 = arith.index_cast %parallel_loop3A_269 : i32 to index
          %parallel_loop3A_271 = tpu.vector_load %arg9[%parallel_loop3A_270] {strides = array<i32>} : memref<32768xf32, #tpu.memory_space<vmem>>, vector<16xf32>,
          tpu.vector_store %arg9[%parallel_loop3A_270], %parallel_loop3A_265 {strides = array<i32>} : memref<32768xf32, #tpu.memory_space<vmem>>, vector<16xf32>,
          %parallel_loop3A_272 = arith.constant 0.000000e+00 : f32
          %parallel_loop3A_273 = vector.broadcast %parallel_loop3A_272 : f32 to vector<16xf32>
          %parallel_loop3A_274 = arith.constant 512 : i32
          %parallel_loop3A_275 = arith.muli %parallel_loop3A_215, %parallel_loop3A_274 : i32
          %parallel_loop3A_276 = arith.constant 112 : i32
          %parallel_loop3A_277 = arith.addi %parallel_loop3A_275, %parallel_loop3A_276 : i32
          %parallel_loop3A_278 = arith.index_cast %parallel_loop3A_277 : i32 to index
          %parallel_loop3A_279 = tpu.vector_load %arg9[%parallel_loop3A_278] {strides = array<i32>} : memref<32768xf32, #tpu.memory_space<vmem>>, vector<16xf32>,
          tpu.vector_store %arg9[%parallel_loop3A_278], %parallel_loop3A_273 {strides = array<i32>} : memref<32768xf32, #tpu.memory_space<vmem>>, vector<16xf32>,
          %parallel_loop3A_280 = arith.constant 0.000000e+00 : f32
          %parallel_loop3A_281 = vector.broadcast %parallel_loop3A_280 : f32 to vector<16xf32>
          %parallel_loop3A_282 = arith.constant 512 : i32
          %parallel_loop3A_283 = arith.muli %parallel_loop3A_215, %parallel_loop3A_282 : i32
          %parallel_loop3A_284 = arith.constant 128 : i32
          %parallel_loop3A_285 = arith.addi %parallel_loop3A_283, %parallel_loop3A_284 : i32
          %parallel_loop3A_286 = arith.index_cast %parallel_loop3A_285 : i32 to index
          %parallel_loop3A_287 = tpu.vector_load %arg9[%parallel_loop3A_286] {strides = array<i32>} : memref<32768xf32, #tpu.memory_space<vmem>>, vector<16xf32>,
          tpu.vector_store %arg9[%parallel_loop3A_286], %parallel_loop3A_281 {strides = array<i32>} : memref<32768xf32, #tpu.memory_space<vmem>>, vector<16xf32>,
          %parallel_loop3A_288 = arith.constant 0.000000e+00 : f32
          %parallel_loop3A_289 = vector.broadcast %parallel_loop3A_288 : f32 to vector<16xf32>
          %parallel_loop3A_290 = arith.constant 512 : i32
          %parallel_loop3A_291 = arith.muli %parallel_loop3A_215, %parallel_loop3A_290 : i32
          %parallel_loop3A_292 = arith.constant 144 : i32
          %parallel_loop3A_293 = arith.addi %parallel_loop3A_291, %parallel_loop3A_292 : i32
          %parallel_loop3A_294 = arith.index_cast %parallel_loop3A_293 : i32 to index
          %parallel_loop3A_295 = tpu.vector_load %arg9[%parallel_loop3A_294] {strides = array<i32>} : memref<32768xf32, #tpu.memory_space<vmem>>, vector<16xf32>,
          tpu.vector_store %arg9[%parallel_loop3A_294], %parallel_loop3A_289 {strides = array<i32>} : memref<32768xf32, #tpu.memory_space<vmem>>, vector<16xf32>,
          %parallel_loop3A_296 = arith.constant 0.000000e+00 : f32
          %parallel_loop3A_297 = vector.broadcast %parallel_loop3A_296 : f32 to vector<16xf32>
          %parallel_loop3A_298 = arith.constant 512 : i32
          %parallel_loop3A_299 = arith.muli %parallel_loop3A_215, %parallel_loop3A_298 : i32
          %parallel_loop3A_300 = arith.constant 160 : i32
          %parallel_loop3A_301 = arith.addi %parallel_loop3A_299, %parallel_loop3A_300 : i32
          %parallel_loop3A_302 = arith.index_cast %parallel_loop3A_301 : i32 to index
          %parallel_loop3A_303 = tpu.vector_load %arg9[%parallel_loop3A_302] {strides = array<i32>} : memref<32768xf32, #tpu.memory_space<vmem>>, vector<16xf32>,
          tpu.vector_store %arg9[%parallel_loop3A_302], %parallel_loop3A_297 {strides = array<i32>} : memref<32768xf32, #tpu.memory_space<vmem>>, vector<16xf32>,
          %parallel_loop3A_304 = arith.constant 0.000000e+00 : f32
          %parallel_loop3A_305 = vector.broadcast %parallel_loop3A_304 : f32 to vector<16xf32>
          %parallel_loop3A_306 = arith.constant 512 : i32
          %parallel_loop3A_307 = arith.muli %parallel_loop3A_215, %parallel_loop3A_306 : i32
          %parallel_loop3A_308 = arith.constant 176 : i32
          %parallel_loop3A_309 = arith.addi %parallel_loop3A_307, %parallel_loop3A_308 : i32
          %parallel_loop3A_310 = arith.index_cast %parallel_loop3A_309 : i32 to index
          %parallel_loop3A_311 = tpu.vector_load %arg9[%parallel_loop3A_310] {strides = array<i32>} : memref<32768xf32, #tpu.memory_space<vmem>>, vector<16xf32>,
          tpu.vector_store %arg9[%parallel_loop3A_310], %parallel_loop3A_305 {strides = array<i32>} : memref<32768xf32, #tpu.memory_space<vmem>>, vector<16xf32>,
          %parallel_loop3A_312 = arith.constant 0.000000e+00 : f32
          %parallel_loop3A_313 = vector.broadcast %parallel_loop3A_312 : f32 to vector<16xf32>
          %parallel_loop3A_314 = arith.constant 512 : i32
          %parallel_loop3A_315 = arith.muli %parallel_loop3A_215, %parallel_loop3A_314 : i32
          %parallel_loop3A_316 = arith.constant 192 : i32
          %parallel_loop3A_317 = arith.addi %parallel_loop3A_315, %parallel_loop3A_316 : i32
          %parallel_loop3A_318 = arith.index_cast %parallel_loop3A_317 : i32 to index
          %parallel_loop3A_319 = tpu.vector_load %arg9[%parallel_loop3A_318] {strides = array<i32>} : memref<32768xf32, #tpu.memory_space<vmem>>, vector<16xf32>,
          tpu.vector_store %arg9[%parallel_loop3A_318], %parallel_loop3A_313 {strides = array<i32>} : memref<32768xf32, #tpu.memory_space<vmem>>, vector<16xf32>,
          %parallel_loop3A_320 = arith.constant 0.000000e+00 : f32
          %parallel_loop3A_321 = vector.broadcast %parallel_loop3A_320 : f32 to vector<16xf32>
          %parallel_loop3A_322 = arith.constant 512 : i32
          %parallel_loop3A_323 = arith.muli %parallel_loop3A_215, %parallel_loop3A_322 : i32
          %parallel_loop3A_324 = arith.constant 208 : i32
          %parallel_loop3A_325 = arith.addi %parallel_loop3A_323, %parallel_loop3A_324 : i32
          %parallel_loop3A_326 = arith.index_cast %parallel_loop3A_325 : i32 to index
          %parallel_loop3A_327 = tpu.vector_load %arg9[%parallel_loop3A_326] {strides = array<i32>} : memref<32768xf32, #tpu.memory_space<vmem>>, vector<16xf32>,
          tpu.vector_store %arg9[%parallel_loop3A_326], %parallel_loop3A_321 {strides = array<i32>} : memref<32768xf32, #tpu.memory_space<vmem>>, vector<16xf32>,
          %parallel_loop3A_328 = arith.constant 0.000000e+00 : f32
          %parallel_loop3A_329 = vector.broadcast %parallel_loop3A_328 : f32 to vector<16xf32>
          %parallel_loop3A_330 = arith.constant 512 : i32
          %parallel_loop3A_331 = arith.muli %parallel_loop3A_215, %parallel_loop3A_330 : i32
          %parallel_loop3A_332 = arith.constant 224 : i32
          %parallel_loop3A_333 = arith.addi %parallel_loop3A_331, %parallel_loop3A_332 : i32
          %parallel_loop3A_334 = arith.index_cast %parallel_loop3A_333 : i32 to index
          %parallel_loop3A_335 = tpu.vector_load %arg9[%parallel_loop3A_334] {strides = array<i32>} : memref<32768xf32, #tpu.memory_space<vmem>>, vector<16xf32>,
          tpu.vector_store %arg9[%parallel_loop3A_334], %parallel_loop3A_329 {strides = array<i32>} : memref<32768xf32, #tpu.memory_space<vmem>>, vector<16xf32>,
          %parallel_loop3A_336 = arith.constant 0.000000e+00 : f32
          %parallel_loop3A_337 = vector.broadcast %parallel_loop3A_336 : f32 to vector<16xf32>
          %parallel_loop3A_338 = arith.constant 512 : i32
          %parallel_loop3A_339 = arith.muli %parallel_loop3A_215, %parallel_loop3A_338 : i32
          %parallel_loop3A_340 = arith.constant 240 : i32
          %parallel_loop3A_341 = arith.addi %parallel_loop3A_339, %parallel_loop3A_340 : i32
          %parallel_loop3A_342 = arith.index_cast %parallel_loop3A_341 : i32 to index
          %parallel_loop3A_343 = tpu.vector_load %arg9[%parallel_loop3A_342] {strides = array<i32>} : memref<32768xf32, #tpu.memory_space<vmem>>, vector<16xf32>,
          tpu.vector_store %arg9[%parallel_loop3A_342], %parallel_loop3A_337 {strides = array<i32>} : memref<32768xf32, #tpu.memory_space<vmem>>, vector<16xf32>,
          %parallel_loop3A_344 = arith.constant 0.000000e+00 : f32
          %parallel_loop3A_345 = vector.broadcast %parallel_loop3A_344 : f32 to vector<16xf32>
          %parallel_loop3A_346 = arith.constant 512 : i32
          %parallel_loop3A_347 = arith.muli %parallel_loop3A_215, %parallel_loop3A_346 : i32
          %parallel_loop3A_348 = arith.constant 256 : i32
          %parallel_loop3A_349 = arith.addi %parallel_loop3A_347, %parallel_loop3A_348 : i32
          %parallel_loop3A_350 = arith.index_cast %parallel_loop3A_349 : i32 to index
          %parallel_loop3A_351 = tpu.vector_load %arg9[%parallel_loop3A_350] {strides = array<i32>} : memref<32768xf32, #tpu.memory_space<vmem>>, vector<16xf32>,
          tpu.vector_store %arg9[%parallel_loop3A_350], %parallel_loop3A_345 {strides = array<i32>} : memref<32768xf32, #tpu.memory_space<vmem>>, vector<16xf32>,
          %parallel_loop3A_352 = arith.constant 0.000000e+00 : f32
          %parallel_loop3A_353 = vector.broadcast %parallel_loop3A_352 : f32 to vector<16xf32>
          %parallel_loop3A_354 = arith.constant 512 : i32
          %parallel_loop3A_355 = arith.muli %parallel_loop3A_215, %parallel_loop3A_354 : i32
          %parallel_loop3A_356 = arith.constant 272 : i32
          %parallel_loop3A_357 = arith.addi %parallel_loop3A_355, %parallel_loop3A_356 : i32
          %parallel_loop3A_358 = arith.index_cast %parallel_loop3A_357 : i32 to index
          %parallel_loop3A_359 = tpu.vector_load %arg9[%parallel_loop3A_358] {strides = array<i32>} : memref<32768xf32, #tpu.memory_space<vmem>>, vector<16xf32>,
          tpu.vector_store %arg9[%parallel_loop3A_358], %parallel_loop3A_353 {strides = array<i32>} : memref<32768xf32, #tpu.memory_space<vmem>>, vector<16xf32>,
          %parallel_loop3A_360 = arith.constant 0.000000e+00 : f32
          %parallel_loop3A_361 = vector.broadcast %parallel_loop3A_360 : f32 to vector<16xf32>
          %parallel_loop3A_362 = arith.constant 512 : i32
          %parallel_loop3A_363 = arith.muli %parallel_loop3A_215, %parallel_loop3A_362 : i32
          %parallel_loop3A_364 = arith.constant 288 : i32
          %parallel_loop3A_365 = arith.addi %parallel_loop3A_363, %parallel_loop3A_364 : i32
          %parallel_loop3A_366 = arith.index_cast %parallel_loop3A_365 : i32 to index
          %parallel_loop3A_367 = tpu.vector_load %arg9[%parallel_loop3A_366] {strides = array<i32>} : memref<32768xf32, #tpu.memory_space<vmem>>, vector<16xf32>,
          tpu.vector_store %arg9[%parallel_loop3A_366], %parallel_loop3A_361 {strides = array<i32>} : memref<32768xf32, #tpu.memory_space<vmem>>, vector<16xf32>,
          %parallel_loop3A_368 = arith.constant 0.000000e+00 : f32
          %parallel_loop3A_369 = vector.broadcast %parallel_loop3A_368 : f32 to vector<16xf32>
          %parallel_loop3A_370 = arith.constant 512 : i32
          %parallel_loop3A_371 = arith.muli %parallel_loop3A_215, %parallel_loop3A_370 : i32
          %parallel_loop3A_372 = arith.constant 304 : i32
          %parallel_loop3A_373 = arith.addi %parallel_loop3A_371, %parallel_loop3A_372 : i32
          %parallel_loop3A_374 = arith.index_cast %parallel_loop3A_373 : i32 to index
          %parallel_loop3A_375 = tpu.vector_load %arg9[%parallel_loop3A_374] {strides = array<i32>} : memref<32768xf32, #tpu.memory_space<vmem>>, vector<16xf32>,
          tpu.vector_store %arg9[%parallel_loop3A_374], %parallel_loop3A_369 {strides = array<i32>} : memref<32768xf32, #tpu.memory_space<vmem>>, vector<16xf32>,
          %parallel_loop3A_376 = arith.constant 0.000000e+00 : f32
          %parallel_loop3A_377 = vector.broadcast %parallel_loop3A_376 : f32 to vector<16xf32>
          %parallel_loop3A_378 = arith.constant 512 : i32
          %parallel_loop3A_379 = arith.muli %parallel_loop3A_215, %parallel_loop3A_378 : i32
          %parallel_loop3A_380 = arith.constant 320 : i32
          %parallel_loop3A_381 = arith.addi %parallel_loop3A_379, %parallel_loop3A_380 : i32
          %parallel_loop3A_382 = arith.index_cast %parallel_loop3A_381 : i32 to index
          %parallel_loop3A_383 = tpu.vector_load %arg9[%parallel_loop3A_382] {strides = array<i32>} : memref<32768xf32, #tpu.memory_space<vmem>>, vector<16xf32>,
          tpu.vector_store %arg9[%parallel_loop3A_382], %parallel_loop3A_377 {strides = array<i32>} : memref<32768xf32, #tpu.memory_space<vmem>>, vector<16xf32>,
          %parallel_loop3A_384 = arith.constant 0.000000e+00 : f32
          %parallel_loop3A_385 = vector.broadcast %parallel_loop3A_384 : f32 to vector<16xf32>
          %parallel_loop3A_386 = arith.constant 512 : i32
          %parallel_loop3A_387 = arith.muli %parallel_loop3A_215, %parallel_loop3A_386 : i32
          %parallel_loop3A_388 = arith.constant 336 : i32
          %parallel_loop3A_389 = arith.addi %parallel_loop3A_387, %parallel_loop3A_388 : i32
          %parallel_loop3A_390 = arith.index_cast %parallel_loop3A_389 : i32 to index
          %parallel_loop3A_391 = tpu.vector_load %arg9[%parallel_loop3A_390] {strides = array<i32>} : memref<32768xf32, #tpu.memory_space<vmem>>, vector<16xf32>,
          tpu.vector_store %arg9[%parallel_loop3A_390], %parallel_loop3A_385 {strides = array<i32>} : memref<32768xf32, #tpu.memory_space<vmem>>, vector<16xf32>,
          %parallel_loop3A_392 = arith.constant 0.000000e+00 : f32
          %parallel_loop3A_393 = vector.broadcast %parallel_loop3A_392 : f32 to vector<16xf32>
          %parallel_loop3A_394 = arith.constant 512 : i32
          %parallel_loop3A_395 = arith.muli %parallel_loop3A_215, %parallel_loop3A_394 : i32
          %parallel_loop3A_396 = arith.constant 352 : i32
          %parallel_loop3A_397 = arith.addi %parallel_loop3A_395, %parallel_loop3A_396 : i32
          %parallel_loop3A_398 = arith.index_cast %parallel_loop3A_397 : i32 to index
          %parallel_loop3A_399 = tpu.vector_load %arg9[%parallel_loop3A_398] {strides = array<i32>} : memref<32768xf32, #tpu.memory_space<vmem>>, vector<16xf32>,
          tpu.vector_store %arg9[%parallel_loop3A_398], %parallel_loop3A_393 {strides = array<i32>} : memref<32768xf32, #tpu.memory_space<vmem>>, vector<16xf32>,
          %parallel_loop3A_400 = arith.constant 0.000000e+00 : f32
          %parallel_loop3A_401 = vector.broadcast %parallel_loop3A_400 : f32 to vector<16xf32>
          %parallel_loop3A_402 = arith.constant 512 : i32
          %parallel_loop3A_403 = arith.muli %parallel_loop3A_215, %parallel_loop3A_402 : i32
          %parallel_loop3A_404 = arith.constant 368 : i32
          %parallel_loop3A_405 = arith.addi %parallel_loop3A_403, %parallel_loop3A_404 : i32
          %parallel_loop3A_406 = arith.index_cast %parallel_loop3A_405 : i32 to index
          %parallel_loop3A_407 = tpu.vector_load %arg9[%parallel_loop3A_406] {strides = array<i32>} : memref<32768xf32, #tpu.memory_space<vmem>>, vector<16xf32>,
          tpu.vector_store %arg9[%parallel_loop3A_406], %parallel_loop3A_401 {strides = array<i32>} : memref<32768xf32, #tpu.memory_space<vmem>>, vector<16xf32>,
          %parallel_loop3A_408 = arith.constant 0.000000e+00 : f32
          %parallel_loop3A_409 = vector.broadcast %parallel_loop3A_408 : f32 to vector<16xf32>
          %parallel_loop3A_410 = arith.constant 512 : i32
          %parallel_loop3A_411 = arith.muli %parallel_loop3A_215, %parallel_loop3A_410 : i32
          %parallel_loop3A_412 = arith.constant 384 : i32
          %parallel_loop3A_413 = arith.addi %parallel_loop3A_411, %parallel_loop3A_412 : i32
          %parallel_loop3A_414 = arith.index_cast %parallel_loop3A_413 : i32 to index
          %parallel_loop3A_415 = tpu.vector_load %arg9[%parallel_loop3A_414] {strides = array<i32>} : memref<32768xf32, #tpu.memory_space<vmem>>, vector<16xf32>,
          tpu.vector_store %arg9[%parallel_loop3A_414], %parallel_loop3A_409 {strides = array<i32>} : memref<32768xf32, #tpu.memory_space<vmem>>, vector<16xf32>,
          %parallel_loop3A_416 = arith.constant 0.000000e+00 : f32
          %parallel_loop3A_417 = vector.broadcast %parallel_loop3A_416 : f32 to vector<16xf32>
          %parallel_loop3A_418 = arith.constant 512 : i32
          %parallel_loop3A_419 = arith.muli %parallel_loop3A_215, %parallel_loop3A_418 : i32
          %parallel_loop3A_420 = arith.constant 400 : i32
          %parallel_loop3A_421 = arith.addi %parallel_loop3A_419, %parallel_loop3A_420 : i32
          %parallel_loop3A_422 = arith.index_cast %parallel_loop3A_421 : i32 to index
          %parallel_loop3A_423 = tpu.vector_load %arg9[%parallel_loop3A_422] {strides = array<i32>} : memref<32768xf32, #tpu.memory_space<vmem>>, vector<16xf32>,
          tpu.vector_store %arg9[%parallel_loop3A_422], %parallel_loop3A_417 {strides = array<i32>} : memref<32768xf32, #tpu.memory_space<vmem>>, vector<16xf32>,
          %parallel_loop3A_424 = arith.constant 0.000000e+00 : f32
          %parallel_loop3A_425 = vector.broadcast %parallel_loop3A_424 : f32 to vector<16xf32>
          %parallel_loop3A_426 = arith.constant 512 : i32
          %parallel_loop3A_427 = arith.muli %parallel_loop3A_215, %parallel_loop3A_426 : i32
          %parallel_loop3A_428 = arith.constant 416 : i32
          %parallel_loop3A_429 = arith.addi %parallel_loop3A_427, %parallel_loop3A_428 : i32
          %parallel_loop3A_430 = arith.index_cast %parallel_loop3A_429 : i32 to index
          %parallel_loop3A_431 = tpu.vector_load %arg9[%parallel_loop3A_430] {strides = array<i32>} : memref<32768xf32, #tpu.memory_space<vmem>>, vector<16xf32>,
          tpu.vector_store %arg9[%parallel_loop3A_430], %parallel_loop3A_425 {strides = array<i32>} : memref<32768xf32, #tpu.memory_space<vmem>>, vector<16xf32>,
          %parallel_loop3A_432 = arith.constant 0.000000e+00 : f32
          %parallel_loop3A_433 = vector.broadcast %parallel_loop3A_432 : f32 to vector<16xf32>
          %parallel_loop3A_434 = arith.constant 512 : i32
          %parallel_loop3A_435 = arith.muli %parallel_loop3A_215, %parallel_loop3A_434 : i32
          %parallel_loop3A_436 = arith.constant 432 : i32
          %parallel_loop3A_437 = arith.addi %parallel_loop3A_435, %parallel_loop3A_436 : i32
          %parallel_loop3A_438 = arith.index_cast %parallel_loop3A_437 : i32 to index
          %parallel_loop3A_439 = tpu.vector_load %arg9[%parallel_loop3A_438] {strides = array<i32>} : memref<32768xf32, #tpu.memory_space<vmem>>, vector<16xf32>,
          tpu.vector_store %arg9[%parallel_loop3A_438], %parallel_loop3A_433 {strides = array<i32>} : memref<32768xf32, #tpu.memory_space<vmem>>, vector<16xf32>,
          %parallel_loop3A_440 = arith.constant 0.000000e+00 : f32
          %parallel_loop3A_441 = vector.broadcast %parallel_loop3A_440 : f32 to vector<16xf32>
          %parallel_loop3A_442 = arith.constant 512 : i32
          %parallel_loop3A_443 = arith.muli %parallel_loop3A_215, %parallel_loop3A_442 : i32
          %parallel_loop3A_444 = arith.constant 448 : i32
          %parallel_loop3A_445 = arith.addi %parallel_loop3A_443, %parallel_loop3A_444 : i32
          %parallel_loop3A_446 = arith.index_cast %parallel_loop3A_445 : i32 to index
          %parallel_loop3A_447 = tpu.vector_load %arg9[%parallel_loop3A_446] {strides = array<i32>} : memref<32768xf32, #tpu.memory_space<vmem>>, vector<16xf32>,
          tpu.vector_store %arg9[%parallel_loop3A_446], %parallel_loop3A_441 {strides = array<i32>} : memref<32768xf32, #tpu.memory_space<vmem>>, vector<16xf32>,
          %parallel_loop3A_448 = arith.constant 0.000000e+00 : f32
          %parallel_loop3A_449 = vector.broadcast %parallel_loop3A_448 : f32 to vector<16xf32>
          %parallel_loop3A_450 = arith.constant 512 : i32
          %parallel_loop3A_451 = arith.muli %parallel_loop3A_215, %parallel_loop3A_450 : i32
          %parallel_loop3A_452 = arith.constant 464 : i32
          %parallel_loop3A_453 = arith.addi %parallel_loop3A_451, %parallel_loop3A_452 : i32
          %parallel_loop3A_454 = arith.index_cast %parallel_loop3A_453 : i32 to index
          %parallel_loop3A_455 = tpu.vector_load %arg9[%parallel_loop3A_454] {strides = array<i32>} : memref<32768xf32, #tpu.memory_space<vmem>>, vector<16xf32>,
          tpu.vector_store %arg9[%parallel_loop3A_454], %parallel_loop3A_449 {strides = array<i32>} : memref<32768xf32, #tpu.memory_space<vmem>>, vector<16xf32>,
          %parallel_loop3A_456 = arith.constant 0.000000e+00 : f32
          %parallel_loop3A_457 = vector.broadcast %parallel_loop3A_456 : f32 to vector<16xf32>
          %parallel_loop3A_458 = arith.constant 512 : i32
          %parallel_loop3A_459 = arith.muli %parallel_loop3A_215, %parallel_loop3A_458 : i32
          %parallel_loop3A_460 = arith.constant 480 : i32
          %parallel_loop3A_461 = arith.addi %parallel_loop3A_459, %parallel_loop3A_460 : i32
          %parallel_loop3A_462 = arith.index_cast %parallel_loop3A_461 : i32 to index
          %parallel_loop3A_463 = tpu.vector_load %arg9[%parallel_loop3A_462] {strides = array<i32>} : memref<32768xf32, #tpu.memory_space<vmem>>, vector<16xf32>,
          tpu.vector_store %arg9[%parallel_loop3A_462], %parallel_loop3A_457 {strides = array<i32>} : memref<32768xf32, #tpu.memory_space<vmem>>, vector<16xf32>,
          %parallel_loop3A_464 = arith.constant 0.000000e+00 : f32
          %parallel_loop3A_465 = vector.broadcast %parallel_loop3A_464 : f32 to vector<16xf32>
          %parallel_loop3A_466 = arith.constant 512 : i32
          %parallel_loop3A_467 = arith.muli %parallel_loop3A_215, %parallel_loop3A_466 : i32
          %parallel_loop3A_468 = arith.constant 496 : i32
          %parallel_loop3A_469 = arith.addi %parallel_loop3A_467, %parallel_loop3A_468 : i32
          %parallel_loop3A_470 = arith.index_cast %parallel_loop3A_469 : i32 to index
          %parallel_loop3A_471 = tpu.vector_load %arg9[%parallel_loop3A_470] {strides = array<i32>} : memref<32768xf32, #tpu.memory_space<vmem>>, vector<16xf32>,
          tpu.vector_store %arg9[%parallel_loop3A_470], %parallel_loop3A_465 {strides = array<i32>} : memref<32768xf32, #tpu.memory_space<vmem>>, vector<16xf32>,
        } {sc.loop_unroll_factor = 4 : i64, sc.parallel_access}
      } else {
      }
      %mul3A_179 = arith.constant 32 : i32
      %mul3A_180 = arith.muli %scan3A_113, %mul3A_179 : i32
      %dma_wait3A_181 = arith.constant 0 : i32
      %dma_wait3A_182 = arith.constant 0 : i32
      %dma_wait3A_183 = tpu.memref_slice %arg8[%select_n3A_129, %dma_wait3A_181, %dma_wait3A_182] : memref<2x32x512xf32, #tpu.memory_space<vmem>> -> memref<1x32x512xf32, #tpu.memory_space<vmem>>
      %dma_wait3A_184 = tpu.memref_squeeze %dma_wait3A_183 : memref<1x32x512xf32, #tpu.memory_space<vmem>> -> memref<32x512xf32, #tpu.memory_space<vmem>>
      %dma_wait3A_185 = tpu.memref_slice %arg6[%mul3A_180] : memref<1024xi32, #tpu.memory_space<vmem>> -> memref<32xi32, #tpu.memory_space<vmem>>
      %dma_wait3A_186 = arith.constant 0 : i32
      %dma_wait3A_187 = arith.constant 0 : i32
      %dma_wait3A_188 = tpu.memref_slice %arg2[%dma_wait3A_186, %dma_wait3A_187] : memref<4096x512xf32, #tpu.memory_space<hbm>> -> memref<4096x512xf32, #tpu.memory_space<hbm>>
      tpu.wait_indirect_dma semaphore(%arg10 : memref<!tpu.dma_semaphore, #tpu.memory_space<semaphore_mem>>) src(%dma_wait3A_188 : memref<4096x512xf32, #tpu.memory_space<hbm>>) dst(%dma_wait3A_184 : memref<32x512xf32, #tpu.memory_space<vmem>>)
      %parallel_loop3A = arith.constant 0 : i32
      %parallel_loop3A_189 = arith.constant 32 : i32
      %parallel_loop3A_190 = arith.constant 1 : i32
      scf.for %parallel_loop3A_212 = %parallel_loop3A to %parallel_loop3A_189 step %parallel_loop3A_190  : i32 {
        %parallel_loop3A_213 = arith.constant 32 : i32
        %parallel_loop3A_214 = arith.muli %scan3A_113, %parallel_loop3A_213 : i32
        %parallel_loop3A_215 = arith.addi %parallel_loop3A_214, %parallel_loop3A_212 : i32
        %parallel_loop3A_216 = arith.constant 16 : i32
        %parallel_loop3A_217 = arith.muli %parallel_loop3A_215, %parallel_loop3A_216 : i32
        %parallel_loop3A_218 = arith.index_cast %parallel_loop3A_217 : i32 to index
        %parallel_loop3A_219 = tpu.vector_load %arg7[%parallel_loop3A_218] {strides = array<i32>} : memref<16384xi32, #tpu.memory_space<vmem>>, vector<16xi32>,
        %parallel_loop3A_220 = arith.constant 0 : i32
        %parallel_loop3A_221 = vector.broadcast %parallel_loop3A_220 : i32 to vector<16xi32>
        %parallel_loop3A_222 = arith.addi %parallel_loop3A_219, %parallel_loop3A_221 : vector<16xi32>
        %parallel_loop3A_223 = arith.index_cast %select_n3A_129 : i32 to index
        %parallel_loop3A_224 = arith.index_cast %parallel_loop3A_212 : i32 to index
        %parallel_loop3A_225 = arith.constant 0 : index
        %parallel_loop3A_226 = tpu.vector_load %arg8[%parallel_loop3A_223, %parallel_loop3A_224, %parallel_loop3A_225] {strides = array<i32>} : memref<2x32x512xf32, #tpu.memory_space<vmem>>, vector<16xf32>,
        tpu.vector_store_idx %arg9[%parallel_loop3A_222], %parallel_loop3A_226 {add = true} : memref<32768xf32, #tpu.memory_space<vmem>>[vector<16xi32>], vector<16xf32>,
        %parallel_loop3A_227 = arith.constant 16 : i32
        %parallel_loop3A_228 = vector.broadcast %parallel_loop3A_227 : i32 to vector<16xi32>
        %parallel_loop3A_229 = arith.addi %parallel_loop3A_219, %parallel_loop3A_228 : vector<16xi32>
        %parallel_loop3A_230 = arith.index_cast %select_n3A_129 : i32 to index
        %parallel_loop3A_231 = arith.index_cast %parallel_loop3A_212 : i32 to index
        %parallel_loop3A_232 = arith.constant 16 : index
        %parallel_loop3A_233 = tpu.vector_load %arg8[%parallel_loop3A_230, %parallel_loop3A_231, %parallel_loop3A_232] {strides = array<i32>} : memref<2x32x512xf32, #tpu.memory_space<vmem>>, vector<16xf32>,
        tpu.vector_store_idx %arg9[%parallel_loop3A_229], %parallel_loop3A_233 {add = true} : memref<32768xf32, #tpu.memory_space<vmem>>[vector<16xi32>], vector<16xf32>,
        %parallel_loop3A_234 = arith.constant 32 : i32
        %parallel_loop3A_235 = vector.broadcast %parallel_loop3A_234 : i32 to vector<16xi32>
        %parallel_loop3A_236 = arith.addi %parallel_loop3A_219, %parallel_loop3A_235 : vector<16xi32>
        %parallel_loop3A_237 = arith.index_cast %select_n3A_129 : i32 to index
        %parallel_loop3A_238 = arith.index_cast %parallel_loop3A_212 : i32 to index
        %parallel_loop3A_239 = arith.constant 32 : index
        %parallel_loop3A_240 = tpu.vector_load %arg8[%parallel_loop3A_237, %parallel_loop3A_238, %parallel_loop3A_239] {strides = array<i32>} : memref<2x32x512xf32, #tpu.memory_space<vmem>>, vector<16xf32>,
        tpu.vector_store_idx %arg9[%parallel_loop3A_236], %parallel_loop3A_240 {add = true} : memref<32768xf32, #tpu.memory_space<vmem>>[vector<16xi32>], vector<16xf32>,
        %parallel_loop3A_241 = arith.constant 48 : i32
        %parallel_loop3A_242 = vector.broadcast %parallel_loop3A_241 : i32 to vector<16xi32>
        %parallel_loop3A_243 = arith.addi %parallel_loop3A_219, %parallel_loop3A_242 : vector<16xi32>
        %parallel_loop3A_244 = arith.index_cast %select_n3A_129 : i32 to index
        %parallel_loop3A_245 = arith.index_cast %parallel_loop3A_212 : i32 to index
        %parallel_loop3A_246 = arith.constant 48 : index
        %parallel_loop3A_247 = tpu.vector_load %arg8[%parallel_loop3A_244, %parallel_loop3A_245, %parallel_loop3A_246] {strides = array<i32>} : memref<2x32x512xf32, #tpu.memory_space<vmem>>, vector<16xf32>,
        tpu.vector_store_idx %arg9[%parallel_loop3A_243], %parallel_loop3A_247 {add = true} : memref<32768xf32, #tpu.memory_space<vmem>>[vector<16xi32>], vector<16xf32>,
        %parallel_loop3A_248 = arith.constant 64 : i32
        %parallel_loop3A_249 = vector.broadcast %parallel_loop3A_248 : i32 to vector<16xi32>
        %parallel_loop3A_250 = arith.addi %parallel_loop3A_219, %parallel_loop3A_249 : vector<16xi32>
        %parallel_loop3A_251 = arith.index_cast %select_n3A_129 : i32 to index
        %parallel_loop3A_252 = arith.index_cast %parallel_loop3A_212 : i32 to index
        %parallel_loop3A_253 = arith.constant 64 : index
        %parallel_loop3A_254 = tpu.vector_load %arg8[%parallel_loop3A_251, %parallel_loop3A_252, %parallel_loop3A_253] {strides = array<i32>} : memref<2x32x512xf32, #tpu.memory_space<vmem>>, vector<16xf32>,
        tpu.vector_store_idx %arg9[%parallel_loop3A_250], %parallel_loop3A_254 {add = true} : memref<32768xf32, #tpu.memory_space<vmem>>[vector<16xi32>], vector<16xf32>,
        %parallel_loop3A_255 = arith.constant 80 : i32
        %parallel_loop3A_256 = vector.broadcast %parallel_loop3A_255 : i32 to vector<16xi32>
        %parallel_loop3A_257 = arith.addi %parallel_loop3A_219, %parallel_loop3A_256 : vector<16xi32>
        %parallel_loop3A_258 = arith.index_cast %select_n3A_129 : i32 to index
        %parallel_loop3A_259 = arith.index_cast %parallel_loop3A_212 : i32 to index
        %parallel_loop3A_260 = arith.constant 80 : index
        %parallel_loop3A_261 = tpu.vector_load %arg8[%parallel_loop3A_258, %parallel_loop3A_259, %parallel_loop3A_260] {strides = array<i32>} : memref<2x32x512xf32, #tpu.memory_space<vmem>>, vector<16xf32>,
        tpu.vector_store_idx %arg9[%parallel_loop3A_257], %parallel_loop3A_261 {add = true} : memref<32768xf32, #tpu.memory_space<vmem>>[vector<16xi32>], vector<16xf32>,
        %parallel_loop3A_262 = arith.constant 96 : i32
        %parallel_loop3A_263 = vector.broadcast %parallel_loop3A_262 : i32 to vector<16xi32>
        %parallel_loop3A_264 = arith.addi %parallel_loop3A_219, %parallel_loop3A_263 : vector<16xi32>
        %parallel_loop3A_265 = arith.index_cast %select_n3A_129 : i32 to index
        %parallel_loop3A_266 = arith.index_cast %parallel_loop3A_212 : i32 to index
        %parallel_loop3A_267 = arith.constant 96 : index
        %parallel_loop3A_268 = tpu.vector_load %arg8[%parallel_loop3A_265, %parallel_loop3A_266, %parallel_loop3A_267] {strides = array<i32>} : memref<2x32x512xf32, #tpu.memory_space<vmem>>, vector<16xf32>,
        tpu.vector_store_idx %arg9[%parallel_loop3A_264], %parallel_loop3A_268 {add = true} : memref<32768xf32, #tpu.memory_space<vmem>>[vector<16xi32>], vector<16xf32>,
        %parallel_loop3A_269 = arith.constant 112 : i32
        %parallel_loop3A_270 = vector.broadcast %parallel_loop3A_269 : i32 to vector<16xi32>
        %parallel_loop3A_271 = arith.addi %parallel_loop3A_219, %parallel_loop3A_270 : vector<16xi32>
        %parallel_loop3A_272 = arith.index_cast %select_n3A_129 : i32 to index
        %parallel_loop3A_273 = arith.index_cast %parallel_loop3A_212 : i32 to index
        %parallel_loop3A_274 = arith.constant 112 : index
        %parallel_loop3A_275 = tpu.vector_load %arg8[%parallel_loop3A_272, %parallel_loop3A_273, %parallel_loop3A_274] {strides = array<i32>} : memref<2x32x512xf32, #tpu.memory_space<vmem>>, vector<16xf32>,
        tpu.vector_store_idx %arg9[%parallel_loop3A_271], %parallel_loop3A_275 {add = true} : memref<32768xf32, #tpu.memory_space<vmem>>[vector<16xi32>], vector<16xf32>,
        %parallel_loop3A_276 = arith.constant 128 : i32
        %parallel_loop3A_277 = vector.broadcast %parallel_loop3A_276 : i32 to vector<16xi32>
        %parallel_loop3A_278 = arith.addi %parallel_loop3A_219, %parallel_loop3A_277 : vector<16xi32>
        %parallel_loop3A_279 = arith.index_cast %select_n3A_129 : i32 to index
        %parallel_loop3A_280 = arith.index_cast %parallel_loop3A_212 : i32 to index
        %parallel_loop3A_281 = arith.constant 128 : index
        %parallel_loop3A_282 = tpu.vector_load %arg8[%parallel_loop3A_279, %parallel_loop3A_280, %parallel_loop3A_281] {strides = array<i32>} : memref<2x32x512xf32, #tpu.memory_space<vmem>>, vector<16xf32>,
        tpu.vector_store_idx %arg9[%parallel_loop3A_278], %parallel_loop3A_282 {add = true} : memref<32768xf32, #tpu.memory_space<vmem>>[vector<16xi32>], vector<16xf32>,
        %parallel_loop3A_283 = arith.constant 144 : i32
        %parallel_loop3A_284 = vector.broadcast %parallel_loop3A_283 : i32 to vector<16xi32>
        %parallel_loop3A_285 = arith.addi %parallel_loop3A_219, %parallel_loop3A_284 : vector<16xi32>
        %parallel_loop3A_286 = arith.index_cast %select_n3A_129 : i32 to index
        %parallel_loop3A_287 = arith.index_cast %parallel_loop3A_212 : i32 to index
        %parallel_loop3A_288 = arith.constant 144 : index
        %parallel_loop3A_289 = tpu.vector_load %arg8[%parallel_loop3A_286, %parallel_loop3A_287, %parallel_loop3A_288] {strides = array<i32>} : memref<2x32x512xf32, #tpu.memory_space<vmem>>, vector<16xf32>,
        tpu.vector_store_idx %arg9[%parallel_loop3A_285], %parallel_loop3A_289 {add = true} : memref<32768xf32, #tpu.memory_space<vmem>>[vector<16xi32>], vector<16xf32>,
        %parallel_loop3A_290 = arith.constant 160 : i32
        %parallel_loop3A_291 = vector.broadcast %parallel_loop3A_290 : i32 to vector<16xi32>
        %parallel_loop3A_292 = arith.addi %parallel_loop3A_219, %parallel_loop3A_291 : vector<16xi32>
        %parallel_loop3A_293 = arith.index_cast %select_n3A_129 : i32 to index
        %parallel_loop3A_294 = arith.index_cast %parallel_loop3A_212 : i32 to index
        %parallel_loop3A_295 = arith.constant 160 : index
        %parallel_loop3A_296 = tpu.vector_load %arg8[%parallel_loop3A_293, %parallel_loop3A_294, %parallel_loop3A_295] {strides = array<i32>} : memref<2x32x512xf32, #tpu.memory_space<vmem>>, vector<16xf32>,
        tpu.vector_store_idx %arg9[%parallel_loop3A_292], %parallel_loop3A_296 {add = true} : memref<32768xf32, #tpu.memory_space<vmem>>[vector<16xi32>], vector<16xf32>,
        %parallel_loop3A_297 = arith.constant 176 : i32
        %parallel_loop3A_298 = vector.broadcast %parallel_loop3A_297 : i32 to vector<16xi32>
        %parallel_loop3A_299 = arith.addi %parallel_loop3A_219, %parallel_loop3A_298 : vector<16xi32>
        %parallel_loop3A_300 = arith.index_cast %select_n3A_129 : i32 to index
        %parallel_loop3A_301 = arith.index_cast %parallel_loop3A_212 : i32 to index
        %parallel_loop3A_302 = arith.constant 176 : index
        %parallel_loop3A_303 = tpu.vector_load %arg8[%parallel_loop3A_300, %parallel_loop3A_301, %parallel_loop3A_302] {strides = array<i32>} : memref<2x32x512xf32, #tpu.memory_space<vmem>>, vector<16xf32>,
        tpu.vector_store_idx %arg9[%parallel_loop3A_299], %parallel_loop3A_303 {add = true} : memref<32768xf32, #tpu.memory_space<vmem>>[vector<16xi32>], vector<16xf32>,
        %parallel_loop3A_304 = arith.constant 192 : i32
        %parallel_loop3A_305 = vector.broadcast %parallel_loop3A_304 : i32 to vector<16xi32>
        %parallel_loop3A_306 = arith.addi %parallel_loop3A_219, %parallel_loop3A_305 : vector<16xi32>
        %parallel_loop3A_307 = arith.index_cast %select_n3A_129 : i32 to index
        %parallel_loop3A_308 = arith.index_cast %parallel_loop3A_212 : i32 to index
        %parallel_loop3A_309 = arith.constant 192 : index
        %parallel_loop3A_310 = tpu.vector_load %arg8[%parallel_loop3A_307, %parallel_loop3A_308, %parallel_loop3A_309] {strides = array<i32>} : memref<2x32x512xf32, #tpu.memory_space<vmem>>, vector<16xf32>,
        tpu.vector_store_idx %arg9[%parallel_loop3A_306], %parallel_loop3A_310 {add = true} : memref<32768xf32, #tpu.memory_space<vmem>>[vector<16xi32>], vector<16xf32>,
        %parallel_loop3A_311 = arith.constant 208 : i32
        %parallel_loop3A_312 = vector.broadcast %parallel_loop3A_311 : i32 to vector<16xi32>
        %parallel_loop3A_313 = arith.addi %parallel_loop3A_219, %parallel_loop3A_312 : vector<16xi32>
        %parallel_loop3A_314 = arith.index_cast %select_n3A_129 : i32 to index
        %parallel_loop3A_315 = arith.index_cast %parallel_loop3A_212 : i32 to index
        %parallel_loop3A_316 = arith.constant 208 : index
        %parallel_loop3A_317 = tpu.vector_load %arg8[%parallel_loop3A_314, %parallel_loop3A_315, %parallel_loop3A_316] {strides = array<i32>} : memref<2x32x512xf32, #tpu.memory_space<vmem>>, vector<16xf32>,
        tpu.vector_store_idx %arg9[%parallel_loop3A_313], %parallel_loop3A_317 {add = true} : memref<32768xf32, #tpu.memory_space<vmem>>[vector<16xi32>], vector<16xf32>,
        %parallel_loop3A_318 = arith.constant 224 : i32
        %parallel_loop3A_319 = vector.broadcast %parallel_loop3A_318 : i32 to vector<16xi32>
        %parallel_loop3A_320 = arith.addi %parallel_loop3A_219, %parallel_loop3A_319 : vector<16xi32>
        %parallel_loop3A_321 = arith.index_cast %select_n3A_129 : i32 to index
        %parallel_loop3A_322 = arith.index_cast %parallel_loop3A_212 : i32 to index
        %parallel_loop3A_323 = arith.constant 224 : index
        %parallel_loop3A_324 = tpu.vector_load %arg8[%parallel_loop3A_321, %parallel_loop3A_322, %parallel_loop3A_323] {strides = array<i32>} : memref<2x32x512xf32, #tpu.memory_space<vmem>>, vector<16xf32>,
        tpu.vector_store_idx %arg9[%parallel_loop3A_320], %parallel_loop3A_324 {add = true} : memref<32768xf32, #tpu.memory_space<vmem>>[vector<16xi32>], vector<16xf32>,
        %parallel_loop3A_325 = arith.constant 240 : i32
        %parallel_loop3A_326 = vector.broadcast %parallel_loop3A_325 : i32 to vector<16xi32>
        %parallel_loop3A_327 = arith.addi %parallel_loop3A_219, %parallel_loop3A_326 : vector<16xi32>
        %parallel_loop3A_328 = arith.index_cast %select_n3A_129 : i32 to index
        %parallel_loop3A_329 = arith.index_cast %parallel_loop3A_212 : i32 to index
        %parallel_loop3A_330 = arith.constant 240 : index
        %parallel_loop3A_331 = tpu.vector_load %arg8[%parallel_loop3A_328, %parallel_loop3A_329, %parallel_loop3A_330] {strides = array<i32>} : memref<2x32x512xf32, #tpu.memory_space<vmem>>, vector<16xf32>,
        tpu.vector_store_idx %arg9[%parallel_loop3A_327], %parallel_loop3A_331 {add = true} : memref<32768xf32, #tpu.memory_space<vmem>>[vector<16xi32>], vector<16xf32>,
        %parallel_loop3A_332 = arith.constant 256 : i32
        %parallel_loop3A_333 = vector.broadcast %parallel_loop3A_332 : i32 to vector<16xi32>
        %parallel_loop3A_334 = arith.addi %parallel_loop3A_219, %parallel_loop3A_333 : vector<16xi32>
        %parallel_loop3A_335 = arith.index_cast %select_n3A_129 : i32 to index
        %parallel_loop3A_336 = arith.index_cast %parallel_loop3A_212 : i32 to index
        %parallel_loop3A_337 = arith.constant 256 : index
        %parallel_loop3A_338 = tpu.vector_load %arg8[%parallel_loop3A_335, %parallel_loop3A_336, %parallel_loop3A_337] {strides = array<i32>} : memref<2x32x512xf32, #tpu.memory_space<vmem>>, vector<16xf32>,
        tpu.vector_store_idx %arg9[%parallel_loop3A_334], %parallel_loop3A_338 {add = true} : memref<32768xf32, #tpu.memory_space<vmem>>[vector<16xi32>], vector<16xf32>,
        %parallel_loop3A_339 = arith.constant 272 : i32
        %parallel_loop3A_340 = vector.broadcast %parallel_loop3A_339 : i32 to vector<16xi32>
        %parallel_loop3A_341 = arith.addi %parallel_loop3A_219, %parallel_loop3A_340 : vector<16xi32>
        %parallel_loop3A_342 = arith.index_cast %select_n3A_129 : i32 to index
        %parallel_loop3A_343 = arith.index_cast %parallel_loop3A_212 : i32 to index
        %parallel_loop3A_344 = arith.constant 272 : index
        %parallel_loop3A_345 = tpu.vector_load %arg8[%parallel_loop3A_342, %parallel_loop3A_343, %parallel_loop3A_344] {strides = array<i32>} : memref<2x32x512xf32, #tpu.memory_space<vmem>>, vector<16xf32>,
        tpu.vector_store_idx %arg9[%parallel_loop3A_341], %parallel_loop3A_345 {add = true} : memref<32768xf32, #tpu.memory_space<vmem>>[vector<16xi32>], vector<16xf32>,
        %parallel_loop3A_346 = arith.constant 288 : i32
        %parallel_loop3A_347 = vector.broadcast %parallel_loop3A_346 : i32 to vector<16xi32>
        %parallel_loop3A_348 = arith.addi %parallel_loop3A_219, %parallel_loop3A_347 : vector<16xi32>
        %parallel_loop3A_349 = arith.index_cast %select_n3A_129 : i32 to index
        %parallel_loop3A_350 = arith.index_cast %parallel_loop3A_212 : i32 to index
        %parallel_loop3A_351 = arith.constant 288 : index
        %parallel_loop3A_352 = tpu.vector_load %arg8[%parallel_loop3A_349, %parallel_loop3A_350, %parallel_loop3A_351] {strides = array<i32>} : memref<2x32x512xf32, #tpu.memory_space<vmem>>, vector<16xf32>,
        tpu.vector_store_idx %arg9[%parallel_loop3A_348], %parallel_loop3A_352 {add = true} : memref<32768xf32, #tpu.memory_space<vmem>>[vector<16xi32>], vector<16xf32>,
        %parallel_loop3A_353 = arith.constant 304 : i32
        %parallel_loop3A_354 = vector.broadcast %parallel_loop3A_353 : i32 to vector<16xi32>
        %parallel_loop3A_355 = arith.addi %parallel_loop3A_219, %parallel_loop3A_354 : vector<16xi32>
        %parallel_loop3A_356 = arith.index_cast %select_n3A_129 : i32 to index
        %parallel_loop3A_357 = arith.index_cast %parallel_loop3A_212 : i32 to index
        %parallel_loop3A_358 = arith.constant 304 : index
        %parallel_loop3A_359 = tpu.vector_load %arg8[%parallel_loop3A_356, %parallel_loop3A_357, %parallel_loop3A_358] {strides = array<i32>} : memref<2x32x512xf32, #tpu.memory_space<vmem>>, vector<16xf32>,
        tpu.vector_store_idx %arg9[%parallel_loop3A_355], %parallel_loop3A_359 {add = true} : memref<32768xf32, #tpu.memory_space<vmem>>[vector<16xi32>], vector<16xf32>,
        %parallel_loop3A_360 = arith.constant 320 : i32
        %parallel_loop3A_361 = vector.broadcast %parallel_loop3A_360 : i32 to vector<16xi32>
        %parallel_loop3A_362 = arith.addi %parallel_loop3A_219, %parallel_loop3A_361 : vector<16xi32>
        %parallel_loop3A_363 = arith.index_cast %select_n3A_129 : i32 to index
        %parallel_loop3A_364 = arith.index_cast %parallel_loop3A_212 : i32 to index
        %parallel_loop3A_365 = arith.constant 320 : index
        %parallel_loop3A_366 = tpu.vector_load %arg8[%parallel_loop3A_363, %parallel_loop3A_364, %parallel_loop3A_365] {strides = array<i32>} : memref<2x32x512xf32, #tpu.memory_space<vmem>>, vector<16xf32>,
        tpu.vector_store_idx %arg9[%parallel_loop3A_362], %parallel_loop3A_366 {add = true} : memref<32768xf32, #tpu.memory_space<vmem>>[vector<16xi32>], vector<16xf32>,
        %parallel_loop3A_367 = arith.constant 336 : i32
        %parallel_loop3A_368 = vector.broadcast %parallel_loop3A_367 : i32 to vector<16xi32>
        %parallel_loop3A_369 = arith.addi %parallel_loop3A_219, %parallel_loop3A_368 : vector<16xi32>
        %parallel_loop3A_370 = arith.index_cast %select_n3A_129 : i32 to index
        %parallel_loop3A_371 = arith.index_cast %parallel_loop3A_212 : i32 to index
        %parallel_loop3A_372 = arith.constant 336 : index
        %parallel_loop3A_373 = tpu.vector_load %arg8[%parallel_loop3A_370, %parallel_loop3A_371, %parallel_loop3A_372] {strides = array<i32>} : memref<2x32x512xf32, #tpu.memory_space<vmem>>, vector<16xf32>,
        tpu.vector_store_idx %arg9[%parallel_loop3A_369], %parallel_loop3A_373 {add = true} : memref<32768xf32, #tpu.memory_space<vmem>>[vector<16xi32>], vector<16xf32>,
        %parallel_loop3A_374 = arith.constant 352 : i32
        %parallel_loop3A_375 = vector.broadcast %parallel_loop3A_374 : i32 to vector<16xi32>
        %parallel_loop3A_376 = arith.addi %parallel_loop3A_219, %parallel_loop3A_375 : vector<16xi32>
        %parallel_loop3A_377 = arith.index_cast %select_n3A_129 : i32 to index
        %parallel_loop3A_378 = arith.index_cast %parallel_loop3A_212 : i32 to index
        %parallel_loop3A_379 = arith.constant 352 : index
        %parallel_loop3A_380 = tpu.vector_load %arg8[%parallel_loop3A_377, %parallel_loop3A_378, %parallel_loop3A_379] {strides = array<i32>} : memref<2x32x512xf32, #tpu.memory_space<vmem>>, vector<16xf32>,
        tpu.vector_store_idx %arg9[%parallel_loop3A_376], %parallel_loop3A_380 {add = true} : memref<32768xf32, #tpu.memory_space<vmem>>[vector<16xi32>], vector<16xf32>,
        %parallel_loop3A_381 = arith.constant 368 : i32
        %parallel_loop3A_382 = vector.broadcast %parallel_loop3A_381 : i32 to vector<16xi32>
        %parallel_loop3A_383 = arith.addi %parallel_loop3A_219, %parallel_loop3A_382 : vector<16xi32>
        %parallel_loop3A_384 = arith.index_cast %select_n3A_129 : i32 to index
        %parallel_loop3A_385 = arith.index_cast %parallel_loop3A_212 : i32 to index
        %parallel_loop3A_386 = arith.constant 368 : index
        %parallel_loop3A_387 = tpu.vector_load %arg8[%parallel_loop3A_384, %parallel_loop3A_385, %parallel_loop3A_386] {strides = array<i32>} : memref<2x32x512xf32, #tpu.memory_space<vmem>>, vector<16xf32>,
        tpu.vector_store_idx %arg9[%parallel_loop3A_383], %parallel_loop3A_387 {add = true} : memref<32768xf32, #tpu.memory_space<vmem>>[vector<16xi32>], vector<16xf32>,
        %parallel_loop3A_388 = arith.constant 384 : i32
        %parallel_loop3A_389 = vector.broadcast %parallel_loop3A_388 : i32 to vector<16xi32>
        %parallel_loop3A_390 = arith.addi %parallel_loop3A_219, %parallel_loop3A_389 : vector<16xi32>
        %parallel_loop3A_391 = arith.index_cast %select_n3A_129 : i32 to index
        %parallel_loop3A_392 = arith.index_cast %parallel_loop3A_212 : i32 to index
        %parallel_loop3A_393 = arith.constant 384 : index
        %parallel_loop3A_394 = tpu.vector_load %arg8[%parallel_loop3A_391, %parallel_loop3A_392, %parallel_loop3A_393] {strides = array<i32>} : memref<2x32x512xf32, #tpu.memory_space<vmem>>, vector<16xf32>,
        tpu.vector_store_idx %arg9[%parallel_loop3A_390], %parallel_loop3A_394 {add = true} : memref<32768xf32, #tpu.memory_space<vmem>>[vector<16xi32>], vector<16xf32>,
        %parallel_loop3A_395 = arith.constant 400 : i32
        %parallel_loop3A_396 = vector.broadcast %parallel_loop3A_395 : i32 to vector<16xi32>
        %parallel_loop3A_397 = arith.addi %parallel_loop3A_219, %parallel_loop3A_396 : vector<16xi32>
        %parallel_loop3A_398 = arith.index_cast %select_n3A_129 : i32 to index
        %parallel_loop3A_399 = arith.index_cast %parallel_loop3A_212 : i32 to index
        %parallel_loop3A_400 = arith.constant 400 : index
        %parallel_loop3A_401 = tpu.vector_load %arg8[%parallel_loop3A_398, %parallel_loop3A_399, %parallel_loop3A_400] {strides = array<i32>} : memref<2x32x512xf32, #tpu.memory_space<vmem>>, vector<16xf32>,
        tpu.vector_store_idx %arg9[%parallel_loop3A_397], %parallel_loop3A_401 {add = true} : memref<32768xf32, #tpu.memory_space<vmem>>[vector<16xi32>], vector<16xf32>,
        %parallel_loop3A_402 = arith.constant 416 : i32
        %parallel_loop3A_403 = vector.broadcast %parallel_loop3A_402 : i32 to vector<16xi32>
        %parallel_loop3A_404 = arith.addi %parallel_loop3A_219, %parallel_loop3A_403 : vector<16xi32>
        %parallel_loop3A_405 = arith.index_cast %select_n3A_129 : i32 to index
        %parallel_loop3A_406 = arith.index_cast %parallel_loop3A_212 : i32 to index
        %parallel_loop3A_407 = arith.constant 416 : index
        %parallel_loop3A_408 = tpu.vector_load %arg8[%parallel_loop3A_405, %parallel_loop3A_406, %parallel_loop3A_407] {strides = array<i32>} : memref<2x32x512xf32, #tpu.memory_space<vmem>>, vector<16xf32>,
        tpu.vector_store_idx %arg9[%parallel_loop3A_404], %parallel_loop3A_408 {add = true} : memref<32768xf32, #tpu.memory_space<vmem>>[vector<16xi32>], vector<16xf32>,
        %parallel_loop3A_409 = arith.constant 432 : i32
        %parallel_loop3A_410 = vector.broadcast %parallel_loop3A_409 : i32 to vector<16xi32>
        %parallel_loop3A_411 = arith.addi %parallel_loop3A_219, %parallel_loop3A_410 : vector<16xi32>
        %parallel_loop3A_412 = arith.index_cast %select_n3A_129 : i32 to index
        %parallel_loop3A_413 = arith.index_cast %parallel_loop3A_212 : i32 to index
        %parallel_loop3A_414 = arith.constant 432 : index
        %parallel_loop3A_415 = tpu.vector_load %arg8[%parallel_loop3A_412, %parallel_loop3A_413, %parallel_loop3A_414] {strides = array<i32>} : memref<2x32x512xf32, #tpu.memory_space<vmem>>, vector<16xf32>,
        tpu.vector_store_idx %arg9[%parallel_loop3A_411], %parallel_loop3A_415 {add = true} : memref<32768xf32, #tpu.memory_space<vmem>>[vector<16xi32>], vector<16xf32>,
        %parallel_loop3A_416 = arith.constant 448 : i32
        %parallel_loop3A_417 = vector.broadcast %parallel_loop3A_416 : i32 to vector<16xi32>
        %parallel_loop3A_418 = arith.addi %parallel_loop3A_219, %parallel_loop3A_417 : vector<16xi32>
        %parallel_loop3A_419 = arith.index_cast %select_n3A_129 : i32 to index
        %parallel_loop3A_420 = arith.index_cast %parallel_loop3A_212 : i32 to index
        %parallel_loop3A_421 = arith.constant 448 : index
        %parallel_loop3A_422 = tpu.vector_load %arg8[%parallel_loop3A_419, %parallel_loop3A_420, %parallel_loop3A_421] {strides = array<i32>} : memref<2x32x512xf32, #tpu.memory_space<vmem>>, vector<16xf32>,
        tpu.vector_store_idx %arg9[%parallel_loop3A_418], %parallel_loop3A_422 {add = true} : memref<32768xf32, #tpu.memory_space<vmem>>[vector<16xi32>], vector<16xf32>,
        %parallel_loop3A_423 = arith.constant 464 : i32
        %parallel_loop3A_424 = vector.broadcast %parallel_loop3A_423 : i32 to vector<16xi32>
        %parallel_loop3A_425 = arith.addi %parallel_loop3A_219, %parallel_loop3A_424 : vector<16xi32>
        %parallel_loop3A_426 = arith.index_cast %select_n3A_129 : i32 to index
        %parallel_loop3A_427 = arith.index_cast %parallel_loop3A_212 : i32 to index
        %parallel_loop3A_428 = arith.constant 464 : index
        %parallel_loop3A_429 = tpu.vector_load %arg8[%parallel_loop3A_426, %parallel_loop3A_427, %parallel_loop3A_428] {strides = array<i32>} : memref<2x32x512xf32, #tpu.memory_space<vmem>>, vector<16xf32>,
        tpu.vector_store_idx %arg9[%parallel_loop3A_425], %parallel_loop3A_429 {add = true} : memref<32768xf32, #tpu.memory_space<vmem>>[vector<16xi32>], vector<16xf32>,
        %parallel_loop3A_430 = arith.constant 480 : i32
        %parallel_loop3A_431 = vector.broadcast %parallel_loop3A_430 : i32 to vector<16xi32>
        %parallel_loop3A_432 = arith.addi %parallel_loop3A_219, %parallel_loop3A_431 : vector<16xi32>
        %parallel_loop3A_433 = arith.index_cast %select_n3A_129 : i32 to index
        %parallel_loop3A_434 = arith.index_cast %parallel_loop3A_212 : i32 to index
        %parallel_loop3A_435 = arith.constant 480 : index
        %parallel_loop3A_436 = tpu.vector_load %arg8[%parallel_loop3A_433, %parallel_loop3A_434, %parallel_loop3A_435] {strides = array<i32>} : memref<2x32x512xf32, #tpu.memory_space<vmem>>, vector<16xf32>,
        tpu.vector_store_idx %arg9[%parallel_loop3A_432], %parallel_loop3A_436 {add = true} : memref<32768xf32, #tpu.memory_space<vmem>>[vector<16xi32>], vector<16xf32>,
        %parallel_loop3A_437 = arith.constant 496 : i32
        %parallel_loop3A_438 = vector.broadcast %parallel_loop3A_437 : i32 to vector<16xi32>
        %parallel_loop3A_439 = arith.addi %parallel_loop3A_219, %parallel_loop3A_438 : vector<16xi32>
        %parallel_loop3A_440 = arith.index_cast %select_n3A_129 : i32 to index
        %parallel_loop3A_441 = arith.index_cast %parallel_loop3A_212 : i32 to index
        %parallel_loop3A_442 = arith.constant 496 : index
        %parallel_loop3A_443 = tpu.vector_load %arg8[%parallel_loop3A_440, %parallel_loop3A_441, %parallel_loop3A_442] {strides = array<i32>} : memref<2x32x512xf32, #tpu.memory_space<vmem>>, vector<16xf32>,
        tpu.vector_store_idx %arg9[%parallel_loop3A_439], %parallel_loop3A_443 {add = true} : memref<32768xf32, #tpu.memory_space<vmem>>[vector<16xi32>], vector<16xf32>,
      } {sc.loop_unroll_factor = 4 : i64, sc.parallel_access}
      %jit3A_191 = arith.constant 8 : i32
      %eq3A_192 = arith.constant 0 : i32
      %eq3A_193 = arith.cmpi eq, %jit3A_191, %eq3A_192 : i32
      %jit3A_194 = arith.constant 1 : i32
      %select_n3A_195 = arith.select %eq3A_193, %jit3A_194, %jit3A_191 : i32
      %rem3A_196 = arith.remsi %scan3A_113, %select_n3A_195 : i32
      %ne3A_197 = arith.constant 0 : i32
      %ne3A_198 = arith.cmpi ne, %rem3A_196, %ne3A_197 : i32
      %lt3A_199 = arith.constant 0 : i32
      %lt3A_200 = arith.cmpi slt, %rem3A_196, %lt3A_199 : i32
      %lt3A_201 = arith.constant 0 : i32
      %lt3A_202 = arith.cmpi slt, %select_n3A_195, %lt3A_201 : i32
      %ne3A_203 = arith.xori %lt3A_200, %lt3A_202 : i1
      %and3A_204 = arith.andi %ne3A_203, %ne3A_198 : i1
      %add3A_205 = arith.addi %rem3A_196, %select_n3A_195 : i32
      %select_n3A_206 = arith.select %and3A_204, %add3A_205, %rem3A_196 : i32
      %eq3A_207 = arith.constant 7 : i32
      %eq3A_208 = arith.cmpi eq, %select_n3A_206, %eq3A_207 : i32
      %convert_element_type3A_209 = arith.extui %eq3A_208 : i1 to i32
      %cond3A_210 = arith.constant 0 : i32
      %cond3A_211 = arith.cmpi ne, %convert_element_type3A_209, %cond3A_210 : i32
      scf.if %cond3A_211 {
        %jit3A_212 = arith.constant 8 : i32
        %div3A_213 = arith.divsi %scan3A_113, %jit3A_212 : i32
        %sign3A_214 = arith.constant 0 : i32
        %sign3A_215 = arith.cmpi sgt, %scan3A_113, %sign3A_214 : i32
        %sign3A_216 = arith.extui %sign3A_215 : i1 to i32
        %sign3A_217 = arith.constant 0 : i32
        %sign3A_218 = arith.cmpi slt, %scan3A_113, %sign3A_217 : i32
        %sign3A_219 = arith.extui %sign3A_218 : i1 to i32
        %sign3A_220 = arith.subi %sign3A_216, %sign3A_219 : i32
        %sign3A_221 = arith.constant 0 : i32
        %sign3A_222 = arith.cmpi sgt, %jit3A_212, %sign3A_221 : i32
        %sign3A_223 = arith.extui %sign3A_222 : i1 to i32
        %sign3A_224 = arith.constant 0 : i32
        %sign3A_225 = arith.cmpi slt, %jit3A_212, %sign3A_224 : i32
        %sign3A_226 = arith.extui %sign3A_225 : i1 to i32
        %sign3A_227 = arith.subi %sign3A_223, %sign3A_226 : i32
        %ne3A_228 = arith.cmpi ne, %sign3A_220, %sign3A_227 : i32
        %rem3A_229 = arith.remsi %scan3A_113, %jit3A_212 : i32
        %ne3A_230 = arith.constant 0 : i32
        %ne3A_231 = arith.cmpi ne, %rem3A_229, %ne3A_230 : i32
        %and3A_232 = arith.andi %ne3A_228, %ne3A_231 : i1
        %sub3A_233 = arith.constant 1 : i32
        %sub3A_234 = arith.subi %div3A_213, %sub3A_233 : i32
        %select_n3A_235 = arith.select %and3A_232, %sub3A_234, %div3A_213 : i32
        %mul3A_236 = arith.constant 4 : i32
        %mul3A_237 = arith.muli %add3A, %mul3A_236 : i32
        %add3A_238 = arith.addi %mul3A_237, %select_n3A_235 : i32
        %mul3A_239 = arith.constant 16 : i32
        %mul3A_240 = arith.muli %add3A_238, %mul3A_239 : i32
        %jit3A_241 = arith.constant 1024 : i32
        %div3A_242 = arith.divsi %mul3A_240, %jit3A_241 : i32
        %sign3A_243 = arith.constant 0 : i32
        %sign3A_244 = arith.cmpi sgt, %mul3A_240, %sign3A_243 : i32
        %sign3A_245 = arith.extui %sign3A_244 : i1 to i32
        %sign3A_246 = arith.constant 0 : i32
        %sign3A_247 = arith.cmpi slt, %mul3A_240, %sign3A_246 : i32
        %sign3A_248 = arith.extui %sign3A_247 : i1 to i32
        %sign3A_249 = arith.subi %sign3A_245, %sign3A_248 : i32
        %sign3A_250 = arith.constant 0 : i32
        %sign3A_251 = arith.cmpi sgt, %jit3A_241, %sign3A_250 : i32
        %sign3A_252 = arith.extui %sign3A_251 : i1 to i32
        %sign3A_253 = arith.constant 0 : i32
        %sign3A_254 = arith.cmpi slt, %jit3A_241, %sign3A_253 : i32
        %sign3A_255 = arith.extui %sign3A_254 : i1 to i32
        %sign3A_256 = arith.subi %sign3A_252, %sign3A_255 : i32
        %ne3A_257 = arith.cmpi ne, %sign3A_249, %sign3A_256 : i32
        %rem3A_258 = arith.remsi %mul3A_240, %jit3A_241 : i32
        %ne3A_259 = arith.constant 0 : i32
        %ne3A_260 = arith.cmpi ne, %rem3A_258, %ne3A_259 : i32
        %and3A_261 = arith.andi %ne3A_257, %ne3A_260 : i1
        %sub3A_262 = arith.constant 1 : i32
        %sub3A_263 = arith.subi %div3A_242, %sub3A_262 : i32
        %select_n3A_264 = arith.select %and3A_261, %sub3A_263, %div3A_242 : i32
        %jit3A_265 = arith.constant 1024 : i32
        %eq3A_266 = arith.constant 0 : i32
        %eq3A_267 = arith.cmpi eq, %jit3A_265, %eq3A_266 : i32
        %jit3A_268 = arith.constant 1 : i32
        %select_n3A_269 = arith.select %eq3A_267, %jit3A_268, %jit3A_265 : i32
        %rem3A_270 = arith.remsi %mul3A_240, %select_n3A_269 : i32
        %ne3A_271 = arith.constant 0 : i32
        %ne3A_272 = arith.cmpi ne, %rem3A_270, %ne3A_271 : i32
        %lt3A_273 = arith.constant 0 : i32
        %lt3A_274 = arith.cmpi slt, %rem3A_270, %lt3A_273 : i32
        %lt3A_275 = arith.constant 0 : i32
        %lt3A_276 = arith.cmpi slt, %select_n3A_269, %lt3A_275 : i32
        %ne3A_277 = arith.xori %lt3A_274, %lt3A_276 : i1
        %and3A_278 = arith.andi %ne3A_277, %ne3A_272 : i1
        %add3A_279 = arith.addi %rem3A_270, %select_n3A_269 : i32
        %select_n3A_280 = arith.select %and3A_278, %add3A_279, %rem3A_270 : i32
        %mul3A_281 = arith.constant 4096 : i32
        %mul3A_282 = arith.muli %select_n3A_264, %mul3A_281 : i32
        %add3A_283 = arith.constant 0 : i32
        %add3A_284 = arith.addi %mul3A_282, %add3A_283 : i32
        %add3A_285 = arith.addi %add3A_284, %select_n3A_280 : i32
        %mul3A_286 = arith.constant 512 : i32
        %mul3A_287 = arith.muli %add3A_285, %mul3A_286 : i32
        %multiple_of3A_288 = tpu.assume_multiple %mul3A_287, 8192 : i32
        %dma_start3A_289 = arith.constant 0 : i32
        %dma_start3A_290 = tpu.memref_slice %arg9[%dma_start3A_289] : memref<32768xf32, #tpu.memory_space<vmem>> -> memref<8192xf32, #tpu.memory_space<vmem>>
        %dma_start3A_291 = tpu.memref_slice %arg5[%multiple_of3A_288] : memref<4194304xf32, #tpu.memory_space<hbm>> -> memref<8192xf32, #tpu.memory_space<hbm>>
        %dma_start3A_292 = tpu.memref_slice %arg5[%multiple_of3A_288] : memref<4194304xf32, #tpu.memory_space<hbm>> -> memref<8192xf32, #tpu.memory_space<hbm>>
        %dma_start3A_293 = arith.constant 0 : i32
        %dma_start3A_294 = tpu.memref_slice %arg9[%dma_start3A_293] : memref<32768xf32, #tpu.memory_space<vmem>> -> memref<8192xf32, #tpu.memory_space<vmem>>
        tpu.enqueue_dma source(%dma_start3A_294 : memref<8192xf32, #tpu.memory_space<vmem>>) target(%dma_start3A_292 : memref<8192xf32, #tpu.memory_space<hbm>>) target_semaphore(%arg11 : memref<!tpu.dma_semaphore, #tpu.memory_space<semaphore_mem>>)
        %mul3A_295 = arith.constant 4096 : i32
        %mul3A_296 = arith.muli %select_n3A_264, %mul3A_295 : i32
        %add3A_297 = arith.constant 1024 : i32
        %add3A_298 = arith.addi %mul3A_296, %add3A_297 : i32
        %add3A_299 = arith.addi %add3A_298, %select_n3A_280 : i32
        %mul3A_300 = arith.constant 512 : i32
        %mul3A_301 = arith.muli %add3A_299, %mul3A_300 : i32
        %multiple_of3A_302 = tpu.assume_multiple %mul3A_301, 8192 : i32
        %dma_start3A_303 = arith.constant 8192 : i32
        %dma_start3A_304 = tpu.memref_slice %arg9[%dma_start3A_303] : memref<32768xf32, #tpu.memory_space<vmem>> -> memref<8192xf32, #tpu.memory_space<vmem>>
        %dma_start3A_305 = tpu.memref_slice %arg5[%multiple_of3A_302] : memref<4194304xf32, #tpu.memory_space<hbm>> -> memref<8192xf32, #tpu.memory_space<hbm>>
        %dma_start3A_306 = tpu.memref_slice %arg5[%multiple_of3A_302] : memref<4194304xf32, #tpu.memory_space<hbm>> -> memref<8192xf32, #tpu.memory_space<hbm>>
        %dma_start3A_307 = arith.constant 8192 : i32
        %dma_start3A_308 = tpu.memref_slice %arg9[%dma_start3A_307] : memref<32768xf32, #tpu.memory_space<vmem>> -> memref<8192xf32, #tpu.memory_space<vmem>>
        tpu.enqueue_dma source(%dma_start3A_308 : memref<8192xf32, #tpu.memory_space<vmem>>) target(%dma_start3A_306 : memref<8192xf32, #tpu.memory_space<hbm>>) target_semaphore(%arg11 : memref<!tpu.dma_semaphore, #tpu.memory_space<semaphore_mem>>)
        %mul3A_309 = arith.constant 4096 : i32
        %mul3A_310 = arith.muli %select_n3A_264, %mul3A_309 : i32
        %add3A_311 = arith.constant 2048 : i32
        %add3A_312 = arith.addi %mul3A_310, %add3A_311 : i32
        %add3A_313 = arith.addi %add3A_312, %select_n3A_280 : i32
        %mul3A_314 = arith.constant 512 : i32
        %mul3A_315 = arith.muli %add3A_313, %mul3A_314 : i32
        %multiple_of3A_316 = tpu.assume_multiple %mul3A_315, 8192 : i32
        %dma_start3A_317 = arith.constant 16384 : i32
        %dma_start3A_318 = tpu.memref_slice %arg9[%dma_start3A_317] : memref<32768xf32, #tpu.memory_space<vmem>> -> memref<8192xf32, #tpu.memory_space<vmem>>
        %dma_start3A_319 = tpu.memref_slice %arg5[%multiple_of3A_316] : memref<4194304xf32, #tpu.memory_space<hbm>> -> memref<8192xf32, #tpu.memory_space<hbm>>
        %dma_start3A_320 = tpu.memref_slice %arg5[%multiple_of3A_316] : memref<4194304xf32, #tpu.memory_space<hbm>> -> memref<8192xf32, #tpu.memory_space<hbm>>
        %dma_start3A_321 = arith.constant 16384 : i32
        %dma_start3A_322 = tpu.memref_slice %arg9[%dma_start3A_321] : memref<32768xf32, #tpu.memory_space<vmem>> -> memref<8192xf32, #tpu.memory_space<vmem>>
        tpu.enqueue_dma source(%dma_start3A_322 : memref<8192xf32, #tpu.memory_space<vmem>>) target(%dma_start3A_320 : memref<8192xf32, #tpu.memory_space<hbm>>) target_semaphore(%arg11 : memref<!tpu.dma_semaphore, #tpu.memory_space<semaphore_mem>>)
        %mul3A_323 = arith.constant 4096 : i32
        %mul3A_324 = arith.muli %select_n3A_264, %mul3A_323 : i32
        %add3A_325 = arith.constant 3072 : i32
        %add3A_326 = arith.addi %mul3A_324, %add3A_325 : i32
        %add3A_327 = arith.addi %add3A_326, %select_n3A_280 : i32
        %mul3A_328 = arith.constant 512 : i32
        %mul3A_329 = arith.muli %add3A_327, %mul3A_328 : i32
        %multiple_of3A_330 = tpu.assume_multiple %mul3A_329, 8192 : i32
        %dma_start3A_331 = arith.constant 24576 : i32
        %dma_start3A_332 = tpu.memref_slice %arg9[%dma_start3A_331] : memref<32768xf32, #tpu.memory_space<vmem>> -> memref<8192xf32, #tpu.memory_space<vmem>>
        %dma_start3A_333 = tpu.memref_slice %arg5[%multiple_of3A_330] : memref<4194304xf32, #tpu.memory_space<hbm>> -> memref<8192xf32, #tpu.memory_space<hbm>>
        %dma_start3A_334 = tpu.memref_slice %arg5[%multiple_of3A_330] : memref<4194304xf32, #tpu.memory_space<hbm>> -> memref<8192xf32, #tpu.memory_space<hbm>>
        %dma_start3A_335 = arith.constant 24576 : i32
        %dma_start3A_336 = tpu.memref_slice %arg9[%dma_start3A_335] : memref<32768xf32, #tpu.memory_space<vmem>> -> memref<8192xf32, #tpu.memory_space<vmem>>
        tpu.enqueue_dma source(%dma_start3A_336 : memref<8192xf32, #tpu.memory_space<vmem>>) target(%dma_start3A_334 : memref<8192xf32, #tpu.memory_space<hbm>>) target_semaphore(%arg11 : memref<!tpu.dma_semaphore, #tpu.memory_space<semaphore_mem>>)
      } else {
      }
    }
    %scan3A_21 = arith.constant 32 : i32
    %mul3A_22 = arith.constant 4 : i32
    %mul3A_23 = arith.muli %add3A, %mul3A_22 : i32
    %add3A_24 = arith.constant 3 : i32
    %add3A_25 = arith.addi %mul3A_23, %add3A_24 : i32
    %mul3A_26 = arith.constant 16 : i32
    %mul3A_27 = arith.muli %add3A_25, %mul3A_26 : i32
    %jit3A = arith.constant 1024 : i32
    %div3A = arith.divsi %mul3A_27, %jit3A : i32
    %sign3A = arith.constant 0 : i32
    %sign3A_28 = arith.cmpi sgt, %mul3A_27, %sign3A : i32
    %sign3A_29 = arith.extui %sign3A_28 : i1 to i32
    %sign3A_30 = arith.constant 0 : i32
    %sign3A_31 = arith.cmpi slt, %mul3A_27, %sign3A_30 : i32
    %sign3A_32 = arith.extui %sign3A_31 : i1 to i32
    %sign3A_33 = arith.subi %sign3A_29, %sign3A_32 : i32
    %sign3A_34 = arith.constant 0 : i32
    %sign3A_35 = arith.cmpi sgt, %jit3A, %sign3A_34 : i32
    %sign3A_36 = arith.extui %sign3A_35 : i1 to i32
    %sign3A_37 = arith.constant 0 : i32
    %sign3A_38 = arith.cmpi slt, %jit3A, %sign3A_37 : i32
    %sign3A_39 = arith.extui %sign3A_38 : i1 to i32
    %sign3A_40 = arith.subi %sign3A_36, %sign3A_39 : i32
    %ne3A = arith.cmpi ne, %sign3A_33, %sign3A_40 : i32
    %rem3A = arith.remsi %mul3A_27, %jit3A : i32
    %ne3A_41 = arith.constant 0 : i32
    %ne3A_42 = arith.cmpi ne, %rem3A, %ne3A_41 : i32
    %and3A = arith.andi %ne3A, %ne3A_42 : i1
    %sub3A = arith.constant 1 : i32
    %sub3A_43 = arith.subi %div3A, %sub3A : i32
    %select_n3A = arith.select %and3A, %sub3A_43, %div3A : i32
    %jit3A_44 = arith.constant 1024 : i32
    %eq3A = arith.constant 0 : i32
    %eq3A_45 = arith.cmpi eq, %jit3A_44, %eq3A : i32
    %jit3A_46 = arith.constant 1 : i32
    %select_n3A_47 = arith.select %eq3A_45, %jit3A_46, %jit3A_44 : i32
    %rem3A_48 = arith.remsi %mul3A_27, %select_n3A_47 : i32
    %ne3A_49 = arith.constant 0 : i32
    %ne3A_50 = arith.cmpi ne, %rem3A_48, %ne3A_49 : i32
    %lt3A = arith.constant 0 : i32
    %lt3A_51 = arith.cmpi slt, %rem3A_48, %lt3A : i32
    %lt3A_52 = arith.constant 0 : i32
    %lt3A_53 = arith.cmpi slt, %select_n3A_47, %lt3A_52 : i32
    %ne3A_54 = arith.xori %lt3A_51, %lt3A_53 : i1
    %and3A_55 = arith.andi %ne3A_54, %ne3A_50 : i1
    %add3A_56 = arith.addi %rem3A_48, %select_n3A_47 : i32
    %select_n3A_57 = arith.select %and3A_55, %add3A_56, %rem3A_48 : i32
    %mul3A_58 = arith.constant 4096 : i32
    %mul3A_59 = arith.muli %select_n3A, %mul3A_58 : i32
    %add3A_60 = arith.constant 0 : i32
    %add3A_61 = arith.addi %mul3A_59, %add3A_60 : i32
    %add3A_62 = arith.addi %add3A_61, %select_n3A_57 : i32
    %mul3A_63 = arith.constant 512 : i32
    %mul3A_64 = arith.muli %add3A_62, %mul3A_63 : i32
    %multiple_of3A_65 = tpu.assume_multiple %mul3A_64, 8192 : i32
    %dma_wait3A = arith.constant 0 : i32
    %dma_wait3A_66 = tpu.memref_slice %arg9[%dma_wait3A] : memref<32768xf32, #tpu.memory_space<vmem>> -> memref<8192xf32, #tpu.memory_space<vmem>>
    %dma_wait3A_67 = tpu.memref_slice %arg5[%multiple_of3A_65] : memref<4194304xf32, #tpu.memory_space<hbm>> -> memref<8192xf32, #tpu.memory_space<hbm>>
    %dma_wait3A_68 = tpu.memref_slice %arg5[%multiple_of3A_65] : memref<4194304xf32, #tpu.memory_space<hbm>> -> memref<8192xf32, #tpu.memory_space<hbm>>
    %dma_wait3A_69 = arith.constant 0 : i32
    %dma_wait3A_70 = tpu.memref_slice %arg9[%dma_wait3A_69] : memref<32768xf32, #tpu.memory_space<vmem>> -> memref<8192xf32, #tpu.memory_space<vmem>>
    tpu.wait_dma2 semaphore(%arg11 : memref<!tpu.dma_semaphore, #tpu.memory_space<semaphore_mem>>) src(%dma_wait3A_70 : memref<8192xf32, #tpu.memory_space<vmem>>) dst(%dma_wait3A_68 : memref<8192xf32, #tpu.memory_space<hbm>>)
    %mul3A_71 = arith.constant 4096 : i32
    %mul3A_72 = arith.muli %select_n3A, %mul3A_71 : i32
    %add3A_73 = arith.constant 1024 : i32
    %add3A_74 = arith.addi %mul3A_72, %add3A_73 : i32
    %add3A_75 = arith.addi %add3A_74, %select_n3A_57 : i32
    %mul3A_76 = arith.constant 512 : i32
    %mul3A_77 = arith.muli %add3A_75, %mul3A_76 : i32
    %multiple_of3A_78 = tpu.assume_multiple %mul3A_77, 8192 : i32
    %dma_wait3A_79 = arith.constant 8192 : i32
    %dma_wait3A_80 = tpu.memref_slice %arg9[%dma_wait3A_79] : memref<32768xf32, #tpu.memory_space<vmem>> -> memref<8192xf32, #tpu.memory_space<vmem>>
    %dma_wait3A_81 = tpu.memref_slice %arg5[%multiple_of3A_78] : memref<4194304xf32, #tpu.memory_space<hbm>> -> memref<8192xf32, #tpu.memory_space<hbm>>
    %dma_wait3A_82 = tpu.memref_slice %arg5[%multiple_of3A_78] : memref<4194304xf32, #tpu.memory_space<hbm>> -> memref<8192xf32, #tpu.memory_space<hbm>>
    %dma_wait3A_83 = arith.constant 8192 : i32
    %dma_wait3A_84 = tpu.memref_slice %arg9[%dma_wait3A_83] : memref<32768xf32, #tpu.memory_space<vmem>> -> memref<8192xf32, #tpu.memory_space<vmem>>
    tpu.wait_dma2 semaphore(%arg11 : memref<!tpu.dma_semaphore, #tpu.memory_space<semaphore_mem>>) src(%dma_wait3A_84 : memref<8192xf32, #tpu.memory_space<vmem>>) dst(%dma_wait3A_82 : memref<8192xf32, #tpu.memory_space<hbm>>)
    %mul3A_85 = arith.constant 4096 : i32
    %mul3A_86 = arith.muli %select_n3A, %mul3A_85 : i32
    %add3A_87 = arith.constant 2048 : i32
    %add3A_88 = arith.addi %mul3A_86, %add3A_87 : i32
    %add3A_89 = arith.addi %add3A_88, %select_n3A_57 : i32
    %mul3A_90 = arith.constant 512 : i32
    %mul3A_91 = arith.muli %add3A_89, %mul3A_90 : i32
    %multiple_of3A_92 = tpu.assume_multiple %mul3A_91, 8192 : i32
    %dma_wait3A_93 = arith.constant 16384 : i32
    %dma_wait3A_94 = tpu.memref_slice %arg9[%dma_wait3A_93] : memref<32768xf32, #tpu.memory_space<vmem>> -> memref<8192xf32, #tpu.memory_space<vmem>>
    %dma_wait3A_95 = tpu.memref_slice %arg5[%multiple_of3A_92] : memref<4194304xf32, #tpu.memory_space<hbm>> -> memref<8192xf32, #tpu.memory_space<hbm>>
    %dma_wait3A_96 = tpu.memref_slice %arg5[%multiple_of3A_92] : memref<4194304xf32, #tpu.memory_space<hbm>> -> memref<8192xf32, #tpu.memory_space<hbm>>
    %dma_wait3A_97 = arith.constant 16384 : i32
    %dma_wait3A_98 = tpu.memref_slice %arg9[%dma_wait3A_97] : memref<32768xf32, #tpu.memory_space<vmem>> -> memref<8192xf32, #tpu.memory_space<vmem>>
    tpu.wait_dma2 semaphore(%arg11 : memref<!tpu.dma_semaphore, #tpu.memory_space<semaphore_mem>>) src(%dma_wait3A_98 : memref<8192xf32, #tpu.memory_space<vmem>>) dst(%dma_wait3A_96 : memref<8192xf32, #tpu.memory_space<hbm>>)
    %mul3A_99 = arith.constant 4096 : i32
    %mul3A_100 = arith.muli %select_n3A, %mul3A_99 : i32
    %add3A_101 = arith.constant 3072 : i32
    %add3A_102 = arith.addi %mul3A_100, %add3A_101 : i32
    %add3A_103 = arith.addi %add3A_102, %select_n3A_57 : i32
    %mul3A_104 = arith.constant 512 : i32
    %mul3A_105 = arith.muli %add3A_103, %mul3A_104 : i32
    %multiple_of3A_106 = tpu.assume_multiple %mul3A_105, 8192 : i32
    %dma_wait3A_107 = arith.constant 24576 : i32
    %dma_wait3A_108 = tpu.memref_slice %arg9[%dma_wait3A_107] : memref<32768xf32, #tpu.memory_space<vmem>> -> memref<8192xf32, #tpu.memory_space<vmem>>
    %dma_wait3A_109 = tpu.memref_slice %arg5[%multiple_of3A_106] : memref<4194304xf32, #tpu.memory_space<hbm>> -> memref<8192xf32, #tpu.memory_space<hbm>>
    %dma_wait3A_110 = tpu.memref_slice %arg5[%multiple_of3A_106] : memref<4194304xf32, #tpu.memory_space<hbm>> -> memref<8192xf32, #tpu.memory_space<hbm>>
    %dma_wait3A_111 = arith.constant 24576 : i32
    %dma_wait3A_112 = tpu.memref_slice %arg9[%dma_wait3A_111] : memref<32768xf32, #tpu.memory_space<vmem>> -> memref<8192xf32, #tpu.memory_space<vmem>>
    tpu.wait_dma2 semaphore(%arg11 : memref<!tpu.dma_semaphore, #tpu.memory_space<semaphore_mem>>) src(%dma_wait3A_112 : memref<8192xf32, #tpu.memory_space<vmem>>) dst(%dma_wait3A_110 : memref<8192xf32, #tpu.memory_space<hbm>>)
    return
  }
}

module attributes {stable_mosaic.version = 14 : i64} {
  func.func @_m_body(%arg0: i32, %arg1: memref<512x512xf32, #tpu.memory_space<vmem>>, %arg2: memref<1x512x512xf32, #tpu.memory_space<vmem>>, %arg3: memref<1x512x512xf32, #tpu.memory_space<vmem>>) attributes {dimension_semantics = [#tpu.dimension_semantics<arbitrary>], iteration_bounds = array<i64: 4>, scalar_prefetch = 0 : i64, scratch_operands = 0 : i64, tpu.core_type = #tpu.core_type<tc>, window_params = [{pipeline_mode = #tpu.pipeline_mode<synchronous>, transform_indices = @transform_0, window_bounds = array<i64: 512, 512>}, {transform_indices = @transform_1, window_bounds = array<i64: 1, 512, 512>}, {transform_indices = @transform_2, window_bounds = array<i64: 1, 512, 512>}]} {
    %get3A = arith.constant 0 : index
    %get3A_0 = arith.constant 0 : index
    %get3A_1 = vector.load %arg1[%get3A, %get3A_0] : memref<512x512xf32, #tpu.memory_space<vmem>>, vector<512x512xf32>
    %get3A_2 = arith.constant 0 : index
    %get3A_3 = arith.constant 0 : index
    %get3A_4 = arith.constant 0 : index
    %get3A_5 = vector.load %arg2[%get3A_2, %get3A_3, %get3A_4] : memref<1x512x512xf32, #tpu.memory_space<vmem>>, vector<1x512x512xf32>
    %get3A_6 = vector.shape_cast %get3A_5 : vector<1x512x512xf32> to vector<512x512xf32>
    %dot_general3A = arith.constant dense<0.000000e+00> : vector<512x512xf32>
    %dot_general3A_7 = tpu.matmul %get3A_1, %get3A_6, %dot_general3A {dimension_numbers = #tpu.dot_dimension_numbers<[1], [1], [0], [0], [0, 0, 1, 0], [], []>, transpose_lhs_hint = false} : vector<512x512xf32>, vector<512x512xf32>, vector<512x512xf32> -> vector<512x512xf32>
    %swap3A = arith.constant 0 : index
    %swap3A_8 = arith.constant 0 : index
    %swap3A_9 = arith.constant 0 : index
    %swap3A_10 = vector.load %arg3[%swap3A, %swap3A_8, %swap3A_9] : memref<1x512x512xf32, #tpu.memory_space<vmem>>, vector<1x512x512xf32>
    %swap3A_11 = vector.shape_cast %swap3A_10 : vector<1x512x512xf32> to vector<512x512xf32>
    %swap3A_12 = vector.shape_cast %dot_general3A_7 : vector<512x512xf32> to vector<1x512x512xf32>
    tpu.vector_store %arg3[%swap3A, %swap3A_8, %swap3A_9], %swap3A_12 {strides = array<i32>} : memref<1x512x512xf32, #tpu.memory_space<vmem>>, vector<1x512x512xf32>,
    return
  }
  func.func @transform_0(%arg0: i32) -> (i32, i32) {
    %c0_i32 = arith.constant 0 : i32
    %c0_i32_0 = arith.constant 0 : i32
    %c0_i32_1 = arith.constant 0 : i32
    return %c0_i32, %c0_i32_0 : i32, i32
  }
  func.func @transform_1(%arg0: i32) -> (i32, i32, i32) {
    %c0_i32 = arith.constant 0 : i32
    %c0_i32_0 = arith.constant 0 : i32
    %c0_i32_1 = arith.constant 0 : i32
    return %arg0, %c0_i32, %c0_i32_0 : i32, i32, i32
  }
  func.func @transform_2(%arg0: i32) -> (i32, i32, i32) {
    %c0_i32 = arith.constant 0 : i32
    %c0_i32_0 = arith.constant 0 : i32
    %c0_i32_1 = arith.constant 0 : i32
    return %arg0, %c0_i32, %c0_i32_0 : i32, i32, i32
  }
}

module attributes {stable_mosaic.version = 14 : i64} {
  func.func @_out_body(%arg0: i32, %arg1: i32, %arg2: memref<1x1x1024x512xf32, #tpu.memory_space<vmem>>, %arg3: memref<1x512x512xf32, #tpu.memory_space<vmem>>, %arg4: memref<1x512xf32, #tpu.memory_space<vmem>>, %arg5: memref<1x1024x512xf32, #tpu.memory_space<vmem>>) attributes {dimension_semantics = [#tpu.dimension_semantics<arbitrary>, #tpu.dimension_semantics<arbitrary>], iteration_bounds = array<i64: 2, 4>, scalar_prefetch = 0 : i64, scratch_operands = 0 : i64, tpu.core_type = #tpu.core_type<tc>, window_params = [{transform_indices = @transform_0, window_bounds = array<i64: 1, 1, 1024, 512>}, {transform_indices = @transform_1, window_bounds = array<i64: 1, 512, 512>}, {pipeline_mode = #tpu.pipeline_mode<synchronous>, transform_indices = @transform_2, window_bounds = array<i64: 1, 512>}, {transform_indices = @transform_3, window_bounds = array<i64: 1, 1024, 512>}]} {
    %get3A = arith.constant 0 : index
    %get3A_0 = arith.constant 0 : index
    %get3A_1 = arith.constant 0 : index
    %get3A_2 = arith.constant 0 : index
    %get3A_3 = vector.load %arg2[%get3A, %get3A_0, %get3A_1, %get3A_2] : memref<1x1x1024x512xf32, #tpu.memory_space<vmem>>, vector<1x1x1024x512xf32>
    %get3A_4 = vector.shape_cast %get3A_3 : vector<1x1x1024x512xf32> to vector<1024x512xf32>
    %get3A_5 = arith.constant 0 : index
    %get3A_6 = arith.constant 0 : index
    %get3A_7 = arith.constant 0 : index
    %get3A_8 = vector.load %arg3[%get3A_5, %get3A_6, %get3A_7] : memref<1x512x512xf32, #tpu.memory_space<vmem>>, vector<1x512x512xf32>
    %get3A_9 = vector.shape_cast %get3A_8 : vector<1x512x512xf32> to vector<512x512xf32>
    %dot_general3A = arith.constant dense<0.000000e+00> : vector<1024x512xf32>
    %dot_general3A_10 = tpu.matmul %get3A_4, %get3A_9, %dot_general3A {dimension_numbers = #tpu.dot_dimension_numbers<[1], [0], [0], [1], [0, 0, 1, 1], [], []>, transpose_lhs_hint = false} : vector<1024x512xf32>, vector<512x512xf32>, vector<1024x512xf32> -> vector<1024x512xf32>
    %eq3A = arith.constant 0 : i32
    %eq3A_11 = arith.cmpi eq, %arg1, %eq3A : i32
    %convert_element_type3A = arith.extui %eq3A_11 : i1 to i32
    %cond3A = arith.constant 0 : i32
    %cond3A_12 = arith.cmpi ne, %convert_element_type3A, %cond3A : i32
    scf.if %cond3A_12 {
      %swap3A = arith.constant 0 : index
      %swap3A_22 = arith.constant 0 : index
      %swap3A_23 = arith.constant 0 : index
      %swap3A_24 = vector.load %arg5[%swap3A, %swap3A_22, %swap3A_23] : memref<1x1024x512xf32, #tpu.memory_space<vmem>>, vector<1x1024x512xf32>
      %swap3A_25 = vector.shape_cast %swap3A_24 : vector<1x1024x512xf32> to vector<1024x512xf32>
      %swap3A_26 = vector.shape_cast %dot_general3A_10 : vector<1024x512xf32> to vector<1x1024x512xf32>
      tpu.vector_store %arg5[%swap3A, %swap3A_22, %swap3A_23], %swap3A_26 {strides = array<i32>} : memref<1x1024x512xf32, #tpu.memory_space<vmem>>, vector<1x1024x512xf32>,
    } else {
    }
    %ne3A = arith.constant 0 : i32
    %ne3A_13 = arith.cmpi ne, %arg1, %ne3A : i32
    %convert_element_type3A_14 = arith.extui %ne3A_13 : i1 to i32
    %cond3A_15 = arith.constant 0 : i32
    %cond3A_16 = arith.cmpi ne, %convert_element_type3A_14, %cond3A_15 : i32
    scf.if %cond3A_16 {
      %get3A_22 = arith.constant 0 : index
      %get3A_23 = arith.constant 0 : index
      %get3A_24 = arith.constant 0 : index
      %get3A_25 = vector.load %arg5[%get3A_22, %get3A_23, %get3A_24] : memref<1x1024x512xf32, #tpu.memory_space<vmem>>, vector<1x1024x512xf32>
      %get3A_26 = vector.shape_cast %get3A_25 : vector<1x1024x512xf32> to vector<1024x512xf32>
      %add3A = arith.addf %get3A_26, %dot_general3A_10 : vector<1024x512xf32>
      %swap3A = arith.constant 0 : index
      %swap3A_27 = arith.constant 0 : index
      %swap3A_28 = arith.constant 0 : index
      %swap3A_29 = vector.load %arg5[%swap3A, %swap3A_27, %swap3A_28] : memref<1x1024x512xf32, #tpu.memory_space<vmem>>, vector<1x1024x512xf32>
      %swap3A_30 = vector.shape_cast %swap3A_29 : vector<1x1024x512xf32> to vector<1024x512xf32>
      %swap3A_31 = vector.shape_cast %add3A : vector<1024x512xf32> to vector<1x1024x512xf32>
      tpu.vector_store %arg5[%swap3A, %swap3A_27, %swap3A_28], %swap3A_31 {strides = array<i32>} : memref<1x1024x512xf32, #tpu.memory_space<vmem>>, vector<1x1024x512xf32>,
    } else {
    }
    %eq3A_17 = arith.constant 3 : i32
    %eq3A_18 = arith.cmpi eq, %arg1, %eq3A_17 : i32
    %convert_element_type3A_19 = arith.extui %eq3A_18 : i1 to i32
    %cond3A_20 = arith.constant 0 : i32
    %cond3A_21 = arith.cmpi ne, %convert_element_type3A_19, %cond3A_20 : i32
    scf.if %cond3A_21 {
      %get3A_22 = arith.constant 0 : index
      %get3A_23 = arith.constant 0 : index
      %get3A_24 = arith.constant 0 : index
      %get3A_25 = vector.load %arg5[%get3A_22, %get3A_23, %get3A_24] : memref<1x1024x512xf32, #tpu.memory_space<vmem>>, vector<1x1024x512xf32>
      %get3A_26 = vector.shape_cast %get3A_25 : vector<1x1024x512xf32> to vector<1024x512xf32>
      %mul3A = arith.constant 6.250000e-02 : f32
      %mul3A_27 = vector.broadcast %mul3A : f32 to vector<1024x512xf32>
      %mul3A_28 = arith.mulf %get3A_26, %mul3A_27 : vector<1024x512xf32>
      %get3A_29 = arith.constant 0 : index
      %get3A_30 = arith.constant 0 : index
      %get3A_31 = vector.load %arg4[%get3A_29, %get3A_30] : memref<1x512xf32, #tpu.memory_space<vmem>>, vector<1x512xf32>
      %add3A = vector.broadcast %get3A_31 : vector<1x512xf32> to vector<1024x512xf32>
      %add3A_32 = arith.addf %mul3A_28, %add3A : vector<1024x512xf32>
      %max3A = arith.constant 0.000000e+00 : f32
      %max3A_33 = vector.broadcast %max3A : f32 to vector<1024x512xf32>
      %max3A_34 = arith.maximumf %add3A_32, %max3A_33 : vector<1024x512xf32>
      %swap3A = arith.constant 0 : index
      %swap3A_35 = arith.constant 0 : index
      %swap3A_36 = arith.constant 0 : index
      %swap3A_37 = vector.load %arg5[%swap3A, %swap3A_35, %swap3A_36] : memref<1x1024x512xf32, #tpu.memory_space<vmem>>, vector<1x1024x512xf32>
      %swap3A_38 = vector.shape_cast %swap3A_37 : vector<1x1024x512xf32> to vector<1024x512xf32>
      %swap3A_39 = vector.shape_cast %max3A_34 : vector<1024x512xf32> to vector<1x1024x512xf32>
      tpu.vector_store %arg5[%swap3A, %swap3A_35, %swap3A_36], %swap3A_39 {strides = array<i32>} : memref<1x1024x512xf32, #tpu.memory_space<vmem>>, vector<1x1024x512xf32>,
    } else {
    }
    return
  }
  func.func @transform_0(%arg0: i32, %arg1: i32) -> (i32, i32, i32, i32) {
    %c0_i32 = arith.constant 0 : i32
    %c0_i32_0 = arith.constant 0 : i32
    %c0_i32_1 = arith.constant 0 : i32
    return %arg0, %arg1, %c0_i32, %c0_i32_0 : i32, i32, i32, i32
  }
  func.func @transform_1(%arg0: i32, %arg1: i32) -> (i32, i32, i32) {
    %c0_i32 = arith.constant 0 : i32
    %c0_i32_0 = arith.constant 0 : i32
    %c0_i32_1 = arith.constant 0 : i32
    return %arg1, %c0_i32, %c0_i32_0 : i32, i32, i32
  }
  func.func @transform_2(%arg0: i32, %arg1: i32) -> (i32, i32) {
    %c0_i32 = arith.constant 0 : i32
    %c0_i32_0 = arith.constant 0 : i32
    %c0_i32_1 = arith.constant 0 : i32
    return %c0_i32, %c0_i32_0 : i32, i32
  }
  func.func @transform_3(%arg0: i32, %arg1: i32) -> (i32, i32, i32) {
    %c0_i32 = arith.constant 0 : i32
    %c0_i32_0 = arith.constant 0 : i32
    %c0_i32_1 = arith.constant 0 : i32
    return %arg0, %c0_i32, %c0_i32_0 : i32, i32, i32
  }
}

</mosaic_0001>

<sc_bundles>
// kernel: kernel.10.cloned.1.call-start
scs
__scs_entry_jumppad:
0x0: {  	(pc) =	sbr.rel $0x88, $3  }
0x1: {  	(tag) =	ssettag $0x0;
	lr =	simm.s32 $0x1  }
0x2: {  	[smem:$0x3F9B] =	sst lr;
	_ =	strace $0xD0000000  }
0x3: {  	_ = 	snop  }
0x4: {  	_ = 	snop  }
0x5: {  	_ = 	snop  }
0x6: {  	_ = 	snop  }
0x7: {  	_ = 	snop  }
__scs_overlays_trampoline_lowered:
0x8: {  	[smem:$0x3FAA] =	sst s0  }
0x9: {  	[smem:$0x3FAB] =	sst s1  }
0xa: {  	[smem:$0x3FAC] =	sst s2  }
0xb: {  	[smem:$0x3FAD] =	sst s3  }
0xc: {  	[smem:$0x3FAE] =	sst s4  }
0xd: {  	[smem:$0x3FAF] =	sst s5  }
0xe: {  	[smem:$0x3FB0] =	sst s6  }
0xf: {  	[smem:$0x3FB1] =	sst s7  }
0x10: {  	[smem:$0x3FB2] =	sst s8  }
0x11: {  	[smem:$0x3FB3] =	sst s9;
	s0 =	simm.s32 @!p0 $0x0  }
0x12: {  	s1 =	sld [smem:$0x3F99];
	s0 =	simm.s32 @p0 $0x1  }
0x13: {  	[smem:$0x3FB4] =	sst s0;
	s0 =	simm.s32 @!p1 $0x0  }
0x14: {  	s2 =	sld [smem:$0x3F98];
	s0 =	simm.s32 @p1 $0x1  }
0x15: {  	[smem:$0x3FB5] =	sst s0;
	s0 =	simm.s32 @!p2 $0x0  }
0x16: {  	s3 =	sld [smem:$0x3FDB];
	s0 =	simm.s32 @p2 $0x1  }
0x17: {  	s4 =	simm.s32 $0x1BF5;
	[smem:$0x3FB7] =	sst s0  }
0x18: {  	s0 =	sld [smem:$0x3F9A];
	_ =	swait.ge [sflag:s4], $0x0  }
0x19: {  	s7 =	sld [smem:$0x3F9B]  }
0x1a: {  	s8 =	sadd.s32 $0xFFFFE003, lr  }
0x1b: {  	s9 =	sadd.s32 $0xFFFFFEF7, lr;
	s5 =	simm.s32 $0xFFFFFFFF;
	p2 =	slt.u32 s8, $0xFFFFF086  }
0x1c: {  	p1 =	slt.u32 s9, $0xF7A;
	s5 =	simm.s32 @!p2 $0x0  }
0x1d: {  	s5 =	simm.s32 @p1 $0x1;
	p0 =	seq.s32 s7, s2  }
0x1e: {  	s7 =	smul.u32 @!p0 $0xF7A, s2;
	p2 =	seq.s32 @!p0 s5, $0x0  }
0x1f: {  	s9 =	smul.u32 $0xF7A, s1;
	s8 =	simm.s32 @!p0 $0x1BF5;
	p2 =	por !p2, p0  }
0x20: {  	[sflag:s8] =	ssyncset.s32 @!p0 $0xFFFFF086;
	s6 =	sadd.s32 @!p0 s3, s7;
	s7 =	simm.s32 @!p0 $0x108  }
0x21: {  	s3 =	sadd.s32 s3, s9;
	s6 =	sadd.s32 @!p0 $0x88, s6;
	s7 =	simm.s32 @p2 $0x1082  }
0x22: {  	[simem:s7], [sflag:s8] =	dma.local @!p0 [hbm:s6], $0xF7A  }
0x23: {  	s9 =	sor.u32 $0xD0000000, s2;
	s6 =	simm.s32 $0x108;
	_ =	swait.ge @!p0 [sflag:s8], $0x0  }
0x24: {  	s3 =	sadd.s32 $0x88, s3;
	s6 =	simm.s32 @!p1 $0x1082;
	[sflag:s4] =	ssyncset.s32 $0xFFFFF086  }
0x25: {  	[simem:s6], [sflag:s4] =	dma.local [hbm:s3], $0xF7A  }
0x26: {  	[smem:$0x3F9B] =	sst s1;
	(tag) =	ssettag s2;
	_ =	strace s9  }
0x27: {  	s1 =	sld [smem:$0x3FAB]  }
0x28: {  	s2 =	sld [smem:$0x3FAC]  }
0x29: {  	s4 =	sld [smem:$0x3FAE]  }
0x2a: {  	p0 =	seq.s32 s5, $0x0;
	s5 =	sld [smem:$0x3FAF]  }
0x2b: {  	s6 =	sld [smem:$0x3FB0]  }
0x2c: {  	s7 =	sld [smem:$0x3FB1]  }
0x2d: {  	s3 =	simm.s32 $0x108;
	s8 =	sld [smem:$0x3FB2]  }
0x2e: {  	s3 =	simm.s32 @!p0 $0x1082;
	s9 =	sld [smem:$0x3FB3]  }
0x2f: {  	lr =	sadd.s32 s0, s3;
	s0 =	sld [smem:$0x3FAA]  }
0x30: {  	s3 =	sld [smem:$0x3FAD]  }
0x31: {  	[smem:$0x3FB6] =	sst s10  }
0x32: {  	s10 =	sld [smem:$0x3FB4];
	_ =	sdelay $0x3  }
0x33: {  	p0 =	seq.s32 s10, $0x1;
	s10 =	sld [smem:$0x3FB6];
	_ =	sdelay $0x3  }
0x34: {  	[smem:$0x3FB6] =	sst s10  }
0x35: {  	s10 =	sld [smem:$0x3FB5];
	_ =	sdelay $0x3  }
0x36: {  	p1 =	seq.s32 s10, $0x1;
	s10 =	sld [smem:$0x3FB6];
	_ =	sdelay $0x3  }
0x37: {  	[smem:$0x3FB6] =	sst s10  }
0x38: {  	s10 =	sld [smem:$0x3FB7]  }
0x39: {  	_ = 	snop;
	(pc) =	sbr.ind lr, $3  }
0x3a: {  	_ = 	snop  }
0x3b: {  	_ = 	snop  }
0x3c: {  	p2 =	seq.s32 s10, $0x1;
	s10 =	sld [smem:$0x3FB6]  }
0x3d: {  	_ =	shalt  }
0x3e: {  	_ =	shalt  }
0x3f: {  	_ =	shalt  }
0x40: {  	_ =	shalt  }
0x41: {  	_ =	shalt  }
0x42: {  	_ =	shalt  }
0x43: {  	_ =	shalt  }
0x44: {  	_ =	shalt  }
0x45: {  	_ =	shalt  }
0x46: {  	_ =	shalt  }
0x47: {  	_ =	shalt  }
0x48: {  	_ =	shalt  }
0x49: {  	_ =	shalt  }
0x4a: {  	_ =	shalt  }
0x4b: {  	_ =	shalt  }
0x4c: {  	_ =	shalt  }
0x4d: {  	_ =	shalt  }
0x4e: {  	_ =	shalt  }
0x4f: {  	_ =	shalt  }
0x50: {  	_ =	shalt  }
0x51: {  	_ =	shalt  }
0x52: {  	_ =	shalt  }
0x53: {  	_ =	shalt  }
0x54: {  	_ =	shalt  }
0x55: {  	_ =	shalt  }
0x56: {  	_ =	shalt  }
0x57: {  	_ =	shalt  }
0x58: {  	_ =	shalt  }
0x59: {  	_ =	shalt  }
0x5a: {  	_ =	shalt  }
0x5b: {  	_ =	shalt  }
0x5c: {  	_ =	shalt  }
0x5d: {  	_ =	shalt  }
0x5e: {  	_ =	shalt  }
0x5f: {  	_ =	shalt  }
0x60: {  	_ =	shalt  }
0x61: {  	_ =	shalt  }
0x62: {  	_ =	shalt  }
0x63: {  	_ =	shalt  }
0x64: {  	_ =	shalt  }
0x65: {  	_ =	shalt  }
0x66: {  	_ =	shalt  }
0x67: {  	_ =	shalt  }
0x68: {  	_ =	shalt  }
0x69: {  	_ =	shalt  }
0x6a: {  	_ =	shalt  }
0x6b: {  	_ =	shalt  }
0x6c: {  	_ =	shalt  }
0x6d: {  	_ =	shalt  }
0x6e: {  	_ =	shalt  }
0x6f: {  	_ =	shalt  }
0x70: {  	_ =	shalt  }
0x71: {  	_ =	shalt  }
0x72: {  	_ =	shalt  }
0x73: {  	_ =	shalt  }
0x74: {  	_ =	shalt  }
0x75: {  	_ =	shalt  }
0x76: {  	_ =	shalt  }
0x77: {  	_ =	shalt  }
0x78: {  	_ =	shalt  }
0x79: {  	_ =	shalt  }
0x7a: {  	_ =	shalt  }
0x7b: {  	_ =	shalt  }
0x7c: {  	_ =	shalt  }
0x7d: {  	_ =	shalt  }
0x7e: {  	_ =	shalt  }
0x7f: {  	_ =	shalt  }
0x80: {  	_ =	shalt  }
0x81: {  	_ =	shalt  }
0x82: {  	_ =	shalt  }
0x83: {  	_ =	shalt  }
0x84: {  	_ =	shalt  }
0x85: {  	_ =	shalt  }
0x86: {  	_ =	shalt  }
0x87: {  	_ =	shalt  }
.Lfunc_end0:
.L_simem_size_0:
called_computation.1_lowered:
.L_overlay_start_0:
0x88: {  	s2 =	sld [smem:$0x3FD9]  }
0x89: {  	s3 =	sld [smem:$0x3FFE];
	_ =	sdelay $0x1  }
0x8a: {  	s1 =	srdreg.scid  }
0x8b: {  	s0 =	sand.u32 $0x1, s1  }
0x8c: {  	s17 =	sshll.u32 s0, $0xA;
	s2 =	sadd.s32 s3, s2  }
0x8d: {  	s2 =	sadd.s32 s2, s17  }
0x8e: {  	[smem:$0x3FC2] =	sst s2  }
0x8f: {  	_ = 	snop  }
0x90: {  	s2 =	sld [smem:$0x3FC9]  }
0x91: {  	s18 =	sld [smem:$0x3FD0];
	(tm) =	ssettm $0x1  }
0x92: {  	s4 =	sld [smem:$0x3FFB];
	_ =	sdelay $0x3  }
0x93: {  	_ =	strace s4  }
0x94: {  	s4 =	sld [smem:$0x3FFC];
	_ =	sdelay $0x3  }
0x95: {  	_ =	strace s4  }
0x96: {  	s4 =	sld [smem:$0x3FFD];
	_ =	sdelay $0x3  }
0x97: {  	_ =	strace s4  }
0x98: {  	_ =	strace $0x8FFFFFFF  }
0x99: {  	s19 =	sld [smem:$0x3FDB];
	_ =	sdelay $0x1  }
0x9a: {  	s5 =	simm.s32 $_scs_section_size  }
0x9b: {  	s6 =	simm.s32 $_size__tile_overlayer_lowered;
	s7 =	simm.s32 $_tile_overlayer_lowered  }
0x9c: {  	s22 =	simm.s32 $0x1BFF;
	s21 =	sshll.u32 s7, $0x1;
	s4 =	sadd.s32 s5, s19  }
0x9d: {  	s8 =	simm.s32 $0x0;
	s20 =	sshll.u32 s6, $0x1;
	s6 =	sadd.s32 s21, s4  }
0x9e: {  	[timem:s8], [sflag:s22] =	dma.local [hbm:s6], s20  }
0x9f: {  	_ =	swait.ge [sflag:s22], s20  }
0xa0: {  	s5 =	ssub.s32 $0x0, s20;
	[sflag:s22] =	ssyncset.done $0x0  }
0xa1: {  	[sflag:s22] =	ssyncadd.s32 s5;
	_ =	sdelay $0x1  }
0xa2: {  	s23 =	simm.s32 $0x1B8B  }
0xa3: {  	_ =	swait.ge [sflag:s23], $0x1  }
0xa4: {  	[sflag:s23] =	ssyncset.done $0x0  }
0xa5: {  	s25 =	simm.s32 $0x1B8E;
	s24 =	sld [smem:$0x3FFE];
	[sflag:s23] =	ssyncadd.s32 $0xFFFFFFFF  }
0xa6: {  	s26 =	simm.s32 $execute0_lowered;
	[smem:$0x3FD2] =	sst s25  }
0xa7: {  	s6 =	sshll.u32 s26, $0x1;
	_ =	strace $0x80000046;
	[dreg:$0x1] =	wrdreg $0xFFFFFFFF  }
0xa8: {  	s28 =	simm.s32 $_size_execute0_lowered;
	s4 =	sadd.s32 s4, s6;
	[dreg:$0x0] =	wrdreg $0x0  }
0xa9: {  	s6 =	sshll.u32 s28, $0x1;
	[dreg:$0x2] =	wrdreg s4  }
0xaa: {  	[dreg:$0x3] =	wrdreg s6  }
0xab: {  	[dreg:$0x4] =	wrdreg $0xC0  }
0xac: {  	_ =	task [dreg:s8], $0x5FFFF  }
0xad: {  	[dreg:$0x1] =	wrdreg $0xFFFFFFFF  }
0xae: {  	[dreg:$0x0] =	wrdreg $0x60  }
0xaf: {  	[dreg:$0x2] =	wrdreg s2  }
0xb0: {  	[dreg:$0x3] =	wrdreg s24  }
0xb1: {  	[dreg:$0x4] =	wrdreg s18  }
0xb2: {  	[dreg:$0x5] =	wrdreg $0xA  }
0xb3: {  	_ =	task.clear_ibuf [dreg:s8], $0x6FFFF;
	_ =	strace $0x90000046  }
0xb4: {  	s29 =	simm.s32 $0xA;
	_ =	strace $0x80000048  }
0xb5: {  	_ =	swait.ge [sflag:s29], $0x1  }
0xb6: {  	[sflag:s29] =	ssyncadd.s32 $0xFFFFFFFF  }
0xb7: {  	_ =	strace $0x90000048  }
0xb8: {  	_ =	sfence  }
0xb9: {  	s30 =	sld [smem:$0x0];
	_ =	sdelay $0x2  }
0xba: {  	s31 =	sshll.u32 s1, $0xD;
	s1 =	sshrl.u32 s1, $0x2  }
0xbb: {  	s3 =	sand.u32 $0x4000, s31;
	s1 =	sadd.s32 s1, s30  }
0xbc: {  	s0 =	sor.u32 s3, s0;
	s1 =	sshll.u32 s1, $0x11  }
0xbd: {  	s0 =	sor.u32 s1, s0  }
0xbe: {  	s0 =	sadd.s32 $0x8F2B, s0  }
0xbf: {  	[sflag:s0] =	ssyncadd.remote.s32 $0x1  }
0xc0: {  	_ =	sfence.sel $0xFFFF  }
0xc1: {  	[dreg:$0x0] =	wrdreg $0xFFFFFFFF;
	(pc) =	sbr.abs _section_cstart, $3  }
0xc2: {  	[dreg:$0x1] =	wrdreg $0xFFFFFFFF  }
0xc3: {  	_ =	task.clear_ibuf [dreg:s8], $0x2FFFF;
	_ =	strace $0x9FFFFFFF  }
0xc4: {  	(tm) =	ssettm $0x7FFFFFFF  }
0xc5: {  	_ =	shalt  }
tec
execute0_lowered:
.L_overlay_start_1:
0x0: {  	(tag) =	ssettag $0x1  }
0x1: {  	s1 =	rddreg [dreg:$0x0]  }
0x2: {  	s0 =	rddreg [dreg:$0x1];
	s2 =	srdreg.scid  }
0x3: {  	s9 =	stileid.u32;
	s5 =	rddreg [dreg:$0x2]  }
0x4: {  	s3 =	simm.s32 $0x0;
	s24 =	simm.s32 $0x1;
	s25 =	simm.s32 $0xC400  }
0x5: {  	s26 =	simm.s32 $0x2;
	s28 =	simm.s32 $0x0;
	s2 =	sand.u32 $0x1, s2  }
0x6: {  	s4 =	sshll.u32 s9, $0x1;
	[smem:$0x7FF] =	sst s3;
	s30 =	sshll.u32 s9, $0xF  }
0x7: {  	s9 =	sadd.s32 $0x114800, s0;
	s10 =	sadd.s32 $0x100, s1;
	s11 =	sadd.s32 $0x124800, s0  }
0x8: {  	s12 =	sadd.s32 $0x134800, s0;
	s6 =	sor.u32 s2, s4;
	s2 =	ssub.s32 $0x2, s2  }
0x9: {  	v0 =	vlaneseq.u32;
	_ =	strace $0x80000047;
	s4 =	sshll.u32 s6, $0x7;
	s29 =	sshll.u32 s6, $0xB  }
0xa: {  	v1 =	vshrl.u32 v0, $0x3;
	v2 =	vand.u32 $0x7, v0;
	s8 =	sshrl.u32 s2, $0x1;
	s7 =	sadd.s32 s4, s0;
	s5 =	sadd.s32 s5, s29  }
0xb: {  	v0 =	vor.u32 $0x8, v0;
	[tilespmem:$0x1FFD0] =	vst v2;
	v1 =	vmul.u32 $0x8, v1;
	s2 =	ssub.s32 s2, s8;
	s7 =	sadd.s32 $0x3800, s7;
	[dreg:$0x5] =	wrdreg s5  }
0xc: {  	[tilespmem:$0x1FFF0] =	vst v0;
	s4 =	sadd.s32 $0x104800, s0;
	s31 =	smax.u32 s2, $0x1;
	[dreg:$0x4] =	wrdreg s7  }
0xd: {  	vm0 =	vmmov $0xffff;
	v3 =	vimm.f32 $0.0e+00;
	s8 =	sand.u32 $0x40000, s30;
	[tilespmem:$0x1FFE0] =	vst v1;
	s7 =	sshll.u32 s6, $0xC;
	[dreg:$0x6] =	wrdreg s31  }
.LBB2_1:
0xe: {  	s0 =	rddreg [dreg:$0x4];
	s2 =	simm.s32 $0x3  }
0xf: {  	[tilespmem:s3], [sflag:$0x3] =	stream.linear.gather [hbm4b:s0+s3], $0x400, $0x38;
	[tilespmem:$0x14400] =	vst v63  }
0x10: {  	_ =	swait.ge [sflag:s2], $0x400  }
0x11: {  	[sflag:s2] =	ssyncset.done $0x0  }
0x12: {  	s5 =	simm.s32 $0x400;
	s16 =	rddreg [dreg:$0x5];
	[sflag:s2] =	ssyncadd.s32 $0xFFFFFC00  }
0x13: {  	[tilespmem:s5], [sflag:$0x3] =	stream.linear.gather [hbm4b:s16+s3], $0x4000, $0x38;
	[tilespmem:$0x14400] =	vst v63  }
0x14: {  	_ =	swait.ge [sflag:s2], $0x4000  }
0x15: {  	[sflag:s2] =	ssyncset.done $0x0  }
0x16: {  	[sflag:s2] =	ssyncadd.s32 $0xFFFFC000  }
0x17: {  	v0 =	vld [tilespmem:$0x0];
	_ =	sdelay $0x2  }
0x18: {  	v2 =	vld [tilespmem:$0x1FFD0];
	_ =	sdelay $0x1  }
0x19: {  	v4 =	vld [tilespmem:$0x1FFE0];
	v1 =	vshll.u32 v0, $0x2  }
0x1a: {  	v0 =	vand.u32 $0x7, v0;
	v1 =	vand.u32 $0xFFFFFFE0, v1  }
0x1b: {  	v5 =	vld [tilespmem:$0x1FFF0];
	v0 =	vor.u32 v0, v1  }
0x1c: {  	v1 =	vperm.xlane v0, v2;
	_ =	sdelay $0x1  }
0x1d: {  	v1 =	vadd.s32 v4, v1;
	_ =	sdelay $0x1  }
0x1e: {  	v0 =	vperm.xlane v0, v5;
	_ =	sdelay $0x1  }
0x1f: {  	s17 =	simm.s32 $0x4400;
	v0 =	vadd.s32 v4, v0  }
0x20: {  	[tilespmem:s17], [sflag:$0x1] =	stream.indirect_vreg.gather [hbm4b:s1+s3], $0x80, v1, vm0, $0xb8;
	[tilespmem:$0x14400] =	vst v63  }
0x21: {  	s18 =	simm.s32 $0x4C00  }
0x22: {  	[tilespmem:s18], [sflag:$0x1] =	stream.indirect_vreg.gather [hbm4b:s10+s3], $0x80, v1, vm0, $0xb8;
	[tilespmem:$0x14400] =	vst v63  }
0x23: {  	s19 =	simm.s32 $0x5400  }
0x24: {  	[tilespmem:s19], [sflag:$0x1] =	stream.indirect_vreg.gather [hbm4b:s1+s3], $0x80, v0, vm0, $0xb8;
	[tilespmem:$0x14400] =	vst v63  }
0x25: {  	s20 =	simm.s32 $0x5C00  }
0x26: {  	[tilespmem:s20], [sflag:$0x1] =	stream.indirect_vreg.gather [hbm4b:s10+s3], $0x80, v0, vm0, $0xb8;
	[tilespmem:$0x14400] =	vst v63  }
0x27: {  	v0 =	vld [tilespmem:$0x10];
	_ =	sdelay $0x4  }
0x28: {  	v1 =	vshll.u32 v0, $0x2  }
0x29: {  	v0 =	vand.u32 $0x7, v0;
	v1 =	vand.u32 $0xFFFFFFE0, v1  }
0x2a: {  	v0 =	vor.u32 v0, v1  }
0x2b: {  	v1 =	vperm.xlane v0, v2;
	_ =	sdelay $0x1  }
0x2c: {  	v1 =	vadd.s32 v4, v1;
	_ =	sdelay $0x1  }
0x2d: {  	v0 =	vperm.xlane v0, v5;
	_ =	sdelay $0x1  }
0x2e: {  	s21 =	simm.s32 $0x6400;
	v0 =	vadd.s32 v4, v0  }
0x2f: {  	[tilespmem:s21], [sflag:$0x1] =	stream.indirect_vreg.gather [hbm4b:s1+s3], $0x80, v1, vm0, $0xb8;
	[tilespmem:$0x14400] =	vst v63  }
0x30: {  	s22 =	simm.s32 $0x6C00  }
0x31: {  	[tilespmem:s22], [sflag:$0x1] =	stream.indirect_vreg.gather [hbm4b:s10+s3], $0x80, v1, vm0, $0xb8;
	[tilespmem:$0x14400] =	vst v63  }
0x32: {  	s23 =	simm.s32 $0x7400  }
0x33: {  	[tilespmem:s23], [sflag:$0x1] =	stream.indirect_vreg.gather [hbm4b:s1+s3], $0x80, v0, vm0, $0xb8;
	[tilespmem:$0x14400] =	vst v63  }
0x34: {  	s30 =	simm.s32 $0x7C00;
	s29 =	simm.s32 $0x420;
	s31 =	simm.s32 $0x0  }
0x35: {  	[tilespmem:s30], [sflag:$0x1] =	stream.indirect_vreg.gather [hbm4b:s10+s3], $0x80, v0, vm0, $0xb8;
	[tilespmem:$0x14400] =	vst v63  }
.LBB2_2:
0x36: {  	p0 =	seq.s32 s31, $0x1F  }
.Ltmp0:
0x37: {  	_ = 	snop;
	(pc) =	sbr.rel @!p0 .LBB2_4-.Ltmp0, $2  }
0x38: {  	_ =	sdelay $0x2  }
0x39: {  	s30 =	sadd.s32 $0x1, s31  }
.Ltmp1:
0x3a: {  	(pc) =	sbr.rel .LBB2_10-.Ltmp1, $2  }
0x3b: {  	_ =	sdelay $0x2  }
0x3c: {  	s2 =	simm.s32 $0x7;
	s0 =	simm.s32 $0x4000  }
.LBB2_4:
0x3d: {  	s0 =	sshll.u32 s30, $0x5  }
0x3e: {  	s2 =	sand.u32 $0x3FFFFFE0, s0  }
0x3f: {  	v0 =	vld [tilespmem:s2+$0x0];
	_ =	sdelay $0x2  }
0x40: {  	v2 =	vld [tilespmem:$0x1FFD0];
	_ =	sdelay $0x1  }
0x41: {  	v4 =	vld [tilespmem:$0x1FFE0];
	v1 =	vshll.u32 v0, $0x2  }
0x42: {  	v0 =	vand.u32 $0x7, v0;
	v1 =	vand.u32 $0xFFFFFFE0, v1  }
0x43: {  	v5 =	vld [tilespmem:$0x1FFF0];
	v0 =	vor.u32 v0, v1  }
0x44: {  	v1 =	vperm.xlane v0, v2;
	_ =	sdelay $0x1  }
0x45: {  	v1 =	vadd.s32 v4, v1  }
0x46: {  	s16 =	sshll.u32 s31, $0xE  }
0x47: {  	s0 =	sand.u32 $0x4000, s16;
	v0 =	vperm.xlane v0, v5  }
0x48: {  	s5 =	sxor.u32 $0x4000, s0  }
0x49: {  	s6 =	sadd.s32 $0x4400, s5;
	v0 =	vadd.s32 v4, v0  }
0x4a: {  	[tilespmem:s6], [sflag:$0x1] =	stream.indirect_vreg.gather [hbm4b:s1+s3], $0x80, v1, vm0, $0xb8;
	[tilespmem:$0x14400] =	vst v63  }
0x4b: {  	s17 =	sadd.s32 $0x4C00, s5  }
0x4c: {  	[tilespmem:s17], [sflag:$0x1] =	stream.indirect_vreg.gather [hbm4b:s10+s3], $0x80, v1, vm0, $0xb8;
	[tilespmem:$0x14400] =	vst v63  }
0x4d: {  	s18 =	sadd.s32 $0x5400, s5  }
0x4e: {  	[tilespmem:s18], [sflag:$0x1] =	stream.indirect_vreg.gather [hbm4b:s1+s3], $0x80, v0, vm0, $0xb8;
	[tilespmem:$0x14400] =	vst v63  }
0x4f: {  	s19 =	sadd.s32 $0x5C00, s5  }
0x50: {  	[tilespmem:s19], [sflag:$0x1] =	stream.indirect_vreg.gather [hbm4b:s10+s3], $0x80, v0, vm0, $0xb8;
	[tilespmem:$0x14400] =	vst v63  }
0x51: {  	v0 =	vld [tilespmem:s2+$0x10];
	_ =	sdelay $0x4  }
0x52: {  	v1 =	vshll.u32 v0, $0x2  }
0x53: {  	v0 =	vand.u32 $0x7, v0;
	v1 =	vand.u32 $0xFFFFFFE0, v1  }
0x54: {  	v0 =	vor.u32 v0, v1  }
0x55: {  	v1 =	vperm.xlane v0, v2;
	_ =	sdelay $0x1  }
0x56: {  	v1 =	vadd.s32 v4, v1;
	_ =	sdelay $0x2  }
0x57: {  	p0 =	seq.s32 s31, $0x0;
	s2 =	sand.u32 $0x7, s31;
	v0 =	vperm.xlane v0, v5  }
0x58: {  	s20 =	sadd.s32 $0x6400, s5;
	p1 =	sne.s32 @!p0 s2, $0x0  }
0x59: {  	v0 =	vadd.s32 v4, v0;
	[tilespmem:s20], [sflag:$0x1] =	stream.indirect_vreg.gather [hbm4b:s1+s3], $0x80, v1, vm0, $0xb8;
	[tilespmem:$0x14400] =	vst v63  }
0x5a: {  	s21 =	sadd.s32 $0x6C00, s5;
	p0 =	por p0, p1  }
0x5b: {  	[tilespmem:s21], [sflag:$0x1] =	stream.indirect_vreg.gather [hbm4b:s10+s3], $0x80, v1, vm0, $0xb8;
	[tilespmem:$0x14400] =	vst v63  }
.Ltmp2:
0x5c: {  	_ = 	snop;
	(pc) =	sbr.rel @p0 .LBB2_6-.Ltmp2, $4  }
0x5d: {  	s22 =	sadd.s32 $0x7400, s5  }
0x5e: {  	[tilespmem:s22], [sflag:$0x1] =	stream.indirect_vreg.gather [hbm4b:s1+s3], $0x80, v0, vm0, $0xb8;
	[tilespmem:$0x14400] =	vst v63  }
0x5f: {  	s23 =	sadd.s32 $0x7C00, s5  }
0x60: {  	[tilespmem:s23], [sflag:$0x1] =	stream.indirect_vreg.gather [hbm4b:s10+s3], $0x80, v0, vm0, $0xb8;
	[tilespmem:$0x14400] =	vst v63  }
0x61: {  	_ =	swait.ge [sflag:s26], $0x2000  }
0x62: {  	[sflag:s26] =	ssyncset.done $0x0  }
0x63: {  	[sflag:s26] =	ssyncadd.s32 $0xFFFFE000  }
0x64: {  	_ =	swait.ge [sflag:s26], $0x2000  }
0x65: {  	[sflag:s26] =	ssyncset.done $0x0  }
0x66: {  	[sflag:s26] =	ssyncadd.s32 $0xFFFFE000  }
0x67: {  	_ =	swait.ge [sflag:s26], $0x2000  }
0x68: {  	[sflag:s26] =	ssyncset.done $0x0  }
0x69: {  	[sflag:s26] =	ssyncadd.s32 $0xFFFFE000  }
0x6a: {  	_ =	swait.ge [sflag:s26], $0x2000  }
0x6b: {  	[sflag:s26] =	ssyncset.done $0x0  }
0x6c: {  	[sflag:s26] =	ssyncadd.s32 $0xFFFFE000  }
.LBB2_7:
0x6d: {  	s2 =	simm.s32 $0xC800  }
0x6e: {  	[tilespmem:s2+$0xFFFFFC00] =	vst v3  }
0x6f: {  	[tilespmem:s2+$0x3F0] =	vst v3  }
0x70: {  	[tilespmem:s2+$0x3E0] =	vst v3  }
0x71: {  	[tilespmem:s2+$0x3D0] =	vst v3  }
0x72: {  	[tilespmem:s2+$0x3C0] =	vst v3  }
0x73: {  	[tilespmem:s2+$0x3B0] =	vst v3  }
0x74: {  	[tilespmem:s2+$0x3A0] =	vst v3  }
0x75: {  	[tilespmem:s2+$0x390] =	vst v3  }
0x76: {  	[tilespmem:s2+$0x380] =	vst v3  }
0x77: {  	[tilespmem:s2+$0x370] =	vst v3  }
0x78: {  	[tilespmem:s2+$0x360] =	vst v3  }
0x79: {  	[tilespmem:s2+$0x350] =	vst v3  }
0x7a: {  	[tilespmem:s2+$0x340] =	vst v3  }
0x7b: {  	[tilespmem:s2+$0x330] =	vst v3  }
0x7c: {  	[tilespmem:s2+$0x320] =	vst v3  }
0x7d: {  	[tilespmem:s2+$0x310] =	vst v3  }
0x7e: {  	[tilespmem:s2+$0x300] =	vst v3  }
0x7f: {  	[tilespmem:s2+$0x2F0] =	vst v3  }
0x80: {  	[tilespmem:s2+$0x2E0] =	vst v3  }
0x81: {  	[tilespmem:s2+$0x2D0] =	vst v3  }
0x82: {  	[tilespmem:s2+$0x2C0] =	vst v3  }
0x83: {  	[tilespmem:s2+$0x2B0] =	vst v3  }
0x84: {  	[tilespmem:s2+$0x2A0] =	vst v3  }
0x85: {  	[tilespmem:s2+$0x290] =	vst v3  }
0x86: {  	[tilespmem:s2+$0x280] =	vst v3  }
0x87: {  	[tilespmem:s2+$0x270] =	vst v3  }
0x88: {  	[tilespmem:s2+$0x260] =	vst v3  }
0x89: {  	[tilespmem:s2+$0x250] =	vst v3  }
0x8a: {  	[tilespmem:s2+$0x240] =	vst v3  }
0x8b: {  	[tilespmem:s2+$0x230] =	vst v3  }
0x8c: {  	[tilespmem:s2+$0x220] =	vst v3  }
0x8d: {  	[tilespmem:s2+$0x210] =	vst v3  }
0x8e: {  	[tilespmem:s2+$0x200] =	vst v3  }
0x8f: {  	[tilespmem:s2+$0x1F0] =	vst v3  }
0x90: {  	[tilespmem:s2+$0x1E0] =	vst v3  }
0x91: {  	[tilespmem:s2+$0x1D0] =	vst v3  }
0x92: {  	[tilespmem:s2+$0x1C0] =	vst v3  }
0x93: {  	[tilespmem:s2+$0x1B0] =	vst v3  }
0x94: {  	[tilespmem:s2+$0x1A0] =	vst v3  }
0x95: {  	[tilespmem:s2+$0x190] =	vst v3  }
0x96: {  	[tilespmem:s2+$0x180] =	vst v3  }
0x97: {  	[tilespmem:s2+$0x170] =	vst v3  }
0x98: {  	[tilespmem:s2+$0x160] =	vst v3  }
0x99: {  	[tilespmem:s2+$0x150] =	vst v3  }
0x9a: {  	[tilespmem:s2+$0x140] =	vst v3  }
0x9b: {  	[tilespmem:s2+$0x130] =	vst v3  }
0x9c: {  	[tilespmem:s2+$0x120] =	vst v3  }
0x9d: {  	[tilespmem:s2+$0x110] =	vst v3  }
0x9e: {  	[tilespmem:s2+$0x100] =	vst v3  }
0x9f: {  	[tilespmem:s2+$0xF0] =	vst v3  }
0xa0: {  	[tilespmem:s2+$0xE0] =	vst v3  }
0xa1: {  	[tilespmem:s2+$0xD0] =	vst v3  }
0xa2: {  	[tilespmem:s2+$0xC0] =	vst v3  }
0xa3: {  	[tilespmem:s2+$0xB0] =	vst v3  }
0xa4: {  	[tilespmem:s2+$0xA0] =	vst v3  }
0xa5: {  	[tilespmem:s2+$0x90] =	vst v3  }
0xa6: {  	[tilespmem:s2+$0x80] =	vst v3  }
0xa7: {  	[tilespmem:s2+$0x70] =	vst v3  }
0xa8: {  	[tilespmem:s2+$0x60] =	vst v3  }
0xa9: {  	[tilespmem:s2+$0x50] =	vst v3  }
0xaa: {  	[tilespmem:s2+$0x40] =	vst v3  }
0xab: {  	[tilespmem:s2+$0x30] =	vst v3  }
0xac: {  	[tilespmem:s2+$0x20] =	vst v3  }
0xad: {  	[tilespmem:s2+$0x10] =	vst v3  }
0xae: {  	[tilespmem:s2+$0x0] =	vst v3  }
0xaf: {  	[tilespmem:s2+$0xFFFFFFF0] =	vst v3  }
0xb0: {  	[tilespmem:s2+$0xFFFFFFE0] =	vst v3  }
0xb1: {  	[tilespmem:s2+$0xFFFFFFD0] =	vst v3  }
0xb2: {  	[tilespmem:s2+$0xFFFFFFC0] =	vst v3  }
0xb3: {  	[tilespmem:s2+$0xFFFFFFB0] =	vst v3  }
0xb4: {  	[tilespmem:s2+$0xFFFFFFA0] =	vst v3  }
0xb5: {  	[tilespmem:s2+$0xFFFFFF90] =	vst v3  }
0xb6: {  	[tilespmem:s2+$0xFFFFFF80] =	vst v3  }
0xb7: {  	[tilespmem:s2+$0xFFFFFF70] =	vst v3  }
0xb8: {  	[tilespmem:s2+$0xFFFFFF60] =	vst v3  }
0xb9: {  	[tilespmem:s2+$0xFFFFFF50] =	vst v3  }
0xba: {  	[tilespmem:s2+$0xFFFFFF40] =	vst v3  }
0xbb: {  	[tilespmem:s2+$0xFFFFFF30] =	vst v3  }
0xbc: {  	[tilespmem:s2+$0xFFFFFF20] =	vst v3  }
0xbd: {  	[tilespmem:s2+$0xFFFFFF10] =	vst v3  }
0xbe: {  	[tilespmem:s2+$0xFFFFFF00] =	vst v3  }
0xbf: {  	[tilespmem:s2+$0xFFFFFEF0] =	vst v3  }
0xc0: {  	[tilespmem:s2+$0xFFFFFEE0] =	vst v3  }
0xc1: {  	[tilespmem:s2+$0xFFFFFED0] =	vst v3  }
0xc2: {  	[tilespmem:s2+$0xFFFFFEC0] =	vst v3  }
0xc3: {  	[tilespmem:s2+$0xFFFFFEB0] =	vst v3  }
0xc4: {  	[tilespmem:s2+$0xFFFFFEA0] =	vst v3  }
0xc5: {  	[tilespmem:s2+$0xFFFFFE90] =	vst v3  }
0xc6: {  	[tilespmem:s2+$0xFFFFFE80] =	vst v3  }
0xc7: {  	[tilespmem:s2+$0xFFFFFE70] =	vst v3  }
0xc8: {  	[tilespmem:s2+$0xFFFFFE60] =	vst v3  }
0xc9: {  	[tilespmem:s2+$0xFFFFFE50] =	vst v3  }
0xca: {  	[tilespmem:s2+$0xFFFFFE40] =	vst v3  }
0xcb: {  	[tilespmem:s2+$0xFFFFFE30] =	vst v3  }
0xcc: {  	[tilespmem:s2+$0xFFFFFE20] =	vst v3  }
0xcd: {  	[tilespmem:s2+$0xFFFFFE10] =	vst v3  }
0xce: {  	[tilespmem:s2+$0xFFFFFE00] =	vst v3  }
0xcf: {  	[tilespmem:s2+$0xFFFFFDF0] =	vst v3  }
0xd0: {  	[tilespmem:s2+$0xFFFFFDE0] =	vst v3  }
0xd1: {  	[tilespmem:s2+$0xFFFFFDD0] =	vst v3  }
0xd2: {  	[tilespmem:s2+$0xFFFFFDC0] =	vst v3  }
0xd3: {  	[tilespmem:s2+$0xFFFFFDB0] =	vst v3  }
0xd4: {  	[tilespmem:s2+$0xFFFFFDA0] =	vst v3  }
0xd5: {  	[tilespmem:s2+$0xFFFFFD90] =	vst v3  }
0xd6: {  	[tilespmem:s2+$0xFFFFFD80] =	vst v3  }
0xd7: {  	[tilespmem:s2+$0xFFFFFD70] =	vst v3  }
0xd8: {  	[tilespmem:s2+$0xFFFFFD60] =	vst v3  }
0xd9: {  	[tilespmem:s2+$0xFFFFFD50] =	vst v3  }
0xda: {  	[tilespmem:s2+$0xFFFFFD40] =	vst v3  }
0xdb: {  	[tilespmem:s2+$0xFFFFFD30] =	vst v3  }
0xdc: {  	[tilespmem:s2+$0xFFFFFD20] =	vst v3  }
0xdd: {  	[tilespmem:s2+$0xFFFFFD10] =	vst v3  }
0xde: {  	[tilespmem:s2+$0xFFFFFD00] =	vst v3  }
0xdf: {  	[tilespmem:s2+$0xFFFFFCF0] =	vst v3  }
0xe0: {  	[tilespmem:s2+$0xFFFFFCE0] =	vst v3  }
0xe1: {  	[tilespmem:s2+$0xFFFFFCD0] =	vst v3  }
0xe2: {  	[tilespmem:s2+$0xFFFFFCC0] =	vst v3  }
0xe3: {  	[tilespmem:s2+$0xFFFFFCB0] =	vst v3  }
0xe4: {  	[tilespmem:s2+$0xFFFFFCA0] =	vst v3  }
0xe5: {  	[tilespmem:s2+$0xFFFFFC90] =	vst v3  }
0xe6: {  	[tilespmem:s2+$0xFFFFFC80] =	vst v3  }
0xe7: {  	[tilespmem:s2+$0xFFFFFC70] =	vst v3  }
0xe8: {  	[tilespmem:s2+$0xFFFFFC60] =	vst v3  }
0xe9: {  	[tilespmem:s2+$0xFFFFFC50] =	vst v3  }
0xea: {  	[tilespmem:s2+$0xFFFFFC40] =	vst v3  }
0xeb: {  	[tilespmem:s2+$0xFFFFFC30] =	vst v3  }
0xec: {  	s5 =	simm.s32 $0x0;
	[tilespmem:s2+$0xFFFFFC20] =	vst v3  }
.LBB2_8:
0xed: {  	s5 =	sadd.s32 $0x4, s5;
	[tilespmem:s2+$0xFFFFFC10] =	vst v3;
	s2 =	sadd.s32 $0x800, s2  }
0xee: {  	[tilespmem:s2+$0xFFFFFC00] =	vst v3;
	p0 =	slt.u32 s5, $0x3C  }
0xef: {  	[tilespmem:s2+$0x3F0] =	vst v3  }
0xf0: {  	[tilespmem:s2+$0x3E0] =	vst v3  }
0xf1: {  	[tilespmem:s2+$0x3D0] =	vst v3  }
0xf2: {  	[tilespmem:s2+$0x3C0] =	vst v3  }
0xf3: {  	[tilespmem:s2+$0x3B0] =	vst v3  }
0xf4: {  	[tilespmem:s2+$0x3A0] =	vst v3  }
0xf5: {  	[tilespmem:s2+$0x390] =	vst v3  }
0xf6: {  	[tilespmem:s2+$0x380] =	vst v3  }
0xf7: {  	[tilespmem:s2+$0x370] =	vst v3  }
0xf8: {  	[tilespmem:s2+$0x360] =	vst v3  }
0xf9: {  	[tilespmem:s2+$0x350] =	vst v3  }
0xfa: {  	[tilespmem:s2+$0x340] =	vst v3  }
0xfb: {  	[tilespmem:s2+$0x330] =	vst v3  }
0xfc: {  	[tilespmem:s2+$0x320] =	vst v3  }
0xfd: {  	[tilespmem:s2+$0x310] =	vst v3  }
0xfe: {  	[tilespmem:s2+$0x300] =	vst v3  }
0xff: {  	[tilespmem:s2+$0x2F0] =	vst v3  }
0x100: {  	[tilespmem:s2+$0x2E0] =	vst v3  }
0x101: {  	[tilespmem:s2+$0x2D0] =	vst v3  }
0x102: {  	[tilespmem:s2+$0x2C0] =	vst v3  }
0x103: {  	[tilespmem:s2+$0x2B0] =	vst v3  }
0x104: {  	[tilespmem:s2+$0x2A0] =	vst v3  }
0x105: {  	[tilespmem:s2+$0x290] =	vst v3  }
0x106: {  	[tilespmem:s2+$0x280] =	vst v3  }
0x107: {  	[tilespmem:s2+$0x270] =	vst v3  }
0x108: {  	[tilespmem:s2+$0x260] =	vst v3  }
0x109: {  	[tilespmem:s2+$0x250] =	vst v3  }
0x10a: {  	[tilespmem:s2+$0x240] =	vst v3  }
0x10b: {  	[tilespmem:s2+$0x230] =	vst v3  }
0x10c: {  	[tilespmem:s2+$0x220] =	vst v3  }
0x10d: {  	[tilespmem:s2+$0x210] =	vst v3  }
0x10e: {  	[tilespmem:s2+$0x200] =	vst v3  }
0x10f: {  	[tilespmem:s2+$0x1F0] =	vst v3  }
0x110: {  	[tilespmem:s2+$0x1E0] =	vst v3  }
0x111: {  	[tilespmem:s2+$0x1D0] =	vst v3  }
0x112: {  	[tilespmem:s2+$0x1C0] =	vst v3  }
0x113: {  	[tilespmem:s2+$0x1B0] =	vst v3  }
0x114: {  	[tilespmem:s2+$0x1A0] =	vst v3  }
0x115: {  	[tilespmem:s2+$0x190] =	vst v3  }
0x116: {  	[tilespmem:s2+$0x180] =	vst v3  }
0x117: {  	[tilespmem:s2+$0x170] =	vst v3  }
0x118: {  	[tilespmem:s2+$0x160] =	vst v3  }
0x119: {  	[tilespmem:s2+$0x150] =	vst v3  }
0x11a: {  	[tilespmem:s2+$0x140] =	vst v3  }
0x11b: {  	[tilespmem:s2+$0x130] =	vst v3  }
0x11c: {  	[tilespmem:s2+$0x120] =	vst v3  }
0x11d: {  	[tilespmem:s2+$0x110] =	vst v3  }
0x11e: {  	[tilespmem:s2+$0x100] =	vst v3  }
0x11f: {  	[tilespmem:s2+$0xF0] =	vst v3  }
0x120: {  	[tilespmem:s2+$0xE0] =	vst v3  }
0x121: {  	[tilespmem:s2+$0xD0] =	vst v3  }
0x122: {  	[tilespmem:s2+$0xC0] =	vst v3  }
0x123: {  	[tilespmem:s2+$0xB0] =	vst v3  }
0x124: {  	[tilespmem:s2+$0xA0] =	vst v3  }
0x125: {  	[tilespmem:s2+$0x90] =	vst v3  }
0x126: {  	[tilespmem:s2+$0x80] =	vst v3  }
0x127: {  	[tilespmem:s2+$0x70] =	vst v3  }
0x128: {  	[tilespmem:s2+$0x60] =	vst v3  }
0x129: {  	[tilespmem:s2+$0x50] =	vst v3  }
0x12a: {  	[tilespmem:s2+$0x40] =	vst v3  }
0x12b: {  	[tilespmem:s2+$0x30] =	vst v3  }
0x12c: {  	[tilespmem:s2+$0x20] =	vst v3  }
0x12d: {  	[tilespmem:s2+$0x10] =	vst v3  }
0x12e: {  	[tilespmem:s2+$0x0] =	vst v3  }
0x12f: {  	[tilespmem:s2+$0xFFFFFFF0] =	vst v3  }
0x130: {  	[tilespmem:s2+$0xFFFFFFE0] =	vst v3  }
0x131: {  	[tilespmem:s2+$0xFFFFFFD0] =	vst v3  }
0x132: {  	[tilespmem:s2+$0xFFFFFFC0] =	vst v3  }
0x133: {  	[tilespmem:s2+$0xFFFFFFB0] =	vst v3  }
0x134: {  	[tilespmem:s2+$0xFFFFFFA0] =	vst v3  }
0x135: {  	[tilespmem:s2+$0xFFFFFF90] =	vst v3  }
0x136: {  	[tilespmem:s2+$0xFFFFFF80] =	vst v3  }
0x137: {  	[tilespmem:s2+$0xFFFFFF70] =	vst v3  }
0x138: {  	[tilespmem:s2+$0xFFFFFF60] =	vst v3  }
0x139: {  	[tilespmem:s2+$0xFFFFFF50] =	vst v3  }
0x13a: {  	[tilespmem:s2+$0xFFFFFF40] =	vst v3  }
0x13b: {  	[tilespmem:s2+$0xFFFFFF30] =	vst v3  }
0x13c: {  	[tilespmem:s2+$0xFFFFFF20] =	vst v3  }
0x13d: {  	[tilespmem:s2+$0xFFFFFF10] =	vst v3  }
0x13e: {  	[tilespmem:s2+$0xFFFFFF00] =	vst v3  }
0x13f: {  	[tilespmem:s2+$0xFFFFFEF0] =	vst v3  }
0x140: {  	[tilespmem:s2+$0xFFFFFEE0] =	vst v3  }
0x141: {  	[tilespmem:s2+$0xFFFFFED0] =	vst v3  }
0x142: {  	[tilespmem:s2+$0xFFFFFEC0] =	vst v3  }
0x143: {  	[tilespmem:s2+$0xFFFFFEB0] =	vst v3  }
0x144: {  	[tilespmem:s2+$0xFFFFFEA0] =	vst v3  }
0x145: {  	[tilespmem:s2+$0xFFFFFE90] =	vst v3  }
0x146: {  	[tilespmem:s2+$0xFFFFFE80] =	vst v3  }
0x147: {  	[tilespmem:s2+$0xFFFFFE70] =	vst v3  }
0x148: {  	[tilespmem:s2+$0xFFFFFE60] =	vst v3  }
0x149: {  	[tilespmem:s2+$0xFFFFFE50] =	vst v3  }
0x14a: {  	[tilespmem:s2+$0xFFFFFE40] =	vst v3  }
0x14b: {  	[tilespmem:s2+$0xFFFFFE30] =	vst v3  }
0x14c: {  	[tilespmem:s2+$0xFFFFFE20] =	vst v3  }
0x14d: {  	[tilespmem:s2+$0xFFFFFE10] =	vst v3  }
0x14e: {  	[tilespmem:s2+$0xFFFFFE00] =	vst v3  }
0x14f: {  	[tilespmem:s2+$0xFFFFFDF0] =	vst v3  }
0x150: {  	[tilespmem:s2+$0xFFFFFDE0] =	vst v3  }
0x151: {  	[tilespmem:s2+$0xFFFFFDD0] =	vst v3  }
0x152: {  	[tilespmem:s2+$0xFFFFFDC0] =	vst v3  }
0x153: {  	[tilespmem:s2+$0xFFFFFDB0] =	vst v3  }
0x154: {  	[tilespmem:s2+$0xFFFFFDA0] =	vst v3  }
0x155: {  	[tilespmem:s2+$0xFFFFFD90] =	vst v3  }
0x156: {  	[tilespmem:s2+$0xFFFFFD80] =	vst v3  }
0x157: {  	[tilespmem:s2+$0xFFFFFD70] =	vst v3  }
0x158: {  	[tilespmem:s2+$0xFFFFFD60] =	vst v3  }
0x159: {  	[tilespmem:s2+$0xFFFFFD50] =	vst v3  }
0x15a: {  	[tilespmem:s2+$0xFFFFFD40] =	vst v3  }
0x15b: {  	[tilespmem:s2+$0xFFFFFD30] =	vst v3  }
0x15c: {  	[tilespmem:s2+$0xFFFFFD20] =	vst v3  }
0x15d: {  	[tilespmem:s2+$0xFFFFFD10] =	vst v3  }
0x15e: {  	[tilespmem:s2+$0xFFFFFD00] =	vst v3  }
0x15f: {  	[tilespmem:s2+$0xFFFFFCF0] =	vst v3  }
0x160: {  	[tilespmem:s2+$0xFFFFFCE0] =	vst v3  }
0x161: {  	[tilespmem:s2+$0xFFFFFCD0] =	vst v3  }
0x162: {  	[tilespmem:s2+$0xFFFFFCC0] =	vst v3  }
0x163: {  	[tilespmem:s2+$0xFFFFFCB0] =	vst v3  }
0x164: {  	[tilespmem:s2+$0xFFFFFCA0] =	vst v3  }
0x165: {  	[tilespmem:s2+$0xFFFFFC90] =	vst v3  }
0x166: {  	[tilespmem:s2+$0xFFFFFC80] =	vst v3  }
0x167: {  	[tilespmem:s2+$0xFFFFFC70] =	vst v3  }
.Ltmp3:
0x168: {  	[tilespmem:s2+$0xFFFFFC60] =	vst v3;
	(pc) =	sbr.rel @p0 .LBB2_8-.Ltmp3, $4  }
0x169: {  	[tilespmem:s2+$0xFFFFFC50] =	vst v3  }
0x16a: {  	[tilespmem:s2+$0xFFFFFC40] =	vst v3  }
0x16b: {  	[tilespmem:s2+$0xFFFFFC30] =	vst v3  }
0x16c: {  	[tilespmem:s2+$0xFFFFFC20] =	vst v3  }
.Ltmp4:
0x16d: {  	(pc) =	sbr.rel .LBB2_10-.Ltmp4, $2  }
0x16e: {  	_ =	sdelay $0x2  }
0x16f: {  	[tilespmem:s2+$0xFFFFFC10] =	vst v3;
	s2 =	simm.s32 $0x0  }
.LBB2_6:
0x170: {  	p0 =	sne.s32 s2, $0x0  }
.Ltmp5:
0x171: {  	_ = 	snop;
	(pc) =	sbr.rel @!p0 .LBB2_7-.Ltmp5, $1  }
0x172: {  	_ =	sdelay $0x3  }
.LBB2_10:
0x173: {  	_ =	swait.ge [sflag:s24], $0x4000  }
0x174: {  	[sflag:s24] =	ssyncset.done $0x0  }
0x175: {  	s5 =	simm.s32 $0x0;
	s0 =	sadd.s32 $0x4400, s0;
	[sflag:s24] =	ssyncadd.s32 $0xFFFFC000  }
0x176: {  	s15 =	simm.s32 $0x180;
	s16 =	simm.s32 $0x0;
	s5 =	sand.u32 $0x3000, s5;
	v6 =	vld [tilespmem:s29+$0x10]  }
0x177: {  	s17 =	simm.s32 $0x80;
	s22 =	sand.u32 $0x380, s15;
	s6 =	sadd.s32 s5, s0;
	v5 =	vld [tilespmem:s29+$0xFFFFFFF0]  }
0x178: {  	s16 =	sand.u32 $0x200, s16;
	s18 =	sand.u32 $0x280, s17;
	s5 =	sadd.s32 s22, s6;
	v10 =	vld [tilespmem:s29+$0x0]  }
0x179: {  	s23 =	simm.s32 $0x100;
	s17 =	sadd.s32 s16, s6;
	s16 =	sadd.s32 s18, s6;
	v0 =	vld [tilespmem:s5+$0x0]  }
0x17a: {  	s18 =	sand.u32 $0x300, s23;
	v2 =	vld [tilespmem:s16+$0x0]  }
0x17b: {  	v4 =	vld [tilespmem:s29+$0xFFFFFFE0];
	s18 =	sadd.s32 s18, s6  }
0x17c: {  	v8 =	vld [tilespmem:s18+$0x0]  }
0x17d: {  	v1 =	vld [tilespmem:s17+$0x0]  }
0x17e: {  	[tilespmem:v6+s25+$0x0] =	vst.idx.add.f32.msk $0xffff, v0  }
0x17f: {  	[tilespmem:v5+s25+$0x0] =	vst.idx.add.f32.msk $0xffff, v2  }
0x180: {  	v0 =	vadd.s32 $0x10, v6;
	v7 =	vld [tilespmem:s5+$0x10]  }
0x181: {  	[tilespmem:v10+s25+$0x0] =	vst.idx.add.f32.msk $0xffff, v8  }
0x182: {  	v8 =	vadd.s32 $0x10, v5;
	v9 =	vld [tilespmem:s16+$0x10]  }
0x183: {  	[tilespmem:v4+s25+$0x0] =	vst.idx.add.f32.msk $0xffff, v1  }
0x184: {  	v11 =	vadd.s32 $0x10, v10;
	v12 =	vld [tilespmem:s18+$0x10]  }
0x185: {  	[tilespmem:v0+s25+$0x0] =	vst.idx.add.f32.msk $0xffff, v7  }
0x186: {  	v7 =	vld [tilespmem:s17+$0x10]  }
0x187: {  	v2 =	vadd.s32 $0x10, v4;
	[tilespmem:v8+s25+$0x0] =	vst.idx.add.f32.msk $0xffff, v9  }
0x188: {  	v0 =	vadd.s32 $0x20, v6;
	v1 =	vld [tilespmem:s5+$0x20]  }
0x189: {  	[tilespmem:v11+s25+$0x0] =	vst.idx.add.f32.msk $0xffff, v12  }
0x18a: {  	v8 =	vld [tilespmem:s16+$0x20]  }
0x18b: {  	v9 =	vadd.s32 $0x20, v5;
	v11 =	vld [tilespmem:s18+$0x20]  }
0x18c: {  	v51 =	vadd.s32 $0x20, v10;
	[tilespmem:v2+s25+$0x0] =	vst.idx.add.f32.msk $0xffff, v7  }
0x18d: {  	[tilespmem:v0+s25+$0x0] =	vst.idx.add.f32.msk $0xffff, v1  }
0x18e: {  	v7 =	vld [tilespmem:s17+$0x20]  }
0x18f: {  	v0 =	vadd.s32 $0x30, v6;
	v1 =	vld [tilespmem:s5+$0x30]  }
0x190: {  	[tilespmem:v9+s25+$0x0] =	vst.idx.add.f32.msk $0xffff, v8  }
0x191: {  	v2 =	vadd.s32 $0x20, v4;
	[tilespmem:v51+s25+$0x0] =	vst.idx.add.f32.msk $0xffff, v11  }
0x192: {  	v9 =	vld [tilespmem:s16+$0x30]  }
0x193: {  	v8 =	vadd.s32 $0x30, v5;
	v12 =	vld [tilespmem:s18+$0x30]  }
0x194: {  	v11 =	vadd.s32 $0x30, v10;
	[tilespmem:v0+s25+$0x0] =	vst.idx.add.f32.msk $0xffff, v1  }
0x195: {  	v0 =	vadd.s32 $0x40, v6;
	v1 =	vld [tilespmem:s5+$0x40]  }
0x196: {  	[tilespmem:v2+s25+$0x0] =	vst.idx.add.f32.msk $0xffff, v7  }
0x197: {  	v2 =	vld [tilespmem:s17+$0x30]  }
0x198: {  	[tilespmem:v8+s25+$0x0] =	vst.idx.add.f32.msk $0xffff, v9  }
0x199: {  	v7 =	vadd.s32 $0x30, v4;
	[tilespmem:v11+s25+$0x0] =	vst.idx.add.f32.msk $0xffff, v12  }
0x19a: {  	[tilespmem:v0+s25+$0x0] =	vst.idx.add.f32.msk $0xffff, v1  }
0x19b: {  	v0 =	vadd.s32 $0x50, v6;
	v1 =	vld [tilespmem:s5+$0x50]  }
0x19c: {  	v8 =	vld [tilespmem:s16+$0x40]  }
0x19d: {  	v9 =	vadd.s32 $0x40, v5;
	v11 =	vld [tilespmem:s18+$0x40]  }
0x19e: {  	v52 =	vadd.s32 $0x40, v10;
	[tilespmem:v7+s25+$0x0] =	vst.idx.add.f32.msk $0xffff, v2  }
0x19f: {  	v7 =	vld [tilespmem:s17+$0x40]  }
0x1a0: {  	[tilespmem:v0+s25+$0x0] =	vst.idx.add.f32.msk $0xffff, v1  }
0x1a1: {  	v0 =	vadd.s32 $0x60, v6;
	v1 =	vld [tilespmem:s5+$0x60]  }
0x1a2: {  	[tilespmem:v9+s25+$0x0] =	vst.idx.add.f32.msk $0xffff, v8  }
0x1a3: {  	v2 =	vadd.s32 $0x40, v4;
	[tilespmem:v52+s25+$0x0] =	vst.idx.add.f32.msk $0xffff, v11  }
0x1a4: {  	v9 =	vld [tilespmem:s16+$0x50]  }
0x1a5: {  	v8 =	vadd.s32 $0x50, v5;
	v12 =	vld [tilespmem:s18+$0x50]  }
0x1a6: {  	v11 =	vadd.s32 $0x50, v10;
	[tilespmem:v0+s25+$0x0] =	vst.idx.add.f32.msk $0xffff, v1  }
0x1a7: {  	v0 =	vadd.s32 $0x70, v6;
	v1 =	vld [tilespmem:s5+$0x70]  }
0x1a8: {  	[tilespmem:v2+s25+$0x0] =	vst.idx.add.f32.msk $0xffff, v7  }
0x1a9: {  	v2 =	vld [tilespmem:s17+$0x50]  }
0x1aa: {  	[tilespmem:v8+s25+$0x0] =	vst.idx.add.f32.msk $0xffff, v9  }
0x1ab: {  	v7 =	vadd.s32 $0x50, v4;
	[tilespmem:v11+s25+$0x0] =	vst.idx.add.f32.msk $0xffff, v12  }
0x1ac: {  	[tilespmem:v0+s25+$0x0] =	vst.idx.add.f32.msk $0xffff, v1  }
0x1ad: {  	v1 =	vadd.s32 $0x80, v6;
	v0 =	vld [tilespmem:s5+$0x400]  }
0x1ae: {  	v8 =	vld [tilespmem:s16+$0x60]  }
0x1af: {  	v9 =	vadd.s32 $0x60, v5;
	v11 =	vld [tilespmem:s18+$0x60]  }
0x1b0: {  	v53 =	vadd.s32 $0x60, v10;
	[tilespmem:v7+s25+$0x0] =	vst.idx.add.f32.msk $0xffff, v2  }
0x1b1: {  	v7 =	vld [tilespmem:s17+$0x60]  }
0x1b2: {  	[tilespmem:v1+s25+$0x0] =	vst.idx.add.f32.msk $0xffff, v0  }
0x1b3: {  	v0 =	vadd.s32 $0x90, v6;
	v1 =	vld [tilespmem:s5+$0x410]  }
0x1b4: {  	[tilespmem:v9+s25+$0x0] =	vst.idx.add.f32.msk $0xffff, v8  }
0x1b5: {  	v2 =	vadd.s32 $0x60, v4;
	[tilespmem:v53+s25+$0x0] =	vst.idx.add.f32.msk $0xffff, v11  }
0x1b6: {  	v9 =	vld [tilespmem:s16+$0x70]  }
0x1b7: {  	v8 =	vadd.s32 $0x70, v5;
	v12 =	vld [tilespmem:s18+$0x70]  }
0x1b8: {  	v11 =	vadd.s32 $0x70, v10;
	[tilespmem:v0+s25+$0x0] =	vst.idx.add.f32.msk $0xffff, v1  }
0x1b9: {  	v0 =	vadd.s32 $0xA0, v6;
	v1 =	vld [tilespmem:s5+$0x420]  }
0x1ba: {  	[tilespmem:v2+s25+$0x0] =	vst.idx.add.f32.msk $0xffff, v7  }
0x1bb: {  	v2 =	vld [tilespmem:s17+$0x70]  }
0x1bc: {  	[tilespmem:v8+s25+$0x0] =	vst.idx.add.f32.msk $0xffff, v9  }
0x1bd: {  	v7 =	vadd.s32 $0x70, v4;
	[tilespmem:v11+s25+$0x0] =	vst.idx.add.f32.msk $0xffff, v12  }
0x1be: {  	[tilespmem:v0+s25+$0x0] =	vst.idx.add.f32.msk $0xffff, v1  }
0x1bf: {  	v0 =	vadd.s32 $0xB0, v6;
	v1 =	vld [tilespmem:s5+$0x430]  }
0x1c0: {  	v8 =	vld [tilespmem:s16+$0x400]  }
0x1c1: {  	v9 =	vadd.s32 $0x80, v5;
	v11 =	vld [tilespmem:s18+$0x400]  }
0x1c2: {  	v54 =	vadd.s32 $0x80, v10;
	[tilespmem:v7+s25+$0x0] =	vst.idx.add.f32.msk $0xffff, v2  }
0x1c3: {  	v7 =	vld [tilespmem:s17+$0x400]  }
0x1c4: {  	[tilespmem:v0+s25+$0x0] =	vst.idx.add.f32.msk $0xffff, v1  }
0x1c5: {  	v0 =	vadd.s32 $0xC0, v6;
	v1 =	vld [tilespmem:s5+$0x440]  }
0x1c6: {  	[tilespmem:v9+s25+$0x0] =	vst.idx.add.f32.msk $0xffff, v8  }
0x1c7: {  	v2 =	vadd.s32 $0x80, v4;
	[tilespmem:v54+s25+$0x0] =	vst.idx.add.f32.msk $0xffff, v11  }
0x1c8: {  	v9 =	vld [tilespmem:s16+$0x410]  }
0x1c9: {  	v8 =	vadd.s32 $0x90, v5;
	v12 =	vld [tilespmem:s18+$0x410]  }
0x1ca: {  	v11 =	vadd.s32 $0x90, v10;
	[tilespmem:v0+s25+$0x0] =	vst.idx.add.f32.msk $0xffff, v1  }
0x1cb: {  	v0 =	vadd.s32 $0xD0, v6;
	v1 =	vld [tilespmem:s5+$0x450]  }
0x1cc: {  	[tilespmem:v2+s25+$0x0] =	vst.idx.add.f32.msk $0xffff, v7  }
0x1cd: {  	v2 =	vld [tilespmem:s17+$0x410]  }
0x1ce: {  	[tilespmem:v8+s25+$0x0] =	vst.idx.add.f32.msk $0xffff, v9  }
0x1cf: {  	v7 =	vadd.s32 $0x90, v4;
	[tilespmem:v11+s25+$0x0] =	vst.idx.add.f32.msk $0xffff, v12  }
0x1d0: {  	[tilespmem:v0+s25+$0x0] =	vst.idx.add.f32.msk $0xffff, v1  }
0x1d1: {  	v0 =	vadd.s32 $0xE0, v6;
	v1 =	vld [tilespmem:s5+$0x460]  }
0x1d2: {  	v8 =	vld [tilespmem:s16+$0x420]  }
0x1d3: {  	v9 =	vadd.s32 $0xA0, v5;
	v11 =	vld [tilespmem:s18+$0x420]  }
0x1d4: {  	v55 =	vadd.s32 $0xA0, v10;
	[tilespmem:v7+s25+$0x0] =	vst.idx.add.f32.msk $0xffff, v2  }
0x1d5: {  	v7 =	vld [tilespmem:s17+$0x420]  }
0x1d6: {  	[tilespmem:v0+s25+$0x0] =	vst.idx.add.f32.msk $0xffff, v1  }
0x1d7: {  	v0 =	vadd.s32 $0xF0, v6;
	v1 =	vld [tilespmem:s5+$0x470]  }
0x1d8: {  	[tilespmem:v9+s25+$0x0] =	vst.idx.add.f32.msk $0xffff, v8  }
0x1d9: {  	v2 =	vadd.s32 $0xA0, v4;
	[tilespmem:v55+s25+$0x0] =	vst.idx.add.f32.msk $0xffff, v11  }
0x1da: {  	v9 =	vld [tilespmem:s16+$0x430]  }
0x1db: {  	v8 =	vadd.s32 $0xB0, v5;
	v12 =	vld [tilespmem:s18+$0x430]  }
0x1dc: {  	v11 =	vadd.s32 $0xB0, v10;
	[tilespmem:v0+s25+$0x0] =	vst.idx.add.f32.msk $0xffff, v1  }
0x1dd: {  	v1 =	vadd.s32 $0x100, v6;
	v0 =	vld [tilespmem:s5+$0x800]  }
0x1de: {  	[tilespmem:v2+s25+$0x0] =	vst.idx.add.f32.msk $0xffff, v7  }
0x1df: {  	v2 =	vld [tilespmem:s17+$0x430]  }
0x1e0: {  	[tilespmem:v8+s25+$0x0] =	vst.idx.add.f32.msk $0xffff, v9  }
0x1e1: {  	v7 =	vadd.s32 $0xB0, v4;
	[tilespmem:v11+s25+$0x0] =	vst.idx.add.f32.msk $0xffff, v12  }
0x1e2: {  	[tilespmem:v1+s25+$0x0] =	vst.idx.add.f32.msk $0xffff, v0  }
0x1e3: {  	v0 =	vadd.s32 $0x110, v6;
	v1 =	vld [tilespmem:s5+$0x810]  }
0x1e4: {  	v8 =	vld [tilespmem:s16+$0x440]  }
0x1e5: {  	v9 =	vadd.s32 $0xC0, v5;
	v11 =	vld [tilespmem:s18+$0x440]  }
0x1e6: {  	v56 =	vadd.s32 $0xC0, v10;
	[tilespmem:v7+s25+$0x0] =	vst.idx.add.f32.msk $0xffff, v2  }
0x1e7: {  	v7 =	vld [tilespmem:s17+$0x440]  }
0x1e8: {  	[tilespmem:v0+s25+$0x0] =	vst.idx.add.f32.msk $0xffff, v1  }
0x1e9: {  	v0 =	vadd.s32 $0x120, v6;
	v1 =	vld [tilespmem:s5+$0x820]  }
0x1ea: {  	[tilespmem:v9+s25+$0x0] =	vst.idx.add.f32.msk $0xffff, v8  }
0x1eb: {  	v2 =	vadd.s32 $0xC0, v4;
	[tilespmem:v56+s25+$0x0] =	vst.idx.add.f32.msk $0xffff, v11  }
0x1ec: {  	v9 =	vld [tilespmem:s16+$0x450]  }
0x1ed: {  	v8 =	vadd.s32 $0xD0, v5;
	v12 =	vld [tilespmem:s18+$0x450]  }
0x1ee: {  	v11 =	vadd.s32 $0xD0, v10;
	[tilespmem:v0+s25+$0x0] =	vst.idx.add.f32.msk $0xffff, v1  }
0x1ef: {  	v0 =	vadd.s32 $0x130, v6;
	v1 =	vld [tilespmem:s5+$0x830]  }
0x1f0: {  	[tilespmem:v2+s25+$0x0] =	vst.idx.add.f32.msk $0xffff, v7  }
0x1f1: {  	v2 =	vld [tilespmem:s17+$0x450]  }
0x1f2: {  	[tilespmem:v8+s25+$0x0] =	vst.idx.add.f32.msk $0xffff, v9  }
0x1f3: {  	v7 =	vadd.s32 $0xD0, v4;
	[tilespmem:v11+s25+$0x0] =	vst.idx.add.f32.msk $0xffff, v12  }
0x1f4: {  	[tilespmem:v0+s25+$0x0] =	vst.idx.add.f32.msk $0xffff, v1  }
0x1f5: {  	v0 =	vadd.s32 $0x140, v6;
	v1 =	vld [tilespmem:s5+$0x840]  }
0x1f6: {  	v8 =	vld [tilespmem:s16+$0x460]  }
0x1f7: {  	v9 =	vadd.s32 $0xE0, v5;
	v11 =	vld [tilespmem:s18+$0x460]  }
0x1f8: {  	v57 =	vadd.s32 $0xE0, v10;
	[tilespmem:v7+s25+$0x0] =	vst.idx.add.f32.msk $0xffff, v2  }
0x1f9: {  	v7 =	vld [tilespmem:s17+$0x460]  }
0x1fa: {  	[tilespmem:v0+s25+$0x0] =	vst.idx.add.f32.msk $0xffff, v1  }
0x1fb: {  	v0 =	vadd.s32 $0x150, v6;
	v1 =	vld [tilespmem:s5+$0x850]  }
0x1fc: {  	[tilespmem:v9+s25+$0x0] =	vst.idx.add.f32.msk $0xffff, v8  }
0x1fd: {  	v2 =	vadd.s32 $0xE0, v4;
	[tilespmem:v57+s25+$0x0] =	vst.idx.add.f32.msk $0xffff, v11  }
0x1fe: {  	v9 =	vld [tilespmem:s16+$0x470]  }
0x1ff: {  	v8 =	vadd.s32 $0xF0, v5;
	v12 =	vld [tilespmem:s18+$0x470]  }
0x200: {  	v11 =	vadd.s32 $0xF0, v10;
	[tilespmem:v0+s25+$0x0] =	vst.idx.add.f32.msk $0xffff, v1  }
0x201: {  	v0 =	vadd.s32 $0x160, v6;
	v1 =	vld [tilespmem:s5+$0x860]  }
0x202: {  	[tilespmem:v2+s25+$0x0] =	vst.idx.add.f32.msk $0xffff, v7  }
0x203: {  	v2 =	vld [tilespmem:s17+$0x470]  }
0x204: {  	v7 =	vadd.s32 $0xF0, v4;
	[tilespmem:v8+s25+$0x0] =	vst.idx.add.f32.msk $0xffff, v9  }
0x205: {  	[tilespmem:v11+s25+$0x0] =	vst.idx.add.f32.msk $0xffff, v12  }
0x206: {  	[tilespmem:v0+s25+$0x0] =	vst.idx.add.f32.msk $0xffff, v1  }
0x207: {  	v0 =	vadd.s32 $0x170, v6;
	v1 =	vld [tilespmem:s5+$0x870]  }
0x208: {  	v8 =	vld [tilespmem:s16+$0x800]  }
0x209: {  	v9 =	vadd.s32 $0x100, v5;
	[tilespmem:v7+s25+$0x0] =	vst.idx.add.f32.msk $0xffff, v2  }
0x20a: {  	v2 =	vadd.s32 $0x100, v4;
	v7 =	vld [tilespmem:s17+$0x800]  }
0x20b: {  	v11 =	vld [tilespmem:s18+$0x800]  }
0x20c: {  	[tilespmem:v0+s25+$0x0] =	vst.idx.add.f32.msk $0xffff, v1  }
0x20d: {  	v1 =	vadd.s32 $0x180, v6;
	v0 =	vld [tilespmem:s5+$0xC00]  }
0x20e: {  	[tilespmem:v9+s25+$0x0] =	vst.idx.add.f32.msk $0xffff, v8  }
0x20f: {  	[tilespmem:v2+s25+$0x0] =	vst.idx.add.f32.msk $0xffff, v7;
	v2 =	vadd.s32 $0x100, v10  }
0x210: {  	v9 =	vld [tilespmem:s16+$0x810]  }
0x211: {  	v8 =	vadd.s32 $0x110, v5;
	v7 =	vld [tilespmem:s17+$0x810]  }
0x212: {  	[tilespmem:v1+s25+$0x0] =	vst.idx.add.f32.msk $0xffff, v0  }
0x213: {  	v0 =	vadd.s32 $0x190, v6;
	v1 =	vld [tilespmem:s5+$0xC10]  }
0x214: {  	[tilespmem:v2+s25+$0x0] =	vst.idx.add.f32.msk $0xffff, v11  }
0x215: {  	v2 =	vadd.s32 $0x110, v10;
	v11 =	vld [tilespmem:s18+$0x810]  }
0x216: {  	[tilespmem:v8+s25+$0x0] =	vst.idx.add.f32.msk $0xffff, v9  }
0x217: {  	v8 =	vadd.s32 $0x120, v5;
	v9 =	vld [tilespmem:s16+$0x820]  }
0x218: {  	[tilespmem:v0+s25+$0x0] =	vst.idx.add.f32.msk $0xffff, v1;
	v0 =	vadd.s32 $0x110, v4;
	_ =	sdelay $0x1  }
0x219: {  	[tilespmem:v2+s25+$0x0] =	vst.idx.add.f32.msk $0xffff, v11  }
0x21a: {  	v2 =	vadd.s32 $0x120, v10;
	v11 =	vld [tilespmem:s18+$0x820]  }
0x21b: {  	[tilespmem:v8+s25+$0x0] =	vst.idx.add.f32.msk $0xffff, v9  }
0x21c: {  	[tilespmem:v0+s25+$0x0] =	vst.idx.add.f32.msk $0xffff, v7  }
0x21d: {  	v0 =	vadd.s32 $0x120, v4;
	v7 =	vld [tilespmem:s17+$0x820]  }
0x21e: {  	v9 =	vld [tilespmem:s16+$0x830]  }
0x21f: {  	v8 =	vadd.s32 $0x130, v5;
	[tilespmem:v2+s25+$0x0] =	vst.idx.add.f32.msk $0xffff, v11  }
0x220: {  	v2 =	vadd.s32 $0x130, v10;
	v11 =	vld [tilespmem:s18+$0x830]  }
0x221: {  	v1 =	vld [tilespmem:s5+$0xC20]  }
0x222: {  	[tilespmem:v0+s25+$0x0] =	vst.idx.add.f32.msk $0xffff, v7;
	v0 =	vadd.s32 $0x1A0, v6  }
0x223: {  	v58 =	vadd.s32 $0x130, v4;
	v7 =	vld [tilespmem:s17+$0x830]  }
0x224: {  	[tilespmem:v8+s25+$0x0] =	vst.idx.add.f32.msk $0xffff, v9  }
0x225: {  	[tilespmem:v2+s25+$0x0] =	vst.idx.add.f32.msk $0xffff, v11  }
0x226: {  	v8 =	vadd.s32 $0x140, v10;
	v9 =	vld [tilespmem:s18+$0x840]  }
0x227: {  	[tilespmem:v0+s25+$0x0] =	vst.idx.add.f32.msk $0xffff, v1  }
0x228: {  	[tilespmem:v58+s25+$0x0] =	vst.idx.add.f32.msk $0xffff, v7  }
0x229: {  	v2 =	vadd.s32 $0x140, v5;
	v7 =	vld [tilespmem:s16+$0x840]  }
0x22a: {  	v0 =	vadd.s32 $0x140, v4;
	v1 =	vld [tilespmem:s17+$0x840]  }
0x22b: {  	[tilespmem:v8+s25+$0x0] =	vst.idx.add.f32.msk $0xffff, v9  }
0x22c: {  	v9 =	vld [tilespmem:s18+$0x850]  }
0x22d: {  	v8 =	vadd.s32 $0x150, v10;
	v11 =	vld [tilespmem:s5+$0xC30]  }
0x22e: {  	[tilespmem:v2+s25+$0x0] =	vst.idx.add.f32.msk $0xffff, v7  }
0x22f: {  	[tilespmem:v0+s25+$0x0] =	vst.idx.add.f32.msk $0xffff, v1;
	v0 =	vadd.s32 $0x1B0, v6  }
0x230: {  	v2 =	vadd.s32 $0x150, v5;
	v7 =	vld [tilespmem:s16+$0x850]  }
0x231: {  	v59 =	vadd.s32 $0x150, v4;
	v1 =	vld [tilespmem:s17+$0x850]  }
0x232: {  	[tilespmem:v8+s25+$0x0] =	vst.idx.add.f32.msk $0xffff, v9  }
0x233: {  	v9 =	vld [tilespmem:s18+$0x860]  }
0x234: {  	v8 =	vadd.s32 $0x160, v10;
	[tilespmem:v0+s25+$0x0] =	vst.idx.add.f32.msk $0xffff, v11  }
0x235: {  	[tilespmem:v2+s25+$0x0] =	vst.idx.add.f32.msk $0xffff, v7  }
0x236: {  	[tilespmem:v59+s25+$0x0] =	vst.idx.add.f32.msk $0xffff, v1  }
0x237: {  	v2 =	vadd.s32 $0x160, v5;
	v7 =	vld [tilespmem:s16+$0x860]  }
0x238: {  	v1 =	vadd.s32 $0x160, v4;
	v0 =	vld [tilespmem:s17+$0x860]  }
0x239: {  	[tilespmem:v8+s25+$0x0] =	vst.idx.add.f32.msk $0xffff, v9  }
0x23a: {  	v9 =	vld [tilespmem:s18+$0x870]  }
0x23b: {  	v8 =	vadd.s32 $0x170, v10;
	v11 =	vld [tilespmem:s5+$0xC40]  }
0x23c: {  	[tilespmem:v2+s25+$0x0] =	vst.idx.add.f32.msk $0xffff, v7  }
0x23d: {  	[tilespmem:v1+s25+$0x0] =	vst.idx.add.f32.msk $0xffff, v0;
	v0 =	vadd.s32 $0x1C0, v6  }
0x23e: {  	v2 =	vadd.s32 $0x170, v5;
	v7 =	vld [tilespmem:s16+$0x870]  }
0x23f: {  	v60 =	vadd.s32 $0x170, v4;
	v1 =	vld [tilespmem:s17+$0x870]  }
0x240: {  	[tilespmem:v8+s25+$0x0] =	vst.idx.add.f32.msk $0xffff, v9  }
0x241: {  	v9 =	vld [tilespmem:s18+$0xC00]  }
0x242: {  	v8 =	vadd.s32 $0x180, v10;
	[tilespmem:v0+s25+$0x0] =	vst.idx.add.f32.msk $0xffff, v11  }
0x243: {  	[tilespmem:v2+s25+$0x0] =	vst.idx.add.f32.msk $0xffff, v7  }
0x244: {  	[tilespmem:v60+s25+$0x0] =	vst.idx.add.f32.msk $0xffff, v1  }
0x245: {  	v2 =	vadd.s32 $0x180, v5;
	v7 =	vld [tilespmem:s16+$0xC00]  }
0x246: {  	v1 =	vadd.s32 $0x180, v4;
	v0 =	vld [tilespmem:s17+$0xC00]  }
0x247: {  	[tilespmem:v8+s25+$0x0] =	vst.idx.add.f32.msk $0xffff, v9  }
0x248: {  	v9 =	vld [tilespmem:s18+$0xC10]  }
0x249: {  	v8 =	vadd.s32 $0x190, v10;
	v11 =	vld [tilespmem:s5+$0xC50]  }
0x24a: {  	[tilespmem:v2+s25+$0x0] =	vst.idx.add.f32.msk $0xffff, v7  }
0x24b: {  	[tilespmem:v1+s25+$0x0] =	vst.idx.add.f32.msk $0xffff, v0;
	v0 =	vadd.s32 $0x1D0, v6  }
0x24c: {  	v2 =	vadd.s32 $0x190, v5;
	v7 =	vld [tilespmem:s16+$0xC10]  }
0x24d: {  	v61 =	vadd.s32 $0x190, v4;
	v1 =	vld [tilespmem:s17+$0xC10]  }
0x24e: {  	[tilespmem:v8+s25+$0x0] =	vst.idx.add.f32.msk $0xffff, v9  }
0x24f: {  	v9 =	vld [tilespmem:s18+$0xC20]  }
0x250: {  	v8 =	vadd.s32 $0x1A0, v10;
	[tilespmem:v0+s25+$0x0] =	vst.idx.add.f32.msk $0xffff, v11  }
0x251: {  	[tilespmem:v2+s25+$0x0] =	vst.idx.add.f32.msk $0xffff, v7  }
0x252: {  	[tilespmem:v61+s25+$0x0] =	vst.idx.add.f32.msk $0xffff, v1  }
0x253: {  	v2 =	vadd.s32 $0x1A0, v5;
	v7 =	vld [tilespmem:s16+$0xC20]  }
0x254: {  	v1 =	vadd.s32 $0x1A0, v4;
	v0 =	vld [tilespmem:s17+$0xC20]  }
0x255: {  	[tilespmem:v8+s25+$0x0] =	vst.idx.add.f32.msk $0xffff, v9  }
0x256: {  	v9 =	vld [tilespmem:s18+$0xC30]  }
0x257: {  	v8 =	vadd.s32 $0x1B0, v10;
	v11 =	vld [tilespmem:s5+$0xC60]  }
0x258: {  	[tilespmem:v2+s25+$0x0] =	vst.idx.add.f32.msk $0xffff, v7  }
0x259: {  	[tilespmem:v1+s25+$0x0] =	vst.idx.add.f32.msk $0xffff, v0;
	v0 =	vadd.s32 $0x1E0, v6  }
0x25a: {  	v2 =	vadd.s32 $0x1B0, v5;
	v7 =	vld [tilespmem:s16+$0xC30]  }
0x25b: {  	v62 =	vadd.s32 $0x1B0, v4;
	v1 =	vld [tilespmem:s17+$0xC30]  }
0x25c: {  	[tilespmem:v8+s25+$0x0] =	vst.idx.add.f32.msk $0xffff, v9  }
0x25d: {  	v9 =	vld [tilespmem:s18+$0xC40]  }
0x25e: {  	v8 =	vadd.s32 $0x1C0, v10;
	[tilespmem:v0+s25+$0x0] =	vst.idx.add.f32.msk $0xffff, v11  }
0x25f: {  	[tilespmem:v2+s25+$0x0] =	vst.idx.add.f32.msk $0xffff, v7  }
0x260: {  	[tilespmem:v62+s25+$0x0] =	vst.idx.add.f32.msk $0xffff, v1  }
0x261: {  	v2 =	vadd.s32 $0x1C0, v5;
	v7 =	vld [tilespmem:s16+$0xC40]  }
0x262: {  	v1 =	vadd.s32 $0x1C0, v4;
	v0 =	vld [tilespmem:s17+$0xC40]  }
0x263: {  	[tilespmem:v8+s25+$0x0] =	vst.idx.add.f32.msk $0xffff, v9  }
0x264: {  	v63 =	vld [tilespmem:s18+$0xC50]  }
0x265: {  	v11 =	vld [tilespmem:s5+$0xC70]  }
0x266: {  	v9 =	vadd.s32 $0x1D0, v10;
	[tilespmem:v2+s25+$0x0] =	vst.idx.add.f32.msk $0xffff, v7  }
0x267: {  	[tilespmem:v1+s25+$0x0] =	vst.idx.add.f32.msk $0xffff, v0;
	v1 =	vadd.s32 $0x1F0, v6  }
0x268: {  	v6 =	vadd.s32 $0x1D0, v5;
	v7 =	vld [tilespmem:s16+$0xC50]  }
0x269: {  	v2 =	vadd.s32 $0x1D0, v4;
	v0 =	vld [tilespmem:s17+$0xC50];
	_ =	sdelay $0x1  }
0x26a: {  	[tilespmem:v9+s25+$0x0] =	vst.idx.add.f32.msk $0xffff, v63  }
0x26b: {  	[tilespmem:v1+s25+$0x0] =	vst.idx.add.f32.msk $0xffff, v11  }
0x26c: {  	[tilespmem:v6+s25+$0x0] =	vst.idx.add.f32.msk $0xffff, v7  }
0x26d: {  	v8 =	vadd.s32 $0x1E0, v5;
	v9 =	vadd.s32 $0x1E0, v10;
	v7 =	vadd.s32 $0x1E0, v4;
	[tilespmem:v2+s25+$0x0] =	vst.idx.add.f32.msk $0xffff, v0  }
0x26e: {  	s19 =	simm.s32 $0x0;
	s20 =	simm.s32 $0x800;
	s21 =	sadd.s32 $0x40, s29;
	v4 =	vadd.s32 $0x1F0, v4;
	v6 =	vadd.s32 $0x1F0, v5;
	v5 =	vadd.s32 $0x1F0, v10;
	v10 =	vld [tilespmem:s17+$0xC60]  }
.LBB2_11:
0x26f: {  	v11 =	vld [tilespmem:s21+$0x10]  }
0x270: {  	v47 =	vld [tilespmem:s21+$0xFFFFFFE0]  }
0x271: {  	[tilespmem:$0x1FFA0] =	vst v5;
	s5 =	sand.u32 $0x3000, s20;
	s15 =	sadd.s32 $0x200, s15;
	v5 =	vld [tilespmem:s16+$0xC60]  }
0x272: {  	s22 =	sadd.s32 s5, s0;
	s14 =	sand.u32 $0x380, s15  }
0x273: {  	v40 =	vld [tilespmem:s21+$0xFFFFFFF0];
	s23 =	sadd.s32 $0xFFFFFE80, s15;
	s13 =	sadd.s32 $0xFFFFFF00, s15;
	s6 =	sadd.s32 s14, s22  }
0x274: {  	s23 =	sand.u32 $0x200, s23;
	s13 =	sand.u32 $0x280, s13;
	v0 =	vld [tilespmem:s6+$0x0]  }
0x275: {  	[tilespmem:$0x1FF10] =	vst v4;
	v42 =	vld [tilespmem:s21+$0x0];
	s14 =	sadd.s32 $0xFFFFFF80, s15;
	s5 =	sadd.s32 s23, s22;
	s23 =	sadd.s32 s13, s22  }
0x276: {  	s14 =	sand.u32 $0x300, s14;
	v2 =	vld [tilespmem:s23+$0x0];
	[tilespmem:$0x1FE00] =	vst v5;
	v5 =	vadd.s32 $0x110, v47  }
0x277: {  	v1 =	vld [tilespmem:s5+$0x0];
	s22 =	sadd.s32 s14, s22;
	[tilespmem:$0x1FD30] =	vst v5;
	v5 =	vadd.s32 $0x120, v47  }
0x278: {  	v4 =	vld [tilespmem:s22+$0x0];
	[tilespmem:$0x1FD40] =	vst v5  }
0x279: {  	v5 =	vadd.s32 $0x120, v40;
	[tilespmem:v11+s25+$0x0] =	vst.idx.add.f32.msk $0xffff, v0  }
0x27a: {  	[tilespmem:$0x1FD50] =	vst v5  }
0x27b: {  	[tilespmem:v40+s25+$0x0] =	vst.idx.add.f32.msk $0xffff, v2  }
0x27c: {  	v5 =	vadd.s32 $0x130, v47;
	[tilespmem:v47+s25+$0x0] =	vst.idx.add.f32.msk $0xffff, v1  }
0x27d: {  	v12 =	vld [tilespmem:s6+$0x10];
	[tilespmem:$0x1FD60] =	vst v5  }
0x27e: {  	v0 =	vadd.s32 $0x10, v11;
	v5 =	vadd.s32 $0x130, v40;
	[tilespmem:v42+s25+$0x0] =	vst.idx.add.f32.msk $0xffff, v4  }
0x27f: {  	[tilespmem:$0x1FD70] =	vst v5;
	v5 =	vadd.s32 $0x130, v42  }
0x280: {  	v51 =	vadd.s32 $0x10, v47;
	v56 =	vld [tilespmem:s5+$0x10];
	[tilespmem:$0x1FD80] =	vst v5;
	v5 =	vadd.s32 $0x140, v47  }
0x281: {  	v49 =	vadd.s32 $0x10, v40;
	v58 =	vld [tilespmem:s23+$0x10];
	[tilespmem:$0x1FD90] =	vst v5;
	v5 =	vadd.s32 $0x140, v40  }
0x282: {  	v52 =	vld [tilespmem:s22+$0x10];
	[tilespmem:$0x1FDA0] =	vst v5  }
0x283: {  	v50 =	vadd.s32 $0x10, v42;
	v5 =	vadd.s32 $0x140, v42;
	[tilespmem:v0+s25+$0x0] =	vst.idx.add.f32.msk $0xffff, v12  }
0x284: {  	[tilespmem:$0x1FDB0] =	vst v5  }
0x285: {  	[tilespmem:v51+s25+$0x0] =	vst.idx.add.f32.msk $0xffff, v56  }
0x286: {  	v5 =	vadd.s32 $0x150, v47;
	[tilespmem:v49+s25+$0x0] =	vst.idx.add.f32.msk $0xffff, v58  }
0x287: {  	v1 =	vld [tilespmem:s18+$0xC60];
	[tilespmem:$0x1FDC0] =	vst v5  }
0x288: {  	v5 =	vadd.s32 $0x150, v40;
	[tilespmem:v50+s25+$0x0] =	vst.idx.add.f32.msk $0xffff, v52  }
0x289: {  	[tilespmem:$0x1FDD0] =	vst v5;
	v5 =	vadd.s32 $0x160, v47  }
0x28a: {  	v50 =	vadd.s32 $0x160, v42;
	[tilespmem:$0x1FDF0] =	vst v5  }
0x28b: {  	v0 =	vadd.s32 $0x20, v11;
	v54 =	vld [tilespmem:s6+$0x20];
	v5 =	vadd.s32 $0x160, v40;
	[tilespmem:$0x1FE20] =	vst v50  }
0x28c: {  	v50 =	vadd.s32 $0x190, v47;
	[tilespmem:$0x1FE10] =	vst v5  }
0x28d: {  	v5 =	vadd.s32 $0x150, v42;
	[tilespmem:$0x1FEA0] =	vst v50  }
0x28e: {  	v50 =	vadd.s32 $0x190, v40;
	[tilespmem:$0x1FDE0] =	vst v5  }
0x28f: {  	v48 =	vadd.s32 $0x20, v47;
	v60 =	vld [tilespmem:s5+$0x20];
	[tilespmem:$0x1FEB0] =	vst v50  }
0x290: {  	v5 =	vadd.s32 $0x170, v47;
	[tilespmem:v0+s25+$0x0] =	vst.idx.add.f32.msk $0xffff, v54  }
0x291: {  	v55 =	vadd.s32 $0x20, v40;
	v61 =	vld [tilespmem:s23+$0x20];
	v50 =	vadd.s32 $0x180, v42;
	[tilespmem:$0x1FE30] =	vst v5  }
0x292: {  	v5 =	vadd.s32 $0x170, v40;
	[tilespmem:$0x1FE90] =	vst v50  }
0x293: {  	[tilespmem:$0x1FE50] =	vst v5  }
0x294: {  	v50 =	vadd.s32 $0x1A0, v47;
	[tilespmem:v48+s25+$0x0] =	vst.idx.add.f32.msk $0xffff, v60  }
0x295: {  	v59 =	vld [tilespmem:s6+$0x30];
	[tilespmem:$0x1FED0] =	vst v50  }
0x296: {  	v57 =	vadd.s32 $0x30, v11;
	v60 =	vadd.s32 $0x180, v47;
	[tilespmem:v55+s25+$0x0] =	vst.idx.add.f32.msk $0xffff, v61  }
0x297: {  	v50 =	vadd.s32 $0x1A0, v40;
	[tilespmem:$0x1FE70] =	vst v60  }
0x298: {  	v61 =	vadd.s32 $0x1B0, v42;
	[tilespmem:$0x1FEE0] =	vst v50  }
0x299: {  	v60 =	vadd.s32 $0x180, v40;
	[tilespmem:$0x1FF40] =	vst v61  }
0x29a: {  	[tilespmem:$0x1FE80] =	vst v60  }
0x29b: {  	v50 =	vadd.s32 $0x190, v42;
	[tilespmem:v57+s25+$0x0] =	vst.idx.add.f32.msk $0xffff, v59  }
0x29c: {  	v60 =	vadd.s32 $0x170, v42;
	[tilespmem:$0x1FEC0] =	vst v50;
	v57 =	vadd.s32 $0x40, v11;
	v59 =	vld [tilespmem:s6+$0x40]  }
0x29d: {  	v50 =	vadd.s32 $0x1B0, v47;
	[tilespmem:$0x1FE60] =	vst v60  }
0x29e: {  	[tilespmem:$0x1FF00] =	vst v50;
	v60 =	vadd.s32 $0x1A0, v42  }
0x29f: {  	v53 =	vadd.s32 $0x20, v42;
	v5 =	vld [tilespmem:s22+$0x20];
	v50 =	vadd.s32 $0x1C0, v47;
	[tilespmem:$0x1FEF0] =	vst v60  }
0x2a0: {  	v43 =	vadd.s32 $0x30, v40;
	v45 =	vadd.s32 $0x30, v42;
	v38 =	vadd.s32 $0x40, v40;
	[tilespmem:$0x1FF50] =	vst v50  }
0x2a1: {  	v39 =	vadd.s32 $0x40, v42;
	v46 =	vadd.s32 $0x30, v47;
	v60 =	vadd.s32 $0x1B0, v40;
	[tilespmem:v57+s25+$0x0] =	vst.idx.add.f32.msk $0xffff, v59  }
0x2a2: {  	v44 =	vadd.s32 $0x40, v47;
	v50 =	vadd.s32 $0x1D0, v47;
	[tilespmem:$0x1FF30] =	vst v60;
	v57 =	vadd.s32 $0x50, v11;
	v59 =	vld [tilespmem:s6+$0x50]  }
0x2a3: {  	v37 =	vadd.s32 $0x50, v47;
	v35 =	vadd.s32 $0x60, v47;
	v41 =	vadd.s32 $0x50, v42;
	v48 =	vld [tilespmem:s5+$0x30];
	[tilespmem:$0x1FF90] =	vst v50  }
0x2a4: {  	v31 =	vadd.s32 $0x70, v47;
	v34 =	vadd.s32 $0x60, v42;
	[tilespmem:v53+s25+$0x0] =	vst.idx.add.f32.msk $0xffff, v5;
	v5 =	vadd.s32 $0x1C0, v42  }
0x2a5: {  	v29 =	vadd.s32 $0x80, v47;
	v32 =	vadd.s32 $0x70, v42;
	v60 =	vadd.s32 $0x1C0, v40;
	[tilespmem:$0x1FF80] =	vst v5;
	v5 =	vld [tilespmem:s23+$0x30]  }
0x2a6: {  	v25 =	vadd.s32 $0x90, v47;
	v28 =	vadd.s32 $0x80, v42;
	v23 =	vadd.s32 $0xA0, v47;
	[tilespmem:$0x1FF70] =	vst v60;
	v60 =	vld [tilespmem:s22+$0x30]  }
0x2a7: {  	v26 =	vadd.s32 $0x90, v42;
	v18 =	vadd.s32 $0xB0, v47;
	v50 =	vadd.s32 $0x1F0, v42;
	[tilespmem:v57+s25+$0x0] =	vst.idx.add.f32.msk $0xffff, v59  }
0x2a8: {  	v21 =	vadd.s32 $0xA0, v42;
	v17 =	vadd.s32 $0xC0, v47;
	[tilespmem:$0x1FFB0] =	vst v50;
	v59 =	vadd.s32 $0x60, v11;
	v50 =	vld [tilespmem:s6+$0x60]  }
0x2a9: {  	v19 =	vadd.s32 $0xB0, v42;
	v16 =	vadd.s32 $0xC0, v42;
	v13 =	vadd.s32 $0xD0, v42;
	[tilespmem:v46+s25+$0x0] =	vst.idx.add.f32.msk $0xffff, v48  }
0x2aa: {  	v62 =	vadd.s32 $0xF0, v47;
	v63 =	vadd.s32 $0xF0, v42;
	v2 =	vadd.s32 $0xE0, v42;
	[tilespmem:v43+s25+$0x0] =	vst.idx.add.f32.msk $0xffff, v5  }
0x2ab: {  	v4 =	vadd.s32 $0xE0, v47;
	v12 =	vadd.s32 $0xD0, v47;
	v61 =	vadd.s32 $0x1D0, v40;
	[tilespmem:v45+s25+$0x0] =	vst.idx.add.f32.msk $0xffff, v60  }
0x2ac: {  	v51 =	vadd.s32 $0x100, v47;
	v56 =	vadd.s32 $0x100, v42;
	v49 =	vadd.s32 $0x110, v42;
	[tilespmem:$0x1FFC0] =	vst v61;
	v5 =	vld [tilespmem:s5+$0x40]  }
0x2ad: {  	v52 =	vadd.s32 $0x120, v42;
	v55 =	vadd.s32 $0x1E0, v47;
	v47 =	vadd.s32 $0x1F0, v47;
	[tilespmem:v59+s25+$0x0] =	vst.idx.add.f32.msk $0xffff, v50  }
0x2ae: {  	v61 =	vadd.s32 $0x1D0, v42;
	[tilespmem:$0x1FF20] =	vst v47;
	v47 =	vadd.s32 $0x1E0, v42;
	v57 =	vadd.s32 $0x70, v11;
	v42 =	vld [tilespmem:s6+$0x70]  }
0x2af: {  	v36 =	vadd.s32 $0x50, v40;
	v33 =	vadd.s32 $0x60, v40;
	v30 =	vadd.s32 $0x70, v40;
	v43 =	vld [tilespmem:s23+$0x40]  }
0x2b0: {  	v27 =	vadd.s32 $0x80, v40;
	v24 =	vadd.s32 $0x90, v40;
	v22 =	vadd.s32 $0xA0, v40;
	v45 =	vld [tilespmem:s22+$0x40]  }
0x2b1: {  	v20 =	vadd.s32 $0xB0, v40;
	v15 =	vadd.s32 $0xC0, v40;
	v14 =	vadd.s32 $0xD0, v40;
	[tilespmem:v44+s25+$0x0] =	vst.idx.add.f32.msk $0xffff, v5  }
0x2b2: {  	v58 =	vadd.s32 $0x110, v40;
	[tilespmem:$0x1FE40] =	vst v1;
	v1 =	vadd.s32 $0xE0, v40;
	v0 =	vadd.s32 $0xF0, v40;
	v5 =	vld [tilespmem:s5+$0x50]  }
0x2b3: {  	v54 =	vadd.s32 $0x100, v40;
	v53 =	vadd.s32 $0x1E0, v40;
	v40 =	vadd.s32 $0x1F0, v40;
	[tilespmem:v57+s25+$0x0] =	vst.idx.add.f32.msk $0xffff, v42  }
0x2b4: {  	[tilespmem:$0x1FF60] =	vst v40;
	v59 =	vadd.s32 $0x80, v11;
	v40 =	vld [tilespmem:s6+$0x400]  }
0x2b5: {  	[tilespmem:v38+s25+$0x0] =	vst.idx.add.f32.msk $0xffff, v43  }
0x2b6: {  	[tilespmem:v39+s25+$0x0] =	vst.idx.add.f32.msk $0xffff, v45  }
0x2b7: {  	v38 =	vld [tilespmem:s23+$0x50]  }
0x2b8: {  	v39 =	vld [tilespmem:s22+$0x50]  }
0x2b9: {  	[tilespmem:v59+s25+$0x0] =	vst.idx.add.f32.msk $0xffff, v40  }
0x2ba: {  	v60 =	vadd.s32 $0x90, v11;
	v42 =	vld [tilespmem:s6+$0x410]  }
0x2bb: {  	[tilespmem:v37+s25+$0x0] =	vst.idx.add.f32.msk $0xffff, v5  }
0x2bc: {  	[tilespmem:v36+s25+$0x0] =	vst.idx.add.f32.msk $0xffff, v38  }
0x2bd: {  	[tilespmem:v41+s25+$0x0] =	vst.idx.add.f32.msk $0xffff, v39  }
0x2be: {  	v5 =	vld [tilespmem:s5+$0x60]  }
0x2bf: {  	[tilespmem:v60+s25+$0x0] =	vst.idx.add.f32.msk $0xffff, v42  }
0x2c0: {  	v42 =	vadd.s32 $0xA0, v11;
	v43 =	vld [tilespmem:s6+$0x420]  }
0x2c1: {  	v38 =	vld [tilespmem:s23+$0x60]  }
0x2c2: {  	v39 =	vld [tilespmem:s22+$0x60]  }
0x2c3: {  	[tilespmem:v35+s25+$0x0] =	vst.idx.add.f32.msk $0xffff, v5  }
0x2c4: {  	v5 =	vld [tilespmem:s5+$0x70]  }
0x2c5: {  	[tilespmem:v42+s25+$0x0] =	vst.idx.add.f32.msk $0xffff, v43  }
0x2c6: {  	v44 =	vadd.s32 $0xB0, v11;
	v36 =	vld [tilespmem:s6+$0x430]  }
0x2c7: {  	[tilespmem:v33+s25+$0x0] =	vst.idx.add.f32.msk $0xffff, v38  }
0x2c8: {  	[tilespmem:v34+s25+$0x0] =	vst.idx.add.f32.msk $0xffff, v39  }
0x2c9: {  	v33 =	vld [tilespmem:s23+$0x70]  }
0x2ca: {  	v34 =	vld [tilespmem:s22+$0x70]  }
0x2cb: {  	[tilespmem:v44+s25+$0x0] =	vst.idx.add.f32.msk $0xffff, v36  }
0x2cc: {  	v45 =	vadd.s32 $0xC0, v11;
	v36 =	vld [tilespmem:s6+$0x440]  }
0x2cd: {  	[tilespmem:v31+s25+$0x0] =	vst.idx.add.f32.msk $0xffff, v5  }
0x2ce: {  	[tilespmem:v30+s25+$0x0] =	vst.idx.add.f32.msk $0xffff, v33  }
0x2cf: {  	[tilespmem:v32+s25+$0x0] =	vst.idx.add.f32.msk $0xffff, v34  }
0x2d0: {  	v5 =	vld [tilespmem:s5+$0x400]  }
0x2d1: {  	[tilespmem:v45+s25+$0x0] =	vst.idx.add.f32.msk $0xffff, v36  }
0x2d2: {  	v46 =	vadd.s32 $0xD0, v11;
	v48 =	vld [tilespmem:s6+$0x450]  }
0x2d3: {  	v50 =	vld [tilespmem:s23+$0x400]  }
0x2d4: {  	v57 =	vld [tilespmem:s22+$0x400]  }
0x2d5: {  	[tilespmem:v29+s25+$0x0] =	vst.idx.add.f32.msk $0xffff, v5  }
0x2d6: {  	v5 =	vld [tilespmem:s5+$0x410]  }
0x2d7: {  	[tilespmem:v46+s25+$0x0] =	vst.idx.add.f32.msk $0xffff, v48  }
0x2d8: {  	v59 =	vadd.s32 $0xE0, v11;
	v30 =	vld [tilespmem:s6+$0x460]  }
0x2d9: {  	[tilespmem:v27+s25+$0x0] =	vst.idx.add.f32.msk $0xffff, v50  }
0x2da: {  	[tilespmem:v28+s25+$0x0] =	vst.idx.add.f32.msk $0xffff, v57  }
0x2db: {  	v27 =	vld [tilespmem:s23+$0x410]  }
0x2dc: {  	v28 =	vld [tilespmem:s22+$0x410]  }
0x2dd: {  	[tilespmem:v59+s25+$0x0] =	vst.idx.add.f32.msk $0xffff, v30  }
0x2de: {  	v60 =	vadd.s32 $0xF0, v11;
	v30 =	vld [tilespmem:s6+$0x470]  }
0x2df: {  	[tilespmem:v25+s25+$0x0] =	vst.idx.add.f32.msk $0xffff, v5  }
0x2e0: {  	[tilespmem:v24+s25+$0x0] =	vst.idx.add.f32.msk $0xffff, v27  }
0x2e1: {  	v5 =	vld [tilespmem:s5+$0x420]  }
0x2e2: {  	v35 =	vld [tilespmem:s23+$0x420]  }
0x2e3: {  	[tilespmem:v60+s25+$0x0] =	vst.idx.add.f32.msk $0xffff, v30  }
0x2e4: {  	v34 =	vadd.s32 $0x100, v11;
	v33 =	vld [tilespmem:s6+$0x800]  }
0x2e5: {  	[tilespmem:v26+s25+$0x0] =	vst.idx.add.f32.msk $0xffff, v28  }
0x2e6: {  	[tilespmem:v23+s25+$0x0] =	vst.idx.add.f32.msk $0xffff, v5  }
0x2e7: {  	v5 =	vld [tilespmem:s5+$0x430]  }
0x2e8: {  	[tilespmem:v22+s25+$0x0] =	vst.idx.add.f32.msk $0xffff, v35  }
0x2e9: {  	[tilespmem:v34+s25+$0x0] =	vst.idx.add.f32.msk $0xffff, v33  }
0x2ea: {  	v37 =	vadd.s32 $0x110, v11;
	v24 =	vld [tilespmem:s6+$0x810]  }
0x2eb: {  	v38 =	vld [tilespmem:s23+$0x430]  }
0x2ec: {  	[tilespmem:v18+s25+$0x0] =	vst.idx.add.f32.msk $0xffff, v5  }
0x2ed: {  	v36 =	vld [tilespmem:s22+$0x420]  }
0x2ee: {  	v5 =	vld [tilespmem:s5+$0x440]  }
0x2ef: {  	[tilespmem:v37+s25+$0x0] =	vst.idx.add.f32.msk $0xffff, v24  }
0x2f0: {  	v40 =	vadd.s32 $0x120, v11;
	v24 =	vld [tilespmem:s6+$0x820]  }
0x2f1: {  	[tilespmem:v20+s25+$0x0] =	vst.idx.add.f32.msk $0xffff, v38  }
0x2f2: {  	v20 =	vld [tilespmem:s23+$0x440]  }
0x2f3: {  	[tilespmem:v21+s25+$0x0] =	vst.idx.add.f32.msk $0xffff, v36  }
0x2f4: {  	[tilespmem:v17+s25+$0x0] =	vst.idx.add.f32.msk $0xffff, v5  }
0x2f5: {  	[tilespmem:v40+s25+$0x0] =	vst.idx.add.f32.msk $0xffff, v24  }
0x2f6: {  	v41 =	vadd.s32 $0x130, v11;
	v42 =	vld [tilespmem:s6+$0x830]  }
0x2f7: {  	v39 =	vld [tilespmem:s22+$0x430]  }
0x2f8: {  	v5 =	vld [tilespmem:s5+$0x450]  }
0x2f9: {  	[tilespmem:v15+s25+$0x0] =	vst.idx.add.f32.msk $0xffff, v20  }
0x2fa: {  	v15 =	vld [tilespmem:s23+$0x450]  }
0x2fb: {  	[tilespmem:v41+s25+$0x0] =	vst.idx.add.f32.msk $0xffff, v42  }
0x2fc: {  	v44 =	vadd.s32 $0x140, v11;
	v18 =	vld [tilespmem:s6+$0x840]  }
0x2fd: {  	[tilespmem:v19+s25+$0x0] =	vst.idx.add.f32.msk $0xffff, v39  }
0x2fe: {  	[tilespmem:v12+s25+$0x0] =	vst.idx.add.f32.msk $0xffff, v5  }
0x2ff: {  	v43 =	vld [tilespmem:s22+$0x440]  }
0x300: {  	[tilespmem:v14+s25+$0x0] =	vst.idx.add.f32.msk $0xffff, v15  }
0x301: {  	[tilespmem:v44+s25+$0x0] =	vst.idx.add.f32.msk $0xffff, v18  }
0x302: {  	v45 =	vadd.s32 $0x150, v11;
	v18 =	vld [tilespmem:s6+$0x850]  }
0x303: {  	v5 =	vld [tilespmem:s5+$0x460]  }
0x304: {  	v59 =	vld [tilespmem:$0x1FD30]  }
0x305: {  	[tilespmem:v16+s25+$0x0] =	vst.idx.add.f32.msk $0xffff, v43  }
0x306: {  	v16 =	vld [tilespmem:s22+$0x450]  }
0x307: {  	[tilespmem:v45+s25+$0x0] =	vst.idx.add.f32.msk $0xffff, v18  }
0x308: {  	v46 =	vadd.s32 $0x160, v11;
	v48 =	vld [tilespmem:s6+$0x860]  }
0x309: {  	v14 =	vld [tilespmem:s23+$0x460]  }
0x30a: {  	[tilespmem:v4+s25+$0x0] =	vst.idx.add.f32.msk $0xffff, v5  }
0x30b: {  	[tilespmem:v13+s25+$0x0] =	vst.idx.add.f32.msk $0xffff, v16  }
0x30c: {  	v50 =	vld [tilespmem:s22+$0x460]  }
0x30d: {  	[tilespmem:v46+s25+$0x0] =	vst.idx.add.f32.msk $0xffff, v48  }
0x30e: {  	v5 =	vadd.s32 $0x170, v11;
	v12 =	vld [tilespmem:s6+$0x870]  }
0x30f: {  	[tilespmem:v1+s25+$0x0] =	vst.idx.add.f32.msk $0xffff, v14  }
0x310: {  	v1 =	vld [tilespmem:s23+$0x470]  }
0x311: {  	[tilespmem:v2+s25+$0x0] =	vst.idx.add.f32.msk $0xffff, v50  }
0x312: {  	v2 =	vld [tilespmem:s22+$0x470]  }
0x313: {  	[tilespmem:v5+s25+$0x0] =	vst.idx.add.f32.msk $0xffff, v12  }
0x314: {  	v57 =	vadd.s32 $0x180, v11;
	v5 =	vld [tilespmem:s6+$0xC00]  }
0x315: {  	v4 =	vld [tilespmem:s5+$0x470]  }
0x316: {  	v60 =	vld [tilespmem:$0x1FD40]  }
0x317: {  	[tilespmem:v0+s25+$0x0] =	vst.idx.add.f32.msk $0xffff, v1  }
0x318: {  	[tilespmem:v63+s25+$0x0] =	vst.idx.add.f32.msk $0xffff, v2  }
0x319: {  	[tilespmem:v57+s25+$0x0] =	vst.idx.add.f32.msk $0xffff, v5  }
0x31a: {  	v1 =	vadd.s32 $0x190, v11;
	v2 =	vld [tilespmem:s6+$0xC10]  }
0x31b: {  	[tilespmem:v62+s25+$0x0] =	vst.idx.add.f32.msk $0xffff, v4  }
0x31c: {  	v0 =	vld [tilespmem:s5+$0x800]  }
0x31d: {  	v62 =	vld [tilespmem:$0x1FD50]  }
0x31e: {  	v4 =	vld [tilespmem:s23+$0x800]  }
0x31f: {  	[tilespmem:v1+s25+$0x0] =	vst.idx.add.f32.msk $0xffff, v2  }
0x320: {  	v1 =	vadd.s32 $0x1A0, v11;
	v2 =	vld [tilespmem:s6+$0xC20]  }
0x321: {  	[tilespmem:v51+s25+$0x0] =	vst.idx.add.f32.msk $0xffff, v0  }
0x322: {  	v0 =	vld [tilespmem:s5+$0x810]  }
0x323: {  	[tilespmem:v54+s25+$0x0] =	vst.idx.add.f32.msk $0xffff, v4  }
0x324: {  	v4 =	vld [tilespmem:s23+$0x810]  }
0x325: {  	[tilespmem:v1+s25+$0x0] =	vst.idx.add.f32.msk $0xffff, v2  }
0x326: {  	v1 =	vadd.s32 $0x1B0, v11;
	v2 =	vld [tilespmem:s6+$0xC30]  }
0x327: {  	[tilespmem:v59+s25+$0x0] =	vst.idx.add.f32.msk $0xffff, v0  }
0x328: {  	v0 =	vld [tilespmem:s5+$0x820]  }
0x329: {  	v63 =	vld [tilespmem:$0x1FD60]  }
0x32a: {  	[tilespmem:v58+s25+$0x0] =	vst.idx.add.f32.msk $0xffff, v4  }
0x32b: {  	[tilespmem:v1+s25+$0x0] =	vst.idx.add.f32.msk $0xffff, v2  }
0x32c: {  	v1 =	vadd.s32 $0x1C0, v11;
	v2 =	vld [tilespmem:s6+$0xC40]  }
0x32d: {  	[tilespmem:v60+s25+$0x0] =	vst.idx.add.f32.msk $0xffff, v0  }
0x32e: {  	v0 =	vld [tilespmem:s5+$0x830]  }
0x32f: {  	v4 =	vld [tilespmem:s23+$0x820]  }
0x330: {  	v5 =	vld [tilespmem:s22+$0x800]  }
0x331: {  	[tilespmem:v1+s25+$0x0] =	vst.idx.add.f32.msk $0xffff, v2  }
0x332: {  	v1 =	vadd.s32 $0x1D0, v11;
	v2 =	vld [tilespmem:s6+$0xC50]  }
0x333: {  	[tilespmem:v63+s25+$0x0] =	vst.idx.add.f32.msk $0xffff, v0  }
0x334: {  	v0 =	vld [tilespmem:$0x1FD70]  }
0x335: {  	[tilespmem:v56+s25+$0x0] =	vst.idx.add.f32.msk $0xffff, v5  }
0x336: {  	v5 =	vld [tilespmem:s22+$0x810]  }
0x337: {  	[tilespmem:v1+s25+$0x0] =	vst.idx.add.f32.msk $0xffff, v2  }
0x338: {  	v1 =	vadd.s32 $0x1E0, v11;
	v2 =	vld [tilespmem:s6+$0xC60]  }
0x339: {  	[tilespmem:v62+s25+$0x0] =	vst.idx.add.f32.msk $0xffff, v4  }
0x33a: {  	v4 =	vld [tilespmem:s23+$0x830]  }
0x33b: {  	[tilespmem:v49+s25+$0x0] =	vst.idx.add.f32.msk $0xffff, v5  }
0x33c: {  	v5 =	vld [tilespmem:s22+$0x820]  }
0x33d: {  	[tilespmem:v1+s25+$0x0] =	vst.idx.add.f32.msk $0xffff, v2  }
0x33e: {  	v1 =	vadd.s32 $0x1F0, v11;
	v2 =	vld [tilespmem:s6+$0xC70]  }
0x33f: {  	[tilespmem:v0+s25+$0x0] =	vst.idx.add.f32.msk $0xffff, v4  }
0x340: {  	v0 =	vld [tilespmem:$0x1FD80]  }
0x341: {  	[tilespmem:v52+s25+$0x0] =	vst.idx.add.f32.msk $0xffff, v5  }
0x342: {  	v5 =	vld [tilespmem:s22+$0x830]  }
0x343: {  	[tilespmem:v1+s25+$0x0] =	vst.idx.add.f32.msk $0xffff, v2  }
0x344: {  	v1 =	vld [tilespmem:$0x1FDA0];
	_ =	sdelay $0x1  }
0x345: {  	v11 =	vld [tilespmem:$0x1FD90]  }
0x346: {  	v4 =	vld [tilespmem:s23+$0x840]  }
0x347: {  	[tilespmem:v0+s25+$0x0] =	vst.idx.add.f32.msk $0xffff, v5  }
0x348: {  	v0 =	vld [tilespmem:s5+$0x840];
	_ =	sdelay $0x2  }
0x349: {  	[tilespmem:v1+s25+$0x0] =	vst.idx.add.f32.msk $0xffff, v4  }
0x34a: {  	v4 =	vld [tilespmem:$0x1FDC0]  }
0x34b: {  	[tilespmem:v11+s25+$0x0] =	vst.idx.add.f32.msk $0xffff, v0  }
0x34c: {  	v0 =	vld [tilespmem:s5+$0x850]  }
0x34d: {  	v1 =	vld [tilespmem:$0x1FDB0];
	_ =	sdelay $0x2  }
0x34e: {  	v5 =	vld [tilespmem:s22+$0x840];
	_ =	sdelay $0x1  }
0x34f: {  	[tilespmem:v4+s25+$0x0] =	vst.idx.add.f32.msk $0xffff, v0  }
0x350: {  	v4 =	vld [tilespmem:$0x1FDD0];
	_ =	sdelay $0x1  }
0x351: {  	[tilespmem:v1+s25+$0x0] =	vst.idx.add.f32.msk $0xffff, v5  }
0x352: {  	v1 =	vld [tilespmem:s23+$0x850];
	_ =	sdelay $0x4  }
0x353: {  	[tilespmem:v4+s25+$0x0] =	vst.idx.add.f32.msk $0xffff, v1  }
0x354: {  	v4 =	vld [tilespmem:$0x1FDF0];
	_ =	sdelay $0x2  }
0x355: {  	v0 =	vld [tilespmem:s5+$0x860]  }
0x356: {  	v1 =	vld [tilespmem:$0x1FDE0];
	_ =	sdelay $0x1  }
0x357: {  	v2 =	vld [tilespmem:s22+$0x850]  }
0x358: {  	[tilespmem:v7+s25+$0x0] =	vst.idx.add.f32.msk $0xffff, v10  }
0x359: {  	[tilespmem:v4+s25+$0x0] =	vst.idx.add.f32.msk $0xffff, v0  }
0x35a: {  	v4 =	vld [tilespmem:$0x1FE00];
	_ =	sdelay $0x2  }
0x35b: {  	[tilespmem:v1+s25+$0x0] =	vst.idx.add.f32.msk $0xffff, v2  }
0x35c: {  	v1 =	vld [tilespmem:s23+$0x860]  }
0x35d: {  	[tilespmem:v8+s25+$0x0] =	vst.idx.add.f32.msk $0xffff, v4  }
0x35e: {  	v4 =	vld [tilespmem:$0x1FE10];
	_ =	sdelay $0x7  }
0x35f: {  	[tilespmem:v4+s25+$0x0] =	vst.idx.add.f32.msk $0xffff, v1  }
0x360: {  	v4 =	vld [tilespmem:$0x1FE30];
	_ =	sdelay $0x2  }
0x361: {  	v0 =	vld [tilespmem:s5+$0x870]  }
0x362: {  	v1 =	vld [tilespmem:$0x1FE20];
	_ =	sdelay $0x2  }
0x363: {  	v2 =	vld [tilespmem:s22+$0x860]  }
0x364: {  	[tilespmem:v4+s25+$0x0] =	vst.idx.add.f32.msk $0xffff, v0  }
0x365: {  	v4 =	vld [tilespmem:$0x1FE40];
	_ =	sdelay $0x2  }
0x366: {  	[tilespmem:v1+s25+$0x0] =	vst.idx.add.f32.msk $0xffff, v2  }
0x367: {  	v2 =	vld [tilespmem:s22+$0x870]  }
0x368: {  	[tilespmem:v9+s25+$0x0] =	vst.idx.add.f32.msk $0xffff, v4  }
0x369: {  	v4 =	vld [tilespmem:$0x1FE50];
	_ =	sdelay $0x2  }
0x36a: {  	v1 =	vld [tilespmem:s23+$0x870];
	_ =	sdelay $0x4  }
0x36b: {  	[tilespmem:v4+s25+$0x0] =	vst.idx.add.f32.msk $0xffff, v1  }
0x36c: {  	v1 =	vld [tilespmem:$0x1FE60];
	_ =	sdelay $0x5  }
0x36d: {  	v5 =	vld [tilespmem:$0x1FE80];
	_ =	sdelay $0x1  }
0x36e: {  	[tilespmem:v1+s25+$0x0] =	vst.idx.add.f32.msk $0xffff, v2  }
0x36f: {  	v1 =	vld [tilespmem:s23+$0xC00];
	_ =	sdelay $0x3  }
0x370: {  	v4 =	vld [tilespmem:$0x1FE70]  }
0x371: {  	[tilespmem:v5+s25+$0x0] =	vst.idx.add.f32.msk $0xffff, v1  }
0x372: {  	v1 =	vld [tilespmem:$0x1FE90]  }
0x373: {  	v0 =	vld [tilespmem:s5+$0xC00];
	_ =	sdelay $0x1  }
0x374: {  	v2 =	vld [tilespmem:s22+$0xC00]  }
0x375: {  	v5 =	vld [tilespmem:$0x1FEA0]  }
0x376: {  	v10 =	vld [tilespmem:$0x1FEB0]  }
0x377: {  	[tilespmem:v4+s25+$0x0] =	vst.idx.add.f32.msk $0xffff, v0  }
0x378: {  	v0 =	vld [tilespmem:s5+$0xC10]  }
0x379: {  	[tilespmem:v1+s25+$0x0] =	vst.idx.add.f32.msk $0xffff, v2  }
0x37a: {  	v1 =	vld [tilespmem:s23+$0xC10];
	_ =	sdelay $0x1  }
0x37b: {  	v4 =	vld [tilespmem:s17+$0xC70]  }
0x37c: {  	[tilespmem:v5+s25+$0x0] =	vst.idx.add.f32.msk $0xffff, v0  }
0x37d: {  	v5 =	vld [tilespmem:s16+$0xC70]  }
0x37e: {  	[tilespmem:v10+s25+$0x0] =	vst.idx.add.f32.msk $0xffff, v1  }
0x37f: {  	v10 =	vld [tilespmem:$0x1FED0]  }
0x380: {  	s17 =	smov.u32 s5  }
0x381: {  	v0 =	vld [tilespmem:s17+$0xC20]  }
0x382: {  	v1 =	vld [tilespmem:$0x1FEC0];
	_ =	sdelay $0x2  }
0x383: {  	v2 =	vld [tilespmem:s22+$0xC10];
	_ =	sdelay $0x1  }
0x384: {  	[tilespmem:v10+s25+$0x0] =	vst.idx.add.f32.msk $0xffff, v0  }
0x385: {  	v10 =	vld [tilespmem:$0x1FEE0];
	_ =	sdelay $0x1  }
0x386: {  	s16 =	smov.u32 s23;
	[tilespmem:v1+s25+$0x0] =	vst.idx.add.f32.msk $0xffff, v2  }
0x387: {  	v1 =	vld [tilespmem:s16+$0xC20];
	_ =	sdelay $0x4  }
0x388: {  	[tilespmem:v10+s25+$0x0] =	vst.idx.add.f32.msk $0xffff, v1  }
0x389: {  	v10 =	vld [tilespmem:$0x1FF00];
	_ =	sdelay $0x2  }
0x38a: {  	v0 =	vld [tilespmem:s17+$0xC30];
	_ =	sdelay $0x4  }
0x38b: {  	[tilespmem:v10+s25+$0x0] =	vst.idx.add.f32.msk $0xffff, v0  }
0x38c: {  	v10 =	vld [tilespmem:$0x1FF10];
	_ =	sdelay $0x5  }
0x38d: {  	v1 =	vld [tilespmem:$0x1FEF0]  }
0x38e: {  	v0 =	vld [tilespmem:s17+$0xC40]  }
0x38f: {  	[tilespmem:v10+s25+$0x0] =	vst.idx.add.f32.msk $0xffff, v4  }
0x390: {  	v10 =	vld [tilespmem:$0x1FF20];
	_ =	sdelay $0x1  }
0x391: {  	v2 =	vld [tilespmem:s22+$0xC20];
	_ =	sdelay $0x2  }
0x392: {  	v4 =	vmov v10;
	v10 =	vld [tilespmem:$0x1FF30]  }
0x393: {  	v11 =	vld [tilespmem:s18+$0xC70]  }
0x394: {  	[tilespmem:v1+s25+$0x0] =	vst.idx.add.f32.msk $0xffff, v2  }
0x395: {  	v1 =	vld [tilespmem:s16+$0xC30];
	_ =	sdelay $0x4  }
0x396: {  	[tilespmem:v10+s25+$0x0] =	vst.idx.add.f32.msk $0xffff, v1  }
0x397: {  	v1 =	vld [tilespmem:$0x1FF40];
	_ =	sdelay $0x1  }
0x398: {  	s18 =	smov.u32 s22  }
0x399: {  	v2 =	vld [tilespmem:s18+$0xC30];
	_ =	sdelay $0x4  }
0x39a: {  	[tilespmem:v1+s25+$0x0] =	vst.idx.add.f32.msk $0xffff, v2  }
0x39b: {  	v1 =	vld [tilespmem:s16+$0xC40]  }
0x39c: {  	[tilespmem:v6+s25+$0x0] =	vst.idx.add.f32.msk $0xffff, v5  }
0x39d: {  	v5 =	vld [tilespmem:$0x1FF60];
	_ =	sdelay $0x4  }
0x39e: {  	v6 =	vmov v5;
	v5 =	vld [tilespmem:$0x1FF70];
	_ =	sdelay $0x2  }
0x39f: {  	v10 =	vld [tilespmem:$0x1FF50];
	_ =	sdelay $0x4  }
0x3a0: {  	[tilespmem:v5+s25+$0x0] =	vst.idx.add.f32.msk $0xffff, v1  }
0x3a1: {  	v5 =	vld [tilespmem:$0x1FF90];
	_ =	sdelay $0x1  }
0x3a2: {  	[tilespmem:v10+s25+$0x0] =	vst.idx.add.f32.msk $0xffff, v0  }
0x3a3: {  	v0 =	vld [tilespmem:s17+$0xC50];
	_ =	sdelay $0x3  }
0x3a4: {  	v1 =	vld [tilespmem:$0x1FF80]  }
0x3a5: {  	[tilespmem:v5+s25+$0x0] =	vst.idx.add.f32.msk $0xffff, v0  }
0x3a6: {  	v0 =	vld [tilespmem:$0x1FFA0]  }
0x3a7: {  	v2 =	vld [tilespmem:s18+$0xC40];
	_ =	sdelay $0x4  }
0x3a8: {  	[tilespmem:v1+s25+$0x0] =	vst.idx.add.f32.msk $0xffff, v2  }
0x3a9: {  	v2 =	vld [tilespmem:s18+$0xC50]  }
0x3aa: {  	[tilespmem:v0+s25+$0x0] =	vst.idx.add.f32.msk $0xffff, v11  }
0x3ab: {  	v0 =	vld [tilespmem:$0x1FFB0];
	_ =	sdelay $0x4  }
0x3ac: {  	v5 =	vmov v0;
	v0 =	vld [tilespmem:$0x1FFC0];
	_ =	sdelay $0x1  }
0x3ad: {  	s19 =	sadd.s32 $0x4, s19  }
0x3ae: {  	p0 =	slt.u32 s19, $0x1C;
	v1 =	vld [tilespmem:s16+$0xC50]  }
.Ltmp6:
0x3af: {  	_ = 	snop;
	(pc) =	sbr.rel @p0 .LBB2_11-.Ltmp6, $4  }
0x3b0: {  	_ = 	snop  }
0x3b1: {  	v10 =	vld [tilespmem:s17+$0xC60]  }
0x3b2: {  	[tilespmem:v61+s25+$0x0] =	vst.idx.add.f32.msk $0xffff, v2  }
0x3b3: {  	s20 =	sadd.s32 $0x800, s20;
	s21 =	sadd.s32 $0x40, s21;
	v7 =	vmov v55;
	v8 =	vmov v53;
	v9 =	vmov v47;
	[tilespmem:v0+s25+$0x0] =	vst.idx.add.f32.msk $0xffff, v1  }
0x3b4: {  	v0 =	vld [tilespmem:s16+$0xC60]  }
0x3b5: {  	v1 =	vld [tilespmem:s18+$0xC60];
	_ =	sdelay $0x2  }
0x3b6: {  	[tilespmem:v7+s25+$0x0] =	vst.idx.add.f32.msk $0xffff, v10  }
0x3b7: {  	[tilespmem:v8+s25+$0x0] =	vst.idx.add.f32.msk $0xffff, v0  }
0x3b8: {  	[tilespmem:v9+s25+$0x0] =	vst.idx.add.f32.msk $0xffff, v1  }
0x3b9: {  	v0 =	vld [tilespmem:s17+$0xC70]  }
0x3ba: {  	v1 =	vld [tilespmem:s16+$0xC70]  }
0x3bb: {  	p0 =	sne.s32 s2, $0x7;
	v2 =	vld [tilespmem:s18+$0xC70]  }
0x3bc: {  	s0 =	sshll.u32 @!p0 s31, $0x7  }
0x3bd: {  	s0 =	sadd.s32 @!p0 s7, s0  }
0x3be: {  	s0 =	sand.u32 @!p0 $0xFC00, s0;
	[tilespmem:v4+s25+$0x0] =	vst.idx.add.f32.msk $0xffff, v0  }
0x3bf: {  	s0 =	sor.u32 @!p0 s8, s0;
	[tilespmem:v6+s25+$0x0] =	vst.idx.add.f32.msk $0xffff, v1  }
0x3c0: {  	s5 =	simm.s32 @!p0 $0x0;
	s6 =	simm.s32 @!p0 $0xC400;
	s2 =	sadd.s32 @!p0 s4, s0;
	[tilespmem:v5+s25+$0x0] =	vst.idx.add.f32.msk $0xffff, v2  }
0x3c1: {  	[hbm4b:s2+s5] =	stream.linear.scatter @!p0 [tilespmem:s6], [sflag:$0x2], $0x2000, $0x38;
	[tilespmem:$0x14400] =	vst v63  }
0x3c2: {  	s2 =	sadd.s32 @!p0 s0, s9;
	s6 =	simm.s32 @!p0 $0xE400  }
0x3c3: {  	[hbm4b:s2+s5] =	stream.linear.scatter @!p0 [tilespmem:s6], [sflag:$0x2], $0x2000, $0x38;
	[tilespmem:$0x14400] =	vst v63  }
0x3c4: {  	s2 =	sadd.s32 @!p0 s0, s11;
	s6 =	simm.s32 @!p0 $0x10400  }
0x3c5: {  	[hbm4b:s2+s5] =	stream.linear.scatter @!p0 [tilespmem:s6], [sflag:$0x2], $0x2000, $0x38;
	[tilespmem:$0x14400] =	vst v63  }
0x3c6: {  	s0 =	sadd.s32 @!p0 s0, s12;
	s2 =	simm.s32 @!p0 $0x12400  }
0x3c7: {  	[hbm4b:s0+s5] =	stream.linear.scatter @!p0 [tilespmem:s2], [sflag:$0x2], $0x2000, $0x38;
	[tilespmem:$0x14400] =	vst v63  }
0x3c8: {  	p0 =	sne.s32 s30, $0x20  }
.Ltmp7:
0x3c9: {  	_ = 	snop;
	(pc) =	sbr.rel @p0 .LBB2_2-.Ltmp7, $2  }
0x3ca: {  	_ =	sdelay $0x2  }
0x3cb: {  	s29 =	sadd.s32 $0x200, s29;
	s31 =	smov.u32 s30  }
0x3cc: {  	_ =	swait.ge [sflag:s26], $0x2000  }
0x3cd: {  	[sflag:s26] =	ssyncset.done $0x0  }
0x3ce: {  	[sflag:s26] =	ssyncadd.s32 $0xFFFFE000  }
0x3cf: {  	_ =	swait.ge [sflag:s26], $0x2000  }
0x3d0: {  	[sflag:s26] =	ssyncset.done $0x0  }
0x3d1: {  	[sflag:s26] =	ssyncadd.s32 $0xFFFFE000  }
0x3d2: {  	_ =	swait.ge [sflag:s26], $0x2000  }
0x3d3: {  	[sflag:s26] =	ssyncset.done $0x0  }
0x3d4: {  	[sflag:s26] =	ssyncadd.s32 $0xFFFFE000  }
0x3d5: {  	_ =	swait.ge [sflag:s26], $0x2000  }
0x3d6: {  	s28 =	sadd.s32 $0x1, s28;
	s0 =	rddreg [dreg:$0x6]  }
0x3d7: {  	p0 =	sne.s32 s28, s0  }
.Ltmp8:
0x3d8: {  	_ = 	snop;
	(pc) =	sbr.rel @p0 .LBB2_1-.Ltmp8, $3  }
0x3d9: {  	_ =	sdelay $0x1  }
0x3da: {  	[sflag:s26] =	ssyncset.done $0x0  }
0x3db: {  	[sflag:s26] =	ssyncadd.s32 $0xFFFFE000  }
0x3dc: {  	_ =	sfence.sel $0x180000  }
0x3dd: {  	[bflag:$0x0] =	sbarrier.arrive $0xFFFF  }
0x3de: {  	_ =	strace $0x90000047  }
0x3df: {  	s0 =	stileid.u32;
	[bflag:$0x2] =	sbarrier.arrive $0xFFFF  }
0x3e0: {  	p0 =	sne.s32 s0, $0x0;
	s0 =	rddreg [dreg:$0x3]  }
0x3e1: {  	s0 =	sadd.s32 @!p0 $0x100000, s0  }
0x3e2: {  	[sflag:s0] =	ssyncadd.tile.s32 @!p0 $0x1;
	_ =	shalt  }
.Lfunc_end2:
_tile_overlayer_lowered:
.L_overlay_start_2:
0x3e3: {  	(tag) =	ssettag $0x2  }
0x3e4: {  	s0 =	rddreg [dreg:$0x0];
	s2 =	stileid.u32  }
0x3e5: {  	s1 =	rddreg [dreg:$0x1];
	p0 =	sne.s32 s2, $0x0  }
0x3e6: {  	s3 =	rddreg [dreg:$0x2];
	[bflag:$0x3] =	sbarrier.arrive $0xFFFF;
	s2 =	simm.s32 @!p0 $0x1C03  }
0x3e7: {  	[timem:s3], [sflag:s2] =	dma.local @!p0 [hbm:s0], s1  }
0x3e8: {  	s0 =	simm.s32 @!p0 $0x3  }
0x3e9: {  	_ =	swait.ge @!p0 [sflag:s0], s1  }
0x3ea: {  	s1 =	ssub.s32 @!p0 $0x0, s1;
	[sflag:s0] =	ssyncset.done @!p0 $0x0  }
0x3eb: {  	[sflag:s0] =	ssyncadd.s32 @!p0 s1  }
0x3ec: {  	[bflag:$0x3] =	sbarrier.arrive $0xFFFF  }
0x3ed: {  	_ =	shalt  }

// kernel: kernel.7.cloned.1.call-start
scs
__scs_entry_jumppad:
0x0: {  	(pc) =	sbr.rel $0x88, $3  }
0x1: {  	(tag) =	ssettag $0x0;
	lr =	simm.s32 $0x1  }
0x2: {  	[smem:$0x3F9B] =	sst lr;
	_ =	strace $0xD0000000  }
0x3: {  	_ = 	snop  }
0x4: {  	_ = 	snop  }
0x5: {  	_ = 	snop  }
0x6: {  	_ = 	snop  }
0x7: {  	_ = 	snop  }
__scs_overlays_trampoline_lowered:
0x8: {  	[smem:$0x3FAA] =	sst s0  }
0x9: {  	[smem:$0x3FAB] =	sst s1  }
0xa: {  	[smem:$0x3FAC] =	sst s2  }
0xb: {  	[smem:$0x3FAD] =	sst s3  }
0xc: {  	[smem:$0x3FAE] =	sst s4  }
0xd: {  	[smem:$0x3FAF] =	sst s5  }
0xe: {  	[smem:$0x3FB0] =	sst s6  }
0xf: {  	[smem:$0x3FB1] =	sst s7  }
0x10: {  	[smem:$0x3FB2] =	sst s8  }
0x11: {  	[smem:$0x3FB3] =	sst s9;
	s0 =	simm.s32 @!p0 $0x0  }
0x12: {  	s1 =	sld [smem:$0x3F99];
	s0 =	simm.s32 @p0 $0x1  }
0x13: {  	[smem:$0x3FB4] =	sst s0;
	s0 =	simm.s32 @!p1 $0x0  }
0x14: {  	s2 =	sld [smem:$0x3F98];
	s0 =	simm.s32 @p1 $0x1  }
0x15: {  	[smem:$0x3FB5] =	sst s0;
	s0 =	simm.s32 @!p2 $0x0  }
0x16: {  	s3 =	sld [smem:$0x3FDB];
	s0 =	simm.s32 @p2 $0x1  }
0x17: {  	s4 =	simm.s32 $0x1BF5;
	[smem:$0x3FB7] =	sst s0  }
0x18: {  	s0 =	sld [smem:$0x3F9A];
	_ =	swait.ge [sflag:s4], $0x0  }
0x19: {  	s7 =	sld [smem:$0x3F9B]  }
0x1a: {  	s8 =	sadd.s32 $0xFFFFE003, lr  }
0x1b: {  	s9 =	sadd.s32 $0xFFFFFEF7, lr;
	s5 =	simm.s32 $0xFFFFFFFF;
	p2 =	slt.u32 s8, $0xFFFFF086  }
0x1c: {  	p1 =	slt.u32 s9, $0xF7A;
	s5 =	simm.s32 @!p2 $0x0  }
0x1d: {  	s5 =	simm.s32 @p1 $0x1;
	p0 =	seq.s32 s7, s2  }
0x1e: {  	s7 =	smul.u32 @!p0 $0xF7A, s2;
	p2 =	seq.s32 @!p0 s5, $0x0  }
0x1f: {  	s9 =	smul.u32 $0xF7A, s1;
	s8 =	simm.s32 @!p0 $0x1BF5;
	p2 =	por !p2, p0  }
0x20: {  	[sflag:s8] =	ssyncset.s32 @!p0 $0xFFFFF086;
	s6 =	sadd.s32 @!p0 s3, s7;
	s7 =	simm.s32 @!p0 $0x108  }
0x21: {  	s3 =	sadd.s32 s3, s9;
	s6 =	sadd.s32 @!p0 $0x88, s6;
	s7 =	simm.s32 @p2 $0x1082  }
0x22: {  	[simem:s7], [sflag:s8] =	dma.local @!p0 [hbm:s6], $0xF7A  }
0x23: {  	s9 =	sor.u32 $0xD0000000, s2;
	s6 =	simm.s32 $0x108;
	_ =	swait.ge @!p0 [sflag:s8], $0x0  }
0x24: {  	s3 =	sadd.s32 $0x88, s3;
	s6 =	simm.s32 @!p1 $0x1082;
	[sflag:s4] =	ssyncset.s32 $0xFFFFF086  }
0x25: {  	[simem:s6], [sflag:s4] =	dma.local [hbm:s3], $0xF7A  }
0x26: {  	[smem:$0x3F9B] =	sst s1;
	(tag) =	ssettag s2;
	_ =	strace s9  }
0x27: {  	s1 =	sld [smem:$0x3FAB]  }
0x28: {  	s2 =	sld [smem:$0x3FAC]  }
0x29: {  	s4 =	sld [smem:$0x3FAE]  }
0x2a: {  	p0 =	seq.s32 s5, $0x0;
	s5 =	sld [smem:$0x3FAF]  }
0x2b: {  	s6 =	sld [smem:$0x3FB0]  }
0x2c: {  	s7 =	sld [smem:$0x3FB1]  }
0x2d: {  	s3 =	simm.s32 $0x108;
	s8 =	sld [smem:$0x3FB2]  }
0x2e: {  	s3 =	simm.s32 @!p0 $0x1082;
	s9 =	sld [smem:$0x3FB3]  }
0x2f: {  	lr =	sadd.s32 s0, s3;
	s0 =	sld [smem:$0x3FAA]  }
0x30: {  	s3 =	sld [smem:$0x3FAD]  }
0x31: {  	[smem:$0x3FB6] =	sst s10  }
0x32: {  	s10 =	sld [smem:$0x3FB4];
	_ =	sdelay $0x3  }
0x33: {  	p0 =	seq.s32 s10, $0x1;
	s10 =	sld [smem:$0x3FB6];
	_ =	sdelay $0x3  }
0x34: {  	[smem:$0x3FB6] =	sst s10  }
0x35: {  	s10 =	sld [smem:$0x3FB5];
	_ =	sdelay $0x3  }
0x36: {  	p1 =	seq.s32 s10, $0x1;
	s10 =	sld [smem:$0x3FB6];
	_ =	sdelay $0x3  }
0x37: {  	[smem:$0x3FB6] =	sst s10  }
0x38: {  	s10 =	sld [smem:$0x3FB7]  }
0x39: {  	_ = 	snop;
	(pc) =	sbr.ind lr, $3  }
0x3a: {  	_ = 	snop  }
0x3b: {  	_ = 	snop  }
0x3c: {  	p2 =	seq.s32 s10, $0x1;
	s10 =	sld [smem:$0x3FB6]  }
0x3d: {  	_ =	shalt  }
0x3e: {  	_ =	shalt  }
0x3f: {  	_ =	shalt  }
0x40: {  	_ =	shalt  }
0x41: {  	_ =	shalt  }
0x42: {  	_ =	shalt  }
0x43: {  	_ =	shalt  }
0x44: {  	_ =	shalt  }
0x45: {  	_ =	shalt  }
0x46: {  	_ =	shalt  }
0x47: {  	_ =	shalt  }
0x48: {  	_ =	shalt  }
0x49: {  	_ =	shalt  }
0x4a: {  	_ =	shalt  }
0x4b: {  	_ =	shalt  }
0x4c: {  	_ =	shalt  }
0x4d: {  	_ =	shalt  }
0x4e: {  	_ =	shalt  }
0x4f: {  	_ =	shalt  }
0x50: {  	_ =	shalt  }
0x51: {  	_ =	shalt  }
0x52: {  	_ =	shalt  }
0x53: {  	_ =	shalt  }
0x54: {  	_ =	shalt  }
0x55: {  	_ =	shalt  }
0x56: {  	_ =	shalt  }
0x57: {  	_ =	shalt  }
0x58: {  	_ =	shalt  }
0x59: {  	_ =	shalt  }
0x5a: {  	_ =	shalt  }
0x5b: {  	_ =	shalt  }
0x5c: {  	_ =	shalt  }
0x5d: {  	_ =	shalt  }
0x5e: {  	_ =	shalt  }
0x5f: {  	_ =	shalt  }
0x60: {  	_ =	shalt  }
0x61: {  	_ =	shalt  }
0x62: {  	_ =	shalt  }
0x63: {  	_ =	shalt  }
0x64: {  	_ =	shalt  }
0x65: {  	_ =	shalt  }
0x66: {  	_ =	shalt  }
0x67: {  	_ =	shalt  }
0x68: {  	_ =	shalt  }
0x69: {  	_ =	shalt  }
0x6a: {  	_ =	shalt  }
0x6b: {  	_ =	shalt  }
0x6c: {  	_ =	shalt  }
0x6d: {  	_ =	shalt  }
0x6e: {  	_ =	shalt  }
0x6f: {  	_ =	shalt  }
0x70: {  	_ =	shalt  }
0x71: {  	_ =	shalt  }
0x72: {  	_ =	shalt  }
0x73: {  	_ =	shalt  }
0x74: {  	_ =	shalt  }
0x75: {  	_ =	shalt  }
0x76: {  	_ =	shalt  }
0x77: {  	_ =	shalt  }
0x78: {  	_ =	shalt  }
0x79: {  	_ =	shalt  }
0x7a: {  	_ =	shalt  }
0x7b: {  	_ =	shalt  }
0x7c: {  	_ =	shalt  }
0x7d: {  	_ =	shalt  }
0x7e: {  	_ =	shalt  }
0x7f: {  	_ =	shalt  }
0x80: {  	_ =	shalt  }
0x81: {  	_ =	shalt  }
0x82: {  	_ =	shalt  }
0x83: {  	_ =	shalt  }
0x84: {  	_ =	shalt  }
0x85: {  	_ =	shalt  }
0x86: {  	_ =	shalt  }
0x87: {  	_ =	shalt  }
.Lfunc_end0:
.L_simem_size_0:
called_computation_lowered:
.L_overlay_start_0:
0x88: {  	s2 =	sld [smem:$0x3FD9]  }
0x89: {  	s3 =	sld [smem:$0x3FFE];
	_ =	sdelay $0x1  }
0x8a: {  	s1 =	srdreg.scid  }
0x8b: {  	s0 =	sand.u32 $0x1, s1  }
0x8c: {  	s17 =	sshll.u32 s0, $0xA;
	s2 =	sadd.s32 s3, s2  }
0x8d: {  	s2 =	sadd.s32 s2, s17  }
0x8e: {  	[smem:$0x3FC2] =	sst s2  }
0x8f: {  	_ = 	snop  }
0x90: {  	s18 =	sld [smem:$0x3FC9];
	(tm) =	ssettm $0x1  }
0x91: {  	s19 =	sld [smem:$0x3FFB];
	_ =	sdelay $0x3  }
0x92: {  	_ =	strace s19  }
0x93: {  	s2 =	sld [smem:$0x3FFC];
	_ =	sdelay $0x3  }
0x94: {  	_ =	strace s2  }
0x95: {  	s2 =	sld [smem:$0x3FFD];
	_ =	sdelay $0x3  }
0x96: {  	_ =	strace s2  }
0x97: {  	_ =	strace $0x8FFFFFFF  }
0x98: {  	s20 =	sld [smem:$0x3FDB];
	_ =	sdelay $0x1  }
0x99: {  	s4 =	simm.s32 $_scs_section_size  }
0x9a: {  	s5 =	simm.s32 $_size__tile_overlayer_lowered;
	s6 =	simm.s32 $_tile_overlayer_lowered  }
0x9b: {  	s7 =	simm.s32 $0x1BFF;
	s21 =	sshll.u32 s6, $0x1;
	s4 =	sadd.s32 s4, s20  }
0x9c: {  	s22 =	simm.s32 $0x0;
	s5 =	sshll.u32 s5, $0x1;
	s6 =	sadd.s32 s21, s4  }
0x9d: {  	[timem:s22], [sflag:s7] =	dma.local [hbm:s6], s5  }
0x9e: {  	_ =	swait.ge [sflag:s7], s5  }
0x9f: {  	s5 =	ssub.s32 $0x0, s5;
	[sflag:s7] =	ssyncset.done $0x0  }
0xa0: {  	[sflag:s7] =	ssyncadd.s32 s5;
	_ =	sdelay $0x1  }
0xa1: {  	s23 =	simm.s32 $0x1B8B  }
0xa2: {  	_ =	swait.ge [sflag:s23], $0x1  }
0xa3: {  	[sflag:s23] =	ssyncset.done $0x0  }
0xa4: {  	[sflag:s23] =	ssyncadd.s32 $0xFFFFFFFF  }
0xa5: {  	s5 =	sld [smem:$0x0]  }
0xa6: {  	s6 =	sand.u32 $0xFFFFFFFE, s1  }
0xa7: {  	p0 =	sne.s32 s1, s6  }
0xa8: {  	s6 =	sshll.u32 @p0 s6, $0xE  }
0xa9: {  	s6 =	sadd.s32 @p0 $0x11B8D, s6;
	s7 =	sshll.u32 @p0 s5, $0x11  }
0xaa: {  	s6 =	sor.u32 @p0 s7, s6  }
0xab: {  	[sflag:s6] =	ssyncadd.remote.s32 @p0 $0x1;
	_ =	sdelay $0x1  }
0xac: {  	s6 =	simm.s32 @p0 $0x1B8D  }
0xad: {  	_ =	swait.eq @p0 [sflag:s6], $0x1  }
0xae: {  	[sflag:s6] =	ssyncadd.s32 @p0 $0xFFFFFFFF  }
0xaf: {  	s7 =	sshll.u32 @!p0 s1, $0xE  }
0xb0: {  	s7 =	sor.u32 @!p0 $0x4000, s7;
	s6 =	simm.s32 @!p0 $0x1B8D  }
0xb1: {  	s5 =	sshll.u32 @!p0 s5, $0x11;
	s7 =	sadd.s32 @!p0 $0x11B8D, s7;
	_ =	swait.eq @!p0 [sflag:s6], $0x1  }
0xb2: {  	s5 =	sor.u32 @!p0 s5, s7;
	[sflag:s6] =	ssyncadd.s32 @!p0 $0xFFFFFFFF  }
0xb3: {  	s25 =	simm.s32 $0x1B8E;
	s24 =	sld [smem:$0x3FFE];
	[sflag:s5] =	ssyncadd.remote.s32 @!p0 $0x1  }
0xb4: {  	s26 =	simm.s32 $execute0_lowered;
	[smem:$0x3FD2] =	sst s25  }
0xb5: {  	s6 =	sshll.u32 s26, $0x1;
	_ =	strace $0x80000049;
	[dreg:$0x1] =	wrdreg $0xFFFFFFFF  }
0xb6: {  	s28 =	simm.s32 $_size_execute0_lowered;
	s4 =	sadd.s32 s4, s6;
	[dreg:$0x0] =	wrdreg $0x0  }
0xb7: {  	s6 =	sshll.u32 s28, $0x1;
	[dreg:$0x2] =	wrdreg s4  }
0xb8: {  	[dreg:$0x3] =	wrdreg s6  }
0xb9: {  	[dreg:$0x4] =	wrdreg $0xC0  }
0xba: {  	_ =	task [dreg:s22], $0x5FFFF  }
0xbb: {  	[dreg:$0x1] =	wrdreg $0xFFFFFFFF  }
0xbc: {  	[dreg:$0x0] =	wrdreg $0x60  }
0xbd: {  	[dreg:$0x2] =	wrdreg s18  }
0xbe: {  	[dreg:$0x3] =	wrdreg s24  }
0xbf: {  	[dreg:$0x4] =	wrdreg $0x9  }
0xc0: {  	_ =	task.clear_ibuf [dreg:s22], $0x5FFFF;
	_ =	strace $0x90000049  }
0xc1: {  	s29 =	simm.s32 $0x9;
	_ =	strace $0x8000004B  }
0xc2: {  	_ =	swait.ge [sflag:s29], $0x1  }
0xc3: {  	[sflag:s29] =	ssyncadd.s32 $0xFFFFFFFF  }
0xc4: {  	_ =	strace $0x9000004B  }
0xc5: {  	_ =	sfence  }
0xc6: {  	s30 =	sld [smem:$0x0];
	_ =	sdelay $0x2  }
0xc7: {  	s31 =	sshll.u32 s1, $0xD;
	s1 =	sshrl.u32 s1, $0x2  }
0xc8: {  	s4 =	sand.u32 $0x4000, s31;
	s1 =	sadd.s32 s1, s30  }
0xc9: {  	s0 =	sor.u32 s4, s0;
	s1 =	sshll.u32 s1, $0x11  }
0xca: {  	s0 =	sor.u32 s1, s0  }
0xcb: {  	s0 =	sadd.s32 $0x8F2B, s0  }
0xcc: {  	[sflag:s0] =	ssyncadd.remote.s32 $0x1  }
0xcd: {  	_ =	sfence.sel $0xFFFF  }
0xce: {  	[dreg:$0x0] =	wrdreg $0xFFFFFFFF;
	(pc) =	sbr.abs _section_cstart, $3  }
0xcf: {  	[dreg:$0x1] =	wrdreg $0xFFFFFFFF  }
0xd0: {  	_ =	task.clear_ibuf [dreg:s22], $0x2FFFF;
	_ =	strace $0x9FFFFFFF  }
0xd1: {  	(tm) =	ssettm $0x7FFFFFFF  }
tec
execute0_lowered:
.L_overlay_start_1:
0x0: {  	(tag) =	ssettag $0x1  }
0x1: {  	s2 =	rddreg [dreg:$0x0]  }
0x2: {  	s0 =	rddreg [dreg:$0x1]  }
0x3: {  	s1 =	srdreg.scid;
	s9 =	stileid.u32;
	s3 =	simm.s32 $0x0  }
0x4: {  	s24 =	simm.s32 $0x1;
	s25 =	simm.s32 $0xC400;
	s28 =	simm.s32 $0x0  }
0x5: {  	s1 =	sand.u32 $0x1, s1;
	s4 =	sshll.u32 s9, $0x1;
	[smem:$0x7FF] =	sst s3  }
0x6: {  	s30 =	sshll.u32 s9, $0xF;
	s10 =	sadd.s32 $0x24800, s0;
	s11 =	sadd.s32 $0x34800, s0  }
0x7: {  	s12 =	sadd.s32 $0x44800, s0;
	s5 =	sor.u32 s1, s4;
	_ =	strace $0x8000004A  }
0x8: {  	s1 =	ssub.s32 $0x2, s1;
	s9 =	sand.u32 $0x40000, s30;
	s4 =	sshll.u32 s5, $0x7  }
0x9: {  	v0 =	vlaneseq.u32;
	s26 =	sshll.u32 s5, $0xB;
	s7 =	sshrl.u32 s1, $0x1;
	s6 =	sadd.s32 s4, s0  }
0xa: {  	v1 =	vshrl.u32 v0, $0x3;
	v2 =	vand.u32 $0x7, v0;
	s8 =	sadd.s32 s26, s0;
	s4 =	sadd.s32 $0x14800, s0;
	s6 =	sadd.s32 $0x1800, s6  }
0xb: {  	v0 =	vor.u32 $0x8, v0;
	[tilespmem:$0x1FFD0] =	vst v2;
	v1 =	vmul.u32 $0x8, v1;
	s1 =	ssub.s32 s1, s7;
	s29 =	sadd.s32 $0x4800, s8;
	[dreg:$0x3] =	wrdreg s6  }
0xc: {  	[tilespmem:$0x1FFF0] =	vst v0;
	s7 =	sadd.s32 $0x100, s2;
	s31 =	smax.u32 s1, $0x1;
	[dreg:$0x4] =	wrdreg s29  }
0xd: {  	vm0 =	vmmov $0xffff;
	v3 =	vimm.f32 $0.0e+00;
	[tilespmem:$0x1FFE0] =	vst v1;
	s26 =	simm.s32 $0x2;
	s8 =	sshll.u32 s5, $0xC;
	[dreg:$0x5] =	wrdreg s31  }
.LBB2_1:
0xe: {  	s0 =	rddreg [dreg:$0x3];
	s1 =	simm.s32 $0x3  }
0xf: {  	[tilespmem:s3], [sflag:$0x3] =	stream.linear.gather [hbm4b:s0+s3], $0x400, $0x38;
	[tilespmem:$0x14400] =	vst v63  }
0x10: {  	_ =	swait.ge [sflag:s1], $0x400  }
0x11: {  	[sflag:s1] =	ssyncset.done $0x0  }
0x12: {  	s5 =	simm.s32 $0x400;
	s16 =	rddreg [dreg:$0x4];
	[sflag:s1] =	ssyncadd.s32 $0xFFFFFC00  }
0x13: {  	[tilespmem:s5], [sflag:$0x3] =	stream.linear.gather [hbm4b:s16+s3], $0x4000, $0x38;
	[tilespmem:$0x14400] =	vst v63  }
0x14: {  	_ =	swait.ge [sflag:s1], $0x4000  }
0x15: {  	[sflag:s1] =	ssyncset.done $0x0  }
0x16: {  	[sflag:s1] =	ssyncadd.s32 $0xFFFFC000  }
0x17: {  	v0 =	vld [tilespmem:$0x0];
	_ =	sdelay $0x2  }
0x18: {  	v2 =	vld [tilespmem:$0x1FFD0];
	_ =	sdelay $0x1  }
0x19: {  	v4 =	vld [tilespmem:$0x1FFE0];
	v1 =	vshll.u32 v0, $0x2  }
0x1a: {  	v0 =	vand.u32 $0x7, v0;
	v1 =	vand.u32 $0xFFFFFFE0, v1  }
0x1b: {  	v5 =	vld [tilespmem:$0x1FFF0];
	v0 =	vor.u32 v0, v1  }
0x1c: {  	v1 =	vperm.xlane v0, v2;
	_ =	sdelay $0x1  }
0x1d: {  	v1 =	vadd.s32 v4, v1;
	_ =	sdelay $0x1  }
0x1e: {  	v0 =	vperm.xlane v0, v5;
	_ =	sdelay $0x1  }
0x1f: {  	s17 =	simm.s32 $0x4400;
	v0 =	vadd.s32 v4, v0  }
0x20: {  	[tilespmem:s17], [sflag:$0x1] =	stream.indirect_vreg.gather [hbm4b:s2+s3], $0x80, v1, vm0, $0xb8;
	[tilespmem:$0x14400] =	vst v63  }
0x21: {  	s18 =	simm.s32 $0x4C00  }
0x22: {  	[tilespmem:s18], [sflag:$0x1] =	stream.indirect_vreg.gather [hbm4b:s7+s3], $0x80, v1, vm0, $0xb8;
	[tilespmem:$0x14400] =	vst v63  }
0x23: {  	s19 =	simm.s32 $0x5400  }
0x24: {  	[tilespmem:s19], [sflag:$0x1] =	stream.indirect_vreg.gather [hbm4b:s2+s3], $0x80, v0, vm0, $0xb8;
	[tilespmem:$0x14400] =	vst v63  }
0x25: {  	s20 =	simm.s32 $0x5C00  }
0x26: {  	[tilespmem:s20], [sflag:$0x1] =	stream.indirect_vreg.gather [hbm4b:s7+s3], $0x80, v0, vm0, $0xb8;
	[tilespmem:$0x14400] =	vst v63  }
0x27: {  	v0 =	vld [tilespmem:$0x10];
	_ =	sdelay $0x4  }
0x28: {  	v1 =	vshll.u32 v0, $0x2  }
0x29: {  	v0 =	vand.u32 $0x7, v0;
	v1 =	vand.u32 $0xFFFFFFE0, v1  }
0x2a: {  	v0 =	vor.u32 v0, v1  }
0x2b: {  	v1 =	vperm.xlane v0, v2;
	_ =	sdelay $0x1  }
0x2c: {  	v1 =	vadd.s32 v4, v1;
	_ =	sdelay $0x1  }
0x2d: {  	v0 =	vperm.xlane v0, v5;
	_ =	sdelay $0x1  }
0x2e: {  	s21 =	simm.s32 $0x6400;
	v0 =	vadd.s32 v4, v0  }
0x2f: {  	[tilespmem:s21], [sflag:$0x1] =	stream.indirect_vreg.gather [hbm4b:s2+s3], $0x80, v1, vm0, $0xb8;
	[tilespmem:$0x14400] =	vst v63  }
0x30: {  	s22 =	simm.s32 $0x6C00  }
0x31: {  	[tilespmem:s22], [sflag:$0x1] =	stream.indirect_vreg.gather [hbm4b:s7+s3], $0x80, v1, vm0, $0xb8;
	[tilespmem:$0x14400] =	vst v63  }
0x32: {  	s23 =	simm.s32 $0x7400  }
0x33: {  	[tilespmem:s23], [sflag:$0x1] =	stream.indirect_vreg.gather [hbm4b:s2+s3], $0x80, v0, vm0, $0xb8;
	[tilespmem:$0x14400] =	vst v63  }
0x34: {  	s30 =	simm.s32 $0x7C00;
	s29 =	simm.s32 $0x420;
	s31 =	simm.s32 $0x0  }
0x35: {  	[tilespmem:s30], [sflag:$0x1] =	stream.indirect_vreg.gather [hbm4b:s7+s3], $0x80, v0, vm0, $0xb8;
	[tilespmem:$0x14400] =	vst v63  }
.LBB2_2:
0x36: {  	p0 =	seq.s32 s31, $0x1F  }
.Ltmp0:
0x37: {  	_ = 	snop;
	(pc) =	sbr.rel @!p0 .LBB2_4-.Ltmp0, $2  }
0x38: {  	_ =	sdelay $0x2  }
0x39: {  	s30 =	sadd.s32 $0x1, s31  }
.Ltmp1:
0x3a: {  	(pc) =	sbr.rel .LBB2_10-.Ltmp1, $2  }
0x3b: {  	_ =	sdelay $0x2  }
0x3c: {  	s0 =	simm.s32 $0x7;
	s1 =	simm.s32 $0x4000  }
.LBB2_4:
0x3d: {  	s0 =	sshll.u32 s30, $0x5  }
0x3e: {  	s0 =	sand.u32 $0x3FFFFFE0, s0  }
0x3f: {  	v0 =	vld [tilespmem:s0+$0x0];
	_ =	sdelay $0x2  }
0x40: {  	v2 =	vld [tilespmem:$0x1FFD0];
	_ =	sdelay $0x1  }
0x41: {  	v4 =	vld [tilespmem:$0x1FFE0];
	v1 =	vshll.u32 v0, $0x2  }
0x42: {  	v0 =	vand.u32 $0x7, v0;
	v1 =	vand.u32 $0xFFFFFFE0, v1  }
0x43: {  	v5 =	vld [tilespmem:$0x1FFF0];
	v0 =	vor.u32 v0, v1  }
0x44: {  	v1 =	vperm.xlane v0, v2;
	_ =	sdelay $0x1  }
0x45: {  	v1 =	vadd.s32 v4, v1  }
0x46: {  	s1 =	sshll.u32 s31, $0xE  }
0x47: {  	s1 =	sand.u32 $0x4000, s1;
	v0 =	vperm.xlane v0, v5  }
0x48: {  	s5 =	sxor.u32 $0x4000, s1  }
0x49: {  	s6 =	sadd.s32 $0x4400, s5;
	v0 =	vadd.s32 v4, v0  }
0x4a: {  	[tilespmem:s6], [sflag:$0x1] =	stream.indirect_vreg.gather [hbm4b:s2+s3], $0x80, v1, vm0, $0xb8;
	[tilespmem:$0x14400] =	vst v63  }
0x4b: {  	s17 =	sadd.s32 $0x4C00, s5  }
0x4c: {  	[tilespmem:s17], [sflag:$0x1] =	stream.indirect_vreg.gather [hbm4b:s7+s3], $0x80, v1, vm0, $0xb8;
	[tilespmem:$0x14400] =	vst v63  }
0x4d: {  	s18 =	sadd.s32 $0x5400, s5  }
0x4e: {  	[tilespmem:s18], [sflag:$0x1] =	stream.indirect_vreg.gather [hbm4b:s2+s3], $0x80, v0, vm0, $0xb8;
	[tilespmem:$0x14400] =	vst v63  }
0x4f: {  	s19 =	sadd.s32 $0x5C00, s5  }
0x50: {  	[tilespmem:s19], [sflag:$0x1] =	stream.indirect_vreg.gather [hbm4b:s7+s3], $0x80, v0, vm0, $0xb8;
	[tilespmem:$0x14400] =	vst v63  }
0x51: {  	v0 =	vld [tilespmem:s0+$0x10];
	_ =	sdelay $0x4  }
0x52: {  	v1 =	vshll.u32 v0, $0x2  }
0x53: {  	v0 =	vand.u32 $0x7, v0;
	v1 =	vand.u32 $0xFFFFFFE0, v1  }
0x54: {  	v0 =	vor.u32 v0, v1  }
0x55: {  	v1 =	vperm.xlane v0, v2;
	_ =	sdelay $0x1  }
0x56: {  	v1 =	vadd.s32 v4, v1;
	_ =	sdelay $0x2  }
0x57: {  	p0 =	seq.s32 s31, $0x0;
	s0 =	sand.u32 $0x7, s31;
	v0 =	vperm.xlane v0, v5  }
0x58: {  	s20 =	sadd.s32 $0x6400, s5;
	p1 =	sne.s32 @!p0 s0, $0x0  }
0x59: {  	v0 =	vadd.s32 v4, v0;
	[tilespmem:s20], [sflag:$0x1] =	stream.indirect_vreg.gather [hbm4b:s2+s3], $0x80, v1, vm0, $0xb8;
	[tilespmem:$0x14400] =	vst v63  }
0x5a: {  	s21 =	sadd.s32 $0x6C00, s5;
	p0 =	por p0, p1  }
0x5b: {  	[tilespmem:s21], [sflag:$0x1] =	stream.indirect_vreg.gather [hbm4b:s7+s3], $0x80, v1, vm0, $0xb8;
	[tilespmem:$0x14400] =	vst v63  }
.Ltmp2:
0x5c: {  	_ = 	snop;
	(pc) =	sbr.rel @p0 .LBB2_6-.Ltmp2, $4  }
0x5d: {  	s22 =	sadd.s32 $0x7400, s5  }
0x5e: {  	[tilespmem:s22], [sflag:$0x1] =	stream.indirect_vreg.gather [hbm4b:s2+s3], $0x80, v0, vm0, $0xb8;
	[tilespmem:$0x14400] =	vst v63  }
0x5f: {  	s23 =	sadd.s32 $0x7C00, s5  }
0x60: {  	[tilespmem:s23], [sflag:$0x1] =	stream.indirect_vreg.gather [hbm4b:s7+s3], $0x80, v0, vm0, $0xb8;
	[tilespmem:$0x14400] =	vst v63  }
0x61: {  	_ =	swait.ge [sflag:s26], $0x2000  }
0x62: {  	[sflag:s26] =	ssyncset.done $0x0  }
0x63: {  	[sflag:s26] =	ssyncadd.s32 $0xFFFFE000  }
0x64: {  	_ =	swait.ge [sflag:s26], $0x2000  }
0x65: {  	[sflag:s26] =	ssyncset.done $0x0  }
0x66: {  	[sflag:s26] =	ssyncadd.s32 $0xFFFFE000  }
0x67: {  	_ =	swait.ge [sflag:s26], $0x2000  }
0x68: {  	[sflag:s26] =	ssyncset.done $0x0  }
0x69: {  	[sflag:s26] =	ssyncadd.s32 $0xFFFFE000  }
0x6a: {  	_ =	swait.ge [sflag:s26], $0x2000  }
0x6b: {  	[sflag:s26] =	ssyncset.done $0x0  }
0x6c: {  	[sflag:s26] =	ssyncadd.s32 $0xFFFFE000  }
.LBB2_7:
0x6d: {  	s0 =	simm.s32 $0xC800  }
0x6e: {  	[tilespmem:s0+$0xFFFFFC00] =	vst v3  }
0x6f: {  	[tilespmem:s0+$0x3F0] =	vst v3  }
0x70: {  	[tilespmem:s0+$0x3E0] =	vst v3  }
0x71: {  	[tilespmem:s0+$0x3D0] =	vst v3  }
0x72: {  	[tilespmem:s0+$0x3C0] =	vst v3  }
0x73: {  	[tilespmem:s0+$0x3B0] =	vst v3  }
0x74: {  	[tilespmem:s0+$0x3A0] =	vst v3  }
0x75: {  	[tilespmem:s0+$0x390] =	vst v3  }
0x76: {  	[tilespmem:s0+$0x380] =	vst v3  }
0x77: {  	[tilespmem:s0+$0x370] =	vst v3  }
0x78: {  	[tilespmem:s0+$0x360] =	vst v3  }
0x79: {  	[tilespmem:s0+$0x350] =	vst v3  }
0x7a: {  	[tilespmem:s0+$0x340] =	vst v3  }
0x7b: {  	[tilespmem:s0+$0x330] =	vst v3  }
0x7c: {  	[tilespmem:s0+$0x320] =	vst v3  }
0x7d: {  	[tilespmem:s0+$0x310] =	vst v3  }
0x7e: {  	[tilespmem:s0+$0x300] =	vst v3  }
0x7f: {  	[tilespmem:s0+$0x2F0] =	vst v3  }
0x80: {  	[tilespmem:s0+$0x2E0] =	vst v3  }
0x81: {  	[tilespmem:s0+$0x2D0] =	vst v3  }
0x82: {  	[tilespmem:s0+$0x2C0] =	vst v3  }
0x83: {  	[tilespmem:s0+$0x2B0] =	vst v3  }
0x84: {  	[tilespmem:s0+$0x2A0] =	vst v3  }
0x85: {  	[tilespmem:s0+$0x290] =	vst v3  }
0x86: {  	[tilespmem:s0+$0x280] =	vst v3  }
0x87: {  	[tilespmem:s0+$0x270] =	vst v3  }
0x88: {  	[tilespmem:s0+$0x260] =	vst v3  }
0x89: {  	[tilespmem:s0+$0x250] =	vst v3  }
0x8a: {  	[tilespmem:s0+$0x240] =	vst v3  }
0x8b: {  	[tilespmem:s0+$0x230] =	vst v3  }
0x8c: {  	[tilespmem:s0+$0x220] =	vst v3  }
0x8d: {  	[tilespmem:s0+$0x210] =	vst v3  }
0x8e: {  	[tilespmem:s0+$0x200] =	vst v3  }
0x8f: {  	[tilespmem:s0+$0x1F0] =	vst v3  }
0x90: {  	[tilespmem:s0+$0x1E0] =	vst v3  }
0x91: {  	[tilespmem:s0+$0x1D0] =	vst v3  }
0x92: {  	[tilespmem:s0+$0x1C0] =	vst v3  }
0x93: {  	[tilespmem:s0+$0x1B0] =	vst v3  }
0x94: {  	[tilespmem:s0+$0x1A0] =	vst v3  }
0x95: {  	[tilespmem:s0+$0x190] =	vst v3  }
0x96: {  	[tilespmem:s0+$0x180] =	vst v3  }
0x97: {  	[tilespmem:s0+$0x170] =	vst v3  }
0x98: {  	[tilespmem:s0+$0x160] =	vst v3  }
0x99: {  	[tilespmem:s0+$0x150] =	vst v3  }
0x9a: {  	[tilespmem:s0+$0x140] =	vst v3  }
0x9b: {  	[tilespmem:s0+$0x130] =	vst v3  }
0x9c: {  	[tilespmem:s0+$0x120] =	vst v3  }
0x9d: {  	[tilespmem:s0+$0x110] =	vst v3  }
0x9e: {  	[tilespmem:s0+$0x100] =	vst v3  }
0x9f: {  	[tilespmem:s0+$0xF0] =	vst v3  }
0xa0: {  	[tilespmem:s0+$0xE0] =	vst v3  }
0xa1: {  	[tilespmem:s0+$0xD0] =	vst v3  }
0xa2: {  	[tilespmem:s0+$0xC0] =	vst v3  }
0xa3: {  	[tilespmem:s0+$0xB0] =	vst v3  }
0xa4: {  	[tilespmem:s0+$0xA0] =	vst v3  }
0xa5: {  	[tilespmem:s0+$0x90] =	vst v3  }
0xa6: {  	[tilespmem:s0+$0x80] =	vst v3  }
0xa7: {  	[tilespmem:s0+$0x70] =	vst v3  }
0xa8: {  	[tilespmem:s0+$0x60] =	vst v3  }
0xa9: {  	[tilespmem:s0+$0x50] =	vst v3  }
0xaa: {  	[tilespmem:s0+$0x40] =	vst v3  }
0xab: {  	[tilespmem:s0+$0x30] =	vst v3  }
0xac: {  	[tilespmem:s0+$0x20] =	vst v3  }
0xad: {  	[tilespmem:s0+$0x10] =	vst v3  }
0xae: {  	[tilespmem:s0+$0x0] =	vst v3  }
0xaf: {  	[tilespmem:s0+$0xFFFFFFF0] =	vst v3  }
0xb0: {  	[tilespmem:s0+$0xFFFFFFE0] =	vst v3  }
0xb1: {  	[tilespmem:s0+$0xFFFFFFD0] =	vst v3  }
0xb2: {  	[tilespmem:s0+$0xFFFFFFC0] =	vst v3  }
0xb3: {  	[tilespmem:s0+$0xFFFFFFB0] =	vst v3  }
0xb4: {  	[tilespmem:s0+$0xFFFFFFA0] =	vst v3  }
0xb5: {  	[tilespmem:s0+$0xFFFFFF90] =	vst v3  }
0xb6: {  	[tilespmem:s0+$0xFFFFFF80] =	vst v3  }
0xb7: {  	[tilespmem:s0+$0xFFFFFF70] =	vst v3  }
0xb8: {  	[tilespmem:s0+$0xFFFFFF60] =	vst v3  }
0xb9: {  	[tilespmem:s0+$0xFFFFFF50] =	vst v3  }
0xba: {  	[tilespmem:s0+$0xFFFFFF40] =	vst v3  }
0xbb: {  	[tilespmem:s0+$0xFFFFFF30] =	vst v3  }
0xbc: {  	[tilespmem:s0+$0xFFFFFF20] =	vst v3  }
0xbd: {  	[tilespmem:s0+$0xFFFFFF10] =	vst v3  }
0xbe: {  	[tilespmem:s0+$0xFFFFFF00] =	vst v3  }
0xbf: {  	[tilespmem:s0+$0xFFFFFEF0] =	vst v3  }
0xc0: {  	[tilespmem:s0+$0xFFFFFEE0] =	vst v3  }
0xc1: {  	[tilespmem:s0+$0xFFFFFED0] =	vst v3  }
0xc2: {  	[tilespmem:s0+$0xFFFFFEC0] =	vst v3  }
0xc3: {  	[tilespmem:s0+$0xFFFFFEB0] =	vst v3  }
0xc4: {  	[tilespmem:s0+$0xFFFFFEA0] =	vst v3  }
0xc5: {  	[tilespmem:s0+$0xFFFFFE90] =	vst v3  }
0xc6: {  	[tilespmem:s0+$0xFFFFFE80] =	vst v3  }
0xc7: {  	[tilespmem:s0+$0xFFFFFE70] =	vst v3  }
0xc8: {  	[tilespmem:s0+$0xFFFFFE60] =	vst v3  }
0xc9: {  	[tilespmem:s0+$0xFFFFFE50] =	vst v3  }
0xca: {  	[tilespmem:s0+$0xFFFFFE40] =	vst v3  }
0xcb: {  	[tilespmem:s0+$0xFFFFFE30] =	vst v3  }
0xcc: {  	[tilespmem:s0+$0xFFFFFE20] =	vst v3  }
0xcd: {  	[tilespmem:s0+$0xFFFFFE10] =	vst v3  }
0xce: {  	[tilespmem:s0+$0xFFFFFE00] =	vst v3  }
0xcf: {  	[tilespmem:s0+$0xFFFFFDF0] =	vst v3  }
0xd0: {  	[tilespmem:s0+$0xFFFFFDE0] =	vst v3  }
0xd1: {  	[tilespmem:s0+$0xFFFFFDD0] =	vst v3  }
0xd2: {  	[tilespmem:s0+$0xFFFFFDC0] =	vst v3  }
0xd3: {  	[tilespmem:s0+$0xFFFFFDB0] =	vst v3  }
0xd4: {  	[tilespmem:s0+$0xFFFFFDA0] =	vst v3  }
0xd5: {  	[tilespmem:s0+$0xFFFFFD90] =	vst v3  }
0xd6: {  	[tilespmem:s0+$0xFFFFFD80] =	vst v3  }
0xd7: {  	[tilespmem:s0+$0xFFFFFD70] =	vst v3  }
0xd8: {  	[tilespmem:s0+$0xFFFFFD60] =	vst v3  }
0xd9: {  	[tilespmem:s0+$0xFFFFFD50] =	vst v3  }
0xda: {  	[tilespmem:s0+$0xFFFFFD40] =	vst v3  }
0xdb: {  	[tilespmem:s0+$0xFFFFFD30] =	vst v3  }
0xdc: {  	[tilespmem:s0+$0xFFFFFD20] =	vst v3  }
0xdd: {  	[tilespmem:s0+$0xFFFFFD10] =	vst v3  }
0xde: {  	[tilespmem:s0+$0xFFFFFD00] =	vst v3  }
0xdf: {  	[tilespmem:s0+$0xFFFFFCF0] =	vst v3  }
0xe0: {  	[tilespmem:s0+$0xFFFFFCE0] =	vst v3  }
0xe1: {  	[tilespmem:s0+$0xFFFFFCD0] =	vst v3  }
0xe2: {  	[tilespmem:s0+$0xFFFFFCC0] =	vst v3  }
0xe3: {  	[tilespmem:s0+$0xFFFFFCB0] =	vst v3  }
0xe4: {  	[tilespmem:s0+$0xFFFFFCA0] =	vst v3  }
0xe5: {  	[tilespmem:s0+$0xFFFFFC90] =	vst v3  }
0xe6: {  	[tilespmem:s0+$0xFFFFFC80] =	vst v3  }
0xe7: {  	[tilespmem:s0+$0xFFFFFC70] =	vst v3  }
0xe8: {  	[tilespmem:s0+$0xFFFFFC60] =	vst v3  }
0xe9: {  	[tilespmem:s0+$0xFFFFFC50] =	vst v3  }
0xea: {  	[tilespmem:s0+$0xFFFFFC40] =	vst v3  }
0xeb: {  	[tilespmem:s0+$0xFFFFFC30] =	vst v3  }
0xec: {  	s5 =	simm.s32 $0x0;
	[tilespmem:s0+$0xFFFFFC20] =	vst v3  }
.LBB2_8:
0xed: {  	s5 =	sadd.s32 $0x4, s5;
	[tilespmem:s0+$0xFFFFFC10] =	vst v3;
	s0 =	sadd.s32 $0x800, s0  }
0xee: {  	[tilespmem:s0+$0xFFFFFC00] =	vst v3;
	p0 =	slt.u32 s5, $0x3C  }
0xef: {  	[tilespmem:s0+$0x3F0] =	vst v3  }
0xf0: {  	[tilespmem:s0+$0x3E0] =	vst v3  }
0xf1: {  	[tilespmem:s0+$0x3D0] =	vst v3  }
0xf2: {  	[tilespmem:s0+$0x3C0] =	vst v3  }
0xf3: {  	[tilespmem:s0+$0x3B0] =	vst v3  }
0xf4: {  	[tilespmem:s0+$0x3A0] =	vst v3  }
0xf5: {  	[tilespmem:s0+$0x390] =	vst v3  }
0xf6: {  	[tilespmem:s0+$0x380] =	vst v3  }
0xf7: {  	[tilespmem:s0+$0x370] =	vst v3  }
0xf8: {  	[tilespmem:s0+$0x360] =	vst v3  }
0xf9: {  	[tilespmem:s0+$0x350] =	vst v3  }
0xfa: {  	[tilespmem:s0+$0x340] =	vst v3  }
0xfb: {  	[tilespmem:s0+$0x330] =	vst v3  }
0xfc: {  	[tilespmem:s0+$0x320] =	vst v3  }
0xfd: {  	[tilespmem:s0+$0x310] =	vst v3  }
0xfe: {  	[tilespmem:s0+$0x300] =	vst v3  }
0xff: {  	[tilespmem:s0+$0x2F0] =	vst v3  }
0x100: {  	[tilespmem:s0+$0x2E0] =	vst v3  }
0x101: {  	[tilespmem:s0+$0x2D0] =	vst v3  }
0x102: {  	[tilespmem:s0+$0x2C0] =	vst v3  }
0x103: {  	[tilespmem:s0+$0x2B0] =	vst v3  }
0x104: {  	[tilespmem:s0+$0x2A0] =	vst v3  }
0x105: {  	[tilespmem:s0+$0x290] =	vst v3  }
0x106: {  	[tilespmem:s0+$0x280] =	vst v3  }
0x107: {  	[tilespmem:s0+$0x270] =	vst v3  }
0x108: {  	[tilespmem:s0+$0x260] =	vst v3  }
0x109: {  	[tilespmem:s0+$0x250] =	vst v3  }
0x10a: {  	[tilespmem:s0+$0x240] =	vst v3  }
0x10b: {  	[tilespmem:s0+$0x230] =	vst v3  }
0x10c: {  	[tilespmem:s0+$0x220] =	vst v3  }
0x10d: {  	[tilespmem:s0+$0x210] =	vst v3  }
0x10e: {  	[tilespmem:s0+$0x200] =	vst v3  }
0x10f: {  	[tilespmem:s0+$0x1F0] =	vst v3  }
0x110: {  	[tilespmem:s0+$0x1E0] =	vst v3  }
0x111: {  	[tilespmem:s0+$0x1D0] =	vst v3  }
0x112: {  	[tilespmem:s0+$0x1C0] =	vst v3  }
0x113: {  	[tilespmem:s0+$0x1B0] =	vst v3  }
0x114: {  	[tilespmem:s0+$0x1A0] =	vst v3  }
0x115: {  	[tilespmem:s0+$0x190] =	vst v3  }
0x116: {  	[tilespmem:s0+$0x180] =	vst v3  }
0x117: {  	[tilespmem:s0+$0x170] =	vst v3  }
0x118: {  	[tilespmem:s0+$0x160] =	vst v3  }
0x119: {  	[tilespmem:s0+$0x150] =	vst v3  }
0x11a: {  	[tilespmem:s0+$0x140] =	vst v3  }
0x11b: {  	[tilespmem:s0+$0x130] =	vst v3  }
0x11c: {  	[tilespmem:s0+$0x120] =	vst v3  }
0x11d: {  	[tilespmem:s0+$0x110] =	vst v3  }
0x11e: {  	[tilespmem:s0+$0x100] =	vst v3  }
0x11f: {  	[tilespmem:s0+$0xF0] =	vst v3  }
0x120: {  	[tilespmem:s0+$0xE0] =	vst v3  }
0x121: {  	[tilespmem:s0+$0xD0] =	vst v3  }
0x122: {  	[tilespmem:s0+$0xC0] =	vst v3  }
0x123: {  	[tilespmem:s0+$0xB0] =	vst v3  }
0x124: {  	[tilespmem:s0+$0xA0] =	vst v3  }
0x125: {  	[tilespmem:s0+$0x90] =	vst v3  }
0x126: {  	[tilespmem:s0+$0x80] =	vst v3  }
0x127: {  	[tilespmem:s0+$0x70] =	vst v3  }
0x128: {  	[tilespmem:s0+$0x60] =	vst v3  }
0x129: {  	[tilespmem:s0+$0x50] =	vst v3  }
0x12a: {  	[tilespmem:s0+$0x40] =	vst v3  }
0x12b: {  	[tilespmem:s0+$0x30] =	vst v3  }
0x12c: {  	[tilespmem:s0+$0x20] =	vst v3  }
0x12d: {  	[tilespmem:s0+$0x10] =	vst v3  }
0x12e: {  	[tilespmem:s0+$0x0] =	vst v3  }
0x12f: {  	[tilespmem:s0+$0xFFFFFFF0] =	vst v3  }
0x130: {  	[tilespmem:s0+$0xFFFFFFE0] =	vst v3  }
0x131: {  	[tilespmem:s0+$0xFFFFFFD0] =	vst v3  }
0x132: {  	[tilespmem:s0+$0xFFFFFFC0] =	vst v3  }
0x133: {  	[tilespmem:s0+$0xFFFFFFB0] =	vst v3  }
0x134: {  	[tilespmem:s0+$0xFFFFFFA0] =	vst v3  }
0x135: {  	[tilespmem:s0+$0xFFFFFF90] =	vst v3  }
0x136: {  	[tilespmem:s0+$0xFFFFFF80] =	vst v3  }
0x137: {  	[tilespmem:s0+$0xFFFFFF70] =	vst v3  }
0x138: {  	[tilespmem:s0+$0xFFFFFF60] =	vst v3  }
0x139: {  	[tilespmem:s0+$0xFFFFFF50] =	vst v3  }
0x13a: {  	[tilespmem:s0+$0xFFFFFF40] =	vst v3  }
0x13b: {  	[tilespmem:s0+$0xFFFFFF30] =	vst v3  }
0x13c: {  	[tilespmem:s0+$0xFFFFFF20] =	vst v3  }
0x13d: {  	[tilespmem:s0+$0xFFFFFF10] =	vst v3  }
0x13e: {  	[tilespmem:s0+$0xFFFFFF00] =	vst v3  }
0x13f: {  	[tilespmem:s0+$0xFFFFFEF0] =	vst v3  }
0x140: {  	[tilespmem:s0+$0xFFFFFEE0] =	vst v3  }
0x141: {  	[tilespmem:s0+$0xFFFFFED0] =	vst v3  }
0x142: {  	[tilespmem:s0+$0xFFFFFEC0] =	vst v3  }
0x143: {  	[tilespmem:s0+$0xFFFFFEB0] =	vst v3  }
0x144: {  	[tilespmem:s0+$0xFFFFFEA0] =	vst v3  }
0x145: {  	[tilespmem:s0+$0xFFFFFE90] =	vst v3  }
0x146: {  	[tilespmem:s0+$0xFFFFFE80] =	vst v3  }
0x147: {  	[tilespmem:s0+$0xFFFFFE70] =	vst v3  }
0x148: {  	[tilespmem:s0+$0xFFFFFE60] =	vst v3  }
0x149: {  	[tilespmem:s0+$0xFFFFFE50] =	vst v3  }
0x14a: {  	[tilespmem:s0+$0xFFFFFE40] =	vst v3  }
0x14b: {  	[tilespmem:s0+$0xFFFFFE30] =	vst v3  }
0x14c: {  	[tilespmem:s0+$0xFFFFFE20] =	vst v3  }
0x14d: {  	[tilespmem:s0+$0xFFFFFE10] =	vst v3  }
0x14e: {  	[tilespmem:s0+$0xFFFFFE00] =	vst v3  }
0x14f: {  	[tilespmem:s0+$0xFFFFFDF0] =	vst v3  }
0x150: {  	[tilespmem:s0+$0xFFFFFDE0] =	vst v3  }
0x151: {  	[tilespmem:s0+$0xFFFFFDD0] =	vst v3  }
0x152: {  	[tilespmem:s0+$0xFFFFFDC0] =	vst v3  }
0x153: {  	[tilespmem:s0+$0xFFFFFDB0] =	vst v3  }
0x154: {  	[tilespmem:s0+$0xFFFFFDA0] =	vst v3  }
0x155: {  	[tilespmem:s0+$0xFFFFFD90] =	vst v3  }
0x156: {  	[tilespmem:s0+$0xFFFFFD80] =	vst v3  }
0x157: {  	[tilespmem:s0+$0xFFFFFD70] =	vst v3  }
0x158: {  	[tilespmem:s0+$0xFFFFFD60] =	vst v3  }
0x159: {  	[tilespmem:s0+$0xFFFFFD50] =	vst v3  }
0x15a: {  	[tilespmem:s0+$0xFFFFFD40] =	vst v3  }
0x15b: {  	[tilespmem:s0+$0xFFFFFD30] =	vst v3  }
0x15c: {  	[tilespmem:s0+$0xFFFFFD20] =	vst v3  }
0x15d: {  	[tilespmem:s0+$0xFFFFFD10] =	vst v3  }
0x15e: {  	[tilespmem:s0+$0xFFFFFD00] =	vst v3  }
0x15f: {  	[tilespmem:s0+$0xFFFFFCF0] =	vst v3  }
0x160: {  	[tilespmem:s0+$0xFFFFFCE0] =	vst v3  }
0x161: {  	[tilespmem:s0+$0xFFFFFCD0] =	vst v3  }
0x162: {  	[tilespmem:s0+$0xFFFFFCC0] =	vst v3  }
0x163: {  	[tilespmem:s0+$0xFFFFFCB0] =	vst v3  }
0x164: {  	[tilespmem:s0+$0xFFFFFCA0] =	vst v3  }
0x165: {  	[tilespmem:s0+$0xFFFFFC90] =	vst v3  }
0x166: {  	[tilespmem:s0+$0xFFFFFC80] =	vst v3  }
0x167: {  	[tilespmem:s0+$0xFFFFFC70] =	vst v3  }
.Ltmp3:
0x168: {  	[tilespmem:s0+$0xFFFFFC60] =	vst v3;
	(pc) =	sbr.rel @p0 .LBB2_8-.Ltmp3, $4  }
0x169: {  	[tilespmem:s0+$0xFFFFFC50] =	vst v3  }
0x16a: {  	[tilespmem:s0+$0xFFFFFC40] =	vst v3  }
0x16b: {  	[tilespmem:s0+$0xFFFFFC30] =	vst v3  }
0x16c: {  	[tilespmem:s0+$0xFFFFFC20] =	vst v3  }
.Ltmp4:
0x16d: {  	(pc) =	sbr.rel .LBB2_10-.Ltmp4, $2  }
0x16e: {  	_ =	sdelay $0x2  }
0x16f: {  	[tilespmem:s0+$0xFFFFFC10] =	vst v3;
	s0 =	simm.s32 $0x0  }
.LBB2_6:
0x170: {  	p0 =	sne.s32 s0, $0x0  }
.Ltmp5:
0x171: {  	_ = 	snop;
	(pc) =	sbr.rel @!p0 .LBB2_7-.Ltmp5, $1  }
0x172: {  	_ =	sdelay $0x3  }
.LBB2_10:
0x173: {  	_ =	swait.ge [sflag:s24], $0x4000  }
0x174: {  	[sflag:s24] =	ssyncset.done $0x0  }
0x175: {  	s5 =	simm.s32 $0x0;
	s1 =	sadd.s32 $0x4400, s1;
	[sflag:s24] =	ssyncadd.s32 $0xFFFFC000  }
0x176: {  	s15 =	simm.s32 $0x180;
	s16 =	simm.s32 $0x0;
	s5 =	sand.u32 $0x3000, s5;
	v6 =	vld [tilespmem:s29+$0x10]  }
0x177: {  	s17 =	simm.s32 $0x80;
	s22 =	sand.u32 $0x380, s15;
	s6 =	sadd.s32 s5, s1;
	v5 =	vld [tilespmem:s29+$0xFFFFFFF0]  }
0x178: {  	s16 =	sand.u32 $0x200, s16;
	s18 =	sand.u32 $0x280, s17;
	s5 =	sadd.s32 s22, s6;
	v10 =	vld [tilespmem:s29+$0x0]  }
0x179: {  	s23 =	simm.s32 $0x100;
	s17 =	sadd.s32 s16, s6;
	s16 =	sadd.s32 s18, s6;
	v0 =	vld [tilespmem:s5+$0x0]  }
0x17a: {  	s18 =	sand.u32 $0x300, s23;
	v2 =	vld [tilespmem:s16+$0x0]  }
0x17b: {  	v4 =	vld [tilespmem:s29+$0xFFFFFFE0];
	s18 =	sadd.s32 s18, s6  }
0x17c: {  	v8 =	vld [tilespmem:s18+$0x0]  }
0x17d: {  	v1 =	vld [tilespmem:s17+$0x0]  }
0x17e: {  	[tilespmem:v6+s25+$0x0] =	vst.idx.add.f32.msk $0xffff, v0  }
0x17f: {  	[tilespmem:v5+s25+$0x0] =	vst.idx.add.f32.msk $0xffff, v2  }
0x180: {  	v0 =	vadd.s32 $0x10, v6;
	v7 =	vld [tilespmem:s5+$0x10]  }
0x181: {  	[tilespmem:v10+s25+$0x0] =	vst.idx.add.f32.msk $0xffff, v8  }
0x182: {  	v8 =	vadd.s32 $0x10, v5;
	v9 =	vld [tilespmem:s16+$0x10]  }
0x183: {  	[tilespmem:v4+s25+$0x0] =	vst.idx.add.f32.msk $0xffff, v1  }
0x184: {  	v11 =	vadd.s32 $0x10, v10;
	v12 =	vld [tilespmem:s18+$0x10]  }
0x185: {  	[tilespmem:v0+s25+$0x0] =	vst.idx.add.f32.msk $0xffff, v7  }
0x186: {  	v7 =	vld [tilespmem:s17+$0x10]  }
0x187: {  	v2 =	vadd.s32 $0x10, v4;
	[tilespmem:v8+s25+$0x0] =	vst.idx.add.f32.msk $0xffff, v9  }
0x188: {  	v0 =	vadd.s32 $0x20, v6;
	v1 =	vld [tilespmem:s5+$0x20]  }
0x189: {  	[tilespmem:v11+s25+$0x0] =	vst.idx.add.f32.msk $0xffff, v12  }
0x18a: {  	v8 =	vld [tilespmem:s16+$0x20]  }
0x18b: {  	v9 =	vadd.s32 $0x20, v5;
	v11 =	vld [tilespmem:s18+$0x20]  }
0x18c: {  	v51 =	vadd.s32 $0x20, v10;
	[tilespmem:v2+s25+$0x0] =	vst.idx.add.f32.msk $0xffff, v7  }
0x18d: {  	[tilespmem:v0+s25+$0x0] =	vst.idx.add.f32.msk $0xffff, v1  }
0x18e: {  	v7 =	vld [tilespmem:s17+$0x20]  }
0x18f: {  	v0 =	vadd.s32 $0x30, v6;
	v1 =	vld [tilespmem:s5+$0x30]  }
0x190: {  	[tilespmem:v9+s25+$0x0] =	vst.idx.add.f32.msk $0xffff, v8  }
0x191: {  	v2 =	vadd.s32 $0x20, v4;
	[tilespmem:v51+s25+$0x0] =	vst.idx.add.f32.msk $0xffff, v11  }
0x192: {  	v9 =	vld [tilespmem:s16+$0x30]  }
0x193: {  	v8 =	vadd.s32 $0x30, v5;
	v12 =	vld [tilespmem:s18+$0x30]  }
0x194: {  	v11 =	vadd.s32 $0x30, v10;
	[tilespmem:v0+s25+$0x0] =	vst.idx.add.f32.msk $0xffff, v1  }
0x195: {  	v0 =	vadd.s32 $0x40, v6;
	v1 =	vld [tilespmem:s5+$0x40]  }
0x196: {  	[tilespmem:v2+s25+$0x0] =	vst.idx.add.f32.msk $0xffff, v7  }
0x197: {  	v2 =	vld [tilespmem:s17+$0x30]  }
0x198: {  	[tilespmem:v8+s25+$0x0] =	vst.idx.add.f32.msk $0xffff, v9  }
0x199: {  	v7 =	vadd.s32 $0x30, v4;
	[tilespmem:v11+s25+$0x0] =	vst.idx.add.f32.msk $0xffff, v12  }
0x19a: {  	[tilespmem:v0+s25+$0x0] =	vst.idx.add.f32.msk $0xffff, v1  }
0x19b: {  	v0 =	vadd.s32 $0x50, v6;
	v1 =	vld [tilespmem:s5+$0x50]  }
0x19c: {  	v8 =	vld [tilespmem:s16+$0x40]  }
0x19d: {  	v9 =	vadd.s32 $0x40, v5;
	v11 =	vld [tilespmem:s18+$0x40]  }
0x19e: {  	v52 =	vadd.s32 $0x40, v10;
	[tilespmem:v7+s25+$0x0] =	vst.idx.add.f32.msk $0xffff, v2  }
0x19f: {  	v7 =	vld [tilespmem:s17+$0x40]  }
0x1a0: {  	[tilespmem:v0+s25+$0x0] =	vst.idx.add.f32.msk $0xffff, v1  }
0x1a1: {  	v0 =	vadd.s32 $0x60, v6;
	v1 =	vld [tilespmem:s5+$0x60]  }
0x1a2: {  	[tilespmem:v9+s25+$0x0] =	vst.idx.add.f32.msk $0xffff, v8  }
0x1a3: {  	v2 =	vadd.s32 $0x40, v4;
	[tilespmem:v52+s25+$0x0] =	vst.idx.add.f32.msk $0xffff, v11  }
0x1a4: {  	v9 =	vld [tilespmem:s16+$0x50]  }
0x1a5: {  	v8 =	vadd.s32 $0x50, v5;
	v12 =	vld [tilespmem:s18+$0x50]  }
0x1a6: {  	v11 =	vadd.s32 $0x50, v10;
	[tilespmem:v0+s25+$0x0] =	vst.idx.add.f32.msk $0xffff, v1  }
0x1a7: {  	v0 =	vadd.s32 $0x70, v6;
	v1 =	vld [tilespmem:s5+$0x70]  }
0x1a8: {  	[tilespmem:v2+s25+$0x0] =	vst.idx.add.f32.msk $0xffff, v7  }
0x1a9: {  	v2 =	vld [tilespmem:s17+$0x50]  }
0x1aa: {  	[tilespmem:v8+s25+$0x0] =	vst.idx.add.f32.msk $0xffff, v9  }
0x1ab: {  	v7 =	vadd.s32 $0x50, v4;
	[tilespmem:v11+s25+$0x0] =	vst.idx.add.f32.msk $0xffff, v12  }
0x1ac: {  	[tilespmem:v0+s25+$0x0] =	vst.idx.add.f32.msk $0xffff, v1  }
0x1ad: {  	v1 =	vadd.s32 $0x80, v6;
	v0 =	vld [tilespmem:s5+$0x400]  }
0x1ae: {  	v8 =	vld [tilespmem:s16+$0x60]  }
0x1af: {  	v9 =	vadd.s32 $0x60, v5;
	v11 =	vld [tilespmem:s18+$0x60]  }
0x1b0: {  	v53 =	vadd.s32 $0x60, v10;
	[tilespmem:v7+s25+$0x0] =	vst.idx.add.f32.msk $0xffff, v2  }
0x1b1: {  	v7 =	vld [tilespmem:s17+$0x60]  }
0x1b2: {  	[tilespmem:v1+s25+$0x0] =	vst.idx.add.f32.msk $0xffff, v0  }
0x1b3: {  	v0 =	vadd.s32 $0x90, v6;
	v1 =	vld [tilespmem:s5+$0x410]  }
0x1b4: {  	[tilespmem:v9+s25+$0x0] =	vst.idx.add.f32.msk $0xffff, v8  }
0x1b5: {  	v2 =	vadd.s32 $0x60, v4;
	[tilespmem:v53+s25+$0x0] =	vst.idx.add.f32.msk $0xffff, v11  }
0x1b6: {  	v9 =	vld [tilespmem:s16+$0x70]  }
0x1b7: {  	v8 =	vadd.s32 $0x70, v5;
	v12 =	vld [tilespmem:s18+$0x70]  }
0x1b8: {  	v11 =	vadd.s32 $0x70, v10;
	[tilespmem:v0+s25+$0x0] =	vst.idx.add.f32.msk $0xffff, v1  }
0x1b9: {  	v0 =	vadd.s32 $0xA0, v6;
	v1 =	vld [tilespmem:s5+$0x420]  }
0x1ba: {  	[tilespmem:v2+s25+$0x0] =	vst.idx.add.f32.msk $0xffff, v7  }
0x1bb: {  	v2 =	vld [tilespmem:s17+$0x70]  }
0x1bc: {  	[tilespmem:v8+s25+$0x0] =	vst.idx.add.f32.msk $0xffff, v9  }
0x1bd: {  	v7 =	vadd.s32 $0x70, v4;
	[tilespmem:v11+s25+$0x0] =	vst.idx.add.f32.msk $0xffff, v12  }
0x1be: {  	[tilespmem:v0+s25+$0x0] =	vst.idx.add.f32.msk $0xffff, v1  }
0x1bf: {  	v0 =	vadd.s32 $0xB0, v6;
	v1 =	vld [tilespmem:s5+$0x430]  }
0x1c0: {  	v8 =	vld [tilespmem:s16+$0x400]  }
0x1c1: {  	v9 =	vadd.s32 $0x80, v5;
	v11 =	vld [tilespmem:s18+$0x400]  }
0x1c2: {  	v54 =	vadd.s32 $0x80, v10;
	[tilespmem:v7+s25+$0x0] =	vst.idx.add.f32.msk $0xffff, v2  }
0x1c3: {  	v7 =	vld [tilespmem:s17+$0x400]  }
0x1c4: {  	[tilespmem:v0+s25+$0x0] =	vst.idx.add.f32.msk $0xffff, v1  }
0x1c5: {  	v0 =	vadd.s32 $0xC0, v6;
	v1 =	vld [tilespmem:s5+$0x440]  }
0x1c6: {  	[tilespmem:v9+s25+$0x0] =	vst.idx.add.f32.msk $0xffff, v8  }
0x1c7: {  	v2 =	vadd.s32 $0x80, v4;
	[tilespmem:v54+s25+$0x0] =	vst.idx.add.f32.msk $0xffff, v11  }
0x1c8: {  	v9 =	vld [tilespmem:s16+$0x410]  }
0x1c9: {  	v8 =	vadd.s32 $0x90, v5;
	v12 =	vld [tilespmem:s18+$0x410]  }
0x1ca: {  	v11 =	vadd.s32 $0x90, v10;
	[tilespmem:v0+s25+$0x0] =	vst.idx.add.f32.msk $0xffff, v1  }
0x1cb: {  	v0 =	vadd.s32 $0xD0, v6;
	v1 =	vld [tilespmem:s5+$0x450]  }
0x1cc: {  	[tilespmem:v2+s25+$0x0] =	vst.idx.add.f32.msk $0xffff, v7  }
0x1cd: {  	v2 =	vld [tilespmem:s17+$0x410]  }
0x1ce: {  	[tilespmem:v8+s25+$0x0] =	vst.idx.add.f32.msk $0xffff, v9  }
0x1cf: {  	v7 =	vadd.s32 $0x90, v4;
	[tilespmem:v11+s25+$0x0] =	vst.idx.add.f32.msk $0xffff, v12  }
0x1d0: {  	[tilespmem:v0+s25+$0x0] =	vst.idx.add.f32.msk $0xffff, v1  }
0x1d1: {  	v0 =	vadd.s32 $0xE0, v6;
	v1 =	vld [tilespmem:s5+$0x460]  }
0x1d2: {  	v8 =	vld [tilespmem:s16+$0x420]  }
0x1d3: {  	v9 =	vadd.s32 $0xA0, v5;
	v11 =	vld [tilespmem:s18+$0x420]  }
0x1d4: {  	v55 =	vadd.s32 $0xA0, v10;
	[tilespmem:v7+s25+$0x0] =	vst.idx.add.f32.msk $0xffff, v2  }
0x1d5: {  	v7 =	vld [tilespmem:s17+$0x420]  }
0x1d6: {  	[tilespmem:v0+s25+$0x0] =	vst.idx.add.f32.msk $0xffff, v1  }
0x1d7: {  	v0 =	vadd.s32 $0xF0, v6;
	v1 =	vld [tilespmem:s5+$0x470]  }
0x1d8: {  	[tilespmem:v9+s25+$0x0] =	vst.idx.add.f32.msk $0xffff, v8  }
0x1d9: {  	v2 =	vadd.s32 $0xA0, v4;
	[tilespmem:v55+s25+$0x0] =	vst.idx.add.f32.msk $0xffff, v11  }
0x1da: {  	v9 =	vld [tilespmem:s16+$0x430]  }
0x1db: {  	v8 =	vadd.s32 $0xB0, v5;
	v12 =	vld [tilespmem:s18+$0x430]  }
0x1dc: {  	v11 =	vadd.s32 $0xB0, v10;
	[tilespmem:v0+s25+$0x0] =	vst.idx.add.f32.msk $0xffff, v1  }
0x1dd: {  	v1 =	vadd.s32 $0x100, v6;
	v0 =	vld [tilespmem:s5+$0x800]  }
0x1de: {  	[tilespmem:v2+s25+$0x0] =	vst.idx.add.f32.msk $0xffff, v7  }
0x1df: {  	v2 =	vld [tilespmem:s17+$0x430]  }
0x1e0: {  	[tilespmem:v8+s25+$0x0] =	vst.idx.add.f32.msk $0xffff, v9  }
0x1e1: {  	v7 =	vadd.s32 $0xB0, v4;
	[tilespmem:v11+s25+$0x0] =	vst.idx.add.f32.msk $0xffff, v12  }
0x1e2: {  	[tilespmem:v1+s25+$0x0] =	vst.idx.add.f32.msk $0xffff, v0  }
0x1e3: {  	v0 =	vadd.s32 $0x110, v6;
	v1 =	vld [tilespmem:s5+$0x810]  }
0x1e4: {  	v8 =	vld [tilespmem:s16+$0x440]  }
0x1e5: {  	v9 =	vadd.s32 $0xC0, v5;
	v11 =	vld [tilespmem:s18+$0x440]  }
0x1e6: {  	v56 =	vadd.s32 $0xC0, v10;
	[tilespmem:v7+s25+$0x0] =	vst.idx.add.f32.msk $0xffff, v2  }
0x1e7: {  	v7 =	vld [tilespmem:s17+$0x440]  }
0x1e8: {  	[tilespmem:v0+s25+$0x0] =	vst.idx.add.f32.msk $0xffff, v1  }
0x1e9: {  	v0 =	vadd.s32 $0x120, v6;
	v1 =	vld [tilespmem:s5+$0x820]  }
0x1ea: {  	[tilespmem:v9+s25+$0x0] =	vst.idx.add.f32.msk $0xffff, v8  }
0x1eb: {  	v2 =	vadd.s32 $0xC0, v4;
	[tilespmem:v56+s25+$0x0] =	vst.idx.add.f32.msk $0xffff, v11  }
0x1ec: {  	v9 =	vld [tilespmem:s16+$0x450]  }
0x1ed: {  	v8 =	vadd.s32 $0xD0, v5;
	v12 =	vld [tilespmem:s18+$0x450]  }
0x1ee: {  	v11 =	vadd.s32 $0xD0, v10;
	[tilespmem:v0+s25+$0x0] =	vst.idx.add.f32.msk $0xffff, v1  }
0x1ef: {  	v0 =	vadd.s32 $0x130, v6;
	v1 =	vld [tilespmem:s5+$0x830]  }
0x1f0: {  	[tilespmem:v2+s25+$0x0] =	vst.idx.add.f32.msk $0xffff, v7  }
0x1f1: {  	v2 =	vld [tilespmem:s17+$0x450]  }
0x1f2: {  	[tilespmem:v8+s25+$0x0] =	vst.idx.add.f32.msk $0xffff, v9  }
0x1f3: {  	v7 =	vadd.s32 $0xD0, v4;
	[tilespmem:v11+s25+$0x0] =	vst.idx.add.f32.msk $0xffff, v12  }
0x1f4: {  	[tilespmem:v0+s25+$0x0] =	vst.idx.add.f32.msk $0xffff, v1  }
0x1f5: {  	v0 =	vadd.s32 $0x140, v6;
	v1 =	vld [tilespmem:s5+$0x840]  }
0x1f6: {  	v8 =	vld [tilespmem:s16+$0x460]  }
0x1f7: {  	v9 =	vadd.s32 $0xE0, v5;
	v11 =	vld [tilespmem:s18+$0x460]  }
0x1f8: {  	v57 =	vadd.s32 $0xE0, v10;
	[tilespmem:v7+s25+$0x0] =	vst.idx.add.f32.msk $0xffff, v2  }
0x1f9: {  	v7 =	vld [tilespmem:s17+$0x460]  }
0x1fa: {  	[tilespmem:v0+s25+$0x0] =	vst.idx.add.f32.msk $0xffff, v1  }
0x1fb: {  	v0 =	vadd.s32 $0x150, v6;
	v1 =	vld [tilespmem:s5+$0x850]  }
0x1fc: {  	[tilespmem:v9+s25+$0x0] =	vst.idx.add.f32.msk $0xffff, v8  }
0x1fd: {  	v2 =	vadd.s32 $0xE0, v4;
	[tilespmem:v57+s25+$0x0] =	vst.idx.add.f32.msk $0xffff, v11  }
0x1fe: {  	v9 =	vld [tilespmem:s16+$0x470]  }
0x1ff: {  	v8 =	vadd.s32 $0xF0, v5;
	v12 =	vld [tilespmem:s18+$0x470]  }
0x200: {  	v11 =	vadd.s32 $0xF0, v10;
	[tilespmem:v0+s25+$0x0] =	vst.idx.add.f32.msk $0xffff, v1  }
0x201: {  	v0 =	vadd.s32 $0x160, v6;
	v1 =	vld [tilespmem:s5+$0x860]  }
0x202: {  	[tilespmem:v2+s25+$0x0] =	vst.idx.add.f32.msk $0xffff, v7  }
0x203: {  	v2 =	vld [tilespmem:s17+$0x470]  }
0x204: {  	v7 =	vadd.s32 $0xF0, v4;
	[tilespmem:v8+s25+$0x0] =	vst.idx.add.f32.msk $0xffff, v9  }
0x205: {  	[tilespmem:v11+s25+$0x0] =	vst.idx.add.f32.msk $0xffff, v12  }
0x206: {  	[tilespmem:v0+s25+$0x0] =	vst.idx.add.f32.msk $0xffff, v1  }
0x207: {  	v0 =	vadd.s32 $0x170, v6;
	v1 =	vld [tilespmem:s5+$0x870]  }
0x208: {  	v8 =	vld [tilespmem:s16+$0x800]  }
0x209: {  	v9 =	vadd.s32 $0x100, v5;
	[tilespmem:v7+s25+$0x0] =	vst.idx.add.f32.msk $0xffff, v2  }
0x20a: {  	v2 =	vadd.s32 $0x100, v4;
	v7 =	vld [tilespmem:s17+$0x800]  }
0x20b: {  	v11 =	vld [tilespmem:s18+$0x800]  }
0x20c: {  	[tilespmem:v0+s25+$0x0] =	vst.idx.add.f32.msk $0xffff, v1  }
0x20d: {  	v1 =	vadd.s32 $0x180, v6;
	v0 =	vld [tilespmem:s5+$0xC00]  }
0x20e: {  	[tilespmem:v9+s25+$0x0] =	vst.idx.add.f32.msk $0xffff, v8  }
0x20f: {  	[tilespmem:v2+s25+$0x0] =	vst.idx.add.f32.msk $0xffff, v7;
	v2 =	vadd.s32 $0x100, v10  }
0x210: {  	v9 =	vld [tilespmem:s16+$0x810]  }
0x211: {  	v8 =	vadd.s32 $0x110, v5;
	v7 =	vld [tilespmem:s17+$0x810]  }
0x212: {  	[tilespmem:v1+s25+$0x0] =	vst.idx.add.f32.msk $0xffff, v0  }
0x213: {  	v0 =	vadd.s32 $0x190, v6;
	v1 =	vld [tilespmem:s5+$0xC10]  }
0x214: {  	[tilespmem:v2+s25+$0x0] =	vst.idx.add.f32.msk $0xffff, v11  }
0x215: {  	v2 =	vadd.s32 $0x110, v10;
	v11 =	vld [tilespmem:s18+$0x810]  }
0x216: {  	[tilespmem:v8+s25+$0x0] =	vst.idx.add.f32.msk $0xffff, v9  }
0x217: {  	v8 =	vadd.s32 $0x120, v5;
	v9 =	vld [tilespmem:s16+$0x820]  }
0x218: {  	[tilespmem:v0+s25+$0x0] =	vst.idx.add.f32.msk $0xffff, v1;
	v0 =	vadd.s32 $0x110, v4;
	_ =	sdelay $0x1  }
0x219: {  	[tilespmem:v2+s25+$0x0] =	vst.idx.add.f32.msk $0xffff, v11  }
0x21a: {  	v2 =	vadd.s32 $0x120, v10;
	v11 =	vld [tilespmem:s18+$0x820]  }
0x21b: {  	[tilespmem:v8+s25+$0x0] =	vst.idx.add.f32.msk $0xffff, v9  }
0x21c: {  	[tilespmem:v0+s25+$0x0] =	vst.idx.add.f32.msk $0xffff, v7  }
0x21d: {  	v0 =	vadd.s32 $0x120, v4;
	v7 =	vld [tilespmem:s17+$0x820]  }
0x21e: {  	v9 =	vld [tilespmem:s16+$0x830]  }
0x21f: {  	v8 =	vadd.s32 $0x130, v5;
	[tilespmem:v2+s25+$0x0] =	vst.idx.add.f32.msk $0xffff, v11  }
0x220: {  	v2 =	vadd.s32 $0x130, v10;
	v11 =	vld [tilespmem:s18+$0x830]  }
0x221: {  	v1 =	vld [tilespmem:s5+$0xC20]  }
0x222: {  	[tilespmem:v0+s25+$0x0] =	vst.idx.add.f32.msk $0xffff, v7;
	v0 =	vadd.s32 $0x1A0, v6  }
0x223: {  	v58 =	vadd.s32 $0x130, v4;
	v7 =	vld [tilespmem:s17+$0x830]  }
0x224: {  	[tilespmem:v8+s25+$0x0] =	vst.idx.add.f32.msk $0xffff, v9  }
0x225: {  	[tilespmem:v2+s25+$0x0] =	vst.idx.add.f32.msk $0xffff, v11  }
0x226: {  	v8 =	vadd.s32 $0x140, v10;
	v9 =	vld [tilespmem:s18+$0x840]  }
0x227: {  	[tilespmem:v0+s25+$0x0] =	vst.idx.add.f32.msk $0xffff, v1  }
0x228: {  	[tilespmem:v58+s25+$0x0] =	vst.idx.add.f32.msk $0xffff, v7  }
0x229: {  	v2 =	vadd.s32 $0x140, v5;
	v7 =	vld [tilespmem:s16+$0x840]  }
0x22a: {  	v0 =	vadd.s32 $0x140, v4;
	v1 =	vld [tilespmem:s17+$0x840]  }
0x22b: {  	[tilespmem:v8+s25+$0x0] =	vst.idx.add.f32.msk $0xffff, v9  }
0x22c: {  	v9 =	vld [tilespmem:s18+$0x850]  }
0x22d: {  	v8 =	vadd.s32 $0x150, v10;
	v11 =	vld [tilespmem:s5+$0xC30]  }
0x22e: {  	[tilespmem:v2+s25+$0x0] =	vst.idx.add.f32.msk $0xffff, v7  }
0x22f: {  	[tilespmem:v0+s25+$0x0] =	vst.idx.add.f32.msk $0xffff, v1;
	v0 =	vadd.s32 $0x1B0, v6  }
0x230: {  	v2 =	vadd.s32 $0x150, v5;
	v7 =	vld [tilespmem:s16+$0x850]  }
0x231: {  	v59 =	vadd.s32 $0x150, v4;
	v1 =	vld [tilespmem:s17+$0x850]  }
0x232: {  	[tilespmem:v8+s25+$0x0] =	vst.idx.add.f32.msk $0xffff, v9  }
0x233: {  	v9 =	vld [tilespmem:s18+$0x860]  }
0x234: {  	v8 =	vadd.s32 $0x160, v10;
	[tilespmem:v0+s25+$0x0] =	vst.idx.add.f32.msk $0xffff, v11  }
0x235: {  	[tilespmem:v2+s25+$0x0] =	vst.idx.add.f32.msk $0xffff, v7  }
0x236: {  	[tilespmem:v59+s25+$0x0] =	vst.idx.add.f32.msk $0xffff, v1  }
0x237: {  	v2 =	vadd.s32 $0x160, v5;
	v7 =	vld [tilespmem:s16+$0x860]  }
0x238: {  	v1 =	vadd.s32 $0x160, v4;
	v0 =	vld [tilespmem:s17+$0x860]  }
0x239: {  	[tilespmem:v8+s25+$0x0] =	vst.idx.add.f32.msk $0xffff, v9  }
0x23a: {  	v9 =	vld [tilespmem:s18+$0x870]  }
0x23b: {  	v8 =	vadd.s32 $0x170, v10;
	v11 =	vld [tilespmem:s5+$0xC40]  }
0x23c: {  	[tilespmem:v2+s25+$0x0] =	vst.idx.add.f32.msk $0xffff, v7  }
0x23d: {  	[tilespmem:v1+s25+$0x0] =	vst.idx.add.f32.msk $0xffff, v0;
	v0 =	vadd.s32 $0x1C0, v6  }
0x23e: {  	v2 =	vadd.s32 $0x170, v5;
	v7 =	vld [tilespmem:s16+$0x870]  }
0x23f: {  	v60 =	vadd.s32 $0x170, v4;
	v1 =	vld [tilespmem:s17+$0x870]  }
0x240: {  	[tilespmem:v8+s25+$0x0] =	vst.idx.add.f32.msk $0xffff, v9  }
0x241: {  	v9 =	vld [tilespmem:s18+$0xC00]  }
0x242: {  	v8 =	vadd.s32 $0x180, v10;
	[tilespmem:v0+s25+$0x0] =	vst.idx.add.f32.msk $0xffff, v11  }
0x243: {  	[tilespmem:v2+s25+$0x0] =	vst.idx.add.f32.msk $0xffff, v7  }
0x244: {  	[tilespmem:v60+s25+$0x0] =	vst.idx.add.f32.msk $0xffff, v1  }
0x245: {  	v2 =	vadd.s32 $0x180, v5;
	v7 =	vld [tilespmem:s16+$0xC00]  }
0x246: {  	v1 =	vadd.s32 $0x180, v4;
	v0 =	vld [tilespmem:s17+$0xC00]  }
0x247: {  	[tilespmem:v8+s25+$0x0] =	vst.idx.add.f32.msk $0xffff, v9  }
0x248: {  	v9 =	vld [tilespmem:s18+$0xC10]  }
0x249: {  	v8 =	vadd.s32 $0x190, v10;
	v11 =	vld [tilespmem:s5+$0xC50]  }
0x24a: {  	[tilespmem:v2+s25+$0x0] =	vst.idx.add.f32.msk $0xffff, v7  }
0x24b: {  	[tilespmem:v1+s25+$0x0] =	vst.idx.add.f32.msk $0xffff, v0;
	v0 =	vadd.s32 $0x1D0, v6  }
0x24c: {  	v2 =	vadd.s32 $0x190, v5;
	v7 =	vld [tilespmem:s16+$0xC10]  }
0x24d: {  	v61 =	vadd.s32 $0x190, v4;
	v1 =	vld [tilespmem:s17+$0xC10]  }
0x24e: {  	[tilespmem:v8+s25+$0x0] =	vst.idx.add.f32.msk $0xffff, v9  }
0x24f: {  	v9 =	vld [tilespmem:s18+$0xC20]  }
0x250: {  	v8 =	vadd.s32 $0x1A0, v10;
	[tilespmem:v0+s25+$0x0] =	vst.idx.add.f32.msk $0xffff, v11  }
0x251: {  	[tilespmem:v2+s25+$0x0] =	vst.idx.add.f32.msk $0xffff, v7  }
0x252: {  	[tilespmem:v61+s25+$0x0] =	vst.idx.add.f32.msk $0xffff, v1  }
0x253: {  	v2 =	vadd.s32 $0x1A0, v5;
	v7 =	vld [tilespmem:s16+$0xC20]  }
0x254: {  	v1 =	vadd.s32 $0x1A0, v4;
	v0 =	vld [tilespmem:s17+$0xC20]  }
0x255: {  	[tilespmem:v8+s25+$0x0] =	vst.idx.add.f32.msk $0xffff, v9  }
0x256: {  	v9 =	vld [tilespmem:s18+$0xC30]  }
0x257: {  	v8 =	vadd.s32 $0x1B0, v10;
	v11 =	vld [tilespmem:s5+$0xC60]  }
0x258: {  	[tilespmem:v2+s25+$0x0] =	vst.idx.add.f32.msk $0xffff, v7  }
0x259: {  	[tilespmem:v1+s25+$0x0] =	vst.idx.add.f32.msk $0xffff, v0;
	v0 =	vadd.s32 $0x1E0, v6  }
0x25a: {  	v2 =	vadd.s32 $0x1B0, v5;
	v7 =	vld [tilespmem:s16+$0xC30]  }
0x25b: {  	v62 =	vadd.s32 $0x1B0, v4;
	v1 =	vld [tilespmem:s17+$0xC30]  }
0x25c: {  	[tilespmem:v8+s25+$0x0] =	vst.idx.add.f32.msk $0xffff, v9  }
0x25d: {  	v9 =	vld [tilespmem:s18+$0xC40]  }
0x25e: {  	v8 =	vadd.s32 $0x1C0, v10;
	[tilespmem:v0+s25+$0x0] =	vst.idx.add.f32.msk $0xffff, v11  }
0x25f: {  	[tilespmem:v2+s25+$0x0] =	vst.idx.add.f32.msk $0xffff, v7  }
0x260: {  	[tilespmem:v62+s25+$0x0] =	vst.idx.add.f32.msk $0xffff, v1  }
0x261: {  	v2 =	vadd.s32 $0x1C0, v5;
	v7 =	vld [tilespmem:s16+$0xC40]  }
0x262: {  	v1 =	vadd.s32 $0x1C0, v4;
	v0 =	vld [tilespmem:s17+$0xC40]  }
0x263: {  	[tilespmem:v8+s25+$0x0] =	vst.idx.add.f32.msk $0xffff, v9  }
0x264: {  	v63 =	vld [tilespmem:s18+$0xC50]  }
0x265: {  	v11 =	vld [tilespmem:s5+$0xC70]  }
0x266: {  	v9 =	vadd.s32 $0x1D0, v10;
	[tilespmem:v2+s25+$0x0] =	vst.idx.add.f32.msk $0xffff, v7  }
0x267: {  	[tilespmem:v1+s25+$0x0] =	vst.idx.add.f32.msk $0xffff, v0;
	v1 =	vadd.s32 $0x1F0, v6  }
0x268: {  	v6 =	vadd.s32 $0x1D0, v5;
	v7 =	vld [tilespmem:s16+$0xC50]  }
0x269: {  	v2 =	vadd.s32 $0x1D0, v4;
	v0 =	vld [tilespmem:s17+$0xC50];
	_ =	sdelay $0x1  }
0x26a: {  	[tilespmem:v9+s25+$0x0] =	vst.idx.add.f32.msk $0xffff, v63  }
0x26b: {  	[tilespmem:v1+s25+$0x0] =	vst.idx.add.f32.msk $0xffff, v11  }
0x26c: {  	[tilespmem:v6+s25+$0x0] =	vst.idx.add.f32.msk $0xffff, v7  }
0x26d: {  	v8 =	vadd.s32 $0x1E0, v5;
	v9 =	vadd.s32 $0x1E0, v10;
	v7 =	vadd.s32 $0x1E0, v4;
	[tilespmem:v2+s25+$0x0] =	vst.idx.add.f32.msk $0xffff, v0  }
0x26e: {  	s19 =	simm.s32 $0x0;
	s20 =	simm.s32 $0x800;
	s21 =	sadd.s32 $0x40, s29;
	v4 =	vadd.s32 $0x1F0, v4;
	v6 =	vadd.s32 $0x1F0, v5;
	v5 =	vadd.s32 $0x1F0, v10;
	v10 =	vld [tilespmem:s17+$0xC60]  }
.LBB2_11:
0x26f: {  	v11 =	vld [tilespmem:s21+$0x10]  }
0x270: {  	v47 =	vld [tilespmem:s21+$0xFFFFFFE0]  }
0x271: {  	[tilespmem:$0x1FFA0] =	vst v5;
	s5 =	sand.u32 $0x3000, s20;
	s15 =	sadd.s32 $0x200, s15;
	v5 =	vld [tilespmem:s16+$0xC60]  }
0x272: {  	s22 =	sadd.s32 s5, s1;
	s14 =	sand.u32 $0x380, s15  }
0x273: {  	v40 =	vld [tilespmem:s21+$0xFFFFFFF0];
	s23 =	sadd.s32 $0xFFFFFE80, s15;
	s13 =	sadd.s32 $0xFFFFFF00, s15;
	s6 =	sadd.s32 s14, s22  }
0x274: {  	s23 =	sand.u32 $0x200, s23;
	s13 =	sand.u32 $0x280, s13;
	v0 =	vld [tilespmem:s6+$0x0]  }
0x275: {  	[tilespmem:$0x1FF10] =	vst v4;
	v42 =	vld [tilespmem:s21+$0x0];
	s14 =	sadd.s32 $0xFFFFFF80, s15;
	s5 =	sadd.s32 s23, s22;
	s23 =	sadd.s32 s13, s22  }
0x276: {  	s14 =	sand.u32 $0x300, s14;
	v2 =	vld [tilespmem:s23+$0x0];
	[tilespmem:$0x1FE00] =	vst v5;
	v5 =	vadd.s32 $0x110, v47  }
0x277: {  	v1 =	vld [tilespmem:s5+$0x0];
	s22 =	sadd.s32 s14, s22;
	[tilespmem:$0x1FD30] =	vst v5;
	v5 =	vadd.s32 $0x120, v47  }
0x278: {  	v4 =	vld [tilespmem:s22+$0x0];
	[tilespmem:$0x1FD40] =	vst v5  }
0x279: {  	v5 =	vadd.s32 $0x120, v40;
	[tilespmem:v11+s25+$0x0] =	vst.idx.add.f32.msk $0xffff, v0  }
0x27a: {  	[tilespmem:$0x1FD50] =	vst v5  }
0x27b: {  	[tilespmem:v40+s25+$0x0] =	vst.idx.add.f32.msk $0xffff, v2  }
0x27c: {  	v5 =	vadd.s32 $0x130, v47;
	[tilespmem:v47+s25+$0x0] =	vst.idx.add.f32.msk $0xffff, v1  }
0x27d: {  	v12 =	vld [tilespmem:s6+$0x10];
	[tilespmem:$0x1FD60] =	vst v5  }
0x27e: {  	v0 =	vadd.s32 $0x10, v11;
	v5 =	vadd.s32 $0x130, v40;
	[tilespmem:v42+s25+$0x0] =	vst.idx.add.f32.msk $0xffff, v4  }
0x27f: {  	[tilespmem:$0x1FD70] =	vst v5;
	v5 =	vadd.s32 $0x130, v42  }
0x280: {  	v51 =	vadd.s32 $0x10, v47;
	v56 =	vld [tilespmem:s5+$0x10];
	[tilespmem:$0x1FD80] =	vst v5;
	v5 =	vadd.s32 $0x140, v47  }
0x281: {  	v49 =	vadd.s32 $0x10, v40;
	v58 =	vld [tilespmem:s23+$0x10];
	[tilespmem:$0x1FD90] =	vst v5;
	v5 =	vadd.s32 $0x140, v40  }
0x282: {  	v52 =	vld [tilespmem:s22+$0x10];
	[tilespmem:$0x1FDA0] =	vst v5  }
0x283: {  	v50 =	vadd.s32 $0x10, v42;
	v5 =	vadd.s32 $0x140, v42;
	[tilespmem:v0+s25+$0x0] =	vst.idx.add.f32.msk $0xffff, v12  }
0x284: {  	[tilespmem:$0x1FDB0] =	vst v5  }
0x285: {  	[tilespmem:v51+s25+$0x0] =	vst.idx.add.f32.msk $0xffff, v56  }
0x286: {  	v5 =	vadd.s32 $0x150, v47;
	[tilespmem:v49+s25+$0x0] =	vst.idx.add.f32.msk $0xffff, v58  }
0x287: {  	v1 =	vld [tilespmem:s18+$0xC60];
	[tilespmem:$0x1FDC0] =	vst v5  }
0x288: {  	v5 =	vadd.s32 $0x150, v40;
	[tilespmem:v50+s25+$0x0] =	vst.idx.add.f32.msk $0xffff, v52  }
0x289: {  	[tilespmem:$0x1FDD0] =	vst v5;
	v5 =	vadd.s32 $0x160, v47  }
0x28a: {  	v50 =	vadd.s32 $0x160, v42;
	[tilespmem:$0x1FDF0] =	vst v5  }
0x28b: {  	v0 =	vadd.s32 $0x20, v11;
	v54 =	vld [tilespmem:s6+$0x20];
	v5 =	vadd.s32 $0x160, v40;
	[tilespmem:$0x1FE20] =	vst v50  }
0x28c: {  	v50 =	vadd.s32 $0x190, v47;
	[tilespmem:$0x1FE10] =	vst v5  }
0x28d: {  	v5 =	vadd.s32 $0x150, v42;
	[tilespmem:$0x1FEA0] =	vst v50  }
0x28e: {  	v50 =	vadd.s32 $0x190, v40;
	[tilespmem:$0x1FDE0] =	vst v5  }
0x28f: {  	v48 =	vadd.s32 $0x20, v47;
	v60 =	vld [tilespmem:s5+$0x20];
	[tilespmem:$0x1FEB0] =	vst v50  }
0x290: {  	v5 =	vadd.s32 $0x170, v47;
	[tilespmem:v0+s25+$0x0] =	vst.idx.add.f32.msk $0xffff, v54  }
0x291: {  	v55 =	vadd.s32 $0x20, v40;
	v61 =	vld [tilespmem:s23+$0x20];
	v50 =	vadd.s32 $0x180, v42;
	[tilespmem:$0x1FE30] =	vst v5  }
0x292: {  	v5 =	vadd.s32 $0x170, v40;
	[tilespmem:$0x1FE90] =	vst v50  }
0x293: {  	[tilespmem:$0x1FE50] =	vst v5  }
0x294: {  	v50 =	vadd.s32 $0x1A0, v47;
	[tilespmem:v48+s25+$0x0] =	vst.idx.add.f32.msk $0xffff, v60  }
0x295: {  	v59 =	vld [tilespmem:s6+$0x30];
	[tilespmem:$0x1FED0] =	vst v50  }
0x296: {  	v57 =	vadd.s32 $0x30, v11;
	v60 =	vadd.s32 $0x180, v47;
	[tilespmem:v55+s25+$0x0] =	vst.idx.add.f32.msk $0xffff, v61  }
0x297: {  	v50 =	vadd.s32 $0x1A0, v40;
	[tilespmem:$0x1FE70] =	vst v60  }
0x298: {  	v61 =	vadd.s32 $0x1B0, v42;
	[tilespmem:$0x1FEE0] =	vst v50  }
0x299: {  	v60 =	vadd.s32 $0x180, v40;
	[tilespmem:$0x1FF40] =	vst v61  }
0x29a: {  	[tilespmem:$0x1FE80] =	vst v60  }
0x29b: {  	v50 =	vadd.s32 $0x190, v42;
	[tilespmem:v57+s25+$0x0] =	vst.idx.add.f32.msk $0xffff, v59  }
0x29c: {  	v60 =	vadd.s32 $0x170, v42;
	[tilespmem:$0x1FEC0] =	vst v50;
	v57 =	vadd.s32 $0x40, v11;
	v59 =	vld [tilespmem:s6+$0x40]  }
0x29d: {  	v50 =	vadd.s32 $0x1B0, v47;
	[tilespmem:$0x1FE60] =	vst v60  }
0x29e: {  	[tilespmem:$0x1FF00] =	vst v50;
	v60 =	vadd.s32 $0x1A0, v42  }
0x29f: {  	v53 =	vadd.s32 $0x20, v42;
	v5 =	vld [tilespmem:s22+$0x20];
	v50 =	vadd.s32 $0x1C0, v47;
	[tilespmem:$0x1FEF0] =	vst v60  }
0x2a0: {  	v43 =	vadd.s32 $0x30, v40;
	v45 =	vadd.s32 $0x30, v42;
	v38 =	vadd.s32 $0x40, v40;
	[tilespmem:$0x1FF50] =	vst v50  }
0x2a1: {  	v39 =	vadd.s32 $0x40, v42;
	v46 =	vadd.s32 $0x30, v47;
	v60 =	vadd.s32 $0x1B0, v40;
	[tilespmem:v57+s25+$0x0] =	vst.idx.add.f32.msk $0xffff, v59  }
0x2a2: {  	v44 =	vadd.s32 $0x40, v47;
	v50 =	vadd.s32 $0x1D0, v47;
	[tilespmem:$0x1FF30] =	vst v60;
	v57 =	vadd.s32 $0x50, v11;
	v59 =	vld [tilespmem:s6+$0x50]  }
0x2a3: {  	v37 =	vadd.s32 $0x50, v47;
	v35 =	vadd.s32 $0x60, v47;
	v41 =	vadd.s32 $0x50, v42;
	v48 =	vld [tilespmem:s5+$0x30];
	[tilespmem:$0x1FF90] =	vst v50  }
0x2a4: {  	v31 =	vadd.s32 $0x70, v47;
	v34 =	vadd.s32 $0x60, v42;
	[tilespmem:v53+s25+$0x0] =	vst.idx.add.f32.msk $0xffff, v5;
	v5 =	vadd.s32 $0x1C0, v42  }
0x2a5: {  	v29 =	vadd.s32 $0x80, v47;
	v32 =	vadd.s32 $0x70, v42;
	v60 =	vadd.s32 $0x1C0, v40;
	[tilespmem:$0x1FF80] =	vst v5;
	v5 =	vld [tilespmem:s23+$0x30]  }
0x2a6: {  	v25 =	vadd.s32 $0x90, v47;
	v28 =	vadd.s32 $0x80, v42;
	v23 =	vadd.s32 $0xA0, v47;
	[tilespmem:$0x1FF70] =	vst v60;
	v60 =	vld [tilespmem:s22+$0x30]  }
0x2a7: {  	v26 =	vadd.s32 $0x90, v42;
	v18 =	vadd.s32 $0xB0, v47;
	v50 =	vadd.s32 $0x1F0, v42;
	[tilespmem:v57+s25+$0x0] =	vst.idx.add.f32.msk $0xffff, v59  }
0x2a8: {  	v21 =	vadd.s32 $0xA0, v42;
	v17 =	vadd.s32 $0xC0, v47;
	[tilespmem:$0x1FFB0] =	vst v50;
	v59 =	vadd.s32 $0x60, v11;
	v50 =	vld [tilespmem:s6+$0x60]  }
0x2a9: {  	v19 =	vadd.s32 $0xB0, v42;
	v16 =	vadd.s32 $0xC0, v42;
	v13 =	vadd.s32 $0xD0, v42;
	[tilespmem:v46+s25+$0x0] =	vst.idx.add.f32.msk $0xffff, v48  }
0x2aa: {  	v62 =	vadd.s32 $0xF0, v47;
	v63 =	vadd.s32 $0xF0, v42;
	v2 =	vadd.s32 $0xE0, v42;
	[tilespmem:v43+s25+$0x0] =	vst.idx.add.f32.msk $0xffff, v5  }
0x2ab: {  	v4 =	vadd.s32 $0xE0, v47;
	v12 =	vadd.s32 $0xD0, v47;
	v61 =	vadd.s32 $0x1D0, v40;
	[tilespmem:v45+s25+$0x0] =	vst.idx.add.f32.msk $0xffff, v60  }
0x2ac: {  	v51 =	vadd.s32 $0x100, v47;
	v56 =	vadd.s32 $0x100, v42;
	v49 =	vadd.s32 $0x110, v42;
	[tilespmem:$0x1FFC0] =	vst v61;
	v5 =	vld [tilespmem:s5+$0x40]  }
0x2ad: {  	v52 =	vadd.s32 $0x120, v42;
	v55 =	vadd.s32 $0x1E0, v47;
	v47 =	vadd.s32 $0x1F0, v47;
	[tilespmem:v59+s25+$0x0] =	vst.idx.add.f32.msk $0xffff, v50  }
0x2ae: {  	v61 =	vadd.s32 $0x1D0, v42;
	[tilespmem:$0x1FF20] =	vst v47;
	v47 =	vadd.s32 $0x1E0, v42;
	v57 =	vadd.s32 $0x70, v11;
	v42 =	vld [tilespmem:s6+$0x70]  }
0x2af: {  	v36 =	vadd.s32 $0x50, v40;
	v33 =	vadd.s32 $0x60, v40;
	v30 =	vadd.s32 $0x70, v40;
	v43 =	vld [tilespmem:s23+$0x40]  }
0x2b0: {  	v27 =	vadd.s32 $0x80, v40;
	v24 =	vadd.s32 $0x90, v40;
	v22 =	vadd.s32 $0xA0, v40;
	v45 =	vld [tilespmem:s22+$0x40]  }
0x2b1: {  	v20 =	vadd.s32 $0xB0, v40;
	v15 =	vadd.s32 $0xC0, v40;
	v14 =	vadd.s32 $0xD0, v40;
	[tilespmem:v44+s25+$0x0] =	vst.idx.add.f32.msk $0xffff, v5  }
0x2b2: {  	v58 =	vadd.s32 $0x110, v40;
	[tilespmem:$0x1FE40] =	vst v1;
	v1 =	vadd.s32 $0xE0, v40;
	v0 =	vadd.s32 $0xF0, v40;
	v5 =	vld [tilespmem:s5+$0x50]  }
0x2b3: {  	v54 =	vadd.s32 $0x100, v40;
	v53 =	vadd.s32 $0x1E0, v40;
	v40 =	vadd.s32 $0x1F0, v40;
	[tilespmem:v57+s25+$0x0] =	vst.idx.add.f32.msk $0xffff, v42  }
0x2b4: {  	[tilespmem:$0x1FF60] =	vst v40;
	v59 =	vadd.s32 $0x80, v11;
	v40 =	vld [tilespmem:s6+$0x400]  }
0x2b5: {  	[tilespmem:v38+s25+$0x0] =	vst.idx.add.f32.msk $0xffff, v43  }
0x2b6: {  	[tilespmem:v39+s25+$0x0] =	vst.idx.add.f32.msk $0xffff, v45  }
0x2b7: {  	v38 =	vld [tilespmem:s23+$0x50]  }
0x2b8: {  	v39 =	vld [tilespmem:s22+$0x50]  }
0x2b9: {  	[tilespmem:v59+s25+$0x0] =	vst.idx.add.f32.msk $0xffff, v40  }
0x2ba: {  	v60 =	vadd.s32 $0x90, v11;
	v42 =	vld [tilespmem:s6+$0x410]  }
0x2bb: {  	[tilespmem:v37+s25+$0x0] =	vst.idx.add.f32.msk $0xffff, v5  }
0x2bc: {  	[tilespmem:v36+s25+$0x0] =	vst.idx.add.f32.msk $0xffff, v38  }
0x2bd: {  	[tilespmem:v41+s25+$0x0] =	vst.idx.add.f32.msk $0xffff, v39  }
0x2be: {  	v5 =	vld [tilespmem:s5+$0x60]  }
0x2bf: {  	[tilespmem:v60+s25+$0x0] =	vst.idx.add.f32.msk $0xffff, v42  }
0x2c0: {  	v42 =	vadd.s32 $0xA0, v11;
	v43 =	vld [tilespmem:s6+$0x420]  }
0x2c1: {  	v38 =	vld [tilespmem:s23+$0x60]  }
0x2c2: {  	v39 =	vld [tilespmem:s22+$0x60]  }
0x2c3: {  	[tilespmem:v35+s25+$0x0] =	vst.idx.add.f32.msk $0xffff, v5  }
0x2c4: {  	v5 =	vld [tilespmem:s5+$0x70]  }
0x2c5: {  	[tilespmem:v42+s25+$0x0] =	vst.idx.add.f32.msk $0xffff, v43  }
0x2c6: {  	v44 =	vadd.s32 $0xB0, v11;
	v36 =	vld [tilespmem:s6+$0x430]  }
0x2c7: {  	[tilespmem:v33+s25+$0x0] =	vst.idx.add.f32.msk $0xffff, v38  }
0x2c8: {  	[tilespmem:v34+s25+$0x0] =	vst.idx.add.f32.msk $0xffff, v39  }
0x2c9: {  	v33 =	vld [tilespmem:s23+$0x70]  }
0x2ca: {  	v34 =	vld [tilespmem:s22+$0x70]  }
0x2cb: {  	[tilespmem:v44+s25+$0x0] =	vst.idx.add.f32.msk $0xffff, v36  }
0x2cc: {  	v45 =	vadd.s32 $0xC0, v11;
	v36 =	vld [tilespmem:s6+$0x440]  }
0x2cd: {  	[tilespmem:v31+s25+$0x0] =	vst.idx.add.f32.msk $0xffff, v5  }
0x2ce: {  	[tilespmem:v30+s25+$0x0] =	vst.idx.add.f32.msk $0xffff, v33  }
0x2cf: {  	[tilespmem:v32+s25+$0x0] =	vst.idx.add.f32.msk $0xffff, v34  }
0x2d0: {  	v5 =	vld [tilespmem:s5+$0x400]  }
0x2d1: {  	[tilespmem:v45+s25+$0x0] =	vst.idx.add.f32.msk $0xffff, v36  }
0x2d2: {  	v46 =	vadd.s32 $0xD0, v11;
	v48 =	vld [tilespmem:s6+$0x450]  }
0x2d3: {  	v50 =	vld [tilespmem:s23+$0x400]  }
0x2d4: {  	v57 =	vld [tilespmem:s22+$0x400]  }
0x2d5: {  	[tilespmem:v29+s25+$0x0] =	vst.idx.add.f32.msk $0xffff, v5  }
0x2d6: {  	v5 =	vld [tilespmem:s5+$0x410]  }
0x2d7: {  	[tilespmem:v46+s25+$0x0] =	vst.idx.add.f32.msk $0xffff, v48  }
0x2d8: {  	v59 =	vadd.s32 $0xE0, v11;
	v30 =	vld [tilespmem:s6+$0x460]  }
0x2d9: {  	[tilespmem:v27+s25+$0x0] =	vst.idx.add.f32.msk $0xffff, v50  }
0x2da: {  	[tilespmem:v28+s25+$0x0] =	vst.idx.add.f32.msk $0xffff, v57  }
0x2db: {  	v27 =	vld [tilespmem:s23+$0x410]  }
0x2dc: {  	v28 =	vld [tilespmem:s22+$0x410]  }
0x2dd: {  	[tilespmem:v59+s25+$0x0] =	vst.idx.add.f32.msk $0xffff, v30  }
0x2de: {  	v60 =	vadd.s32 $0xF0, v11;
	v30 =	vld [tilespmem:s6+$0x470]  }
0x2df: {  	[tilespmem:v25+s25+$0x0] =	vst.idx.add.f32.msk $0xffff, v5  }
0x2e0: {  	[tilespmem:v24+s25+$0x0] =	vst.idx.add.f32.msk $0xffff, v27  }
0x2e1: {  	v5 =	vld [tilespmem:s5+$0x420]  }
0x2e2: {  	v35 =	vld [tilespmem:s23+$0x420]  }
0x2e3: {  	[tilespmem:v60+s25+$0x0] =	vst.idx.add.f32.msk $0xffff, v30  }
0x2e4: {  	v34 =	vadd.s32 $0x100, v11;
	v33 =	vld [tilespmem:s6+$0x800]  }
0x2e5: {  	[tilespmem:v26+s25+$0x0] =	vst.idx.add.f32.msk $0xffff, v28  }
0x2e6: {  	[tilespmem:v23+s25+$0x0] =	vst.idx.add.f32.msk $0xffff, v5  }
0x2e7: {  	v5 =	vld [tilespmem:s5+$0x430]  }
0x2e8: {  	[tilespmem:v22+s25+$0x0] =	vst.idx.add.f32.msk $0xffff, v35  }
0x2e9: {  	[tilespmem:v34+s25+$0x0] =	vst.idx.add.f32.msk $0xffff, v33  }
0x2ea: {  	v37 =	vadd.s32 $0x110, v11;
	v24 =	vld [tilespmem:s6+$0x810]  }
0x2eb: {  	v38 =	vld [tilespmem:s23+$0x430]  }
0x2ec: {  	[tilespmem:v18+s25+$0x0] =	vst.idx.add.f32.msk $0xffff, v5  }
0x2ed: {  	v36 =	vld [tilespmem:s22+$0x420]  }
0x2ee: {  	v5 =	vld [tilespmem:s5+$0x440]  }
0x2ef: {  	[tilespmem:v37+s25+$0x0] =	vst.idx.add.f32.msk $0xffff, v24  }
0x2f0: {  	v40 =	vadd.s32 $0x120, v11;
	v24 =	vld [tilespmem:s6+$0x820]  }
0x2f1: {  	[tilespmem:v20+s25+$0x0] =	vst.idx.add.f32.msk $0xffff, v38  }
0x2f2: {  	v20 =	vld [tilespmem:s23+$0x440]  }
0x2f3: {  	[tilespmem:v21+s25+$0x0] =	vst.idx.add.f32.msk $0xffff, v36  }
0x2f4: {  	[tilespmem:v17+s25+$0x0] =	vst.idx.add.f32.msk $0xffff, v5  }
0x2f5: {  	[tilespmem:v40+s25+$0x0] =	vst.idx.add.f32.msk $0xffff, v24  }
0x2f6: {  	v41 =	vadd.s32 $0x130, v11;
	v42 =	vld [tilespmem:s6+$0x830]  }
0x2f7: {  	v39 =	vld [tilespmem:s22+$0x430]  }
0x2f8: {  	v5 =	vld [tilespmem:s5+$0x450]  }
0x2f9: {  	[tilespmem:v15+s25+$0x0] =	vst.idx.add.f32.msk $0xffff, v20  }
0x2fa: {  	v15 =	vld [tilespmem:s23+$0x450]  }
0x2fb: {  	[tilespmem:v41+s25+$0x0] =	vst.idx.add.f32.msk $0xffff, v42  }
0x2fc: {  	v44 =	vadd.s32 $0x140, v11;
	v18 =	vld [tilespmem:s6+$0x840]  }
0x2fd: {  	[tilespmem:v19+s25+$0x0] =	vst.idx.add.f32.msk $0xffff, v39  }
0x2fe: {  	[tilespmem:v12+s25+$0x0] =	vst.idx.add.f32.msk $0xffff, v5  }
0x2ff: {  	v43 =	vld [tilespmem:s22+$0x440]  }
0x300: {  	[tilespmem:v14+s25+$0x0] =	vst.idx.add.f32.msk $0xffff, v15  }
0x301: {  	[tilespmem:v44+s25+$0x0] =	vst.idx.add.f32.msk $0xffff, v18  }
0x302: {  	v45 =	vadd.s32 $0x150, v11;
	v18 =	vld [tilespmem:s6+$0x850]  }
0x303: {  	v5 =	vld [tilespmem:s5+$0x460]  }
0x304: {  	v59 =	vld [tilespmem:$0x1FD30]  }
0x305: {  	[tilespmem:v16+s25+$0x0] =	vst.idx.add.f32.msk $0xffff, v43  }
0x306: {  	v16 =	vld [tilespmem:s22+$0x450]  }
0x307: {  	[tilespmem:v45+s25+$0x0] =	vst.idx.add.f32.msk $0xffff, v18  }
0x308: {  	v46 =	vadd.s32 $0x160, v11;
	v48 =	vld [tilespmem:s6+$0x860]  }
0x309: {  	v14 =	vld [tilespmem:s23+$0x460]  }
0x30a: {  	[tilespmem:v4+s25+$0x0] =	vst.idx.add.f32.msk $0xffff, v5  }
0x30b: {  	[tilespmem:v13+s25+$0x0] =	vst.idx.add.f32.msk $0xffff, v16  }
0x30c: {  	v50 =	vld [tilespmem:s22+$0x460]  }
0x30d: {  	[tilespmem:v46+s25+$0x0] =	vst.idx.add.f32.msk $0xffff, v48  }
0x30e: {  	v5 =	vadd.s32 $0x170, v11;
	v12 =	vld [tilespmem:s6+$0x870]  }
0x30f: {  	[tilespmem:v1+s25+$0x0] =	vst.idx.add.f32.msk $0xffff, v14  }
0x310: {  	v1 =	vld [tilespmem:s23+$0x470]  }
0x311: {  	[tilespmem:v2+s25+$0x0] =	vst.idx.add.f32.msk $0xffff, v50  }
0x312: {  	v2 =	vld [tilespmem:s22+$0x470]  }
0x313: {  	[tilespmem:v5+s25+$0x0] =	vst.idx.add.f32.msk $0xffff, v12  }
0x314: {  	v57 =	vadd.s32 $0x180, v11;
	v5 =	vld [tilespmem:s6+$0xC00]  }
0x315: {  	v4 =	vld [tilespmem:s5+$0x470]  }
0x316: {  	v60 =	vld [tilespmem:$0x1FD40]  }
0x317: {  	[tilespmem:v0+s25+$0x0] =	vst.idx.add.f32.msk $0xffff, v1  }
0x318: {  	[tilespmem:v63+s25+$0x0] =	vst.idx.add.f32.msk $0xffff, v2  }
0x319: {  	[tilespmem:v57+s25+$0x0] =	vst.idx.add.f32.msk $0xffff, v5  }
0x31a: {  	v1 =	vadd.s32 $0x190, v11;
	v2 =	vld [tilespmem:s6+$0xC10]  }
0x31b: {  	[tilespmem:v62+s25+$0x0] =	vst.idx.add.f32.msk $0xffff, v4  }
0x31c: {  	v0 =	vld [tilespmem:s5+$0x800]  }
0x31d: {  	v62 =	vld [tilespmem:$0x1FD50]  }
0x31e: {  	v4 =	vld [tilespmem:s23+$0x800]  }
0x31f: {  	[tilespmem:v1+s25+$0x0] =	vst.idx.add.f32.msk $0xffff, v2  }
0x320: {  	v1 =	vadd.s32 $0x1A0, v11;
	v2 =	vld [tilespmem:s6+$0xC20]  }
0x321: {  	[tilespmem:v51+s25+$0x0] =	vst.idx.add.f32.msk $0xffff, v0  }
0x322: {  	v0 =	vld [tilespmem:s5+$0x810]  }
0x323: {  	[tilespmem:v54+s25+$0x0] =	vst.idx.add.f32.msk $0xffff, v4  }
0x324: {  	v4 =	vld [tilespmem:s23+$0x810]  }
0x325: {  	[tilespmem:v1+s25+$0x0] =	vst.idx.add.f32.msk $0xffff, v2  }
0x326: {  	v1 =	vadd.s32 $0x1B0, v11;
	v2 =	vld [tilespmem:s6+$0xC30]  }
0x327: {  	[tilespmem:v59+s25+$0x0] =	vst.idx.add.f32.msk $0xffff, v0  }
0x328: {  	v0 =	vld [tilespmem:s5+$0x820]  }
0x329: {  	v63 =	vld [tilespmem:$0x1FD60]  }
0x32a: {  	[tilespmem:v58+s25+$0x0] =	vst.idx.add.f32.msk $0xffff, v4  }
0x32b: {  	[tilespmem:v1+s25+$0x0] =	vst.idx.add.f32.msk $0xffff, v2  }
0x32c: {  	v1 =	vadd.s32 $0x1C0, v11;
	v2 =	vld [tilespmem:s6+$0xC40]  }
0x32d: {  	[tilespmem:v60+s25+$0x0] =	vst.idx.add.f32.msk $0xffff, v0  }
0x32e: {  	v0 =	vld [tilespmem:s5+$0x830]  }
0x32f: {  	v4 =	vld [tilespmem:s23+$0x820]  }
0x330: {  	v5 =	vld [tilespmem:s22+$0x800]  }
0x331: {  	[tilespmem:v1+s25+$0x0] =	vst.idx.add.f32.msk $0xffff, v2  }
0x332: {  	v1 =	vadd.s32 $0x1D0, v11;
	v2 =	vld [tilespmem:s6+$0xC50]  }
0x333: {  	[tilespmem:v63+s25+$0x0] =	vst.idx.add.f32.msk $0xffff, v0  }
0x334: {  	v0 =	vld [tilespmem:$0x1FD70]  }
0x335: {  	[tilespmem:v56+s25+$0x0] =	vst.idx.add.f32.msk $0xffff, v5  }
0x336: {  	v5 =	vld [tilespmem:s22+$0x810]  }
0x337: {  	[tilespmem:v1+s25+$0x0] =	vst.idx.add.f32.msk $0xffff, v2  }
0x338: {  	v1 =	vadd.s32 $0x1E0, v11;
	v2 =	vld [tilespmem:s6+$0xC60]  }
0x339: {  	[tilespmem:v62+s25+$0x0] =	vst.idx.add.f32.msk $0xffff, v4  }
0x33a: {  	v4 =	vld [tilespmem:s23+$0x830]  }
0x33b: {  	[tilespmem:v49+s25+$0x0] =	vst.idx.add.f32.msk $0xffff, v5  }
0x33c: {  	v5 =	vld [tilespmem:s22+$0x820]  }
0x33d: {  	[tilespmem:v1+s25+$0x0] =	vst.idx.add.f32.msk $0xffff, v2  }
0x33e: {  	v1 =	vadd.s32 $0x1F0, v11;
	v2 =	vld [tilespmem:s6+$0xC70]  }
0x33f: {  	[tilespmem:v0+s25+$0x0] =	vst.idx.add.f32.msk $0xffff, v4  }
0x340: {  	v0 =	vld [tilespmem:$0x1FD80]  }
0x341: {  	[tilespmem:v52+s25+$0x0] =	vst.idx.add.f32.msk $0xffff, v5  }
0x342: {  	v5 =	vld [tilespmem:s22+$0x830]  }
0x343: {  	[tilespmem:v1+s25+$0x0] =	vst.idx.add.f32.msk $0xffff, v2  }
0x344: {  	v1 =	vld [tilespmem:$0x1FDA0];
	_ =	sdelay $0x1  }
0x345: {  	v11 =	vld [tilespmem:$0x1FD90]  }
0x346: {  	v4 =	vld [tilespmem:s23+$0x840]  }
0x347: {  	[tilespmem:v0+s25+$0x0] =	vst.idx.add.f32.msk $0xffff, v5  }
0x348: {  	v0 =	vld [tilespmem:s5+$0x840];
	_ =	sdelay $0x2  }
0x349: {  	[tilespmem:v1+s25+$0x0] =	vst.idx.add.f32.msk $0xffff, v4  }
0x34a: {  	v4 =	vld [tilespmem:$0x1FDC0]  }
0x34b: {  	[tilespmem:v11+s25+$0x0] =	vst.idx.add.f32.msk $0xffff, v0  }
0x34c: {  	v0 =	vld [tilespmem:s5+$0x850]  }
0x34d: {  	v1 =	vld [tilespmem:$0x1FDB0];
	_ =	sdelay $0x2  }
0x34e: {  	v5 =	vld [tilespmem:s22+$0x840];
	_ =	sdelay $0x1  }
0x34f: {  	[tilespmem:v4+s25+$0x0] =	vst.idx.add.f32.msk $0xffff, v0  }
0x350: {  	v4 =	vld [tilespmem:$0x1FDD0];
	_ =	sdelay $0x1  }
0x351: {  	[tilespmem:v1+s25+$0x0] =	vst.idx.add.f32.msk $0xffff, v5  }
0x352: {  	v1 =	vld [tilespmem:s23+$0x850];
	_ =	sdelay $0x4  }
0x353: {  	[tilespmem:v4+s25+$0x0] =	vst.idx.add.f32.msk $0xffff, v1  }
0x354: {  	v4 =	vld [tilespmem:$0x1FDF0];
	_ =	sdelay $0x2  }
0x355: {  	v0 =	vld [tilespmem:s5+$0x860]  }
0x356: {  	v1 =	vld [tilespmem:$0x1FDE0];
	_ =	sdelay $0x1  }
0x357: {  	v2 =	vld [tilespmem:s22+$0x850]  }
0x358: {  	[tilespmem:v7+s25+$0x0] =	vst.idx.add.f32.msk $0xffff, v10  }
0x359: {  	[tilespmem:v4+s25+$0x0] =	vst.idx.add.f32.msk $0xffff, v0  }
0x35a: {  	v4 =	vld [tilespmem:$0x1FE00];
	_ =	sdelay $0x2  }
0x35b: {  	[tilespmem:v1+s25+$0x0] =	vst.idx.add.f32.msk $0xffff, v2  }
0x35c: {  	v1 =	vld [tilespmem:s23+$0x860]  }
0x35d: {  	[tilespmem:v8+s25+$0x0] =	vst.idx.add.f32.msk $0xffff, v4  }
0x35e: {  	v4 =	vld [tilespmem:$0x1FE10];
	_ =	sdelay $0x7  }
0x35f: {  	[tilespmem:v4+s25+$0x0] =	vst.idx.add.f32.msk $0xffff, v1  }
0x360: {  	v4 =	vld [tilespmem:$0x1FE30];
	_ =	sdelay $0x2  }
0x361: {  	v0 =	vld [tilespmem:s5+$0x870]  }
0x362: {  	v1 =	vld [tilespmem:$0x1FE20];
	_ =	sdelay $0x2  }
0x363: {  	v2 =	vld [tilespmem:s22+$0x860]  }
0x364: {  	[tilespmem:v4+s25+$0x0] =	vst.idx.add.f32.msk $0xffff, v0  }
0x365: {  	v4 =	vld [tilespmem:$0x1FE40];
	_ =	sdelay $0x2  }
0x366: {  	[tilespmem:v1+s25+$0x0] =	vst.idx.add.f32.msk $0xffff, v2  }
0x367: {  	v2 =	vld [tilespmem:s22+$0x870]  }
0x368: {  	[tilespmem:v9+s25+$0x0] =	vst.idx.add.f32.msk $0xffff, v4  }
0x369: {  	v4 =	vld [tilespmem:$0x1FE50];
	_ =	sdelay $0x2  }
0x36a: {  	v1 =	vld [tilespmem:s23+$0x870];
	_ =	sdelay $0x4  }
0x36b: {  	[tilespmem:v4+s25+$0x0] =	vst.idx.add.f32.msk $0xffff, v1  }
0x36c: {  	v1 =	vld [tilespmem:$0x1FE60];
	_ =	sdelay $0x5  }
0x36d: {  	v5 =	vld [tilespmem:$0x1FE80];
	_ =	sdelay $0x1  }
0x36e: {  	[tilespmem:v1+s25+$0x0] =	vst.idx.add.f32.msk $0xffff, v2  }
0x36f: {  	v1 =	vld [tilespmem:s23+$0xC00];
	_ =	sdelay $0x3  }
0x370: {  	v4 =	vld [tilespmem:$0x1FE70]  }
0x371: {  	[tilespmem:v5+s25+$0x0] =	vst.idx.add.f32.msk $0xffff, v1  }
0x372: {  	v1 =	vld [tilespmem:$0x1FE90]  }
0x373: {  	v0 =	vld [tilespmem:s5+$0xC00];
	_ =	sdelay $0x1  }
0x374: {  	v2 =	vld [tilespmem:s22+$0xC00]  }
0x375: {  	v5 =	vld [tilespmem:$0x1FEA0]  }
0x376: {  	v10 =	vld [tilespmem:$0x1FEB0]  }
0x377: {  	[tilespmem:v4+s25+$0x0] =	vst.idx.add.f32.msk $0xffff, v0  }
0x378: {  	v0 =	vld [tilespmem:s5+$0xC10]  }
0x379: {  	[tilespmem:v1+s25+$0x0] =	vst.idx.add.f32.msk $0xffff, v2  }
0x37a: {  	v1 =	vld [tilespmem:s23+$0xC10];
	_ =	sdelay $0x1  }
0x37b: {  	v4 =	vld [tilespmem:s17+$0xC70]  }
0x37c: {  	[tilespmem:v5+s25+$0x0] =	vst.idx.add.f32.msk $0xffff, v0  }
0x37d: {  	v5 =	vld [tilespmem:s16+$0xC70]  }
0x37e: {  	[tilespmem:v10+s25+$0x0] =	vst.idx.add.f32.msk $0xffff, v1  }
0x37f: {  	v10 =	vld [tilespmem:$0x1FED0]  }
0x380: {  	s17 =	smov.u32 s5  }
0x381: {  	v0 =	vld [tilespmem:s17+$0xC20]  }
0x382: {  	v1 =	vld [tilespmem:$0x1FEC0];
	_ =	sdelay $0x2  }
0x383: {  	v2 =	vld [tilespmem:s22+$0xC10];
	_ =	sdelay $0x1  }
0x384: {  	[tilespmem:v10+s25+$0x0] =	vst.idx.add.f32.msk $0xffff, v0  }
0x385: {  	v10 =	vld [tilespmem:$0x1FEE0];
	_ =	sdelay $0x1  }
0x386: {  	s16 =	smov.u32 s23;
	[tilespmem:v1+s25+$0x0] =	vst.idx.add.f32.msk $0xffff, v2  }
0x387: {  	v1 =	vld [tilespmem:s16+$0xC20];
	_ =	sdelay $0x4  }
0x388: {  	[tilespmem:v10+s25+$0x0] =	vst.idx.add.f32.msk $0xffff, v1  }
0x389: {  	v10 =	vld [tilespmem:$0x1FF00];
	_ =	sdelay $0x2  }
0x38a: {  	v0 =	vld [tilespmem:s17+$0xC30];
	_ =	sdelay $0x4  }
0x38b: {  	[tilespmem:v10+s25+$0x0] =	vst.idx.add.f32.msk $0xffff, v0  }
0x38c: {  	v10 =	vld [tilespmem:$0x1FF10];
	_ =	sdelay $0x5  }
0x38d: {  	v1 =	vld [tilespmem:$0x1FEF0]  }
0x38e: {  	v0 =	vld [tilespmem:s17+$0xC40]  }
0x38f: {  	[tilespmem:v10+s25+$0x0] =	vst.idx.add.f32.msk $0xffff, v4  }
0x390: {  	v10 =	vld [tilespmem:$0x1FF20];
	_ =	sdelay $0x1  }
0x391: {  	v2 =	vld [tilespmem:s22+$0xC20];
	_ =	sdelay $0x2  }
0x392: {  	v4 =	vmov v10;
	v10 =	vld [tilespmem:$0x1FF30]  }
0x393: {  	v11 =	vld [tilespmem:s18+$0xC70]  }
0x394: {  	[tilespmem:v1+s25+$0x0] =	vst.idx.add.f32.msk $0xffff, v2  }
0x395: {  	v1 =	vld [tilespmem:s16+$0xC30];
	_ =	sdelay $0x4  }
0x396: {  	[tilespmem:v10+s25+$0x0] =	vst.idx.add.f32.msk $0xffff, v1  }
0x397: {  	v1 =	vld [tilespmem:$0x1FF40];
	_ =	sdelay $0x1  }
0x398: {  	s18 =	smov.u32 s22  }
0x399: {  	v2 =	vld [tilespmem:s18+$0xC30];
	_ =	sdelay $0x4  }
0x39a: {  	[tilespmem:v1+s25+$0x0] =	vst.idx.add.f32.msk $0xffff, v2  }
0x39b: {  	v1 =	vld [tilespmem:s16+$0xC40]  }
0x39c: {  	[tilespmem:v6+s25+$0x0] =	vst.idx.add.f32.msk $0xffff, v5  }
0x39d: {  	v5 =	vld [tilespmem:$0x1FF60];
	_ =	sdelay $0x4  }
0x39e: {  	v6 =	vmov v5;
	v5 =	vld [tilespmem:$0x1FF70];
	_ =	sdelay $0x2  }
0x39f: {  	v10 =	vld [tilespmem:$0x1FF50];
	_ =	sdelay $0x4  }
0x3a0: {  	[tilespmem:v5+s25+$0x0] =	vst.idx.add.f32.msk $0xffff, v1  }
0x3a1: {  	v5 =	vld [tilespmem:$0x1FF90];
	_ =	sdelay $0x1  }
0x3a2: {  	[tilespmem:v10+s25+$0x0] =	vst.idx.add.f32.msk $0xffff, v0  }
0x3a3: {  	v0 =	vld [tilespmem:s17+$0xC50];
	_ =	sdelay $0x3  }
0x3a4: {  	v1 =	vld [tilespmem:$0x1FF80]  }
0x3a5: {  	[tilespmem:v5+s25+$0x0] =	vst.idx.add.f32.msk $0xffff, v0  }
0x3a6: {  	v0 =	vld [tilespmem:$0x1FFA0]  }
0x3a7: {  	v2 =	vld [tilespmem:s18+$0xC40];
	_ =	sdelay $0x4  }
0x3a8: {  	[tilespmem:v1+s25+$0x0] =	vst.idx.add.f32.msk $0xffff, v2  }
0x3a9: {  	v2 =	vld [tilespmem:s18+$0xC50]  }
0x3aa: {  	[tilespmem:v0+s25+$0x0] =	vst.idx.add.f32.msk $0xffff, v11  }
0x3ab: {  	v0 =	vld [tilespmem:$0x1FFB0];
	_ =	sdelay $0x4  }
0x3ac: {  	v5 =	vmov v0;
	v0 =	vld [tilespmem:$0x1FFC0];
	_ =	sdelay $0x1  }
0x3ad: {  	s19 =	sadd.s32 $0x4, s19  }
0x3ae: {  	p0 =	slt.u32 s19, $0x1C;
	v1 =	vld [tilespmem:s16+$0xC50]  }
.Ltmp6:
0x3af: {  	_ = 	snop;
	(pc) =	sbr.rel @p0 .LBB2_11-.Ltmp6, $4  }
0x3b0: {  	_ = 	snop  }
0x3b1: {  	v10 =	vld [tilespmem:s17+$0xC60]  }
0x3b2: {  	[tilespmem:v61+s25+$0x0] =	vst.idx.add.f32.msk $0xffff, v2  }
0x3b3: {  	s20 =	sadd.s32 $0x800, s20;
	s21 =	sadd.s32 $0x40, s21;
	v7 =	vmov v55;
	v8 =	vmov v53;
	v9 =	vmov v47;
	[tilespmem:v0+s25+$0x0] =	vst.idx.add.f32.msk $0xffff, v1  }
0x3b4: {  	v0 =	vld [tilespmem:s16+$0xC60]  }
0x3b5: {  	v1 =	vld [tilespmem:s18+$0xC60];
	_ =	sdelay $0x2  }
0x3b6: {  	[tilespmem:v7+s25+$0x0] =	vst.idx.add.f32.msk $0xffff, v10  }
0x3b7: {  	[tilespmem:v8+s25+$0x0] =	vst.idx.add.f32.msk $0xffff, v0  }
0x3b8: {  	[tilespmem:v9+s25+$0x0] =	vst.idx.add.f32.msk $0xffff, v1  }
0x3b9: {  	v0 =	vld [tilespmem:s17+$0xC70]  }
0x3ba: {  	v1 =	vld [tilespmem:s16+$0xC70]  }
0x3bb: {  	p0 =	sne.s32 s0, $0x7;
	v2 =	vld [tilespmem:s18+$0xC70]  }
0x3bc: {  	s0 =	sshll.u32 @!p0 s31, $0x7  }
0x3bd: {  	s0 =	sadd.s32 @!p0 s8, s0  }
0x3be: {  	s0 =	sand.u32 @!p0 $0xFC00, s0;
	[tilespmem:v4+s25+$0x0] =	vst.idx.add.f32.msk $0xffff, v0  }
0x3bf: {  	s0 =	sor.u32 @!p0 s9, s0;
	[tilespmem:v6+s25+$0x0] =	vst.idx.add.f32.msk $0xffff, v1  }
0x3c0: {  	s5 =	simm.s32 @!p0 $0x0;
	s6 =	simm.s32 @!p0 $0xC400;
	s1 =	sadd.s32 @!p0 s4, s0;
	[tilespmem:v5+s25+$0x0] =	vst.idx.add.f32.msk $0xffff, v2  }
0x3c1: {  	[hbm4b:s1+s5] =	stream.linear.scatter @!p0 [tilespmem:s6], [sflag:$0x2], $0x2000, $0x38;
	[tilespmem:$0x14400] =	vst v63  }
0x3c2: {  	s1 =	sadd.s32 @!p0 s0, s10;
	s6 =	simm.s32 @!p0 $0xE400  }
0x3c3: {  	[hbm4b:s1+s5] =	stream.linear.scatter @!p0 [tilespmem:s6], [sflag:$0x2], $0x2000, $0x38;
	[tilespmem:$0x14400] =	vst v63  }
0x3c4: {  	s1 =	sadd.s32 @!p0 s0, s11;
	s6 =	simm.s32 @!p0 $0x10400  }
0x3c5: {  	[hbm4b:s1+s5] =	stream.linear.scatter @!p0 [tilespmem:s6], [sflag:$0x2], $0x2000, $0x38;
	[tilespmem:$0x14400] =	vst v63  }
0x3c6: {  	s0 =	sadd.s32 @!p0 s0, s12;
	s1 =	simm.s32 @!p0 $0x12400  }
0x3c7: {  	[hbm4b:s0+s5] =	stream.linear.scatter @!p0 [tilespmem:s1], [sflag:$0x2], $0x2000, $0x38;
	[tilespmem:$0x14400] =	vst v63  }
0x3c8: {  	p0 =	sne.s32 s30, $0x20  }
.Ltmp7:
0x3c9: {  	_ = 	snop;
	(pc) =	sbr.rel @p0 .LBB2_2-.Ltmp7, $2  }
0x3ca: {  	_ =	sdelay $0x2  }
0x3cb: {  	s29 =	sadd.s32 $0x200, s29;
	s31 =	smov.u32 s30  }
0x3cc: {  	_ =	swait.ge [sflag:s26], $0x2000  }
0x3cd: {  	[sflag:s26] =	ssyncset.done $0x0  }
0x3ce: {  	[sflag:s26] =	ssyncadd.s32 $0xFFFFE000  }
0x3cf: {  	_ =	swait.ge [sflag:s26], $0x2000  }
0x3d0: {  	[sflag:s26] =	ssyncset.done $0x0  }
0x3d1: {  	[sflag:s26] =	ssyncadd.s32 $0xFFFFE000  }
0x3d2: {  	_ =	swait.ge [sflag:s26], $0x2000  }
0x3d3: {  	[sflag:s26] =	ssyncset.done $0x0  }
0x3d4: {  	[sflag:s26] =	ssyncadd.s32 $0xFFFFE000  }
0x3d5: {  	_ =	swait.ge [sflag:s26], $0x2000  }
0x3d6: {  	s28 =	sadd.s32 $0x1, s28;
	s0 =	rddreg [dreg:$0x5]  }
0x3d7: {  	p0 =	sne.s32 s28, s0  }
.Ltmp8:
0x3d8: {  	_ = 	snop;
	(pc) =	sbr.rel @p0 .LBB2_1-.Ltmp8, $3  }
0x3d9: {  	_ =	sdelay $0x1  }
0x3da: {  	[sflag:s26] =	ssyncset.done $0x0  }
0x3db: {  	[sflag:s26] =	ssyncadd.s32 $0xFFFFE000  }
0x3dc: {  	_ =	sfence.sel $0x180000  }
0x3dd: {  	[bflag:$0x0] =	sbarrier.arrive $0xFFFF  }
0x3de: {  	_ =	strace $0x9000004A  }
0x3df: {  	s0 =	stileid.u32;
	[bflag:$0x2] =	sbarrier.arrive $0xFFFF  }
0x3e0: {  	p0 =	sne.s32 s0, $0x0;
	s0 =	rddreg [dreg:$0x2]  }
0x3e1: {  	s0 =	sadd.s32 @!p0 $0x100000, s0  }
0x3e2: {  	[sflag:s0] =	ssyncadd.tile.s32 @!p0 $0x1;
	_ =	shalt  }
.Lfunc_end2:
_tile_overlayer_lowered:
.L_overlay_start_2:
0x3e3: {  	(tag) =	ssettag $0x2  }
0x3e4: {  	s0 =	rddreg [dreg:$0x0];
	s2 =	stileid.u32  }
0x3e5: {  	s1 =	rddreg [dreg:$0x1];
	p0 =	sne.s32 s2, $0x0  }
0x3e6: {  	s3 =	rddreg [dreg:$0x2];
	[bflag:$0x3] =	sbarrier.arrive $0xFFFF;
	s2 =	simm.s32 @!p0 $0x1C03  }
0x3e7: {  	[timem:s3], [sflag:s2] =	dma.local @!p0 [hbm:s0], s1  }
0x3e8: {  	s0 =	simm.s32 @!p0 $0x3  }
0x3e9: {  	_ =	swait.ge @!p0 [sflag:s0], s1  }
0x3ea: {  	s1 =	ssub.s32 @!p0 $0x0, s1;
	[sflag:s0] =	ssyncset.done @!p0 $0x0  }
0x3eb: {  	[sflag:s0] =	ssyncadd.s32 @!p0 s1  }
0x3ec: {  	[bflag:$0x3] =	sbarrier.arrive $0xFFFF  }
0x3ed: {  	_ =	shalt  }

</sc_bundles>
